<compile_context>
chip_gen: v7x
topology: tpu7x:2x2x1
jax: 0.10.2.dev20260603
libtpu: 0.0.44.dev20260713+nightly
codegen_flags: <defaults>
</compile_context>

<pallas_src>
import jax
import jax.numpy as jnp
from jax import lax
from jax.experimental import pallas as pl
from jax.experimental.pallas import tpu as pltpu
from jax.experimental.pallas import tpu_sc as plsc

N = 10000
NPAD = 10240
E = 320000
EPAD = 327680
H = 128
EPS = 1e-5

NC, NS = 2, 16
NW = NC * NS
EW = EPAD // NW
NB_E = EW // 128
RB = 1024
NRB = NPAD // RB
HR = NPAD // 128
CAP = 12288
TPW = NPAD // NW

_MESH = plsc.VectorSubcoreMesh(
    core_axis_name="c", subcore_axis_name="s", num_cores=NC, num_subcores=NS)



def _tc_a(xs_ref, g_ref, b_ref, W_ref, bias_ref, h0_ref, stat_ref, acc):
    br = pl.program_id(0)
    rb = pl.program_id(1)
    z = xs_ref[0]
    nrm = jnp.sqrt(jnp.sum(z * z, axis=1, keepdims=True))
    zl2 = z / jnp.maximum(nrm, 1e-12)
    z = jnp.where(br == 1, zl2, z)
    mu = jnp.mean(z, axis=1, keepdims=True)
    var = jnp.mean((z - mu) ** 2, axis=1, keepdims=True)
    zn = g_ref[0] * (z - mu) * lax.rsqrt(var + EPS) + b_ref[0]
    t = jnp.dot(zn, W_ref[0], preferred_element_type=jnp.float32) + bias_ref[0]
    h0 = jnp.where(t >= 0, t, 0.01 * t)
    h0_ref[0] = h0
    rows = rb * RB + lax.broadcasted_iota(jnp.int32, (RB, 1), 0)
    hm = jnp.where(rows < N, h0, 0.0)
    s1 = jnp.sum(hm, axis=0, keepdims=True)
    s2 = jnp.sum(hm * hm, axis=0, keepdims=True)

    @pl.when(rb == 0)
    def _():
        acc[...] = jnp.zeros_like(acc)

    acc[0:1] = acc[0:1] + s1
    acc[1:2] = acc[1:2] + s2

    @pl.when(rb == NRB - 1)
    def _():
        stat_ref[0] = acc[...]


def _tc_b(h0_ref, stat_ref, w_ref, b_ref, ms_ref, Whg_ref, Wsk_ref, bsk_ref,
          xw_ref, skip_ref):
    z = h0_ref[0]
    mu = stat_ref[0, 0:1] / N
    m2 = stat_ref[0, 1:2] / N
    ms = ms_ref[0]
    var = m2 - mu * mu * ms * (2.0 - ms)
    zg = w_ref[0] * (z - ms * mu) * lax.rsqrt(var + EPS) + b_ref[0]
    xw_ref[0] = jnp.dot(zg, Whg_ref[0], preferred_element_type=jnp.float32)
    skip_ref[0] = (jnp.dot(zg, Wsk_ref[0], preferred_element_type=jnp.float32)
                   + bsk_ref[0])


def _tc_b2(S1p_ref, S1dp_ref, Dvp_ref, Bep_ref, ef_ref, efd_ref,
           dinv_ref, binv_ref):
    Dv = jnp.sum(Dvp_ref[...], axis=0)
    Be = jnp.sum(Bep_ref[...], axis=0)
    dinv = jnp.where(Dv > 0, 1.0 / Dv, 0.0)
    binv = jnp.where(Be > 0, 1.0 / Be, 0.0)
    dinv_ref[...] = dinv
    binv_ref[...] = binv
    S1 = S1p_ref[0] + S1p_ref[1]
    S1d = S1dp_ref[0] + S1dp_ref[1]
    nr = RB // 128
    ef_ref[...] = (S1.reshape(nr, 128, 128) * binv[:, :, None]).reshape(RB, H)
    efd_ref[...] = (S1d.reshape(nr, 128, 128) * dinv[:, :, None]).reshape(RB, H)


def _tc_c(S2p_ref, S2dp_ref, dinv_ref, binv_ref, skip_ref, hgb_ref, hgdb_ref,
          h1_ref, he1_ref):
    dinv = dinv_ref[...]
    binv = binv_ref[...]
    S2 = S2p_ref[0] + S2p_ref[1]
    S2d = S2dp_ref[0] + S2dp_ref[1]
    nr = RB // 128
    co = (S2.reshape(nr, 128, 128) * dinv[:, :, None]).reshape(RB, H) + hgb_ref[...]
    cod = (S2d.reshape(nr, 128, 128) * binv[:, :, None]).reshape(RB, H) + hgdb_ref[...]
    h1_ref[...] = jnp.where(co >= 0, co, 0.01 * co) + skip_ref[0]
    he1_ref[...] = jnp.where(cod >= 0, cod, 0.01 * cod) + skip_ref[1]


def _tc_d(min_ref, he1_ref, Wt_ref, Wb_ref, fb_ref, Wl_ref, lb_ref, out_ref):
    m = min_ref[...]
    agg = jnp.where(jnp.isfinite(m), m, 0.0)
    fused = (jnp.dot(agg, Wt_ref[...], preferred_element_type=jnp.float32)
             + jnp.dot(he1_ref[...], Wb_ref[...], preferred_element_type=jnp.float32)
             + fb_ref[...])
    out_ref[...] = (jnp.dot(fused, Wl_ref[...], preferred_element_type=jnp.float32)
                    + lb_ref[...])



def _sc_segsum_body(gidx_hbm, sidx_hbm, table_hbm, zeros_hbm, out_hbm,
                    idxg_v, idxs_v, rows_v, acc_sh, sem):
    c = lax.axis_index("c")
    s = lax.axis_index("s")
    w = c * NS + s
    nz = NPAD // 128 // NS
    pltpu.sync_copy(zeros_hbm, rows_v)

    def zr(i, x):
        pltpu.sync_copy(rows_v, acc_sh.at[pl.ds((s * nz + i) * 128, 128)])
        return x

    lax.fori_loop(0, nz, zr, 0)
    plsc.subcore_barrier()

    def step(i, x):
        off = w * EW + i * 128
        pltpu.sync_copy(gidx_hbm.at[pl.ds(off, 128)], idxg_v)
        pltpu.sync_copy(sidx_hbm.at[pl.ds(off, 128)], idxs_v)
        pltpu.async_copy(table_hbm.at[idxg_v], rows_v, sem).wait()
        pltpu.sync_copy(rows_v, acc_sh.at[idxs_v], add=True)
        return x

    lax.fori_loop(0, NB_E, step, 0)
    plsc.subcore_barrier()

    def wr(i, x):
        r = (s * nz + i) * 128
        pltpu.sync_copy(acc_sh.at[pl.ds(r, 128)], rows_v)
        pltpu.sync_copy(rows_v, out_hbm.at[c].at[pl.ds(r, 128)])
        return x

    lax.fori_loop(0, nz, wr, 0)


def _sc_hist_body(srcp_hbm, dstp_hbm, zeros_hbm, outS_hbm, outD_hbm,
                  idx_v, ones_v, zb_v, histS_sh, histD_sh):
    c = lax.axis_index("c")
    s = lax.axis_index("s")
    w = c * NS + s
    nzs = NPAD // NS
    pltpu.sync_copy(zeros_hbm.at[pl.ds(0, nzs)], zb_v)
    pltpu.sync_copy(zb_v, histS_sh.at[pl.ds(s * nzs, nzs)])
    pltpu.sync_copy(zb_v, histD_sh.at[pl.ds(s * nzs, nzs)])
    for j in range(8):
        ones_v[pl.ds(j * 16, 16)] = jnp.full((16,), 1.0, jnp.float32)
    plsc.subcore_barrier()

    def batch(i, x):
        off = w * EW + i * 128
        pltpu.sync_copy(srcp_hbm.at[pl.ds(off, 128)], idx_v)
        pltpu.sync_copy(ones_v, histS_sh.at[idx_v], add=True)
        pltpu.sync_copy(dstp_hbm.at[pl.ds(off, 128)], idx_v)
        pltpu.sync_copy(ones_v, histD_sh.at[idx_v], add=True)
        return x

    lax.fori_loop(0, NB_E, batch, 0)
    plsc.subcore_barrier()
    pltpu.sync_copy(histS_sh.at[pl.ds(s * nzs, nzs)], zb_v)
    pltpu.sync_copy(zb_v, outS_hbm.at[c].at[pl.ds(s * nzs, nzs)])
    pltpu.sync_copy(histD_sh.at[pl.ds(s * nzs, nzs)], zb_v)
    pltpu.sync_copy(zb_v, outD_hbm.at[c].at[pl.ds(s * nzs, nzs)])


def _sc_min_body(srcp_hbm, dstp_hbm, h1_hbm, inf_hbm, safeS_hbm, safeD_hbm,
                 out_hbm, idxs_v, idxd_v, srcL_v, dstL_v, rows_v, table_v, sem):
    c = lax.axis_index("c")
    s = lax.axis_index("s")
    w = c * NS + s
    lo = w * TPW
    iota16 = lax.broadcasted_iota(jnp.int32, (16,), 0)

    pltpu.sync_copy(inf_hbm, table_v.at[pl.ds(0, 128)])
    pltpu.sync_copy(inf_hbm, table_v.at[pl.ds(128, 128)])
    pltpu.sync_copy(inf_hbm.at[pl.ds(0, TPW + 8 - 256)],
                    table_v.at[pl.ds(256, TPW + 8 - 256)])
    pltpu.sync_copy(safeS_hbm, srcL_v)
    pltpu.sync_copy(safeD_hbm, dstL_v)

    def fbatch(i, cnt):
        pltpu.sync_copy(dstp_hbm.at[pl.ds(i * 128, 128)], idxd_v)
        pltpu.sync_copy(srcp_hbm.at[pl.ds(i * 128, 128)], idxs_v)
        for j in range(8):
            dv = idxd_v[pl.ds(j * 16, 16)]
            sv = idxs_v[pl.ds(j * 16, 16)]
            dl = dv - lo
            m = (dl >= 0) & (dl < TPW)
            mi = jnp.where(m, 1, 0).astype(jnp.int32)
            csum = plsc.cumsum(mi)
            pos = jnp.minimum(cnt + csum - 1, CAP - 1)
            plsc.store_scatter(srcL_v, [pos], sv, mask=m)
            plsc.store_scatter(dstL_v, [pos], dl, mask=m)
            cnt = cnt + jnp.squeeze(lax.slice(csum, (15,), (16,)))
        return cnt

    cnt = lax.fori_loop(0, EPAD // 128, fbatch, jnp.int32(0))
    nb = (cnt + 127) // 128

    def gbatch(b, x):
        pltpu.async_copy(h1_hbm.at[srcL_v.at[pl.ds(b * 128, 128)]], rows_v,
                         sem).wait()

        def ed(e, y):
            dsp = plsc.load_gather(dstL_v, [iota16 * 0 + (b * 128 + e)])
            esp = iota16 * 0 + e
            for k in range(8):
                cix = k * 16 + iota16
                cur = plsc.load_gather(table_v, [dsp, cix])
                new = plsc.load_gather(rows_v, [esp, cix])
                plsc.store_scatter(table_v, [dsp, cix], jnp.minimum(cur, new))
            return y

        lax.fori_loop(0, 128, ed, 0)
        return x

    lax.fori_loop(0, nb, gbatch, 0)
    pltpu.sync_copy(table_v.at[pl.ds(0, TPW)], out_hbm.at[pl.ds(lo, TPW)])


_segsum = pl.kernel(
    _sc_segsum_body,
    out_type=jax.ShapeDtypeStruct((NC, NPAD, H), jnp.float32),
    mesh=_MESH,
    compiler_params=pltpu.CompilerParams(needs_layout_passes=False),
    scratch_types=[
        pltpu.VMEM((128,), jnp.int32),
        pltpu.VMEM((128,), jnp.int32),
        pltpu.VMEM((128, H), jnp.float32),
        pltpu.VMEM_SHARED((NPAD, H), jnp.float32),
        pltpu.SemaphoreType.DMA,
    ],
)

_hist = pl.kernel(
    _sc_hist_body,
    out_type=(jax.ShapeDtypeStruct((NC, NPAD), jnp.float32),
              jax.ShapeDtypeStruct((NC, NPAD), jnp.float32)),
    mesh=_MESH,
    compiler_params=pltpu.CompilerParams(needs_layout_passes=False),
    scratch_types=[
        pltpu.VMEM((128,), jnp.int32),
        pltpu.VMEM((128,), jnp.float32),
        pltpu.VMEM((NPAD // NS,), jnp.float32),
        pltpu.VMEM_SHARED((NPAD,), jnp.float32),
        pltpu.VMEM_SHARED((NPAD,), jnp.float32),
    ],
)

_segmin = pl.kernel(
    _sc_min_body,
    out_type=jax.ShapeDtypeStruct((NPAD, H), jnp.float32),
    mesh=_MESH,
    compiler_params=pltpu.CompilerParams(needs_layout_passes=False),
    scratch_types=[
        pltpu.VMEM((128,), jnp.int32),
        pltpu.VMEM((128,), jnp.int32),
        pltpu.VMEM((CAP,), jnp.int32),
        pltpu.VMEM((CAP,), jnp.int32),
        pltpu.VMEM((128, H), jnp.float32),
        pltpu.VMEM((TPW + 8, H), jnp.float32),
        pltpu.SemaphoreType.DMA,
    ],
)



def kernel(x, x_e, edge_index, in_norm_g, in_norm_b, in_proj_W, in_proj_b,
           e_norm_g, e_norm_b, e_proj_W, e_proj_b, gn_w, gn_b, gn_ms, hg_W,
           hg_b, skip_W, skip_b, gn_d_w, gn_d_b, gn_d_ms, hg_d_W, hg_d_b,
           skip_d_W, skip_d_b, fusion_W, fusion_b, lin_W, lin_b):
    f32 = jnp.float32
    src, dst = edge_index[0], edge_index[1]
    padi = (N + (jnp.arange(EPAD - E, dtype=jnp.int32) % 128)).astype(jnp.int32)
    srcp = jnp.concatenate([src, padi])
    dstp = jnp.concatenate([dst, padi])
    xs = jnp.stack([jnp.pad(x, ((0, NPAD - N), (0, 0))),
                    jnp.pad(x_e, ((0, NPAD - N), (0, 0)))])
    g2 = jnp.stack([in_norm_g, e_norm_g]).reshape(2, 1, H)
    b2 = jnp.stack([in_norm_b, e_norm_b]).reshape(2, 1, H)
    W2 = jnp.stack([in_proj_W, e_proj_W])
    bias2 = jnp.stack([in_proj_b, e_proj_b]).reshape(2, 1, H)

    h0, stat = pl.pallas_call(
        _tc_a,
        grid=(2, NRB),
        in_specs=[
            pl.BlockSpec((1, RB, H), lambda b, r: (b, r, 0)),
            pl.BlockSpec((1, 1, H), lambda b, r: (b, 0, 0)),
            pl.BlockSpec((1, 1, H), lambda b, r: (b, 0, 0)),
            pl.BlockSpec((1, H, H), lambda b, r: (b, 0, 0)),
            pl.BlockSpec((1, 1, H), lambda b, r: (b, 0, 0)),
        ],
        out_specs=[
            pl.BlockSpec((1, RB, H), lambda b, r: (b, r, 0)),
            pl.BlockSpec((1, 2, H), lambda b, r: (b, 0, 0)),
        ],
        out_shape=[
            jax.ShapeDtypeStruct((2, NPAD, H), f32),
            jax.ShapeDtypeStruct((2, 2, H), f32),
        ],
        scratch_shapes=[pltpu.VMEM((2, H), f32)],
    )(xs, g2, b2, W2, bias2)

    gw2 = jnp.stack([gn_w, gn_d_w]).reshape(2, 1, H)
    gb2 = jnp.stack([gn_b, gn_d_b]).reshape(2, 1, H)
    gms2 = jnp.stack([gn_ms, gn_d_ms]).reshape(2, 1, H)
    Whg2 = jnp.stack([hg_W, hg_d_W])
    Wsk2 = jnp.stack([skip_W, skip_d_W])
    bsk2 = jnp.stack([skip_b, skip_d_b]).reshape(2, 1, H)

    xw, skip = pl.pallas_call(
        _tc_b,
        grid=(2, NRB),
        in_specs=[
            pl.BlockSpec((1, RB, H), lambda b, r: (b, r, 0)),
            pl.BlockSpec((1, 2, H), lambda b, r: (b, 0, 0)),
            pl.BlockSpec((1, 1, H), lambda b, r: (b, 0, 0)),
            pl.BlockSpec((1, 1, H), lambda b, r: (b, 0, 0)),
            pl.BlockSpec((1, 1, H), lambda b, r: (b, 0, 0)),
            pl.BlockSpec((1, H, H), lambda b, r: (b, 0, 0)),
            pl.BlockSpec((1, H, H), lambda b, r: (b, 0, 0)),
            pl.BlockSpec((1, 1, H), lambda b, r: (b, 0, 0)),
        ],
        out_specs=[
            pl.BlockSpec((1, RB, H), lambda b, r: (b, r, 0)),
            pl.BlockSpec((1, RB, H), lambda b, r: (b, r, 0)),
        ],
        out_shape=[
            jax.ShapeDtypeStruct((2, NPAD, H), f32),
            jax.ShapeDtypeStruct((2, NPAD, H), f32),
        ],
    )(h0, stat, gw2, gb2, gms2, Whg2, Wsk2, bsk2)

    zeros128 = jnp.zeros((128, 128), f32)
    zerosN = jnp.zeros((NPAD,), f32)

    Dvp, Bep = _hist(srcp, dstp, zerosN)
    Dvp = Dvp.reshape(NC, HR, 128)
    Bep = Bep.reshape(NC, HR, 128)
    S1p = _segsum(srcp, dstp, xw[0], zeros128)
    S1dp = _segsum(dstp, srcp, xw[1], zeros128)

    ef, efd, dinv, binv = pl.pallas_call(
        _tc_b2,
        grid=(NRB,),
        in_specs=[
            pl.BlockSpec((2, RB, H), lambda r: (0, r, 0)),
            pl.BlockSpec((2, RB, H), lambda r: (0, r, 0)),
            pl.BlockSpec((NC, RB // 128, 128), lambda r: (0, r, 0)),
            pl.BlockSpec((NC, RB // 128, 128), lambda r: (0, r, 0)),
        ],
        out_specs=[
            pl.BlockSpec((RB, H), lambda r: (r, 0)),
            pl.BlockSpec((RB, H), lambda r: (r, 0)),
            pl.BlockSpec((RB // 128, 128), lambda r: (r, 0)),
            pl.BlockSpec((RB // 128, 128), lambda r: (r, 0)),
        ],
        out_shape=[
            jax.ShapeDtypeStruct((NPAD, H), f32),
            jax.ShapeDtypeStruct((NPAD, H), f32),
            jax.ShapeDtypeStruct((HR, 128), f32),
            jax.ShapeDtypeStruct((HR, 128), f32),
        ],
    )(S1p, S1dp, Dvp, Bep)

    S2p = _segsum(dstp, srcp, ef, zeros128)
    S2dp = _segsum(srcp, dstp, efd, zeros128)

    hgb = hg_b.reshape(1, H)
    hgdb = hg_d_b.reshape(1, H)
    h1, he1 = pl.pallas_call(
        _tc_c,
        grid=(NRB,),
        in_specs=[
            pl.BlockSpec((2, RB, H), lambda r: (0, r, 0)),
            pl.BlockSpec((2, RB, H), lambda r: (0, r, 0)),
            pl.BlockSpec((RB // 128, 128), lambda r: (r, 0)),
            pl.BlockSpec((RB // 128, 128), lambda r: (r, 0)),
            pl.BlockSpec((2, RB, H), lambda r: (0, r, 0)),
            pl.BlockSpec((1, H), lambda r: (0, 0)),
            pl.BlockSpec((1, H), lambda r: (0, 0)),
        ],
        out_specs=[
            pl.BlockSpec((RB, H), lambda r: (r, 0)),
            pl.BlockSpec((RB, H), lambda r: (r, 0)),
        ],
        out_shape=[
            jax.ShapeDtypeStruct((NPAD, H), f32),
            jax.ShapeDtypeStruct((NPAD, H), f32),
        ],
    )(S2p, S2dp, dinv, binv, skip, hgb, hgdb)

    inf128 = jnp.full((128, 128), jnp.inf, f32)
    safeS = jnp.full((CAP,), NPAD - 1, jnp.int32)
    safeD = jnp.full((CAP,), TPW, jnp.int32)
    minv = _segmin(srcp, dstp, h1, inf128, safeS, safeD)

    out = pl.pallas_call(
        _tc_d,
        grid=(NRB,),
        in_specs=[
            pl.BlockSpec((RB, H), lambda r: (r, 0)),
            pl.BlockSpec((RB, H), lambda r: (r, 0)),
            pl.BlockSpec((H, H), lambda r: (0, 0)),
            pl.BlockSpec((H, H), lambda r: (0, 0)),
            pl.BlockSpec((1, H), lambda r: (0, 0)),
            pl.BlockSpec((H, H), lambda r: (0, 0)),
            pl.BlockSpec((1, H), lambda r: (0, 0)),
        ],
        out_specs=pl.BlockSpec((RB, H), lambda r: (r, 0)),
        out_shape=jax.ShapeDtypeStruct((NPAD, H), f32),
    )(minv, he1, fusion_W[:H], fusion_W[H:], fusion_b.reshape(1, H),
      lin_W, lin_b.reshape(1, H))

    return out[:N]

# --- scband reference (transcript-rebuilt; emitter-appended) ---
"""Pipeline reference for scband-llmnllmemodel-57277683860076 (READ-ONLY COPY).

The authoritative reference and input builder live on the scoring server;
editing this copy changes nothing except your own understanding.
"""

import jax, jax.numpy as jnp
import numpy as np

N = 10000
E = 320000
D_IN = 128
H = 128
D_OUT = 128
EPS = 1e-5

def layer_norm(x, g, b):
    mu = jnp.mean(x, axis=-1, keepdims=True)
    var = jnp.mean((x - mu) ** 2, axis=-1, keepdims=True)
    return g * (x - mu) / jnp.sqrt(var + EPS) + b

def graph_norm(x, w, b, ms):
    mean = jnp.mean(x, axis=0, keepdims=True)
    out = x - ms * mean
    var = jnp.mean(out * out, axis=0, keepdims=True)
    return w * out / jnp.sqrt(var + EPS) + b

def leaky_relu(x):
    return jax.nn.leaky_relu(x, negative_slope=0.01)

def hypergraph_conv(x, src, dst, W, bias, n_src, n_dst):
    # PyG HypergraphConv with use_attention=False (heads collapses to 1):
    # out = D^-1 H W_e B^-1 H^T (X Theta) + bias, hyperedge weights = 1
    xw = x @ W
    ones = jnp.ones(src.shape[0], dtype=x.dtype)
    Dv = jax.ops.segment_sum(ones, src, num_segments=n_src)
    Dinv = jnp.where(Dv > 0, 1.0 / Dv, 0.0)
    Be = jax.ops.segment_sum(ones, dst, num_segments=n_dst)
    Binv = jnp.where(Be > 0, 1.0 / Be, 0.0)
    edge_feat = Binv[:, None] * jax.ops.segment_sum(xw[src], dst, num_segments=n_dst)
    node_out = Dinv[:, None] * jax.ops.segment_sum(edge_feat[dst], src, num_segments=n_src)
    return node_out + bias

def _lin_init(k, fan_in, fan_out):
    lim = 1.0 / np.sqrt(fan_in)
    kw, kb = jax.random.split(k)
    W = jax.random.uniform(kw, (fan_in, fan_out), minval=-lim, maxval=lim, dtype=jnp.float32)
    b = jax.random.uniform(kb, (fan_out,), minval=-lim, maxval=lim, dtype=jnp.float32)
    return W, b

def setup_inputs(seed: int = 0):
    key = jax.random.key(seed)
    ks = jax.random.split(key, 16)
    inp = {}
    inp["x"] = jax.random.normal(ks[0], (N, D_IN), dtype=jnp.float32)
    inp["x_e"] = jax.random.normal(ks[1], (N, D_IN), dtype=jnp.float32)
    inp["edge_index"] = jax.random.randint(ks[2], (2, E), 0, N, dtype=jnp.int32)
    inp["in_norm_g"] = jnp.ones((D_IN,), jnp.float32)
    inp["in_norm_b"] = jnp.zeros((D_IN,), jnp.float32)
    inp["in_proj_W"], inp["in_proj_b"] = _lin_init(ks[3], D_IN, H)
    inp["e_norm_g"] = jnp.ones((D_IN,), jnp.float32)
    inp["e_norm_b"] = jnp.zeros((D_IN,), jnp.float32)
    inp["e_proj_W"], inp["e_proj_b"] = _lin_init(ks[4], D_IN, H)
    inp["gn_w"] = jnp.ones((H,), jnp.float32)
    inp["gn_b"] = jnp.zeros((H,), jnp.float32)
    inp["gn_ms"] = jnp.ones((H,), jnp.float32)
    inp["hg_W"], _ = _lin_init(ks[5], H, H)
    inp["hg_b"] = jnp.zeros((H,), jnp.float32)
    inp["skip_W"], inp["skip_b"] = _lin_init(ks[6], H, H)
    inp["gn_d_w"] = jnp.ones((H,), jnp.float32)
    inp["gn_d_b"] = jnp.zeros((H,), jnp.float32)
    inp["gn_d_ms"] = jnp.ones((H,), jnp.float32)
    inp["hg_d_W"], _ = _lin_init(ks[7], H, H)
    inp["hg_d_b"] = jnp.zeros((H,), jnp.float32)
    inp["skip_d_W"], inp["skip_d_b"] = _lin_init(ks[8], H, H)
    inp["fusion_W"], inp["fusion_b"] = _lin_init(ks[9], 2 * H, H)
    inp["lin_W"], inp["lin_b"] = _lin_init(ks[10], H, D_OUT)
    return inp

def _forward(x, x_e, in_norm_g, in_norm_b, in_proj_W, in_proj_b, e_norm_g, e_norm_b, e_proj_W, e_proj_b, gn_w, gn_b, gn_ms, hg_W, hg_b, skip_W, skip_b, gn_d_w, gn_d_b, gn_d_ms, hg_d_W, hg_d_b, skip_d_W, skip_d_b, fusion_W, fusion_b, lin_W, lin_b, edge_index):
    src, dst = edge_index[0], edge_index[1]
    # node branch (dropout is identity in eval)
    h = layer_norm(x, in_norm_g, in_norm_b)
    h = leaky_relu(h @ in_proj_W + in_proj_b)
    # hyperedge branch: L2-normalize then norm+proj
    he = x_e / jnp.maximum(jnp.linalg.norm(x_e, axis=1, keepdims=True), 1e-12)
    he = layer_norm(he, e_norm_g, e_norm_b)
    he = leaky_relu(he @ e_proj_W + e_proj_b)
    # layer 0
    h = graph_norm(h, gn_w, gn_b, gn_ms)
    h = leaky_relu(hypergraph_conv(h, src, dst, hg_W, hg_b, N, N)) + (h @ skip_W + skip_b)
    he = graph_norm(he, gn_d_w, gn_d_b, gn_d_ms)
    he = leaky_relu(hypergraph_conv(he, dst, src, hg_d_W, hg_d_b, N, N)) + (he @ skip_d_W + skip_d_b)
    # min aggregation of node features into hyperedges
    agg = jax.ops.segment_min(h[src], dst, num_segments=N)
    agg = jnp.where(jnp.isfinite(agg), agg, 0.0)
    fused = jnp.concatenate([agg, he], axis=1) @ fusion_W + fusion_b
    return fused @ lin_W + lin_b

def reference(x, x_e, edge_index, in_norm_g, in_norm_b, in_proj_W, in_proj_b, e_norm_g, e_norm_b, e_proj_W, e_proj_b, gn_w, gn_b, gn_ms, hg_W, hg_b, skip_W, skip_b, gn_d_w, gn_d_b, gn_d_ms, hg_d_W, hg_d_b, skip_d_W, skip_d_b, fusion_W, fusion_b, lin_W, lin_b):
    return _forward(x, x_e, in_norm_g, in_norm_b, in_proj_W, in_proj_b, e_norm_g, e_norm_b, e_proj_W, e_proj_b, gn_w, gn_b, gn_ms, hg_W, hg_b, skip_W, skip_b, gn_d_w, gn_d_b, gn_d_ms, hg_d_W, hg_d_b, skip_d_W, skip_d_b, fusion_W, fusion_b, lin_W, lin_b, edge_index)

if __name__ == "__main__":
    import jax
    _d = setup_inputs()
    print(jax.jit(kernel)(*tuple(_d.values())))

</pallas_src>

<mosaic_0001>
#map = affine_map<(d0, d1) -> (0)>
#map1 = affine_map<(d0, d1) -> (0, 0)>
#map2 = affine_map<(d0, d1) -> (0, 0, 0)>
module attributes {stable_mosaic.version = 14 : i64} {
  func.func @_sc_segsum_body(%arg0: i32, %arg1: i32, %arg2: memref<327680xi32, #tpu.memory_space<hbm>>, %arg3: memref<327680xi32, #tpu.memory_space<hbm>>, %arg4: memref<10240x128xf32, #tpu.memory_space<hbm>>, %arg5: memref<128x128xf32, #tpu.memory_space<hbm>>, %arg6: memref<2x10240x128xf32, #tpu.memory_space<hbm>>, %arg7: memref<128xi32, #tpu.memory_space<vmem>>, %arg8: memref<128xi32, #tpu.memory_space<vmem>>, %arg9: memref<128x128xf32, #tpu.memory_space<vmem>>, %arg10: memref<10240x128xf32, #tpu.memory_space<vmem_shared>>, %arg11: memref<!tpu.dma_semaphore, #tpu.memory_space<semaphore_mem>>) attributes {dimension_semantics = [#tpu.dimension_semantics<core_parallel>, #tpu.dimension_semantics<subcore_parallel>], iteration_bounds = array<i64: 2, 16>, scalar_prefetch = 0 : i64, scratch_operands = 5 : i64, tpu.core_type = #tpu.core_type<sc_vector_subcore>, window_params = [{transform_indices = #map}, {transform_indices = #map}, {transform_indices = #map1}, {transform_indices = #map1}, {transform_indices = #map2}]} {
    %mul3A = arith.constant 16 : i32
    %mul3A_0 = arith.muli %arg0, %mul3A : i32
    %add3A = arith.addi %mul3A_0, %arg1 : i32
    "tpu.region"() ({
      %run_scoped3A = tpu.sem_alloc : memref<!tpu.dma_semaphore, #tpu.memory_space<semaphore_mem>>
      tpu.enqueue_dma source(%arg5 : memref<128x128xf32, #tpu.memory_space<hbm>>) target(%arg9 : memref<128x128xf32, #tpu.memory_space<vmem>>) target_semaphore(%run_scoped3A : memref<!tpu.dma_semaphore, #tpu.memory_space<semaphore_mem>>)
      tpu.wait_dma2 semaphore(%run_scoped3A : memref<!tpu.dma_semaphore, #tpu.memory_space<semaphore_mem>>) src(%arg5 : memref<128x128xf32, #tpu.memory_space<hbm>>) dst(%arg9 : memref<128x128xf32, #tpu.memory_space<vmem>>)
      tpu.yield
    }) : () -> ()
    %scan3A = arith.constant 0 : i32
    %scan3A_1 = arith.constant 0 : i32
    %scan3A_2 = arith.constant 5 : i32
    %scan3A_3 = arith.addi %scan3A_1, %scan3A_2 : i32
    %scan3A_4 = arith.constant 1 : i32
    scf.for %scan3A_19 = %scan3A_1 to %scan3A_3 step %scan3A_4  : i32 {
      %mul3A_20 = arith.constant 5 : i32
      %mul3A_21 = arith.muli %arg1, %mul3A_20 : i32
      %add3A_22 = arith.addi %mul3A_21, %scan3A_19 : i32
      %mul3A_23 = arith.constant 128 : i32
      %mul3A_24 = arith.muli %add3A_22, %mul3A_23 : i32
      "tpu.region"() ({
        %run_scoped3A = tpu.sem_alloc : memref<!tpu.dma_semaphore, #tpu.memory_space<semaphore_mem>>
        %dma_start3A = arith.constant 0 : i32
        %dma_start3A_25 = tpu.memref_slice %arg10[%mul3A_24, %dma_start3A] : memref<10240x128xf32, #tpu.memory_space<vmem_shared>> -> memref<128x128xf32, #tpu.memory_space<vmem_shared>>
        %dma_start3A_26 = arith.constant 0 : i32
        %dma_start3A_27 = tpu.memref_slice %arg10[%mul3A_24, %dma_start3A_26] : memref<10240x128xf32, #tpu.memory_space<vmem_shared>> -> memref<128x128xf32, #tpu.memory_space<vmem_shared>>
        tpu.enqueue_dma source(%arg9 : memref<128x128xf32, #tpu.memory_space<vmem>>) target(%dma_start3A_27 : memref<128x128xf32, #tpu.memory_space<vmem_shared>>) target_semaphore(%run_scoped3A : memref<!tpu.dma_semaphore, #tpu.memory_space<semaphore_mem>>)
        %dma_wait3A = arith.constant 0 : i32
        %dma_wait3A_28 = tpu.memref_slice %arg10[%mul3A_24, %dma_wait3A] : memref<10240x128xf32, #tpu.memory_space<vmem_shared>> -> memref<128x128xf32, #tpu.memory_space<vmem_shared>>
        %dma_wait3A_29 = arith.constant 0 : i32
        %dma_wait3A_30 = tpu.memref_slice %arg10[%mul3A_24, %dma_wait3A_29] : memref<10240x128xf32, #tpu.memory_space<vmem_shared>> -> memref<128x128xf32, #tpu.memory_space<vmem_shared>>
        tpu.wait_dma2 semaphore(%run_scoped3A : memref<!tpu.dma_semaphore, #tpu.memory_space<semaphore_mem>>) src(%arg9 : memref<128x128xf32, #tpu.memory_space<vmem>>) dst(%dma_wait3A_30 : memref<128x128xf32, #tpu.memory_space<vmem_shared>>)
        tpu.yield
      }) : () -> ()
    }
    %scan3A_5 = arith.constant 5 : i32
    %barrier3A = arith.constant 0 : index
    tpu.barrier barrier_id(%barrier3A)
    %scan3A_6 = arith.constant 0 : i32
    %scan3A_7 = arith.constant 0 : i32
    %scan3A_8 = arith.constant 80 : i32
    %scan3A_9 = arith.addi %scan3A_7, %scan3A_8 : i32
    %scan3A_10 = arith.constant 1 : i32
    scf.for %scan3A_19 = %scan3A_7 to %scan3A_9 step %scan3A_10  : i32 {
      %mul3A_20 = arith.constant 10240 : i32
      %mul3A_21 = arith.muli %add3A, %mul3A_20 : i32
      %mul3A_22 = arith.constant 128 : i32
      %mul3A_23 = arith.muli %scan3A_19, %mul3A_22 : i32
      %add3A_24 = arith.addi %mul3A_21, %mul3A_23 : i32
      "tpu.region"() ({
        %run_scoped3A = tpu.sem_alloc : memref<!tpu.dma_semaphore, #tpu.memory_space<semaphore_mem>>
        %dma_start3A_29 = tpu.memref_slice %arg2[%add3A_24] : memref<327680xi32, #tpu.memory_space<hbm>> -> memref<128xi32, #tpu.memory_space<hbm>>
        %dma_start3A_30 = tpu.memref_slice %arg2[%add3A_24] : memref<327680xi32, #tpu.memory_space<hbm>> -> memref<128xi32, #tpu.memory_space<hbm>>
        tpu.enqueue_dma source(%dma_start3A_30 : memref<128xi32, #tpu.memory_space<hbm>>) target(%arg7 : memref<128xi32, #tpu.memory_space<vmem>>) target_semaphore(%run_scoped3A : memref<!tpu.dma_semaphore, #tpu.memory_space<semaphore_mem>>)
        %dma_wait3A_31 = tpu.memref_slice %arg2[%add3A_24] : memref<327680xi32, #tpu.memory_space<hbm>> -> memref<128xi32, #tpu.memory_space<hbm>>
        %dma_wait3A_32 = tpu.memref_slice %arg2[%add3A_24] : memref<327680xi32, #tpu.memory_space<hbm>> -> memref<128xi32, #tpu.memory_space<hbm>>
        tpu.wait_dma2 semaphore(%run_scoped3A : memref<!tpu.dma_semaphore, #tpu.memory_space<semaphore_mem>>) src(%dma_wait3A_32 : memref<128xi32, #tpu.memory_space<hbm>>) dst(%arg7 : memref<128xi32, #tpu.memory_space<vmem>>)
        tpu.yield
      }) : () -> ()
      "tpu.region"() ({
        %run_scoped3A = tpu.sem_alloc : memref<!tpu.dma_semaphore, #tpu.memory_space<semaphore_mem>>
        %dma_start3A_29 = tpu.memref_slice %arg3[%add3A_24] : memref<327680xi32, #tpu.memory_space<hbm>> -> memref<128xi32, #tpu.memory_space<hbm>>
        %dma_start3A_30 = tpu.memref_slice %arg3[%add3A_24] : memref<327680xi32, #tpu.memory_space<hbm>> -> memref<128xi32, #tpu.memory_space<hbm>>
        tpu.enqueue_dma source(%dma_start3A_30 : memref<128xi32, #tpu.memory_space<hbm>>) target(%arg8 : memref<128xi32, #tpu.memory_space<vmem>>) target_semaphore(%run_scoped3A : memref<!tpu.dma_semaphore, #tpu.memory_space<semaphore_mem>>)
        %dma_wait3A_31 = tpu.memref_slice %arg3[%add3A_24] : memref<327680xi32, #tpu.memory_space<hbm>> -> memref<128xi32, #tpu.memory_space<hbm>>
        %dma_wait3A_32 = tpu.memref_slice %arg3[%add3A_24] : memref<327680xi32, #tpu.memory_space<hbm>> -> memref<128xi32, #tpu.memory_space<hbm>>
        tpu.wait_dma2 semaphore(%run_scoped3A : memref<!tpu.dma_semaphore, #tpu.memory_space<semaphore_mem>>) src(%dma_wait3A_32 : memref<128xi32, #tpu.memory_space<hbm>>) dst(%arg8 : memref<128xi32, #tpu.memory_space<vmem>>)
        tpu.yield
      }) : () -> ()
      %dma_start3A = arith.constant 0 : i32
      %dma_start3A_25 = arith.constant 0 : i32
      %dma_start3A_26 = tpu.memref_slice %arg4[%dma_start3A, %dma_start3A_25] : memref<10240x128xf32, #tpu.memory_space<hbm>> -> memref<10240x128xf32, #tpu.memory_space<hbm>>
      tpu.enqueue_indirect_dma source(%dma_start3A_26 : memref<10240x128xf32, #tpu.memory_space<hbm>>) target(%arg9 : memref<128x128xf32, #tpu.memory_space<vmem>>) offsets(%arg7 : memref<128xi32, #tpu.memory_space<vmem>>) semaphore(%arg11 : memref<!tpu.dma_semaphore, #tpu.memory_space<semaphore_mem>>)
      %dma_wait3A = arith.constant 0 : i32
      %dma_wait3A_27 = arith.constant 0 : i32
      %dma_wait3A_28 = tpu.memref_slice %arg4[%dma_wait3A, %dma_wait3A_27] : memref<10240x128xf32, #tpu.memory_space<hbm>> -> memref<10240x128xf32, #tpu.memory_space<hbm>>
      tpu.wait_indirect_dma semaphore(%arg11 : memref<!tpu.dma_semaphore, #tpu.memory_space<semaphore_mem>>) src(%dma_wait3A_28 : memref<10240x128xf32, #tpu.memory_space<hbm>>) dst(%arg9 : memref<128x128xf32, #tpu.memory_space<vmem>>)
      "tpu.region"() ({
        %run_scoped3A = tpu.sem_alloc : memref<!tpu.dma_semaphore, #tpu.memory_space<semaphore_mem>>
        %dma_start3A_29 = arith.constant 0 : i32
        %dma_start3A_30 = arith.constant 0 : i32
        %dma_start3A_31 = tpu.memref_slice %arg10[%dma_start3A_29, %dma_start3A_30] : memref<10240x128xf32, #tpu.memory_space<vmem_shared>> -> memref<10240x128xf32, #tpu.memory_space<vmem_shared>>
        tpu.enqueue_indirect_dma source(%arg9 : memref<128x128xf32, #tpu.memory_space<vmem>>) target(%dma_start3A_31 : memref<10240x128xf32, #tpu.memory_space<vmem_shared>>) offsets(%arg8 : memref<128xi32, #tpu.memory_space<vmem>>) semaphore(%run_scoped3A : memref<!tpu.dma_semaphore, #tpu.memory_space<semaphore_mem>>) {add = true}
        %dma_wait3A_32 = arith.constant 0 : i32
        %dma_wait3A_33 = arith.constant 0 : i32
        %dma_wait3A_34 = tpu.memref_slice %arg10[%dma_wait3A_32, %dma_wait3A_33] : memref<10240x128xf32, #tpu.memory_space<vmem_shared>> -> memref<10240x128xf32, #tpu.memory_space<vmem_shared>>
        tpu.wait_indirect_dma semaphore(%run_scoped3A : memref<!tpu.dma_semaphore, #tpu.memory_space<semaphore_mem>>) src(%arg9 : memref<128x128xf32, #tpu.memory_space<vmem>>) dst(%dma_wait3A_34 : memref<10240x128xf32, #tpu.memory_space<vmem_shared>>)
        tpu.yield
      }) : () -> ()
    }
    %scan3A_11 = arith.constant 80 : i32
    %barrier3A_12 = arith.constant 0 : index
    tpu.barrier barrier_id(%barrier3A_12)
    %scan3A_13 = arith.constant 0 : i32
    %scan3A_14 = arith.constant 0 : i32
    %scan3A_15 = arith.constant 5 : i32
    %scan3A_16 = arith.addi %scan3A_14, %scan3A_15 : i32
    %scan3A_17 = arith.constant 1 : i32
    scf.for %scan3A_19 = %scan3A_14 to %scan3A_16 step %scan3A_17  : i32 {
      %mul3A_20 = arith.constant 5 : i32
      %mul3A_21 = arith.muli %arg1, %mul3A_20 : i32
      %add3A_22 = arith.addi %mul3A_21, %scan3A_19 : i32
      %mul3A_23 = arith.constant 128 : i32
      %mul3A_24 = arith.muli %add3A_22, %mul3A_23 : i32
      "tpu.region"() ({
        %run_scoped3A = tpu.sem_alloc : memref<!tpu.dma_semaphore, #tpu.memory_space<semaphore_mem>>
        %dma_start3A = arith.constant 0 : i32
        %dma_start3A_25 = tpu.memref_slice %arg10[%mul3A_24, %dma_start3A] : memref<10240x128xf32, #tpu.memory_space<vmem_shared>> -> memref<128x128xf32, #tpu.memory_space<vmem_shared>>
        %dma_start3A_26 = arith.constant 0 : i32
        %dma_start3A_27 = tpu.memref_slice %arg10[%mul3A_24, %dma_start3A_26] : memref<10240x128xf32, #tpu.memory_space<vmem_shared>> -> memref<128x128xf32, #tpu.memory_space<vmem_shared>>
        tpu.enqueue_dma source(%dma_start3A_27 : memref<128x128xf32, #tpu.memory_space<vmem_shared>>) target(%arg9 : memref<128x128xf32, #tpu.memory_space<vmem>>) target_semaphore(%run_scoped3A : memref<!tpu.dma_semaphore, #tpu.memory_space<semaphore_mem>>)
        %dma_wait3A = arith.constant 0 : i32
        %dma_wait3A_28 = tpu.memref_slice %arg10[%mul3A_24, %dma_wait3A] : memref<10240x128xf32, #tpu.memory_space<vmem_shared>> -> memref<128x128xf32, #tpu.memory_space<vmem_shared>>
        %dma_wait3A_29 = arith.constant 0 : i32
        %dma_wait3A_30 = tpu.memref_slice %arg10[%mul3A_24, %dma_wait3A_29] : memref<10240x128xf32, #tpu.memory_space<vmem_shared>> -> memref<128x128xf32, #tpu.memory_space<vmem_shared>>
        tpu.wait_dma2 semaphore(%run_scoped3A : memref<!tpu.dma_semaphore, #tpu.memory_space<semaphore_mem>>) src(%dma_wait3A_30 : memref<128x128xf32, #tpu.memory_space<vmem_shared>>) dst(%arg9 : memref<128x128xf32, #tpu.memory_space<vmem>>)
        tpu.yield
      }) : () -> ()
      "tpu.region"() ({
        %run_scoped3A = tpu.sem_alloc : memref<!tpu.dma_semaphore, #tpu.memory_space<semaphore_mem>>
        %dma_start3A = arith.constant 0 : i32
        %dma_start3A_25 = arith.constant 0 : i32
        %dma_start3A_26 = tpu.memref_slice %arg6[%arg0, %dma_start3A, %dma_start3A_25] : memref<2x10240x128xf32, #tpu.memory_space<hbm>> -> memref<1x10240x128xf32, #tpu.memory_space<hbm>>
        %dma_start3A_27 = tpu.memref_squeeze %dma_start3A_26 : memref<1x10240x128xf32, #tpu.memory_space<hbm>> -> memref<10240x128xf32, #tpu.memory_space<hbm>>
        %dma_start3A_28 = arith.constant 0 : i32
        %dma_start3A_29 = tpu.memref_slice %dma_start3A_27[%mul3A_24, %dma_start3A_28] : memref<10240x128xf32, #tpu.memory_space<hbm>> -> memref<128x128xf32, #tpu.memory_space<hbm>>
        %dma_start3A_30 = arith.constant 0 : i32
        %dma_start3A_31 = arith.constant 0 : i32
        %dma_start3A_32 = tpu.memref_slice %arg6[%arg0, %dma_start3A_30, %dma_start3A_31] : memref<2x10240x128xf32, #tpu.memory_space<hbm>> -> memref<1x10240x128xf32, #tpu.memory_space<hbm>>
        %dma_start3A_33 = tpu.memref_squeeze %dma_start3A_32 : memref<1x10240x128xf32, #tpu.memory_space<hbm>> -> memref<10240x128xf32, #tpu.memory_space<hbm>>
        %dma_start3A_34 = arith.constant 0 : i32
        %dma_start3A_35 = tpu.memref_slice %dma_start3A_33[%mul3A_24, %dma_start3A_34] : memref<10240x128xf32, #tpu.memory_space<hbm>> -> memref<128x128xf32, #tpu.memory_space<hbm>>
        tpu.enqueue_dma source(%arg9 : memref<128x128xf32, #tpu.memory_space<vmem>>) target(%dma_start3A_35 : memref<128x128xf32, #tpu.memory_space<hbm>>) target_semaphore(%run_scoped3A : memref<!tpu.dma_semaphore, #tpu.memory_space<semaphore_mem>>)
        %dma_wait3A = arith.constant 0 : i32
        %dma_wait3A_36 = arith.constant 0 : i32
        %dma_wait3A_37 = tpu.memref_slice %arg6[%arg0, %dma_wait3A, %dma_wait3A_36] : memref<2x10240x128xf32, #tpu.memory_space<hbm>> -> memref<1x10240x128xf32, #tpu.memory_space<hbm>>
        %dma_wait3A_38 = tpu.memref_squeeze %dma_wait3A_37 : memref<1x10240x128xf32, #tpu.memory_space<hbm>> -> memref<10240x128xf32, #tpu.memory_space<hbm>>
        %dma_wait3A_39 = arith.constant 0 : i32
        %dma_wait3A_40 = tpu.memref_slice %dma_wait3A_38[%mul3A_24, %dma_wait3A_39] : memref<10240x128xf32, #tpu.memory_space<hbm>> -> memref<128x128xf32, #tpu.memory_space<hbm>>
        %dma_wait3A_41 = arith.constant 0 : i32
        %dma_wait3A_42 = arith.constant 0 : i32
        %dma_wait3A_43 = tpu.memref_slice %arg6[%arg0, %dma_wait3A_41, %dma_wait3A_42] : memref<2x10240x128xf32, #tpu.memory_space<hbm>> -> memref<1x10240x128xf32, #tpu.memory_space<hbm>>
        %dma_wait3A_44 = tpu.memref_squeeze %dma_wait3A_43 : memref<1x10240x128xf32, #tpu.memory_space<hbm>> -> memref<10240x128xf32, #tpu.memory_space<hbm>>
        %dma_wait3A_45 = arith.constant 0 : i32
        %dma_wait3A_46 = tpu.memref_slice %dma_wait3A_44[%mul3A_24, %dma_wait3A_45] : memref<10240x128xf32, #tpu.memory_space<hbm>> -> memref<128x128xf32, #tpu.memory_space<hbm>>
        tpu.wait_dma2 semaphore(%run_scoped3A : memref<!tpu.dma_semaphore, #tpu.memory_space<semaphore_mem>>) src(%arg9 : memref<128x128xf32, #tpu.memory_space<vmem>>) dst(%dma_wait3A_46 : memref<128x128xf32, #tpu.memory_space<hbm>>)
        tpu.yield
      }) : () -> ()
    }
    %scan3A_18 = arith.constant 5 : i32
    return
  }
}

#map = affine_map<(d0, d1) -> (0)>
#map1 = affine_map<(d0, d1) -> (0, 0)>
module attributes {stable_mosaic.version = 14 : i64} {
  func.func @_sc_hist_body(%arg0: i32, %arg1: i32, %arg2: memref<327680xi32, #tpu.memory_space<hbm>>, %arg3: memref<327680xi32, #tpu.memory_space<hbm>>, %arg4: memref<10240xf32, #tpu.memory_space<hbm>>, %arg5: memref<2x10240xf32, #tpu.memory_space<hbm>>, %arg6: memref<2x10240xf32, #tpu.memory_space<hbm>>, %arg7: memref<128xi32, #tpu.memory_space<vmem>>, %arg8: memref<128xf32, #tpu.memory_space<vmem>>, %arg9: memref<640xf32, #tpu.memory_space<vmem>>, %arg10: memref<10240xf32, #tpu.memory_space<vmem_shared>>, %arg11: memref<10240xf32, #tpu.memory_space<vmem_shared>>) attributes {dimension_semantics = [#tpu.dimension_semantics<core_parallel>, #tpu.dimension_semantics<subcore_parallel>], iteration_bounds = array<i64: 2, 16>, scalar_prefetch = 0 : i64, scratch_operands = 5 : i64, tpu.core_type = #tpu.core_type<sc_vector_subcore>, window_params = [{transform_indices = #map}, {transform_indices = #map}, {transform_indices = #map}, {transform_indices = #map1}, {transform_indices = #map1}]} {
    %mul3A = arith.constant 16 : i32
    %mul3A_0 = arith.muli %arg0, %mul3A : i32
    %add3A = arith.addi %mul3A_0, %arg1 : i32
    "tpu.region"() ({
      %run_scoped3A = tpu.sem_alloc : memref<!tpu.dma_semaphore, #tpu.memory_space<semaphore_mem>>
      %dma_start3A = arith.constant 0 : i32
      %dma_start3A_49 = tpu.memref_slice %arg4[%dma_start3A] : memref<10240xf32, #tpu.memory_space<hbm>> -> memref<640xf32, #tpu.memory_space<hbm>>
      %dma_start3A_50 = arith.constant 0 : i32
      %dma_start3A_51 = tpu.memref_slice %arg4[%dma_start3A_50] : memref<10240xf32, #tpu.memory_space<hbm>> -> memref<640xf32, #tpu.memory_space<hbm>>
      tpu.enqueue_dma source(%dma_start3A_51 : memref<640xf32, #tpu.memory_space<hbm>>) target(%arg9 : memref<640xf32, #tpu.memory_space<vmem>>) target_semaphore(%run_scoped3A : memref<!tpu.dma_semaphore, #tpu.memory_space<semaphore_mem>>)
      %dma_wait3A = arith.constant 0 : i32
      %dma_wait3A_52 = tpu.memref_slice %arg4[%dma_wait3A] : memref<10240xf32, #tpu.memory_space<hbm>> -> memref<640xf32, #tpu.memory_space<hbm>>
      %dma_wait3A_53 = arith.constant 0 : i32
      %dma_wait3A_54 = tpu.memref_slice %arg4[%dma_wait3A_53] : memref<10240xf32, #tpu.memory_space<hbm>> -> memref<640xf32, #tpu.memory_space<hbm>>
      tpu.wait_dma2 semaphore(%run_scoped3A : memref<!tpu.dma_semaphore, #tpu.memory_space<semaphore_mem>>) src(%dma_wait3A_54 : memref<640xf32, #tpu.memory_space<hbm>>) dst(%arg9 : memref<640xf32, #tpu.memory_space<vmem>>)
      tpu.yield
    }) : () -> ()
    %mul3A_1 = arith.constant 640 : i32
    %mul3A_2 = arith.muli %arg1, %mul3A_1 : i32
    "tpu.region"() ({
      %run_scoped3A = tpu.sem_alloc : memref<!tpu.dma_semaphore, #tpu.memory_space<semaphore_mem>>
      %dma_start3A = tpu.memref_slice %arg10[%mul3A_2] : memref<10240xf32, #tpu.memory_space<vmem_shared>> -> memref<640xf32, #tpu.memory_space<vmem_shared>>
      %dma_start3A_49 = tpu.memref_slice %arg10[%mul3A_2] : memref<10240xf32, #tpu.memory_space<vmem_shared>> -> memref<640xf32, #tpu.memory_space<vmem_shared>>
      tpu.enqueue_dma source(%arg9 : memref<640xf32, #tpu.memory_space<vmem>>) target(%dma_start3A_49 : memref<640xf32, #tpu.memory_space<vmem_shared>>) target_semaphore(%run_scoped3A : memref<!tpu.dma_semaphore, #tpu.memory_space<semaphore_mem>>)
      %dma_wait3A = tpu.memref_slice %arg10[%mul3A_2] : memref<10240xf32, #tpu.memory_space<vmem_shared>> -> memref<640xf32, #tpu.memory_space<vmem_shared>>
      %dma_wait3A_50 = tpu.memref_slice %arg10[%mul3A_2] : memref<10240xf32, #tpu.memory_space<vmem_shared>> -> memref<640xf32, #tpu.memory_space<vmem_shared>>
      tpu.wait_dma2 semaphore(%run_scoped3A : memref<!tpu.dma_semaphore, #tpu.memory_space<semaphore_mem>>) src(%arg9 : memref<640xf32, #tpu.memory_space<vmem>>) dst(%dma_wait3A_50 : memref<640xf32, #tpu.memory_space<vmem_shared>>)
      tpu.yield
    }) : () -> ()
    %mul3A_3 = arith.constant 640 : i32
    %mul3A_4 = arith.muli %arg1, %mul3A_3 : i32
    "tpu.region"() ({
      %run_scoped3A = tpu.sem_alloc : memref<!tpu.dma_semaphore, #tpu.memory_space<semaphore_mem>>
      %dma_start3A = tpu.memref_slice %arg11[%mul3A_4] : memref<10240xf32, #tpu.memory_space<vmem_shared>> -> memref<640xf32, #tpu.memory_space<vmem_shared>>
      %dma_start3A_49 = tpu.memref_slice %arg11[%mul3A_4] : memref<10240xf32, #tpu.memory_space<vmem_shared>> -> memref<640xf32, #tpu.memory_space<vmem_shared>>
      tpu.enqueue_dma source(%arg9 : memref<640xf32, #tpu.memory_space<vmem>>) target(%dma_start3A_49 : memref<640xf32, #tpu.memory_space<vmem_shared>>) target_semaphore(%run_scoped3A : memref<!tpu.dma_semaphore, #tpu.memory_space<semaphore_mem>>)
      %dma_wait3A = tpu.memref_slice %arg11[%mul3A_4] : memref<10240xf32, #tpu.memory_space<vmem_shared>> -> memref<640xf32, #tpu.memory_space<vmem_shared>>
      %dma_wait3A_50 = tpu.memref_slice %arg11[%mul3A_4] : memref<10240xf32, #tpu.memory_space<vmem_shared>> -> memref<640xf32, #tpu.memory_space<vmem_shared>>
      tpu.wait_dma2 semaphore(%run_scoped3A : memref<!tpu.dma_semaphore, #tpu.memory_space<semaphore_mem>>) src(%arg9 : memref<640xf32, #tpu.memory_space<vmem>>) dst(%dma_wait3A_50 : memref<640xf32, #tpu.memory_space<vmem_shared>>)
      tpu.yield
    }) : () -> ()
    %broadcast_in_dim3A = arith.constant 1.000000e+00 : f32
    %broadcast_in_dim3A_5 = vector.broadcast %broadcast_in_dim3A : f32 to vector<16xf32>
    %swap3A = arith.constant 0 : index
    %swap3A_6 = tpu.vector_load %arg8[%swap3A] {strides = array<i32>} : memref<128xf32, #tpu.memory_space<vmem>>, vector<16xf32>,
    tpu.vector_store %arg8[%swap3A], %broadcast_in_dim3A_5 {strides = array<i32>} : memref<128xf32, #tpu.memory_space<vmem>>, vector<16xf32>,
    %broadcast_in_dim3A_7 = arith.constant 1.000000e+00 : f32
    %broadcast_in_dim3A_8 = vector.broadcast %broadcast_in_dim3A_7 : f32 to vector<16xf32>
    %swap3A_9 = arith.constant 16 : index
    %swap3A_10 = tpu.vector_load %arg8[%swap3A_9] {strides = array<i32>} : memref<128xf32, #tpu.memory_space<vmem>>, vector<16xf32>,
    tpu.vector_store %arg8[%swap3A_9], %broadcast_in_dim3A_8 {strides = array<i32>} : memref<128xf32, #tpu.memory_space<vmem>>, vector<16xf32>,
    %broadcast_in_dim3A_11 = arith.constant 1.000000e+00 : f32
    %broadcast_in_dim3A_12 = vector.broadcast %broadcast_in_dim3A_11 : f32 to vector<16xf32>
    %swap3A_13 = arith.constant 32 : index
    %swap3A_14 = tpu.vector_load %arg8[%swap3A_13] {strides = array<i32>} : memref<128xf32, #tpu.memory_space<vmem>>, vector<16xf32>,
    tpu.vector_store %arg8[%swap3A_13], %broadcast_in_dim3A_12 {strides = array<i32>} : memref<128xf32, #tpu.memory_space<vmem>>, vector<16xf32>,
    %broadcast_in_dim3A_15 = arith.constant 1.000000e+00 : f32
    %broadcast_in_dim3A_16 = vector.broadcast %broadcast_in_dim3A_15 : f32 to vector<16xf32>
    %swap3A_17 = arith.constant 48 : index
    %swap3A_18 = tpu.vector_load %arg8[%swap3A_17] {strides = array<i32>} : memref<128xf32, #tpu.memory_space<vmem>>, vector<16xf32>,
    tpu.vector_store %arg8[%swap3A_17], %broadcast_in_dim3A_16 {strides = array<i32>} : memref<128xf32, #tpu.memory_space<vmem>>, vector<16xf32>,
    %broadcast_in_dim3A_19 = arith.constant 1.000000e+00 : f32
    %broadcast_in_dim3A_20 = vector.broadcast %broadcast_in_dim3A_19 : f32 to vector<16xf32>
    %swap3A_21 = arith.constant 64 : index
    %swap3A_22 = tpu.vector_load %arg8[%swap3A_21] {strides = array<i32>} : memref<128xf32, #tpu.memory_space<vmem>>, vector<16xf32>,
    tpu.vector_store %arg8[%swap3A_21], %broadcast_in_dim3A_20 {strides = array<i32>} : memref<128xf32, #tpu.memory_space<vmem>>, vector<16xf32>,
    %broadcast_in_dim3A_23 = arith.constant 1.000000e+00 : f32
    %broadcast_in_dim3A_24 = vector.broadcast %broadcast_in_dim3A_23 : f32 to vector<16xf32>
    %swap3A_25 = arith.constant 80 : index
    %swap3A_26 = tpu.vector_load %arg8[%swap3A_25] {strides = array<i32>} : memref<128xf32, #tpu.memory_space<vmem>>, vector<16xf32>,
    tpu.vector_store %arg8[%swap3A_25], %broadcast_in_dim3A_24 {strides = array<i32>} : memref<128xf32, #tpu.memory_space<vmem>>, vector<16xf32>,
    %broadcast_in_dim3A_27 = arith.constant 1.000000e+00 : f32
    %broadcast_in_dim3A_28 = vector.broadcast %broadcast_in_dim3A_27 : f32 to vector<16xf32>
    %swap3A_29 = arith.constant 96 : index
    %swap3A_30 = tpu.vector_load %arg8[%swap3A_29] {strides = array<i32>} : memref<128xf32, #tpu.memory_space<vmem>>, vector<16xf32>,
    tpu.vector_store %arg8[%swap3A_29], %broadcast_in_dim3A_28 {strides = array<i32>} : memref<128xf32, #tpu.memory_space<vmem>>, vector<16xf32>,
    %broadcast_in_dim3A_31 = arith.constant 1.000000e+00 : f32
    %broadcast_in_dim3A_32 = vector.broadcast %broadcast_in_dim3A_31 : f32 to vector<16xf32>
    %swap3A_33 = arith.constant 112 : index
    %swap3A_34 = tpu.vector_load %arg8[%swap3A_33] {strides = array<i32>} : memref<128xf32, #tpu.memory_space<vmem>>, vector<16xf32>,
    tpu.vector_store %arg8[%swap3A_33], %broadcast_in_dim3A_32 {strides = array<i32>} : memref<128xf32, #tpu.memory_space<vmem>>, vector<16xf32>,
    %barrier3A = arith.constant 0 : index
    tpu.barrier barrier_id(%barrier3A)
    %scan3A = arith.constant 0 : i32
    %scan3A_35 = arith.constant 0 : i32
    %scan3A_36 = arith.constant 80 : i32
    %scan3A_37 = arith.addi %scan3A_35, %scan3A_36 : i32
    %scan3A_38 = arith.constant 1 : i32
    scf.for %scan3A_49 = %scan3A_35 to %scan3A_37 step %scan3A_38  : i32 {
      %mul3A_50 = arith.constant 10240 : i32
      %mul3A_51 = arith.muli %add3A, %mul3A_50 : i32
      %mul3A_52 = arith.constant 128 : i32
      %mul3A_53 = arith.muli %scan3A_49, %mul3A_52 : i32
      %add3A_54 = arith.addi %mul3A_51, %mul3A_53 : i32
      "tpu.region"() ({
        %run_scoped3A = tpu.sem_alloc : memref<!tpu.dma_semaphore, #tpu.memory_space<semaphore_mem>>
        %dma_start3A = tpu.memref_slice %arg2[%add3A_54] : memref<327680xi32, #tpu.memory_space<hbm>> -> memref<128xi32, #tpu.memory_space<hbm>>
        %dma_start3A_55 = tpu.memref_slice %arg2[%add3A_54] : memref<327680xi32, #tpu.memory_space<hbm>> -> memref<128xi32, #tpu.memory_space<hbm>>
        tpu.enqueue_dma source(%dma_start3A_55 : memref<128xi32, #tpu.memory_space<hbm>>) target(%arg7 : memref<128xi32, #tpu.memory_space<vmem>>) target_semaphore(%run_scoped3A : memref<!tpu.dma_semaphore, #tpu.memory_space<semaphore_mem>>)
        %dma_wait3A = tpu.memref_slice %arg2[%add3A_54] : memref<327680xi32, #tpu.memory_space<hbm>> -> memref<128xi32, #tpu.memory_space<hbm>>
        %dma_wait3A_56 = tpu.memref_slice %arg2[%add3A_54] : memref<327680xi32, #tpu.memory_space<hbm>> -> memref<128xi32, #tpu.memory_space<hbm>>
        tpu.wait_dma2 semaphore(%run_scoped3A : memref<!tpu.dma_semaphore, #tpu.memory_space<semaphore_mem>>) src(%dma_wait3A_56 : memref<128xi32, #tpu.memory_space<hbm>>) dst(%arg7 : memref<128xi32, #tpu.memory_space<vmem>>)
        tpu.yield
      }) : () -> ()
      "tpu.region"() ({
        %run_scoped3A = tpu.sem_alloc : memref<!tpu.dma_semaphore, #tpu.memory_space<semaphore_mem>>
        %dma_start3A = arith.constant 0 : i32
        %dma_start3A_55 = tpu.memref_slice %arg10[%dma_start3A] : memref<10240xf32, #tpu.memory_space<vmem_shared>> -> memref<10240xf32, #tpu.memory_space<vmem_shared>>
        tpu.enqueue_indirect_dma source(%arg8 : memref<128xf32, #tpu.memory_space<vmem>>) target(%dma_start3A_55 : memref<10240xf32, #tpu.memory_space<vmem_shared>>) offsets(%arg7 : memref<128xi32, #tpu.memory_space<vmem>>) semaphore(%run_scoped3A : memref<!tpu.dma_semaphore, #tpu.memory_space<semaphore_mem>>) {add = true}
        %dma_wait3A = arith.constant 0 : i32
        %dma_wait3A_56 = tpu.memref_slice %arg10[%dma_wait3A] : memref<10240xf32, #tpu.memory_space<vmem_shared>> -> memref<10240xf32, #tpu.memory_space<vmem_shared>>
        tpu.wait_indirect_dma semaphore(%run_scoped3A : memref<!tpu.dma_semaphore, #tpu.memory_space<semaphore_mem>>) src(%arg8 : memref<128xf32, #tpu.memory_space<vmem>>) dst(%dma_wait3A_56 : memref<10240xf32, #tpu.memory_space<vmem_shared>>)
        tpu.yield
      }) : () -> ()
      "tpu.region"() ({
        %run_scoped3A = tpu.sem_alloc : memref<!tpu.dma_semaphore, #tpu.memory_space<semaphore_mem>>
        %dma_start3A = tpu.memref_slice %arg3[%add3A_54] : memref<327680xi32, #tpu.memory_space<hbm>> -> memref<128xi32, #tpu.memory_space<hbm>>
        %dma_start3A_55 = tpu.memref_slice %arg3[%add3A_54] : memref<327680xi32, #tpu.memory_space<hbm>> -> memref<128xi32, #tpu.memory_space<hbm>>
        tpu.enqueue_dma source(%dma_start3A_55 : memref<128xi32, #tpu.memory_space<hbm>>) target(%arg7 : memref<128xi32, #tpu.memory_space<vmem>>) target_semaphore(%run_scoped3A : memref<!tpu.dma_semaphore, #tpu.memory_space<semaphore_mem>>)
        %dma_wait3A = tpu.memref_slice %arg3[%add3A_54] : memref<327680xi32, #tpu.memory_space<hbm>> -> memref<128xi32, #tpu.memory_space<hbm>>
        %dma_wait3A_56 = tpu.memref_slice %arg3[%add3A_54] : memref<327680xi32, #tpu.memory_space<hbm>> -> memref<128xi32, #tpu.memory_space<hbm>>
        tpu.wait_dma2 semaphore(%run_scoped3A : memref<!tpu.dma_semaphore, #tpu.memory_space<semaphore_mem>>) src(%dma_wait3A_56 : memref<128xi32, #tpu.memory_space<hbm>>) dst(%arg7 : memref<128xi32, #tpu.memory_space<vmem>>)
        tpu.yield
      }) : () -> ()
      "tpu.region"() ({
        %run_scoped3A = tpu.sem_alloc : memref<!tpu.dma_semaphore, #tpu.memory_space<semaphore_mem>>
        %dma_start3A = arith.constant 0 : i32
        %dma_start3A_55 = tpu.memref_slice %arg11[%dma_start3A] : memref<10240xf32, #tpu.memory_space<vmem_shared>> -> memref<10240xf32, #tpu.memory_space<vmem_shared>>
        tpu.enqueue_indirect_dma source(%arg8 : memref<128xf32, #tpu.memory_space<vmem>>) target(%dma_start3A_55 : memref<10240xf32, #tpu.memory_space<vmem_shared>>) offsets(%arg7 : memref<128xi32, #tpu.memory_space<vmem>>) semaphore(%run_scoped3A : memref<!tpu.dma_semaphore, #tpu.memory_space<semaphore_mem>>) {add = true}
        %dma_wait3A = arith.constant 0 : i32
        %dma_wait3A_56 = tpu.memref_slice %arg11[%dma_wait3A] : memref<10240xf32, #tpu.memory_space<vmem_shared>> -> memref<10240xf32, #tpu.memory_space<vmem_shared>>
        tpu.wait_indirect_dma semaphore(%run_scoped3A : memref<!tpu.dma_semaphore, #tpu.memory_space<semaphore_mem>>) src(%arg8 : memref<128xf32, #tpu.memory_space<vmem>>) dst(%dma_wait3A_56 : memref<10240xf32, #tpu.memory_space<vmem_shared>>)
        tpu.yield
      }) : () -> ()
    }
    %scan3A_39 = arith.constant 80 : i32
    %barrier3A_40 = arith.constant 0 : index
    tpu.barrier barrier_id(%barrier3A_40)
    %mul3A_41 = arith.constant 640 : i32
    %mul3A_42 = arith.muli %arg1, %mul3A_41 : i32
    "tpu.region"() ({
      %run_scoped3A = tpu.sem_alloc : memref<!tpu.dma_semaphore, #tpu.memory_space<semaphore_mem>>
      %dma_start3A = tpu.memref_slice %arg10[%mul3A_42] : memref<10240xf32, #tpu.memory_space<vmem_shared>> -> memref<640xf32, #tpu.memory_space<vmem_shared>>
      %dma_start3A_49 = tpu.memref_slice %arg10[%mul3A_42] : memref<10240xf32, #tpu.memory_space<vmem_shared>> -> memref<640xf32, #tpu.memory_space<vmem_shared>>
      tpu.enqueue_dma source(%dma_start3A_49 : memref<640xf32, #tpu.memory_space<vmem_shared>>) target(%arg9 : memref<640xf32, #tpu.memory_space<vmem>>) target_semaphore(%run_scoped3A : memref<!tpu.dma_semaphore, #tpu.memory_space<semaphore_mem>>)
      %dma_wait3A = tpu.memref_slice %arg10[%mul3A_42] : memref<10240xf32, #tpu.memory_space<vmem_shared>> -> memref<640xf32, #tpu.memory_space<vmem_shared>>
      %dma_wait3A_50 = tpu.memref_slice %arg10[%mul3A_42] : memref<10240xf32, #tpu.memory_space<vmem_shared>> -> memref<640xf32, #tpu.memory_space<vmem_shared>>
      tpu.wait_dma2 semaphore(%run_scoped3A : memref<!tpu.dma_semaphore, #tpu.memory_space<semaphore_mem>>) src(%dma_wait3A_50 : memref<640xf32, #tpu.memory_space<vmem_shared>>) dst(%arg9 : memref<640xf32, #tpu.memory_space<vmem>>)
      tpu.yield
    }) : () -> ()
    %mul3A_43 = arith.constant 640 : i32
    %mul3A_44 = arith.muli %arg1, %mul3A_43 : i32
    "tpu.region"() ({
      %run_scoped3A = tpu.sem_alloc : memref<!tpu.dma_semaphore, #tpu.memory_space<semaphore_mem>>
      %dma_start3A = arith.constant 0 : i32
      %dma_start3A_49 = tpu.memref_slice %arg5[%arg0, %dma_start3A] : memref<2x10240xf32, #tpu.memory_space<hbm>> -> memref<1x10240xf32, #tpu.memory_space<hbm>>
      %dma_start3A_50 = tpu.memref_squeeze %dma_start3A_49 : memref<1x10240xf32, #tpu.memory_space<hbm>> -> memref<10240xf32, #tpu.memory_space<hbm>>
      %dma_start3A_51 = tpu.memref_slice %dma_start3A_50[%mul3A_44] : memref<10240xf32, #tpu.memory_space<hbm>> -> memref<640xf32, #tpu.memory_space<hbm>>
      %dma_start3A_52 = arith.constant 0 : i32
      %dma_start3A_53 = tpu.memref_slice %arg5[%arg0, %dma_start3A_52] : memref<2x10240xf32, #tpu.memory_space<hbm>> -> memref<1x10240xf32, #tpu.memory_space<hbm>>
      %dma_start3A_54 = tpu.memref_squeeze %dma_start3A_53 : memref<1x10240xf32, #tpu.memory_space<hbm>> -> memref<10240xf32, #tpu.memory_space<hbm>>
      %dma_start3A_55 = tpu.memref_slice %dma_start3A_54[%mul3A_44] : memref<10240xf32, #tpu.memory_space<hbm>> -> memref<640xf32, #tpu.memory_space<hbm>>
      tpu.enqueue_dma source(%arg9 : memref<640xf32, #tpu.memory_space<vmem>>) target(%dma_start3A_55 : memref<640xf32, #tpu.memory_space<hbm>>) target_semaphore(%run_scoped3A : memref<!tpu.dma_semaphore, #tpu.memory_space<semaphore_mem>>)
      %dma_wait3A = arith.constant 0 : i32
      %dma_wait3A_56 = tpu.memref_slice %arg5[%arg0, %dma_wait3A] : memref<2x10240xf32, #tpu.memory_space<hbm>> -> memref<1x10240xf32, #tpu.memory_space<hbm>>
      %dma_wait3A_57 = tpu.memref_squeeze %dma_wait3A_56 : memref<1x10240xf32, #tpu.memory_space<hbm>> -> memref<10240xf32, #tpu.memory_space<hbm>>
      %dma_wait3A_58 = tpu.memref_slice %dma_wait3A_57[%mul3A_44] : memref<10240xf32, #tpu.memory_space<hbm>> -> memref<640xf32, #tpu.memory_space<hbm>>
      %dma_wait3A_59 = arith.constant 0 : i32
      %dma_wait3A_60 = tpu.memref_slice %arg5[%arg0, %dma_wait3A_59] : memref<2x10240xf32, #tpu.memory_space<hbm>> -> memref<1x10240xf32, #tpu.memory_space<hbm>>
      %dma_wait3A_61 = tpu.memref_squeeze %dma_wait3A_60 : memref<1x10240xf32, #tpu.memory_space<hbm>> -> memref<10240xf32, #tpu.memory_space<hbm>>
      %dma_wait3A_62 = tpu.memref_slice %dma_wait3A_61[%mul3A_44] : memref<10240xf32, #tpu.memory_space<hbm>> -> memref<640xf32, #tpu.memory_space<hbm>>
      tpu.wait_dma2 semaphore(%run_scoped3A : memref<!tpu.dma_semaphore, #tpu.memory_space<semaphore_mem>>) src(%arg9 : memref<640xf32, #tpu.memory_space<vmem>>) dst(%dma_wait3A_62 : memref<640xf32, #tpu.memory_space<hbm>>)
      tpu.yield
    }) : () -> ()
    %mul3A_45 = arith.constant 640 : i32
    %mul3A_46 = arith.muli %arg1, %mul3A_45 : i32
    "tpu.region"() ({
      %run_scoped3A = tpu.sem_alloc : memref<!tpu.dma_semaphore, #tpu.memory_space<semaphore_mem>>
      %dma_start3A = tpu.memref_slice %arg11[%mul3A_46] : memref<10240xf32, #tpu.memory_space<vmem_shared>> -> memref<640xf32, #tpu.memory_space<vmem_shared>>
      %dma_start3A_49 = tpu.memref_slice %arg11[%mul3A_46] : memref<10240xf32, #tpu.memory_space<vmem_shared>> -> memref<640xf32, #tpu.memory_space<vmem_shared>>
      tpu.enqueue_dma source(%dma_start3A_49 : memref<640xf32, #tpu.memory_space<vmem_shared>>) target(%arg9 : memref<640xf32, #tpu.memory_space<vmem>>) target_semaphore(%run_scoped3A : memref<!tpu.dma_semaphore, #tpu.memory_space<semaphore_mem>>)
      %dma_wait3A = tpu.memref_slice %arg11[%mul3A_46] : memref<10240xf32, #tpu.memory_space<vmem_shared>> -> memref<640xf32, #tpu.memory_space<vmem_shared>>
      %dma_wait3A_50 = tpu.memref_slice %arg11[%mul3A_46] : memref<10240xf32, #tpu.memory_space<vmem_shared>> -> memref<640xf32, #tpu.memory_space<vmem_shared>>
      tpu.wait_dma2 semaphore(%run_scoped3A : memref<!tpu.dma_semaphore, #tpu.memory_space<semaphore_mem>>) src(%dma_wait3A_50 : memref<640xf32, #tpu.memory_space<vmem_shared>>) dst(%arg9 : memref<640xf32, #tpu.memory_space<vmem>>)
      tpu.yield
    }) : () -> ()
    %mul3A_47 = arith.constant 640 : i32
    %mul3A_48 = arith.muli %arg1, %mul3A_47 : i32
    "tpu.region"() ({
      %run_scoped3A = tpu.sem_alloc : memref<!tpu.dma_semaphore, #tpu.memory_space<semaphore_mem>>
      %dma_start3A = arith.constant 0 : i32
      %dma_start3A_49 = tpu.memref_slice %arg6[%arg0, %dma_start3A] : memref<2x10240xf32, #tpu.memory_space<hbm>> -> memref<1x10240xf32, #tpu.memory_space<hbm>>
      %dma_start3A_50 = tpu.memref_squeeze %dma_start3A_49 : memref<1x10240xf32, #tpu.memory_space<hbm>> -> memref<10240xf32, #tpu.memory_space<hbm>>
      %dma_start3A_51 = tpu.memref_slice %dma_start3A_50[%mul3A_48] : memref<10240xf32, #tpu.memory_space<hbm>> -> memref<640xf32, #tpu.memory_space<hbm>>
      %dma_start3A_52 = arith.constant 0 : i32
      %dma_start3A_53 = tpu.memref_slice %arg6[%arg0, %dma_start3A_52] : memref<2x10240xf32, #tpu.memory_space<hbm>> -> memref<1x10240xf32, #tpu.memory_space<hbm>>
      %dma_start3A_54 = tpu.memref_squeeze %dma_start3A_53 : memref<1x10240xf32, #tpu.memory_space<hbm>> -> memref<10240xf32, #tpu.memory_space<hbm>>
      %dma_start3A_55 = tpu.memref_slice %dma_start3A_54[%mul3A_48] : memref<10240xf32, #tpu.memory_space<hbm>> -> memref<640xf32, #tpu.memory_space<hbm>>
      tpu.enqueue_dma source(%arg9 : memref<640xf32, #tpu.memory_space<vmem>>) target(%dma_start3A_55 : memref<640xf32, #tpu.memory_space<hbm>>) target_semaphore(%run_scoped3A : memref<!tpu.dma_semaphore, #tpu.memory_space<semaphore_mem>>)
      %dma_wait3A = arith.constant 0 : i32
      %dma_wait3A_56 = tpu.memref_slice %arg6[%arg0, %dma_wait3A] : memref<2x10240xf32, #tpu.memory_space<hbm>> -> memref<1x10240xf32, #tpu.memory_space<hbm>>
      %dma_wait3A_57 = tpu.memref_squeeze %dma_wait3A_56 : memref<1x10240xf32, #tpu.memory_space<hbm>> -> memref<10240xf32, #tpu.memory_space<hbm>>
      %dma_wait3A_58 = tpu.memref_slice %dma_wait3A_57[%mul3A_48] : memref<10240xf32, #tpu.memory_space<hbm>> -> memref<640xf32, #tpu.memory_space<hbm>>
      %dma_wait3A_59 = arith.constant 0 : i32
      %dma_wait3A_60 = tpu.memref_slice %arg6[%arg0, %dma_wait3A_59] : memref<2x10240xf32, #tpu.memory_space<hbm>> -> memref<1x10240xf32, #tpu.memory_space<hbm>>
      %dma_wait3A_61 = tpu.memref_squeeze %dma_wait3A_60 : memref<1x10240xf32, #tpu.memory_space<hbm>> -> memref<10240xf32, #tpu.memory_space<hbm>>
      %dma_wait3A_62 = tpu.memref_slice %dma_wait3A_61[%mul3A_48] : memref<10240xf32, #tpu.memory_space<hbm>> -> memref<640xf32, #tpu.memory_space<hbm>>
      tpu.wait_dma2 semaphore(%run_scoped3A : memref<!tpu.dma_semaphore, #tpu.memory_space<semaphore_mem>>) src(%arg9 : memref<640xf32, #tpu.memory_space<vmem>>) dst(%dma_wait3A_62 : memref<640xf32, #tpu.memory_space<hbm>>)
      tpu.yield
    }) : () -> ()
    return
  }
}

#map = affine_map<(d0, d1) -> (0)>
#map1 = affine_map<(d0, d1) -> (0, 0)>
#map2 = affine_map<(d0, d1) -> (0, 0, 0)>
module attributes {stable_mosaic.version = 14 : i64} {
  func.func @_sc_segsum_body(%arg0: i32, %arg1: i32, %arg2: memref<327680xi32, #tpu.memory_space<hbm>>, %arg3: memref<327680xi32, #tpu.memory_space<hbm>>, %arg4: memref<10240x128xf32, #tpu.memory_space<hbm>>, %arg5: memref<128x128xf32, #tpu.memory_space<hbm>>, %arg6: memref<2x10240x128xf32, #tpu.memory_space<hbm>>, %arg7: memref<128xi32, #tpu.memory_space<vmem>>, %arg8: memref<128xi32, #tpu.memory_space<vmem>>, %arg9: memref<128x128xf32, #tpu.memory_space<vmem>>, %arg10: memref<10240x128xf32, #tpu.memory_space<vmem_shared>>, %arg11: memref<!tpu.dma_semaphore, #tpu.memory_space<semaphore_mem>>) attributes {dimension_semantics = [#tpu.dimension_semantics<core_parallel>, #tpu.dimension_semantics<subcore_parallel>], iteration_bounds = array<i64: 2, 16>, scalar_prefetch = 0 : i64, scratch_operands = 5 : i64, tpu.core_type = #tpu.core_type<sc_vector_subcore>, window_params = [{transform_indices = #map}, {transform_indices = #map}, {transform_indices = #map1}, {transform_indices = #map1}, {transform_indices = #map2}]} {
    %mul3A = arith.constant 16 : i32
    %mul3A_0 = arith.muli %arg0, %mul3A : i32
    %add3A = arith.addi %mul3A_0, %arg1 : i32
    "tpu.region"() ({
      %run_scoped3A = tpu.sem_alloc : memref<!tpu.dma_semaphore, #tpu.memory_space<semaphore_mem>>
      tpu.enqueue_dma source(%arg5 : memref<128x128xf32, #tpu.memory_space<hbm>>) target(%arg9 : memref<128x128xf32, #tpu.memory_space<vmem>>) target_semaphore(%run_scoped3A : memref<!tpu.dma_semaphore, #tpu.memory_space<semaphore_mem>>)
      tpu.wait_dma2 semaphore(%run_scoped3A : memref<!tpu.dma_semaphore, #tpu.memory_space<semaphore_mem>>) src(%arg5 : memref<128x128xf32, #tpu.memory_space<hbm>>) dst(%arg9 : memref<128x128xf32, #tpu.memory_space<vmem>>)
      tpu.yield
    }) : () -> ()
    %scan3A = arith.constant 0 : i32
    %scan3A_1 = arith.constant 0 : i32
    %scan3A_2 = arith.constant 5 : i32
    %scan3A_3 = arith.addi %scan3A_1, %scan3A_2 : i32
    %scan3A_4 = arith.constant 1 : i32
    scf.for %scan3A_19 = %scan3A_1 to %scan3A_3 step %scan3A_4  : i32 {
      %mul3A_20 = arith.constant 5 : i32
      %mul3A_21 = arith.muli %arg1, %mul3A_20 : i32
      %add3A_22 = arith.addi %mul3A_21, %scan3A_19 : i32
      %mul3A_23 = arith.constant 128 : i32
      %mul3A_24 = arith.muli %add3A_22, %mul3A_23 : i32
      "tpu.region"() ({
        %run_scoped3A = tpu.sem_alloc : memref<!tpu.dma_semaphore, #tpu.memory_space<semaphore_mem>>
        %dma_start3A = arith.constant 0 : i32
        %dma_start3A_25 = tpu.memref_slice %arg10[%mul3A_24, %dma_start3A] : memref<10240x128xf32, #tpu.memory_space<vmem_shared>> -> memref<128x128xf32, #tpu.memory_space<vmem_shared>>
        %dma_start3A_26 = arith.constant 0 : i32
        %dma_start3A_27 = tpu.memref_slice %arg10[%mul3A_24, %dma_start3A_26] : memref<10240x128xf32, #tpu.memory_space<vmem_shared>> -> memref<128x128xf32, #tpu.memory_space<vmem_shared>>
        tpu.enqueue_dma source(%arg9 : memref<128x128xf32, #tpu.memory_space<vmem>>) target(%dma_start3A_27 : memref<128x128xf32, #tpu.memory_space<vmem_shared>>) target_semaphore(%run_scoped3A : memref<!tpu.dma_semaphore, #tpu.memory_space<semaphore_mem>>)
        %dma_wait3A = arith.constant 0 : i32
        %dma_wait3A_28 = tpu.memref_slice %arg10[%mul3A_24, %dma_wait3A] : memref<10240x128xf32, #tpu.memory_space<vmem_shared>> -> memref<128x128xf32, #tpu.memory_space<vmem_shared>>
        %dma_wait3A_29 = arith.constant 0 : i32
        %dma_wait3A_30 = tpu.memref_slice %arg10[%mul3A_24, %dma_wait3A_29] : memref<10240x128xf32, #tpu.memory_space<vmem_shared>> -> memref<128x128xf32, #tpu.memory_space<vmem_shared>>
        tpu.wait_dma2 semaphore(%run_scoped3A : memref<!tpu.dma_semaphore, #tpu.memory_space<semaphore_mem>>) src(%arg9 : memref<128x128xf32, #tpu.memory_space<vmem>>) dst(%dma_wait3A_30 : memref<128x128xf32, #tpu.memory_space<vmem_shared>>)
        tpu.yield
      }) : () -> ()
    }
    %scan3A_5 = arith.constant 5 : i32
    %barrier3A = arith.constant 0 : index
    tpu.barrier barrier_id(%barrier3A)
    %scan3A_6 = arith.constant 0 : i32
    %scan3A_7 = arith.constant 0 : i32
    %scan3A_8 = arith.constant 80 : i32
    %scan3A_9 = arith.addi %scan3A_7, %scan3A_8 : i32
    %scan3A_10 = arith.constant 1 : i32
    scf.for %scan3A_19 = %scan3A_7 to %scan3A_9 step %scan3A_10  : i32 {
      %mul3A_20 = arith.constant 10240 : i32
      %mul3A_21 = arith.muli %add3A, %mul3A_20 : i32
      %mul3A_22 = arith.constant 128 : i32
      %mul3A_23 = arith.muli %scan3A_19, %mul3A_22 : i32
      %add3A_24 = arith.addi %mul3A_21, %mul3A_23 : i32
      "tpu.region"() ({
        %run_scoped3A = tpu.sem_alloc : memref<!tpu.dma_semaphore, #tpu.memory_space<semaphore_mem>>
        %dma_start3A_29 = tpu.memref_slice %arg2[%add3A_24] : memref<327680xi32, #tpu.memory_space<hbm>> -> memref<128xi32, #tpu.memory_space<hbm>>
        %dma_start3A_30 = tpu.memref_slice %arg2[%add3A_24] : memref<327680xi32, #tpu.memory_space<hbm>> -> memref<128xi32, #tpu.memory_space<hbm>>
        tpu.enqueue_dma source(%dma_start3A_30 : memref<128xi32, #tpu.memory_space<hbm>>) target(%arg7 : memref<128xi32, #tpu.memory_space<vmem>>) target_semaphore(%run_scoped3A : memref<!tpu.dma_semaphore, #tpu.memory_space<semaphore_mem>>)
        %dma_wait3A_31 = tpu.memref_slice %arg2[%add3A_24] : memref<327680xi32, #tpu.memory_space<hbm>> -> memref<128xi32, #tpu.memory_space<hbm>>
        %dma_wait3A_32 = tpu.memref_slice %arg2[%add3A_24] : memref<327680xi32, #tpu.memory_space<hbm>> -> memref<128xi32, #tpu.memory_space<hbm>>
        tpu.wait_dma2 semaphore(%run_scoped3A : memref<!tpu.dma_semaphore, #tpu.memory_space<semaphore_mem>>) src(%dma_wait3A_32 : memref<128xi32, #tpu.memory_space<hbm>>) dst(%arg7 : memref<128xi32, #tpu.memory_space<vmem>>)
        tpu.yield
      }) : () -> ()
      "tpu.region"() ({
        %run_scoped3A = tpu.sem_alloc : memref<!tpu.dma_semaphore, #tpu.memory_space<semaphore_mem>>
        %dma_start3A_29 = tpu.memref_slice %arg3[%add3A_24] : memref<327680xi32, #tpu.memory_space<hbm>> -> memref<128xi32, #tpu.memory_space<hbm>>
        %dma_start3A_30 = tpu.memref_slice %arg3[%add3A_24] : memref<327680xi32, #tpu.memory_space<hbm>> -> memref<128xi32, #tpu.memory_space<hbm>>
        tpu.enqueue_dma source(%dma_start3A_30 : memref<128xi32, #tpu.memory_space<hbm>>) target(%arg8 : memref<128xi32, #tpu.memory_space<vmem>>) target_semaphore(%run_scoped3A : memref<!tpu.dma_semaphore, #tpu.memory_space<semaphore_mem>>)
        %dma_wait3A_31 = tpu.memref_slice %arg3[%add3A_24] : memref<327680xi32, #tpu.memory_space<hbm>> -> memref<128xi32, #tpu.memory_space<hbm>>
        %dma_wait3A_32 = tpu.memref_slice %arg3[%add3A_24] : memref<327680xi32, #tpu.memory_space<hbm>> -> memref<128xi32, #tpu.memory_space<hbm>>
        tpu.wait_dma2 semaphore(%run_scoped3A : memref<!tpu.dma_semaphore, #tpu.memory_space<semaphore_mem>>) src(%dma_wait3A_32 : memref<128xi32, #tpu.memory_space<hbm>>) dst(%arg8 : memref<128xi32, #tpu.memory_space<vmem>>)
        tpu.yield
      }) : () -> ()
      %dma_start3A = arith.constant 0 : i32
      %dma_start3A_25 = arith.constant 0 : i32
      %dma_start3A_26 = tpu.memref_slice %arg4[%dma_start3A, %dma_start3A_25] : memref<10240x128xf32, #tpu.memory_space<hbm>> -> memref<10240x128xf32, #tpu.memory_space<hbm>>
      tpu.enqueue_indirect_dma source(%dma_start3A_26 : memref<10240x128xf32, #tpu.memory_space<hbm>>) target(%arg9 : memref<128x128xf32, #tpu.memory_space<vmem>>) offsets(%arg7 : memref<128xi32, #tpu.memory_space<vmem>>) semaphore(%arg11 : memref<!tpu.dma_semaphore, #tpu.memory_space<semaphore_mem>>)
      %dma_wait3A = arith.constant 0 : i32
      %dma_wait3A_27 = arith.constant 0 : i32
      %dma_wait3A_28 = tpu.memref_slice %arg4[%dma_wait3A, %dma_wait3A_27] : memref<10240x128xf32, #tpu.memory_space<hbm>> -> memref<10240x128xf32, #tpu.memory_space<hbm>>
      tpu.wait_indirect_dma semaphore(%arg11 : memref<!tpu.dma_semaphore, #tpu.memory_space<semaphore_mem>>) src(%dma_wait3A_28 : memref<10240x128xf32, #tpu.memory_space<hbm>>) dst(%arg9 : memref<128x128xf32, #tpu.memory_space<vmem>>)
      "tpu.region"() ({
        %run_scoped3A = tpu.sem_alloc : memref<!tpu.dma_semaphore, #tpu.memory_space<semaphore_mem>>
        %dma_start3A_29 = arith.constant 0 : i32
        %dma_start3A_30 = arith.constant 0 : i32
        %dma_start3A_31 = tpu.memref_slice %arg10[%dma_start3A_29, %dma_start3A_30] : memref<10240x128xf32, #tpu.memory_space<vmem_shared>> -> memref<10240x128xf32, #tpu.memory_space<vmem_shared>>
        tpu.enqueue_indirect_dma source(%arg9 : memref<128x128xf32, #tpu.memory_space<vmem>>) target(%dma_start3A_31 : memref<10240x128xf32, #tpu.memory_space<vmem_shared>>) offsets(%arg8 : memref<128xi32, #tpu.memory_space<vmem>>) semaphore(%run_scoped3A : memref<!tpu.dma_semaphore, #tpu.memory_space<semaphore_mem>>) {add = true}
        %dma_wait3A_32 = arith.constant 0 : i32
        %dma_wait3A_33 = arith.constant 0 : i32
        %dma_wait3A_34 = tpu.memref_slice %arg10[%dma_wait3A_32, %dma_wait3A_33] : memref<10240x128xf32, #tpu.memory_space<vmem_shared>> -> memref<10240x128xf32, #tpu.memory_space<vmem_shared>>
        tpu.wait_indirect_dma semaphore(%run_scoped3A : memref<!tpu.dma_semaphore, #tpu.memory_space<semaphore_mem>>) src(%arg9 : memref<128x128xf32, #tpu.memory_space<vmem>>) dst(%dma_wait3A_34 : memref<10240x128xf32, #tpu.memory_space<vmem_shared>>)
        tpu.yield
      }) : () -> ()
    }
    %scan3A_11 = arith.constant 80 : i32
    %barrier3A_12 = arith.constant 0 : index
    tpu.barrier barrier_id(%barrier3A_12)
    %scan3A_13 = arith.constant 0 : i32
    %scan3A_14 = arith.constant 0 : i32
    %scan3A_15 = arith.constant 5 : i32
    %scan3A_16 = arith.addi %scan3A_14, %scan3A_15 : i32
    %scan3A_17 = arith.constant 1 : i32
    scf.for %scan3A_19 = %scan3A_14 to %scan3A_16 step %scan3A_17  : i32 {
      %mul3A_20 = arith.constant 5 : i32
      %mul3A_21 = arith.muli %arg1, %mul3A_20 : i32
      %add3A_22 = arith.addi %mul3A_21, %scan3A_19 : i32
      %mul3A_23 = arith.constant 128 : i32
      %mul3A_24 = arith.muli %add3A_22, %mul3A_23 : i32
      "tpu.region"() ({
        %run_scoped3A = tpu.sem_alloc : memref<!tpu.dma_semaphore, #tpu.memory_space<semaphore_mem>>
        %dma_start3A = arith.constant 0 : i32
        %dma_start3A_25 = tpu.memref_slice %arg10[%mul3A_24, %dma_start3A] : memref<10240x128xf32, #tpu.memory_space<vmem_shared>> -> memref<128x128xf32, #tpu.memory_space<vmem_shared>>
        %dma_start3A_26 = arith.constant 0 : i32
        %dma_start3A_27 = tpu.memref_slice %arg10[%mul3A_24, %dma_start3A_26] : memref<10240x128xf32, #tpu.memory_space<vmem_shared>> -> memref<128x128xf32, #tpu.memory_space<vmem_shared>>
        tpu.enqueue_dma source(%dma_start3A_27 : memref<128x128xf32, #tpu.memory_space<vmem_shared>>) target(%arg9 : memref<128x128xf32, #tpu.memory_space<vmem>>) target_semaphore(%run_scoped3A : memref<!tpu.dma_semaphore, #tpu.memory_space<semaphore_mem>>)
        %dma_wait3A = arith.constant 0 : i32
        %dma_wait3A_28 = tpu.memref_slice %arg10[%mul3A_24, %dma_wait3A] : memref<10240x128xf32, #tpu.memory_space<vmem_shared>> -> memref<128x128xf32, #tpu.memory_space<vmem_shared>>
        %dma_wait3A_29 = arith.constant 0 : i32
        %dma_wait3A_30 = tpu.memref_slice %arg10[%mul3A_24, %dma_wait3A_29] : memref<10240x128xf32, #tpu.memory_space<vmem_shared>> -> memref<128x128xf32, #tpu.memory_space<vmem_shared>>
        tpu.wait_dma2 semaphore(%run_scoped3A : memref<!tpu.dma_semaphore, #tpu.memory_space<semaphore_mem>>) src(%dma_wait3A_30 : memref<128x128xf32, #tpu.memory_space<vmem_shared>>) dst(%arg9 : memref<128x128xf32, #tpu.memory_space<vmem>>)
        tpu.yield
      }) : () -> ()
      "tpu.region"() ({
        %run_scoped3A = tpu.sem_alloc : memref<!tpu.dma_semaphore, #tpu.memory_space<semaphore_mem>>
        %dma_start3A = arith.constant 0 : i32
        %dma_start3A_25 = arith.constant 0 : i32
        %dma_start3A_26 = tpu.memref_slice %arg6[%arg0, %dma_start3A, %dma_start3A_25] : memref<2x10240x128xf32, #tpu.memory_space<hbm>> -> memref<1x10240x128xf32, #tpu.memory_space<hbm>>
        %dma_start3A_27 = tpu.memref_squeeze %dma_start3A_26 : memref<1x10240x128xf32, #tpu.memory_space<hbm>> -> memref<10240x128xf32, #tpu.memory_space<hbm>>
        %dma_start3A_28 = arith.constant 0 : i32
        %dma_start3A_29 = tpu.memref_slice %dma_start3A_27[%mul3A_24, %dma_start3A_28] : memref<10240x128xf32, #tpu.memory_space<hbm>> -> memref<128x128xf32, #tpu.memory_space<hbm>>
        %dma_start3A_30 = arith.constant 0 : i32
        %dma_start3A_31 = arith.constant 0 : i32
        %dma_start3A_32 = tpu.memref_slice %arg6[%arg0, %dma_start3A_30, %dma_start3A_31] : memref<2x10240x128xf32, #tpu.memory_space<hbm>> -> memref<1x10240x128xf32, #tpu.memory_space<hbm>>
        %dma_start3A_33 = tpu.memref_squeeze %dma_start3A_32 : memref<1x10240x128xf32, #tpu.memory_space<hbm>> -> memref<10240x128xf32, #tpu.memory_space<hbm>>
        %dma_start3A_34 = arith.constant 0 : i32
        %dma_start3A_35 = tpu.memref_slice %dma_start3A_33[%mul3A_24, %dma_start3A_34] : memref<10240x128xf32, #tpu.memory_space<hbm>> -> memref<128x128xf32, #tpu.memory_space<hbm>>
        tpu.enqueue_dma source(%arg9 : memref<128x128xf32, #tpu.memory_space<vmem>>) target(%dma_start3A_35 : memref<128x128xf32, #tpu.memory_space<hbm>>) target_semaphore(%run_scoped3A : memref<!tpu.dma_semaphore, #tpu.memory_space<semaphore_mem>>)
        %dma_wait3A = arith.constant 0 : i32
        %dma_wait3A_36 = arith.constant 0 : i32
        %dma_wait3A_37 = tpu.memref_slice %arg6[%arg0, %dma_wait3A, %dma_wait3A_36] : memref<2x10240x128xf32, #tpu.memory_space<hbm>> -> memref<1x10240x128xf32, #tpu.memory_space<hbm>>
        %dma_wait3A_38 = tpu.memref_squeeze %dma_wait3A_37 : memref<1x10240x128xf32, #tpu.memory_space<hbm>> -> memref<10240x128xf32, #tpu.memory_space<hbm>>
        %dma_wait3A_39 = arith.constant 0 : i32
        %dma_wait3A_40 = tpu.memref_slice %dma_wait3A_38[%mul3A_24, %dma_wait3A_39] : memref<10240x128xf32, #tpu.memory_space<hbm>> -> memref<128x128xf32, #tpu.memory_space<hbm>>
        %dma_wait3A_41 = arith.constant 0 : i32
        %dma_wait3A_42 = arith.constant 0 : i32
        %dma_wait3A_43 = tpu.memref_slice %arg6[%arg0, %dma_wait3A_41, %dma_wait3A_42] : memref<2x10240x128xf32, #tpu.memory_space<hbm>> -> memref<1x10240x128xf32, #tpu.memory_space<hbm>>
        %dma_wait3A_44 = tpu.memref_squeeze %dma_wait3A_43 : memref<1x10240x128xf32, #tpu.memory_space<hbm>> -> memref<10240x128xf32, #tpu.memory_space<hbm>>
        %dma_wait3A_45 = arith.constant 0 : i32
        %dma_wait3A_46 = tpu.memref_slice %dma_wait3A_44[%mul3A_24, %dma_wait3A_45] : memref<10240x128xf32, #tpu.memory_space<hbm>> -> memref<128x128xf32, #tpu.memory_space<hbm>>
        tpu.wait_dma2 semaphore(%run_scoped3A : memref<!tpu.dma_semaphore, #tpu.memory_space<semaphore_mem>>) src(%arg9 : memref<128x128xf32, #tpu.memory_space<vmem>>) dst(%dma_wait3A_46 : memref<128x128xf32, #tpu.memory_space<hbm>>)
        tpu.yield
      }) : () -> ()
    }
    %scan3A_18 = arith.constant 5 : i32
    return
  }
}

#map = affine_map<(d0, d1) -> (0)>
#map1 = affine_map<(d0, d1) -> (0, 0)>
#map2 = affine_map<(d0, d1) -> (0, 0, 0)>
module attributes {stable_mosaic.version = 14 : i64} {
  func.func @_sc_segsum_body(%arg0: i32, %arg1: i32, %arg2: memref<327680xi32, #tpu.memory_space<hbm>>, %arg3: memref<327680xi32, #tpu.memory_space<hbm>>, %arg4: memref<10240x128xf32, #tpu.memory_space<hbm>>, %arg5: memref<128x128xf32, #tpu.memory_space<hbm>>, %arg6: memref<2x10240x128xf32, #tpu.memory_space<hbm>>, %arg7: memref<128xi32, #tpu.memory_space<vmem>>, %arg8: memref<128xi32, #tpu.memory_space<vmem>>, %arg9: memref<128x128xf32, #tpu.memory_space<vmem>>, %arg10: memref<10240x128xf32, #tpu.memory_space<vmem_shared>>, %arg11: memref<!tpu.dma_semaphore, #tpu.memory_space<semaphore_mem>>) attributes {dimension_semantics = [#tpu.dimension_semantics<core_parallel>, #tpu.dimension_semantics<subcore_parallel>], iteration_bounds = array<i64: 2, 16>, scalar_prefetch = 0 : i64, scratch_operands = 5 : i64, tpu.core_type = #tpu.core_type<sc_vector_subcore>, window_params = [{transform_indices = #map}, {transform_indices = #map}, {transform_indices = #map1}, {transform_indices = #map1}, {transform_indices = #map2}]} {
    %mul3A = arith.constant 16 : i32
    %mul3A_0 = arith.muli %arg0, %mul3A : i32
    %add3A = arith.addi %mul3A_0, %arg1 : i32
    "tpu.region"() ({
      %run_scoped3A = tpu.sem_alloc : memref<!tpu.dma_semaphore, #tpu.memory_space<semaphore_mem>>
      tpu.enqueue_dma source(%arg5 : memref<128x128xf32, #tpu.memory_space<hbm>>) target(%arg9 : memref<128x128xf32, #tpu.memory_space<vmem>>) target_semaphore(%run_scoped3A : memref<!tpu.dma_semaphore, #tpu.memory_space<semaphore_mem>>)
      tpu.wait_dma2 semaphore(%run_scoped3A : memref<!tpu.dma_semaphore, #tpu.memory_space<semaphore_mem>>) src(%arg5 : memref<128x128xf32, #tpu.memory_space<hbm>>) dst(%arg9 : memref<128x128xf32, #tpu.memory_space<vmem>>)
      tpu.yield
    }) : () -> ()
    %scan3A = arith.constant 0 : i32
    %scan3A_1 = arith.constant 0 : i32
    %scan3A_2 = arith.constant 5 : i32
    %scan3A_3 = arith.addi %scan3A_1, %scan3A_2 : i32
    %scan3A_4 = arith.constant 1 : i32
    scf.for %scan3A_19 = %scan3A_1 to %scan3A_3 step %scan3A_4  : i32 {
      %mul3A_20 = arith.constant 5 : i32
      %mul3A_21 = arith.muli %arg1, %mul3A_20 : i32
      %add3A_22 = arith.addi %mul3A_21, %scan3A_19 : i32
      %mul3A_23 = arith.constant 128 : i32
      %mul3A_24 = arith.muli %add3A_22, %mul3A_23 : i32
      "tpu.region"() ({
        %run_scoped3A = tpu.sem_alloc : memref<!tpu.dma_semaphore, #tpu.memory_space<semaphore_mem>>
        %dma_start3A = arith.constant 0 : i32
        %dma_start3A_25 = tpu.memref_slice %arg10[%mul3A_24, %dma_start3A] : memref<10240x128xf32, #tpu.memory_space<vmem_shared>> -> memref<128x128xf32, #tpu.memory_space<vmem_shared>>
        %dma_start3A_26 = arith.constant 0 : i32
        %dma_start3A_27 = tpu.memref_slice %arg10[%mul3A_24, %dma_start3A_26] : memref<10240x128xf32, #tpu.memory_space<vmem_shared>> -> memref<128x128xf32, #tpu.memory_space<vmem_shared>>
        tpu.enqueue_dma source(%arg9 : memref<128x128xf32, #tpu.memory_space<vmem>>) target(%dma_start3A_27 : memref<128x128xf32, #tpu.memory_space<vmem_shared>>) target_semaphore(%run_scoped3A : memref<!tpu.dma_semaphore, #tpu.memory_space<semaphore_mem>>)
        %dma_wait3A = arith.constant 0 : i32
        %dma_wait3A_28 = tpu.memref_slice %arg10[%mul3A_24, %dma_wait3A] : memref<10240x128xf32, #tpu.memory_space<vmem_shared>> -> memref<128x128xf32, #tpu.memory_space<vmem_shared>>
        %dma_wait3A_29 = arith.constant 0 : i32
        %dma_wait3A_30 = tpu.memref_slice %arg10[%mul3A_24, %dma_wait3A_29] : memref<10240x128xf32, #tpu.memory_space<vmem_shared>> -> memref<128x128xf32, #tpu.memory_space<vmem_shared>>
        tpu.wait_dma2 semaphore(%run_scoped3A : memref<!tpu.dma_semaphore, #tpu.memory_space<semaphore_mem>>) src(%arg9 : memref<128x128xf32, #tpu.memory_space<vmem>>) dst(%dma_wait3A_30 : memref<128x128xf32, #tpu.memory_space<vmem_shared>>)
        tpu.yield
      }) : () -> ()
    }
    %scan3A_5 = arith.constant 5 : i32
    %barrier3A = arith.constant 0 : index
    tpu.barrier barrier_id(%barrier3A)
    %scan3A_6 = arith.constant 0 : i32
    %scan3A_7 = arith.constant 0 : i32
    %scan3A_8 = arith.constant 80 : i32
    %scan3A_9 = arith.addi %scan3A_7, %scan3A_8 : i32
    %scan3A_10 = arith.constant 1 : i32
    scf.for %scan3A_19 = %scan3A_7 to %scan3A_9 step %scan3A_10  : i32 {
      %mul3A_20 = arith.constant 10240 : i32
      %mul3A_21 = arith.muli %add3A, %mul3A_20 : i32
      %mul3A_22 = arith.constant 128 : i32
      %mul3A_23 = arith.muli %scan3A_19, %mul3A_22 : i32
      %add3A_24 = arith.addi %mul3A_21, %mul3A_23 : i32
      "tpu.region"() ({
        %run_scoped3A = tpu.sem_alloc : memref<!tpu.dma_semaphore, #tpu.memory_space<semaphore_mem>>
        %dma_start3A_29 = tpu.memref_slice %arg2[%add3A_24] : memref<327680xi32, #tpu.memory_space<hbm>> -> memref<128xi32, #tpu.memory_space<hbm>>
        %dma_start3A_30 = tpu.memref_slice %arg2[%add3A_24] : memref<327680xi32, #tpu.memory_space<hbm>> -> memref<128xi32, #tpu.memory_space<hbm>>
        tpu.enqueue_dma source(%dma_start3A_30 : memref<128xi32, #tpu.memory_space<hbm>>) target(%arg7 : memref<128xi32, #tpu.memory_space<vmem>>) target_semaphore(%run_scoped3A : memref<!tpu.dma_semaphore, #tpu.memory_space<semaphore_mem>>)
        %dma_wait3A_31 = tpu.memref_slice %arg2[%add3A_24] : memref<327680xi32, #tpu.memory_space<hbm>> -> memref<128xi32, #tpu.memory_space<hbm>>
        %dma_wait3A_32 = tpu.memref_slice %arg2[%add3A_24] : memref<327680xi32, #tpu.memory_space<hbm>> -> memref<128xi32, #tpu.memory_space<hbm>>
        tpu.wait_dma2 semaphore(%run_scoped3A : memref<!tpu.dma_semaphore, #tpu.memory_space<semaphore_mem>>) src(%dma_wait3A_32 : memref<128xi32, #tpu.memory_space<hbm>>) dst(%arg7 : memref<128xi32, #tpu.memory_space<vmem>>)
        tpu.yield
      }) : () -> ()
      "tpu.region"() ({
        %run_scoped3A = tpu.sem_alloc : memref<!tpu.dma_semaphore, #tpu.memory_space<semaphore_mem>>
        %dma_start3A_29 = tpu.memref_slice %arg3[%add3A_24] : memref<327680xi32, #tpu.memory_space<hbm>> -> memref<128xi32, #tpu.memory_space<hbm>>
        %dma_start3A_30 = tpu.memref_slice %arg3[%add3A_24] : memref<327680xi32, #tpu.memory_space<hbm>> -> memref<128xi32, #tpu.memory_space<hbm>>
        tpu.enqueue_dma source(%dma_start3A_30 : memref<128xi32, #tpu.memory_space<hbm>>) target(%arg8 : memref<128xi32, #tpu.memory_space<vmem>>) target_semaphore(%run_scoped3A : memref<!tpu.dma_semaphore, #tpu.memory_space<semaphore_mem>>)
        %dma_wait3A_31 = tpu.memref_slice %arg3[%add3A_24] : memref<327680xi32, #tpu.memory_space<hbm>> -> memref<128xi32, #tpu.memory_space<hbm>>
        %dma_wait3A_32 = tpu.memref_slice %arg3[%add3A_24] : memref<327680xi32, #tpu.memory_space<hbm>> -> memref<128xi32, #tpu.memory_space<hbm>>
        tpu.wait_dma2 semaphore(%run_scoped3A : memref<!tpu.dma_semaphore, #tpu.memory_space<semaphore_mem>>) src(%dma_wait3A_32 : memref<128xi32, #tpu.memory_space<hbm>>) dst(%arg8 : memref<128xi32, #tpu.memory_space<vmem>>)
        tpu.yield
      }) : () -> ()
      %dma_start3A = arith.constant 0 : i32
      %dma_start3A_25 = arith.constant 0 : i32
      %dma_start3A_26 = tpu.memref_slice %arg4[%dma_start3A, %dma_start3A_25] : memref<10240x128xf32, #tpu.memory_space<hbm>> -> memref<10240x128xf32, #tpu.memory_space<hbm>>
      tpu.enqueue_indirect_dma source(%dma_start3A_26 : memref<10240x128xf32, #tpu.memory_space<hbm>>) target(%arg9 : memref<128x128xf32, #tpu.memory_space<vmem>>) offsets(%arg7 : memref<128xi32, #tpu.memory_space<vmem>>) semaphore(%arg11 : memref<!tpu.dma_semaphore, #tpu.memory_space<semaphore_mem>>)
      %dma_wait3A = arith.constant 0 : i32
      %dma_wait3A_27 = arith.constant 0 : i32
      %dma_wait3A_28 = tpu.memref_slice %arg4[%dma_wait3A, %dma_wait3A_27] : memref<10240x128xf32, #tpu.memory_space<hbm>> -> memref<10240x128xf32, #tpu.memory_space<hbm>>
      tpu.wait_indirect_dma semaphore(%arg11 : memref<!tpu.dma_semaphore, #tpu.memory_space<semaphore_mem>>) src(%dma_wait3A_28 : memref<10240x128xf32, #tpu.memory_space<hbm>>) dst(%arg9 : memref<128x128xf32, #tpu.memory_space<vmem>>)
      "tpu.region"() ({
        %run_scoped3A = tpu.sem_alloc : memref<!tpu.dma_semaphore, #tpu.memory_space<semaphore_mem>>
        %dma_start3A_29 = arith.constant 0 : i32
        %dma_start3A_30 = arith.constant 0 : i32
        %dma_start3A_31 = tpu.memref_slice %arg10[%dma_start3A_29, %dma_start3A_30] : memref<10240x128xf32, #tpu.memory_space<vmem_shared>> -> memref<10240x128xf32, #tpu.memory_space<vmem_shared>>
        tpu.enqueue_indirect_dma source(%arg9 : memref<128x128xf32, #tpu.memory_space<vmem>>) target(%dma_start3A_31 : memref<10240x128xf32, #tpu.memory_space<vmem_shared>>) offsets(%arg8 : memref<128xi32, #tpu.memory_space<vmem>>) semaphore(%run_scoped3A : memref<!tpu.dma_semaphore, #tpu.memory_space<semaphore_mem>>) {add = true}
        %dma_wait3A_32 = arith.constant 0 : i32
        %dma_wait3A_33 = arith.constant 0 : i32
        %dma_wait3A_34 = tpu.memref_slice %arg10[%dma_wait3A_32, %dma_wait3A_33] : memref<10240x128xf32, #tpu.memory_space<vmem_shared>> -> memref<10240x128xf32, #tpu.memory_space<vmem_shared>>
        tpu.wait_indirect_dma semaphore(%run_scoped3A : memref<!tpu.dma_semaphore, #tpu.memory_space<semaphore_mem>>) src(%arg9 : memref<128x128xf32, #tpu.memory_space<vmem>>) dst(%dma_wait3A_34 : memref<10240x128xf32, #tpu.memory_space<vmem_shared>>)
        tpu.yield
      }) : () -> ()
    }
    %scan3A_11 = arith.constant 80 : i32
    %barrier3A_12 = arith.constant 0 : index
    tpu.barrier barrier_id(%barrier3A_12)
    %scan3A_13 = arith.constant 0 : i32
    %scan3A_14 = arith.constant 0 : i32
    %scan3A_15 = arith.constant 5 : i32
    %scan3A_16 = arith.addi %scan3A_14, %scan3A_15 : i32
    %scan3A_17 = arith.constant 1 : i32
    scf.for %scan3A_19 = %scan3A_14 to %scan3A_16 step %scan3A_17  : i32 {
      %mul3A_20 = arith.constant 5 : i32
      %mul3A_21 = arith.muli %arg1, %mul3A_20 : i32
      %add3A_22 = arith.addi %mul3A_21, %scan3A_19 : i32
      %mul3A_23 = arith.constant 128 : i32
      %mul3A_24 = arith.muli %add3A_22, %mul3A_23 : i32
      "tpu.region"() ({
        %run_scoped3A = tpu.sem_alloc : memref<!tpu.dma_semaphore, #tpu.memory_space<semaphore_mem>>
        %dma_start3A = arith.constant 0 : i32
        %dma_start3A_25 = tpu.memref_slice %arg10[%mul3A_24, %dma_start3A] : memref<10240x128xf32, #tpu.memory_space<vmem_shared>> -> memref<128x128xf32, #tpu.memory_space<vmem_shared>>
        %dma_start3A_26 = arith.constant 0 : i32
        %dma_start3A_27 = tpu.memref_slice %arg10[%mul3A_24, %dma_start3A_26] : memref<10240x128xf32, #tpu.memory_space<vmem_shared>> -> memref<128x128xf32, #tpu.memory_space<vmem_shared>>
        tpu.enqueue_dma source(%dma_start3A_27 : memref<128x128xf32, #tpu.memory_space<vmem_shared>>) target(%arg9 : memref<128x128xf32, #tpu.memory_space<vmem>>) target_semaphore(%run_scoped3A : memref<!tpu.dma_semaphore, #tpu.memory_space<semaphore_mem>>)
        %dma_wait3A = arith.constant 0 : i32
        %dma_wait3A_28 = tpu.memref_slice %arg10[%mul3A_24, %dma_wait3A] : memref<10240x128xf32, #tpu.memory_space<vmem_shared>> -> memref<128x128xf32, #tpu.memory_space<vmem_shared>>
        %dma_wait3A_29 = arith.constant 0 : i32
        %dma_wait3A_30 = tpu.memref_slice %arg10[%mul3A_24, %dma_wait3A_29] : memref<10240x128xf32, #tpu.memory_space<vmem_shared>> -> memref<128x128xf32, #tpu.memory_space<vmem_shared>>
        tpu.wait_dma2 semaphore(%run_scoped3A : memref<!tpu.dma_semaphore, #tpu.memory_space<semaphore_mem>>) src(%dma_wait3A_30 : memref<128x128xf32, #tpu.memory_space<vmem_shared>>) dst(%arg9 : memref<128x128xf32, #tpu.memory_space<vmem>>)
        tpu.yield
      }) : () -> ()
      "tpu.region"() ({
        %run_scoped3A = tpu.sem_alloc : memref<!tpu.dma_semaphore, #tpu.memory_space<semaphore_mem>>
        %dma_start3A = arith.constant 0 : i32
        %dma_start3A_25 = arith.constant 0 : i32
        %dma_start3A_26 = tpu.memref_slice %arg6[%arg0, %dma_start3A, %dma_start3A_25] : memref<2x10240x128xf32, #tpu.memory_space<hbm>> -> memref<1x10240x128xf32, #tpu.memory_space<hbm>>
        %dma_start3A_27 = tpu.memref_squeeze %dma_start3A_26 : memref<1x10240x128xf32, #tpu.memory_space<hbm>> -> memref<10240x128xf32, #tpu.memory_space<hbm>>
        %dma_start3A_28 = arith.constant 0 : i32
        %dma_start3A_29 = tpu.memref_slice %dma_start3A_27[%mul3A_24, %dma_start3A_28] : memref<10240x128xf32, #tpu.memory_space<hbm>> -> memref<128x128xf32, #tpu.memory_space<hbm>>
        %dma_start3A_30 = arith.constant 0 : i32
        %dma_start3A_31 = arith.constant 0 : i32
        %dma_start3A_32 = tpu.memref_slice %arg6[%arg0, %dma_start3A_30, %dma_start3A_31] : memref<2x10240x128xf32, #tpu.memory_space<hbm>> -> memref<1x10240x128xf32, #tpu.memory_space<hbm>>
        %dma_start3A_33 = tpu.memref_squeeze %dma_start3A_32 : memref<1x10240x128xf32, #tpu.memory_space<hbm>> -> memref<10240x128xf32, #tpu.memory_space<hbm>>
        %dma_start3A_34 = arith.constant 0 : i32
        %dma_start3A_35 = tpu.memref_slice %dma_start3A_33[%mul3A_24, %dma_start3A_34] : memref<10240x128xf32, #tpu.memory_space<hbm>> -> memref<128x128xf32, #tpu.memory_space<hbm>>
        tpu.enqueue_dma source(%arg9 : memref<128x128xf32, #tpu.memory_space<vmem>>) target(%dma_start3A_35 : memref<128x128xf32, #tpu.memory_space<hbm>>) target_semaphore(%run_scoped3A : memref<!tpu.dma_semaphore, #tpu.memory_space<semaphore_mem>>)
        %dma_wait3A = arith.constant 0 : i32
        %dma_wait3A_36 = arith.constant 0 : i32
        %dma_wait3A_37 = tpu.memref_slice %arg6[%arg0, %dma_wait3A, %dma_wait3A_36] : memref<2x10240x128xf32, #tpu.memory_space<hbm>> -> memref<1x10240x128xf32, #tpu.memory_space<hbm>>
        %dma_wait3A_38 = tpu.memref_squeeze %dma_wait3A_37 : memref<1x10240x128xf32, #tpu.memory_space<hbm>> -> memref<10240x128xf32, #tpu.memory_space<hbm>>
        %dma_wait3A_39 = arith.constant 0 : i32
        %dma_wait3A_40 = tpu.memref_slice %dma_wait3A_38[%mul3A_24, %dma_wait3A_39] : memref<10240x128xf32, #tpu.memory_space<hbm>> -> memref<128x128xf32, #tpu.memory_space<hbm>>
        %dma_wait3A_41 = arith.constant 0 : i32
        %dma_wait3A_42 = arith.constant 0 : i32
        %dma_wait3A_43 = tpu.memref_slice %arg6[%arg0, %dma_wait3A_41, %dma_wait3A_42] : memref<2x10240x128xf32, #tpu.memory_space<hbm>> -> memref<1x10240x128xf32, #tpu.memory_space<hbm>>
        %dma_wait3A_44 = tpu.memref_squeeze %dma_wait3A_43 : memref<1x10240x128xf32, #tpu.memory_space<hbm>> -> memref<10240x128xf32, #tpu.memory_space<hbm>>
        %dma_wait3A_45 = arith.constant 0 : i32
        %dma_wait3A_46 = tpu.memref_slice %dma_wait3A_44[%mul3A_24, %dma_wait3A_45] : memref<10240x128xf32, #tpu.memory_space<hbm>> -> memref<128x128xf32, #tpu.memory_space<hbm>>
        tpu.wait_dma2 semaphore(%run_scoped3A : memref<!tpu.dma_semaphore, #tpu.memory_space<semaphore_mem>>) src(%arg9 : memref<128x128xf32, #tpu.memory_space<vmem>>) dst(%dma_wait3A_46 : memref<128x128xf32, #tpu.memory_space<hbm>>)
        tpu.yield
      }) : () -> ()
    }
    %scan3A_18 = arith.constant 5 : i32
    return
  }
}

#map = affine_map<(d0, d1) -> (0)>
#map1 = affine_map<(d0, d1) -> (0, 0)>
#map2 = affine_map<(d0, d1) -> (0, 0, 0)>
module attributes {stable_mosaic.version = 14 : i64} {
  func.func @_sc_segsum_body(%arg0: i32, %arg1: i32, %arg2: memref<327680xi32, #tpu.memory_space<hbm>>, %arg3: memref<327680xi32, #tpu.memory_space<hbm>>, %arg4: memref<10240x128xf32, #tpu.memory_space<hbm>>, %arg5: memref<128x128xf32, #tpu.memory_space<hbm>>, %arg6: memref<2x10240x128xf32, #tpu.memory_space<hbm>>, %arg7: memref<128xi32, #tpu.memory_space<vmem>>, %arg8: memref<128xi32, #tpu.memory_space<vmem>>, %arg9: memref<128x128xf32, #tpu.memory_space<vmem>>, %arg10: memref<10240x128xf32, #tpu.memory_space<vmem_shared>>, %arg11: memref<!tpu.dma_semaphore, #tpu.memory_space<semaphore_mem>>) attributes {dimension_semantics = [#tpu.dimension_semantics<core_parallel>, #tpu.dimension_semantics<subcore_parallel>], iteration_bounds = array<i64: 2, 16>, scalar_prefetch = 0 : i64, scratch_operands = 5 : i64, tpu.core_type = #tpu.core_type<sc_vector_subcore>, window_params = [{transform_indices = #map}, {transform_indices = #map}, {transform_indices = #map1}, {transform_indices = #map1}, {transform_indices = #map2}]} {
    %mul3A = arith.constant 16 : i32
    %mul3A_0 = arith.muli %arg0, %mul3A : i32
    %add3A = arith.addi %mul3A_0, %arg1 : i32
    "tpu.region"() ({
      %run_scoped3A = tpu.sem_alloc : memref<!tpu.dma_semaphore, #tpu.memory_space<semaphore_mem>>
      tpu.enqueue_dma source(%arg5 : memref<128x128xf32, #tpu.memory_space<hbm>>) target(%arg9 : memref<128x128xf32, #tpu.memory_space<vmem>>) target_semaphore(%run_scoped3A : memref<!tpu.dma_semaphore, #tpu.memory_space<semaphore_mem>>)
      tpu.wait_dma2 semaphore(%run_scoped3A : memref<!tpu.dma_semaphore, #tpu.memory_space<semaphore_mem>>) src(%arg5 : memref<128x128xf32, #tpu.memory_space<hbm>>) dst(%arg9 : memref<128x128xf32, #tpu.memory_space<vmem>>)
      tpu.yield
    }) : () -> ()
    %scan3A = arith.constant 0 : i32
    %scan3A_1 = arith.constant 0 : i32
    %scan3A_2 = arith.constant 5 : i32
    %scan3A_3 = arith.addi %scan3A_1, %scan3A_2 : i32
    %scan3A_4 = arith.constant 1 : i32
    scf.for %scan3A_19 = %scan3A_1 to %scan3A_3 step %scan3A_4  : i32 {
      %mul3A_20 = arith.constant 5 : i32
      %mul3A_21 = arith.muli %arg1, %mul3A_20 : i32
      %add3A_22 = arith.addi %mul3A_21, %scan3A_19 : i32
      %mul3A_23 = arith.constant 128 : i32
      %mul3A_24 = arith.muli %add3A_22, %mul3A_23 : i32
      "tpu.region"() ({
        %run_scoped3A = tpu.sem_alloc : memref<!tpu.dma_semaphore, #tpu.memory_space<semaphore_mem>>
        %dma_start3A = arith.constant 0 : i32
        %dma_start3A_25 = tpu.memref_slice %arg10[%mul3A_24, %dma_start3A] : memref<10240x128xf32, #tpu.memory_space<vmem_shared>> -> memref<128x128xf32, #tpu.memory_space<vmem_shared>>
        %dma_start3A_26 = arith.constant 0 : i32
        %dma_start3A_27 = tpu.memref_slice %arg10[%mul3A_24, %dma_start3A_26] : memref<10240x128xf32, #tpu.memory_space<vmem_shared>> -> memref<128x128xf32, #tpu.memory_space<vmem_shared>>
        tpu.enqueue_dma source(%arg9 : memref<128x128xf32, #tpu.memory_space<vmem>>) target(%dma_start3A_27 : memref<128x128xf32, #tpu.memory_space<vmem_shared>>) target_semaphore(%run_scoped3A : memref<!tpu.dma_semaphore, #tpu.memory_space<semaphore_mem>>)
        %dma_wait3A = arith.constant 0 : i32
        %dma_wait3A_28 = tpu.memref_slice %arg10[%mul3A_24, %dma_wait3A] : memref<10240x128xf32, #tpu.memory_space<vmem_shared>> -> memref<128x128xf32, #tpu.memory_space<vmem_shared>>
        %dma_wait3A_29 = arith.constant 0 : i32
        %dma_wait3A_30 = tpu.memref_slice %arg10[%mul3A_24, %dma_wait3A_29] : memref<10240x128xf32, #tpu.memory_space<vmem_shared>> -> memref<128x128xf32, #tpu.memory_space<vmem_shared>>
        tpu.wait_dma2 semaphore(%run_scoped3A : memref<!tpu.dma_semaphore, #tpu.memory_space<semaphore_mem>>) src(%arg9 : memref<128x128xf32, #tpu.memory_space<vmem>>) dst(%dma_wait3A_30 : memref<128x128xf32, #tpu.memory_space<vmem_shared>>)
        tpu.yield
      }) : () -> ()
    }
    %scan3A_5 = arith.constant 5 : i32
    %barrier3A = arith.constant 0 : index
    tpu.barrier barrier_id(%barrier3A)
    %scan3A_6 = arith.constant 0 : i32
    %scan3A_7 = arith.constant 0 : i32
    %scan3A_8 = arith.constant 80 : i32
    %scan3A_9 = arith.addi %scan3A_7, %scan3A_8 : i32
    %scan3A_10 = arith.constant 1 : i32
    scf.for %scan3A_19 = %scan3A_7 to %scan3A_9 step %scan3A_10  : i32 {
      %mul3A_20 = arith.constant 10240 : i32
      %mul3A_21 = arith.muli %add3A, %mul3A_20 : i32
      %mul3A_22 = arith.constant 128 : i32
      %mul3A_23 = arith.muli %scan3A_19, %mul3A_22 : i32
      %add3A_24 = arith.addi %mul3A_21, %mul3A_23 : i32
      "tpu.region"() ({
        %run_scoped3A = tpu.sem_alloc : memref<!tpu.dma_semaphore, #tpu.memory_space<semaphore_mem>>
        %dma_start3A_29 = tpu.memref_slice %arg2[%add3A_24] : memref<327680xi32, #tpu.memory_space<hbm>> -> memref<128xi32, #tpu.memory_space<hbm>>
        %dma_start3A_30 = tpu.memref_slice %arg2[%add3A_24] : memref<327680xi32, #tpu.memory_space<hbm>> -> memref<128xi32, #tpu.memory_space<hbm>>
        tpu.enqueue_dma source(%dma_start3A_30 : memref<128xi32, #tpu.memory_space<hbm>>) target(%arg7 : memref<128xi32, #tpu.memory_space<vmem>>) target_semaphore(%run_scoped3A : memref<!tpu.dma_semaphore, #tpu.memory_space<semaphore_mem>>)
        %dma_wait3A_31 = tpu.memref_slice %arg2[%add3A_24] : memref<327680xi32, #tpu.memory_space<hbm>> -> memref<128xi32, #tpu.memory_space<hbm>>
        %dma_wait3A_32 = tpu.memref_slice %arg2[%add3A_24] : memref<327680xi32, #tpu.memory_space<hbm>> -> memref<128xi32, #tpu.memory_space<hbm>>
        tpu.wait_dma2 semaphore(%run_scoped3A : memref<!tpu.dma_semaphore, #tpu.memory_space<semaphore_mem>>) src(%dma_wait3A_32 : memref<128xi32, #tpu.memory_space<hbm>>) dst(%arg7 : memref<128xi32, #tpu.memory_space<vmem>>)
        tpu.yield
      }) : () -> ()
      "tpu.region"() ({
        %run_scoped3A = tpu.sem_alloc : memref<!tpu.dma_semaphore, #tpu.memory_space<semaphore_mem>>
        %dma_start3A_29 = tpu.memref_slice %arg3[%add3A_24] : memref<327680xi32, #tpu.memory_space<hbm>> -> memref<128xi32, #tpu.memory_space<hbm>>
        %dma_start3A_30 = tpu.memref_slice %arg3[%add3A_24] : memref<327680xi32, #tpu.memory_space<hbm>> -> memref<128xi32, #tpu.memory_space<hbm>>
        tpu.enqueue_dma source(%dma_start3A_30 : memref<128xi32, #tpu.memory_space<hbm>>) target(%arg8 : memref<128xi32, #tpu.memory_space<vmem>>) target_semaphore(%run_scoped3A : memref<!tpu.dma_semaphore, #tpu.memory_space<semaphore_mem>>)
        %dma_wait3A_31 = tpu.memref_slice %arg3[%add3A_24] : memref<327680xi32, #tpu.memory_space<hbm>> -> memref<128xi32, #tpu.memory_space<hbm>>
        %dma_wait3A_32 = tpu.memref_slice %arg3[%add3A_24] : memref<327680xi32, #tpu.memory_space<hbm>> -> memref<128xi32, #tpu.memory_space<hbm>>
        tpu.wait_dma2 semaphore(%run_scoped3A : memref<!tpu.dma_semaphore, #tpu.memory_space<semaphore_mem>>) src(%dma_wait3A_32 : memref<128xi32, #tpu.memory_space<hbm>>) dst(%arg8 : memref<128xi32, #tpu.memory_space<vmem>>)
        tpu.yield
      }) : () -> ()
      %dma_start3A = arith.constant 0 : i32
      %dma_start3A_25 = arith.constant 0 : i32
      %dma_start3A_26 = tpu.memref_slice %arg4[%dma_start3A, %dma_start3A_25] : memref<10240x128xf32, #tpu.memory_space<hbm>> -> memref<10240x128xf32, #tpu.memory_space<hbm>>
      tpu.enqueue_indirect_dma source(%dma_start3A_26 : memref<10240x128xf32, #tpu.memory_space<hbm>>) target(%arg9 : memref<128x128xf32, #tpu.memory_space<vmem>>) offsets(%arg7 : memref<128xi32, #tpu.memory_space<vmem>>) semaphore(%arg11 : memref<!tpu.dma_semaphore, #tpu.memory_space<semaphore_mem>>)
      %dma_wait3A = arith.constant 0 : i32
      %dma_wait3A_27 = arith.constant 0 : i32
      %dma_wait3A_28 = tpu.memref_slice %arg4[%dma_wait3A, %dma_wait3A_27] : memref<10240x128xf32, #tpu.memory_space<hbm>> -> memref<10240x128xf32, #tpu.memory_space<hbm>>
      tpu.wait_indirect_dma semaphore(%arg11 : memref<!tpu.dma_semaphore, #tpu.memory_space<semaphore_mem>>) src(%dma_wait3A_28 : memref<10240x128xf32, #tpu.memory_space<hbm>>) dst(%arg9 : memref<128x128xf32, #tpu.memory_space<vmem>>)
      "tpu.region"() ({
        %run_scoped3A = tpu.sem_alloc : memref<!tpu.dma_semaphore, #tpu.memory_space<semaphore_mem>>
        %dma_start3A_29 = arith.constant 0 : i32
        %dma_start3A_30 = arith.constant 0 : i32
        %dma_start3A_31 = tpu.memref_slice %arg10[%dma_start3A_29, %dma_start3A_30] : memref<10240x128xf32, #tpu.memory_space<vmem_shared>> -> memref<10240x128xf32, #tpu.memory_space<vmem_shared>>
        tpu.enqueue_indirect_dma source(%arg9 : memref<128x128xf32, #tpu.memory_space<vmem>>) target(%dma_start3A_31 : memref<10240x128xf32, #tpu.memory_space<vmem_shared>>) offsets(%arg8 : memref<128xi32, #tpu.memory_space<vmem>>) semaphore(%run_scoped3A : memref<!tpu.dma_semaphore, #tpu.memory_space<semaphore_mem>>) {add = true}
        %dma_wait3A_32 = arith.constant 0 : i32
        %dma_wait3A_33 = arith.constant 0 : i32
        %dma_wait3A_34 = tpu.memref_slice %arg10[%dma_wait3A_32, %dma_wait3A_33] : memref<10240x128xf32, #tpu.memory_space<vmem_shared>> -> memref<10240x128xf32, #tpu.memory_space<vmem_shared>>
        tpu.wait_indirect_dma semaphore(%run_scoped3A : memref<!tpu.dma_semaphore, #tpu.memory_space<semaphore_mem>>) src(%arg9 : memref<128x128xf32, #tpu.memory_space<vmem>>) dst(%dma_wait3A_34 : memref<10240x128xf32, #tpu.memory_space<vmem_shared>>)
        tpu.yield
      }) : () -> ()
    }
    %scan3A_11 = arith.constant 80 : i32
    %barrier3A_12 = arith.constant 0 : index
    tpu.barrier barrier_id(%barrier3A_12)
    %scan3A_13 = arith.constant 0 : i32
    %scan3A_14 = arith.constant 0 : i32
    %scan3A_15 = arith.constant 5 : i32
    %scan3A_16 = arith.addi %scan3A_14, %scan3A_15 : i32
    %scan3A_17 = arith.constant 1 : i32
    scf.for %scan3A_19 = %scan3A_14 to %scan3A_16 step %scan3A_17  : i32 {
      %mul3A_20 = arith.constant 5 : i32
      %mul3A_21 = arith.muli %arg1, %mul3A_20 : i32
      %add3A_22 = arith.addi %mul3A_21, %scan3A_19 : i32
      %mul3A_23 = arith.constant 128 : i32
      %mul3A_24 = arith.muli %add3A_22, %mul3A_23 : i32
      "tpu.region"() ({
        %run_scoped3A = tpu.sem_alloc : memref<!tpu.dma_semaphore, #tpu.memory_space<semaphore_mem>>
        %dma_start3A = arith.constant 0 : i32
        %dma_start3A_25 = tpu.memref_slice %arg10[%mul3A_24, %dma_start3A] : memref<10240x128xf32, #tpu.memory_space<vmem_shared>> -> memref<128x128xf32, #tpu.memory_space<vmem_shared>>
        %dma_start3A_26 = arith.constant 0 : i32
        %dma_start3A_27 = tpu.memref_slice %arg10[%mul3A_24, %dma_start3A_26] : memref<10240x128xf32, #tpu.memory_space<vmem_shared>> -> memref<128x128xf32, #tpu.memory_space<vmem_shared>>
        tpu.enqueue_dma source(%dma_start3A_27 : memref<128x128xf32, #tpu.memory_space<vmem_shared>>) target(%arg9 : memref<128x128xf32, #tpu.memory_space<vmem>>) target_semaphore(%run_scoped3A : memref<!tpu.dma_semaphore, #tpu.memory_space<semaphore_mem>>)
        %dma_wait3A = arith.constant 0 : i32
        %dma_wait3A_28 = tpu.memref_slice %arg10[%mul3A_24, %dma_wait3A] : memref<10240x128xf32, #tpu.memory_space<vmem_shared>> -> memref<128x128xf32, #tpu.memory_space<vmem_shared>>
        %dma_wait3A_29 = arith.constant 0 : i32
        %dma_wait3A_30 = tpu.memref_slice %arg10[%mul3A_24, %dma_wait3A_29] : memref<10240x128xf32, #tpu.memory_space<vmem_shared>> -> memref<128x128xf32, #tpu.memory_space<vmem_shared>>
        tpu.wait_dma2 semaphore(%run_scoped3A : memref<!tpu.dma_semaphore, #tpu.memory_space<semaphore_mem>>) src(%dma_wait3A_30 : memref<128x128xf32, #tpu.memory_space<vmem_shared>>) dst(%arg9 : memref<128x128xf32, #tpu.memory_space<vmem>>)
        tpu.yield
      }) : () -> ()
      "tpu.region"() ({
        %run_scoped3A = tpu.sem_alloc : memref<!tpu.dma_semaphore, #tpu.memory_space<semaphore_mem>>
        %dma_start3A = arith.constant 0 : i32
        %dma_start3A_25 = arith.constant 0 : i32
        %dma_start3A_26 = tpu.memref_slice %arg6[%arg0, %dma_start3A, %dma_start3A_25] : memref<2x10240x128xf32, #tpu.memory_space<hbm>> -> memref<1x10240x128xf32, #tpu.memory_space<hbm>>
        %dma_start3A_27 = tpu.memref_squeeze %dma_start3A_26 : memref<1x10240x128xf32, #tpu.memory_space<hbm>> -> memref<10240x128xf32, #tpu.memory_space<hbm>>
        %dma_start3A_28 = arith.constant 0 : i32
        %dma_start3A_29 = tpu.memref_slice %dma_start3A_27[%mul3A_24, %dma_start3A_28] : memref<10240x128xf32, #tpu.memory_space<hbm>> -> memref<128x128xf32, #tpu.memory_space<hbm>>
        %dma_start3A_30 = arith.constant 0 : i32
        %dma_start3A_31 = arith.constant 0 : i32
        %dma_start3A_32 = tpu.memref_slice %arg6[%arg0, %dma_start3A_30, %dma_start3A_31] : memref<2x10240x128xf32, #tpu.memory_space<hbm>> -> memref<1x10240x128xf32, #tpu.memory_space<hbm>>
        %dma_start3A_33 = tpu.memref_squeeze %dma_start3A_32 : memref<1x10240x128xf32, #tpu.memory_space<hbm>> -> memref<10240x128xf32, #tpu.memory_space<hbm>>
        %dma_start3A_34 = arith.constant 0 : i32
        %dma_start3A_35 = tpu.memref_slice %dma_start3A_33[%mul3A_24, %dma_start3A_34] : memref<10240x128xf32, #tpu.memory_space<hbm>> -> memref<128x128xf32, #tpu.memory_space<hbm>>
        tpu.enqueue_dma source(%arg9 : memref<128x128xf32, #tpu.memory_space<vmem>>) target(%dma_start3A_35 : memref<128x128xf32, #tpu.memory_space<hbm>>) target_semaphore(%run_scoped3A : memref<!tpu.dma_semaphore, #tpu.memory_space<semaphore_mem>>)
        %dma_wait3A = arith.constant 0 : i32
        %dma_wait3A_36 = arith.constant 0 : i32
        %dma_wait3A_37 = tpu.memref_slice %arg6[%arg0, %dma_wait3A, %dma_wait3A_36] : memref<2x10240x128xf32, #tpu.memory_space<hbm>> -> memref<1x10240x128xf32, #tpu.memory_space<hbm>>
        %dma_wait3A_38 = tpu.memref_squeeze %dma_wait3A_37 : memref<1x10240x128xf32, #tpu.memory_space<hbm>> -> memref<10240x128xf32, #tpu.memory_space<hbm>>
        %dma_wait3A_39 = arith.constant 0 : i32
        %dma_wait3A_40 = tpu.memref_slice %dma_wait3A_38[%mul3A_24, %dma_wait3A_39] : memref<10240x128xf32, #tpu.memory_space<hbm>> -> memref<128x128xf32, #tpu.memory_space<hbm>>
        %dma_wait3A_41 = arith.constant 0 : i32
        %dma_wait3A_42 = arith.constant 0 : i32
        %dma_wait3A_43 = tpu.memref_slice %arg6[%arg0, %dma_wait3A_41, %dma_wait3A_42] : memref<2x10240x128xf32, #tpu.memory_space<hbm>> -> memref<1x10240x128xf32, #tpu.memory_space<hbm>>
        %dma_wait3A_44 = tpu.memref_squeeze %dma_wait3A_43 : memref<1x10240x128xf32, #tpu.memory_space<hbm>> -> memref<10240x128xf32, #tpu.memory_space<hbm>>
        %dma_wait3A_45 = arith.constant 0 : i32
        %dma_wait3A_46 = tpu.memref_slice %dma_wait3A_44[%mul3A_24, %dma_wait3A_45] : memref<10240x128xf32, #tpu.memory_space<hbm>> -> memref<128x128xf32, #tpu.memory_space<hbm>>
        tpu.wait_dma2 semaphore(%run_scoped3A : memref<!tpu.dma_semaphore, #tpu.memory_space<semaphore_mem>>) src(%arg9 : memref<128x128xf32, #tpu.memory_space<vmem>>) dst(%dma_wait3A_46 : memref<128x128xf32, #tpu.memory_space<hbm>>)
        tpu.yield
      }) : () -> ()
    }
    %scan3A_18 = arith.constant 5 : i32
    return
  }
}

#map = affine_map<(d0, d1) -> (0)>
#map1 = affine_map<(d0, d1) -> (0, 0)>
module attributes {stable_mosaic.version = 14 : i64} {
  func.func @_sc_min_body(%arg0: i32, %arg1: i32, %arg2: memref<327680xi32, #tpu.memory_space<hbm>>, %arg3: memref<327680xi32, #tpu.memory_space<hbm>>, %arg4: memref<10240x128xf32, #tpu.memory_space<hbm>>, %arg5: memref<128x128xf32, #tpu.memory_space<hbm>>, %arg6: memref<12288xi32, #tpu.memory_space<hbm>>, %arg7: memref<12288xi32, #tpu.memory_space<hbm>>, %arg8: memref<10240x128xf32, #tpu.memory_space<hbm>>, %arg9: memref<128xi32, #tpu.memory_space<vmem>>, %arg10: memref<128xi32, #tpu.memory_space<vmem>>, %arg11: memref<12288xi32, #tpu.memory_space<vmem>>, %arg12: memref<12288xi32, #tpu.memory_space<vmem>>, %arg13: memref<128x128xf32, #tpu.memory_space<vmem>>, %arg14: memref<328x128xf32, #tpu.memory_space<vmem>>, %arg15: memref<!tpu.dma_semaphore, #tpu.memory_space<semaphore_mem>>) attributes {dimension_semantics = [#tpu.dimension_semantics<core_parallel>, #tpu.dimension_semantics<subcore_parallel>], iteration_bounds = array<i64: 2, 16>, scalar_prefetch = 0 : i64, scratch_operands = 7 : i64, tpu.core_type = #tpu.core_type<sc_vector_subcore>, window_params = [{transform_indices = #map}, {transform_indices = #map}, {transform_indices = #map1}, {transform_indices = #map1}, {transform_indices = #map}, {transform_indices = #map}, {transform_indices = #map1}]} {
    %mul3A = arith.constant 16 : i32
    %mul3A_0 = arith.muli %arg0, %mul3A : i32
    %add3A = arith.addi %mul3A_0, %arg1 : i32
    %mul3A_1 = arith.constant 320 : i32
    %mul3A_2 = arith.muli %add3A, %mul3A_1 : i32
    %iota3A = tpu.iota {dimensions = array<i32: 0>} : vector<16xi32>
    "tpu.region"() ({
      %run_scoped3A = tpu.sem_alloc : memref<!tpu.dma_semaphore, #tpu.memory_space<semaphore_mem>>
      %dma_start3A = arith.constant 0 : i32
      %dma_start3A_36 = arith.constant 0 : i32
      %dma_start3A_37 = tpu.memref_slice %arg14[%dma_start3A, %dma_start3A_36] : memref<328x128xf32, #tpu.memory_space<vmem>> -> memref<128x128xf32, #tpu.memory_space<vmem>>
      %dma_start3A_38 = arith.constant 0 : i32
      %dma_start3A_39 = arith.constant 0 : i32
      %dma_start3A_40 = tpu.memref_slice %arg14[%dma_start3A_38, %dma_start3A_39] : memref<328x128xf32, #tpu.memory_space<vmem>> -> memref<128x128xf32, #tpu.memory_space<vmem>>
      tpu.enqueue_dma source(%arg5 : memref<128x128xf32, #tpu.memory_space<hbm>>) target(%dma_start3A_40 : memref<128x128xf32, #tpu.memory_space<vmem>>) target_semaphore(%run_scoped3A : memref<!tpu.dma_semaphore, #tpu.memory_space<semaphore_mem>>)
      %dma_wait3A = arith.constant 0 : i32
      %dma_wait3A_41 = arith.constant 0 : i32
      %dma_wait3A_42 = tpu.memref_slice %arg14[%dma_wait3A, %dma_wait3A_41] : memref<328x128xf32, #tpu.memory_space<vmem>> -> memref<128x128xf32, #tpu.memory_space<vmem>>
      %dma_wait3A_43 = arith.constant 0 : i32
      %dma_wait3A_44 = arith.constant 0 : i32
      %dma_wait3A_45 = tpu.memref_slice %arg14[%dma_wait3A_43, %dma_wait3A_44] : memref<328x128xf32, #tpu.memory_space<vmem>> -> memref<128x128xf32, #tpu.memory_space<vmem>>
      tpu.wait_dma2 semaphore(%run_scoped3A : memref<!tpu.dma_semaphore, #tpu.memory_space<semaphore_mem>>) src(%arg5 : memref<128x128xf32, #tpu.memory_space<hbm>>) dst(%dma_wait3A_45 : memref<128x128xf32, #tpu.memory_space<vmem>>)
      tpu.yield
    }) : () -> ()
    "tpu.region"() ({
      %run_scoped3A = tpu.sem_alloc : memref<!tpu.dma_semaphore, #tpu.memory_space<semaphore_mem>>
      %dma_start3A = arith.constant 128 : i32
      %dma_start3A_36 = arith.constant 0 : i32
      %dma_start3A_37 = tpu.memref_slice %arg14[%dma_start3A, %dma_start3A_36] : memref<328x128xf32, #tpu.memory_space<vmem>> -> memref<128x128xf32, #tpu.memory_space<vmem>>
      %dma_start3A_38 = arith.constant 128 : i32
      %dma_start3A_39 = arith.constant 0 : i32
      %dma_start3A_40 = tpu.memref_slice %arg14[%dma_start3A_38, %dma_start3A_39] : memref<328x128xf32, #tpu.memory_space<vmem>> -> memref<128x128xf32, #tpu.memory_space<vmem>>
      tpu.enqueue_dma source(%arg5 : memref<128x128xf32, #tpu.memory_space<hbm>>) target(%dma_start3A_40 : memref<128x128xf32, #tpu.memory_space<vmem>>) target_semaphore(%run_scoped3A : memref<!tpu.dma_semaphore, #tpu.memory_space<semaphore_mem>>)
      %dma_wait3A = arith.constant 128 : i32
      %dma_wait3A_41 = arith.constant 0 : i32
      %dma_wait3A_42 = tpu.memref_slice %arg14[%dma_wait3A, %dma_wait3A_41] : memref<328x128xf32, #tpu.memory_space<vmem>> -> memref<128x128xf32, #tpu.memory_space<vmem>>
      %dma_wait3A_43 = arith.constant 128 : i32
      %dma_wait3A_44 = arith.constant 0 : i32
      %dma_wait3A_45 = tpu.memref_slice %arg14[%dma_wait3A_43, %dma_wait3A_44] : memref<328x128xf32, #tpu.memory_space<vmem>> -> memref<128x128xf32, #tpu.memory_space<vmem>>
      tpu.wait_dma2 semaphore(%run_scoped3A : memref<!tpu.dma_semaphore, #tpu.memory_space<semaphore_mem>>) src(%arg5 : memref<128x128xf32, #tpu.memory_space<hbm>>) dst(%dma_wait3A_45 : memref<128x128xf32, #tpu.memory_space<vmem>>)
      tpu.yield
    }) : () -> ()
    "tpu.region"() ({
      %run_scoped3A = tpu.sem_alloc : memref<!tpu.dma_semaphore, #tpu.memory_space<semaphore_mem>>
      %dma_start3A = arith.constant 256 : i32
      %dma_start3A_36 = arith.constant 0 : i32
      %dma_start3A_37 = tpu.memref_slice %arg14[%dma_start3A, %dma_start3A_36] : memref<328x128xf32, #tpu.memory_space<vmem>> -> memref<72x128xf32, #tpu.memory_space<vmem>>
      %dma_start3A_38 = arith.constant 0 : i32
      %dma_start3A_39 = arith.constant 0 : i32
      %dma_start3A_40 = tpu.memref_slice %arg5[%dma_start3A_38, %dma_start3A_39] : memref<128x128xf32, #tpu.memory_space<hbm>> -> memref<72x128xf32, #tpu.memory_space<hbm>>
      %dma_start3A_41 = arith.constant 256 : i32
      %dma_start3A_42 = arith.constant 0 : i32
      %dma_start3A_43 = tpu.memref_slice %arg14[%dma_start3A_41, %dma_start3A_42] : memref<328x128xf32, #tpu.memory_space<vmem>> -> memref<72x128xf32, #tpu.memory_space<vmem>>
      %dma_start3A_44 = arith.constant 0 : i32
      %dma_start3A_45 = arith.constant 0 : i32
      %dma_start3A_46 = tpu.memref_slice %arg5[%dma_start3A_44, %dma_start3A_45] : memref<128x128xf32, #tpu.memory_space<hbm>> -> memref<72x128xf32, #tpu.memory_space<hbm>>
      tpu.enqueue_dma source(%dma_start3A_46 : memref<72x128xf32, #tpu.memory_space<hbm>>) target(%dma_start3A_43 : memref<72x128xf32, #tpu.memory_space<vmem>>) target_semaphore(%run_scoped3A : memref<!tpu.dma_semaphore, #tpu.memory_space<semaphore_mem>>)
      %dma_wait3A = arith.constant 256 : i32
      %dma_wait3A_47 = arith.constant 0 : i32
      %dma_wait3A_48 = tpu.memref_slice %arg14[%dma_wait3A, %dma_wait3A_47] : memref<328x128xf32, #tpu.memory_space<vmem>> -> memref<72x128xf32, #tpu.memory_space<vmem>>
      %dma_wait3A_49 = arith.constant 0 : i32
      %dma_wait3A_50 = arith.constant 0 : i32
      %dma_wait3A_51 = tpu.memref_slice %arg5[%dma_wait3A_49, %dma_wait3A_50] : memref<128x128xf32, #tpu.memory_space<hbm>> -> memref<72x128xf32, #tpu.memory_space<hbm>>
      %dma_wait3A_52 = arith.constant 256 : i32
      %dma_wait3A_53 = arith.constant 0 : i32
      %dma_wait3A_54 = tpu.memref_slice %arg14[%dma_wait3A_52, %dma_wait3A_53] : memref<328x128xf32, #tpu.memory_space<vmem>> -> memref<72x128xf32, #tpu.memory_space<vmem>>
      %dma_wait3A_55 = arith.constant 0 : i32
      %dma_wait3A_56 = arith.constant 0 : i32
      %dma_wait3A_57 = tpu.memref_slice %arg5[%dma_wait3A_55, %dma_wait3A_56] : memref<128x128xf32, #tpu.memory_space<hbm>> -> memref<72x128xf32, #tpu.memory_space<hbm>>
      tpu.wait_dma2 semaphore(%run_scoped3A : memref<!tpu.dma_semaphore, #tpu.memory_space<semaphore_mem>>) src(%dma_wait3A_57 : memref<72x128xf32, #tpu.memory_space<hbm>>) dst(%dma_wait3A_54 : memref<72x128xf32, #tpu.memory_space<vmem>>)
      tpu.yield
    }) : () -> ()
    "tpu.region"() ({
      %run_scoped3A = tpu.sem_alloc : memref<!tpu.dma_semaphore, #tpu.memory_space<semaphore_mem>>
      tpu.enqueue_dma source(%arg6 : memref<12288xi32, #tpu.memory_space<hbm>>) target(%arg11 : memref<12288xi32, #tpu.memory_space<vmem>>) target_semaphore(%run_scoped3A : memref<!tpu.dma_semaphore, #tpu.memory_space<semaphore_mem>>)
      tpu.wait_dma2 semaphore(%run_scoped3A : memref<!tpu.dma_semaphore, #tpu.memory_space<semaphore_mem>>) src(%arg6 : memref<12288xi32, #tpu.memory_space<hbm>>) dst(%arg11 : memref<12288xi32, #tpu.memory_space<vmem>>)
      tpu.yield
    }) : () -> ()
    "tpu.region"() ({
      %run_scoped3A = tpu.sem_alloc : memref<!tpu.dma_semaphore, #tpu.memory_space<semaphore_mem>>
      tpu.enqueue_dma source(%arg7 : memref<12288xi32, #tpu.memory_space<hbm>>) target(%arg12 : memref<12288xi32, #tpu.memory_space<vmem>>) target_semaphore(%run_scoped3A : memref<!tpu.dma_semaphore, #tpu.memory_space<semaphore_mem>>)
      tpu.wait_dma2 semaphore(%run_scoped3A : memref<!tpu.dma_semaphore, #tpu.memory_space<semaphore_mem>>) src(%arg7 : memref<12288xi32, #tpu.memory_space<hbm>>) dst(%arg12 : memref<12288xi32, #tpu.memory_space<vmem>>)
      tpu.yield
    }) : () -> ()
    %scan3A = arith.constant 0 : i32
    %scan3A_3 = arith.constant 0 : i32
    %scan3A_4 = arith.constant 2560 : i32
    %scan3A_5 = arith.addi %scan3A_3, %scan3A_4 : i32
    %scan3A_6 = arith.constant 1 : i32
    %scan3A_7 = scf.for %scan3A_36 = %scan3A_3 to %scan3A_5 step %scan3A_6 iter_args(%scan3A_37 = %scan3A) -> (i32)  : i32 {
      %mul3A_38 = arith.constant 128 : i32
      %mul3A_39 = arith.muli %scan3A_36, %mul3A_38 : i32
      "tpu.region"() ({
        %run_scoped3A = tpu.sem_alloc : memref<!tpu.dma_semaphore, #tpu.memory_space<semaphore_mem>>
        %dma_start3A = tpu.memref_slice %arg3[%mul3A_39] : memref<327680xi32, #tpu.memory_space<hbm>> -> memref<128xi32, #tpu.memory_space<hbm>>
        %dma_start3A_290 = tpu.memref_slice %arg3[%mul3A_39] : memref<327680xi32, #tpu.memory_space<hbm>> -> memref<128xi32, #tpu.memory_space<hbm>>
        tpu.enqueue_dma source(%dma_start3A_290 : memref<128xi32, #tpu.memory_space<hbm>>) target(%arg10 : memref<128xi32, #tpu.memory_space<vmem>>) target_semaphore(%run_scoped3A : memref<!tpu.dma_semaphore, #tpu.memory_space<semaphore_mem>>)
        %dma_wait3A = tpu.memref_slice %arg3[%mul3A_39] : memref<327680xi32, #tpu.memory_space<hbm>> -> memref<128xi32, #tpu.memory_space<hbm>>
        %dma_wait3A_291 = tpu.memref_slice %arg3[%mul3A_39] : memref<327680xi32, #tpu.memory_space<hbm>> -> memref<128xi32, #tpu.memory_space<hbm>>
        tpu.wait_dma2 semaphore(%run_scoped3A : memref<!tpu.dma_semaphore, #tpu.memory_space<semaphore_mem>>) src(%dma_wait3A_291 : memref<128xi32, #tpu.memory_space<hbm>>) dst(%arg10 : memref<128xi32, #tpu.memory_space<vmem>>)
        tpu.yield
      }) : () -> ()
      %mul3A_40 = arith.constant 128 : i32
      %mul3A_41 = arith.muli %scan3A_36, %mul3A_40 : i32
      "tpu.region"() ({
        %run_scoped3A = tpu.sem_alloc : memref<!tpu.dma_semaphore, #tpu.memory_space<semaphore_mem>>
        %dma_start3A = tpu.memref_slice %arg2[%mul3A_41] : memref<327680xi32, #tpu.memory_space<hbm>> -> memref<128xi32, #tpu.memory_space<hbm>>
        %dma_start3A_290 = tpu.memref_slice %arg2[%mul3A_41] : memref<327680xi32, #tpu.memory_space<hbm>> -> memref<128xi32, #tpu.memory_space<hbm>>
        tpu.enqueue_dma source(%dma_start3A_290 : memref<128xi32, #tpu.memory_space<hbm>>) target(%arg9 : memref<128xi32, #tpu.memory_space<vmem>>) target_semaphore(%run_scoped3A : memref<!tpu.dma_semaphore, #tpu.memory_space<semaphore_mem>>)
        %dma_wait3A = tpu.memref_slice %arg2[%mul3A_41] : memref<327680xi32, #tpu.memory_space<hbm>> -> memref<128xi32, #tpu.memory_space<hbm>>
        %dma_wait3A_291 = tpu.memref_slice %arg2[%mul3A_41] : memref<327680xi32, #tpu.memory_space<hbm>> -> memref<128xi32, #tpu.memory_space<hbm>>
        tpu.wait_dma2 semaphore(%run_scoped3A : memref<!tpu.dma_semaphore, #tpu.memory_space<semaphore_mem>>) src(%dma_wait3A_291 : memref<128xi32, #tpu.memory_space<hbm>>) dst(%arg9 : memref<128xi32, #tpu.memory_space<vmem>>)
        tpu.yield
      }) : () -> ()
      %get3A = arith.constant 0 : index
      %get3A_42 = tpu.vector_load %arg10[%get3A] {strides = array<i32>} : memref<128xi32, #tpu.memory_space<vmem>>, vector<16xi32>,
      %get3A_43 = arith.constant 0 : index
      %get3A_44 = tpu.vector_load %arg9[%get3A_43] {strides = array<i32>} : memref<128xi32, #tpu.memory_space<vmem>>, vector<16xi32>,
      %sub3A_45 = vector.broadcast %mul3A_2 : i32 to vector<16xi32>
      %sub3A_46 = arith.subi %get3A_42, %sub3A_45 : vector<16xi32>
      %ge3A = arith.constant 0 : i32
      %ge3A_47 = vector.broadcast %ge3A : i32 to vector<16xi32>
      %ge3A_48 = arith.cmpi sge, %sub3A_46, %ge3A_47 : vector<16xi32>
      %lt3A = arith.constant 320 : i32
      %lt3A_49 = vector.broadcast %lt3A : i32 to vector<16xi32>
      %lt3A_50 = arith.cmpi slt, %sub3A_46, %lt3A_49 : vector<16xi32>
      %and3A_51 = arith.andi %ge3A_48, %lt3A_50 : vector<16xi1>
      %jit3A_52 = arith.constant 1 : i32
      %jit3A_53 = arith.constant 0 : i32
      %broadcast_in_dim3A = vector.broadcast %jit3A_52 : i32 to vector<16xi32>
      %broadcast_in_dim3A_54 = vector.broadcast %jit3A_53 : i32 to vector<16xi32>
      %select_n3A_55 = arith.select %and3A_51, %broadcast_in_dim3A, %broadcast_in_dim3A_54 : vector<16xi1>, vector<16xi32>
      %broadcast_in_dim3A_56 = arith.constant true
      %broadcast_in_dim3A_57 = vector.broadcast %broadcast_in_dim3A_56 : i1 to vector<16xi1>
      %masked_cumsum3A = tpu.scan <sum>, %select_n3A_55 masked %broadcast_in_dim3A_57 : vector<16xi32>, vector<16xi1> -> vector<16xi32>
      %add3A_58 = vector.broadcast %scan3A_37 : i32 to vector<16xi32>
      %add3A_59 = arith.addi %add3A_58, %masked_cumsum3A : vector<16xi32>
      %sub3A_60 = arith.constant 1 : i32
      %sub3A_61 = vector.broadcast %sub3A_60 : i32 to vector<16xi32>
      %sub3A_62 = arith.subi %add3A_59, %sub3A_61 : vector<16xi32>
      %min3A = arith.constant 12287 : i32
      %min3A_63 = vector.broadcast %min3A : i32 to vector<16xi32>
      %min3A_64 = arith.minsi %sub3A_62, %min3A_63 : vector<16xi32>
      tpu.vector_store_idx %arg11[%min3A_64], %get3A_44 masked %and3A_51 : memref<12288xi32, #tpu.memory_space<vmem>>[vector<16xi32>], vector<16xi32>, vector<16xi1>
      tpu.vector_store_idx %arg12[%min3A_64], %sub3A_46 masked %and3A_51 : memref<12288xi32, #tpu.memory_space<vmem>>[vector<16xi32>], vector<16xi32>, vector<16xi1>
      %slice3A = vector.extract_strided_slice %masked_cumsum3A {offsets = [15], sizes = [1], strides = [1]} : vector<16xi32> to vector<1xi32>
      %squeeze3A = vector.extract %slice3A[0] : i32 from vector<1xi32>
      %add3A_65 = arith.addi %scan3A_37, %squeeze3A : i32
      %get3A_66 = arith.constant 16 : index
      %get3A_67 = tpu.vector_load %arg10[%get3A_66] {strides = array<i32>} : memref<128xi32, #tpu.memory_space<vmem>>, vector<16xi32>,
      %get3A_68 = arith.constant 16 : index
      %get3A_69 = tpu.vector_load %arg9[%get3A_68] {strides = array<i32>} : memref<128xi32, #tpu.memory_space<vmem>>, vector<16xi32>,
      %sub3A_70 = vector.broadcast %mul3A_2 : i32 to vector<16xi32>
      %sub3A_71 = arith.subi %get3A_67, %sub3A_70 : vector<16xi32>
      %ge3A_72 = arith.constant 0 : i32
      %ge3A_73 = vector.broadcast %ge3A_72 : i32 to vector<16xi32>
      %ge3A_74 = arith.cmpi sge, %sub3A_71, %ge3A_73 : vector<16xi32>
      %lt3A_75 = arith.constant 320 : i32
      %lt3A_76 = vector.broadcast %lt3A_75 : i32 to vector<16xi32>
      %lt3A_77 = arith.cmpi slt, %sub3A_71, %lt3A_76 : vector<16xi32>
      %and3A_78 = arith.andi %ge3A_74, %lt3A_77 : vector<16xi1>
      %jit3A_79 = arith.constant 1 : i32
      %jit3A_80 = arith.constant 0 : i32
      %broadcast_in_dim3A_81 = vector.broadcast %jit3A_79 : i32 to vector<16xi32>
      %broadcast_in_dim3A_82 = vector.broadcast %jit3A_80 : i32 to vector<16xi32>
      %select_n3A_83 = arith.select %and3A_78, %broadcast_in_dim3A_81, %broadcast_in_dim3A_82 : vector<16xi1>, vector<16xi32>
      %broadcast_in_dim3A_84 = arith.constant true
      %broadcast_in_dim3A_85 = vector.broadcast %broadcast_in_dim3A_84 : i1 to vector<16xi1>
      %masked_cumsum3A_86 = tpu.scan <sum>, %select_n3A_83 masked %broadcast_in_dim3A_85 : vector<16xi32>, vector<16xi1> -> vector<16xi32>
      %add3A_87 = vector.broadcast %add3A_65 : i32 to vector<16xi32>
      %add3A_88 = arith.addi %add3A_87, %masked_cumsum3A_86 : vector<16xi32>
      %sub3A_89 = arith.constant 1 : i32
      %sub3A_90 = vector.broadcast %sub3A_89 : i32 to vector<16xi32>
      %sub3A_91 = arith.subi %add3A_88, %sub3A_90 : vector<16xi32>
      %min3A_92 = arith.constant 12287 : i32
      %min3A_93 = vector.broadcast %min3A_92 : i32 to vector<16xi32>
      %min3A_94 = arith.minsi %sub3A_91, %min3A_93 : vector<16xi32>
      tpu.vector_store_idx %arg11[%min3A_94], %get3A_69 masked %and3A_78 : memref<12288xi32, #tpu.memory_space<vmem>>[vector<16xi32>], vector<16xi32>, vector<16xi1>
      tpu.vector_store_idx %arg12[%min3A_94], %sub3A_71 masked %and3A_78 : memref<12288xi32, #tpu.memory_space<vmem>>[vector<16xi32>], vector<16xi32>, vector<16xi1>
      %slice3A_95 = vector.extract_strided_slice %masked_cumsum3A_86 {offsets = [15], sizes = [1], strides = [1]} : vector<16xi32> to vector<1xi32>
      %squeeze3A_96 = vector.extract %slice3A_95[0] : i32 from vector<1xi32>
      %add3A_97 = arith.addi %add3A_65, %squeeze3A_96 : i32
      %get3A_98 = arith.constant 32 : index
      %get3A_99 = tpu.vector_load %arg10[%get3A_98] {strides = array<i32>} : memref<128xi32, #tpu.memory_space<vmem>>, vector<16xi32>,
      %get3A_100 = arith.constant 32 : index
      %get3A_101 = tpu.vector_load %arg9[%get3A_100] {strides = array<i32>} : memref<128xi32, #tpu.memory_space<vmem>>, vector<16xi32>,
      %sub3A_102 = vector.broadcast %mul3A_2 : i32 to vector<16xi32>
      %sub3A_103 = arith.subi %get3A_99, %sub3A_102 : vector<16xi32>
      %ge3A_104 = arith.constant 0 : i32
      %ge3A_105 = vector.broadcast %ge3A_104 : i32 to vector<16xi32>
      %ge3A_106 = arith.cmpi sge, %sub3A_103, %ge3A_105 : vector<16xi32>
      %lt3A_107 = arith.constant 320 : i32
      %lt3A_108 = vector.broadcast %lt3A_107 : i32 to vector<16xi32>
      %lt3A_109 = arith.cmpi slt, %sub3A_103, %lt3A_108 : vector<16xi32>
      %and3A_110 = arith.andi %ge3A_106, %lt3A_109 : vector<16xi1>
      %jit3A_111 = arith.constant 1 : i32
      %jit3A_112 = arith.constant 0 : i32
      %broadcast_in_dim3A_113 = vector.broadcast %jit3A_111 : i32 to vector<16xi32>
      %broadcast_in_dim3A_114 = vector.broadcast %jit3A_112 : i32 to vector<16xi32>
      %select_n3A_115 = arith.select %and3A_110, %broadcast_in_dim3A_113, %broadcast_in_dim3A_114 : vector<16xi1>, vector<16xi32>
      %broadcast_in_dim3A_116 = arith.constant true
      %broadcast_in_dim3A_117 = vector.broadcast %broadcast_in_dim3A_116 : i1 to vector<16xi1>
      %masked_cumsum3A_118 = tpu.scan <sum>, %select_n3A_115 masked %broadcast_in_dim3A_117 : vector<16xi32>, vector<16xi1> -> vector<16xi32>
      %add3A_119 = vector.broadcast %add3A_97 : i32 to vector<16xi32>
      %add3A_120 = arith.addi %add3A_119, %masked_cumsum3A_118 : vector<16xi32>
      %sub3A_121 = arith.constant 1 : i32
      %sub3A_122 = vector.broadcast %sub3A_121 : i32 to vector<16xi32>
      %sub3A_123 = arith.subi %add3A_120, %sub3A_122 : vector<16xi32>
      %min3A_124 = arith.constant 12287 : i32
      %min3A_125 = vector.broadcast %min3A_124 : i32 to vector<16xi32>
      %min3A_126 = arith.minsi %sub3A_123, %min3A_125 : vector<16xi32>
      tpu.vector_store_idx %arg11[%min3A_126], %get3A_101 masked %and3A_110 : memref<12288xi32, #tpu.memory_space<vmem>>[vector<16xi32>], vector<16xi32>, vector<16xi1>
      tpu.vector_store_idx %arg12[%min3A_126], %sub3A_103 masked %and3A_110 : memref<12288xi32, #tpu.memory_space<vmem>>[vector<16xi32>], vector<16xi32>, vector<16xi1>
      %slice3A_127 = vector.extract_strided_slice %masked_cumsum3A_118 {offsets = [15], sizes = [1], strides = [1]} : vector<16xi32> to vector<1xi32>
      %squeeze3A_128 = vector.extract %slice3A_127[0] : i32 from vector<1xi32>
      %add3A_129 = arith.addi %add3A_97, %squeeze3A_128 : i32
      %get3A_130 = arith.constant 48 : index
      %get3A_131 = tpu.vector_load %arg10[%get3A_130] {strides = array<i32>} : memref<128xi32, #tpu.memory_space<vmem>>, vector<16xi32>,
      %get3A_132 = arith.constant 48 : index
      %get3A_133 = tpu.vector_load %arg9[%get3A_132] {strides = array<i32>} : memref<128xi32, #tpu.memory_space<vmem>>, vector<16xi32>,
      %sub3A_134 = vector.broadcast %mul3A_2 : i32 to vector<16xi32>
      %sub3A_135 = arith.subi %get3A_131, %sub3A_134 : vector<16xi32>
      %ge3A_136 = arith.constant 0 : i32
      %ge3A_137 = vector.broadcast %ge3A_136 : i32 to vector<16xi32>
      %ge3A_138 = arith.cmpi sge, %sub3A_135, %ge3A_137 : vector<16xi32>
      %lt3A_139 = arith.constant 320 : i32
      %lt3A_140 = vector.broadcast %lt3A_139 : i32 to vector<16xi32>
      %lt3A_141 = arith.cmpi slt, %sub3A_135, %lt3A_140 : vector<16xi32>
      %and3A_142 = arith.andi %ge3A_138, %lt3A_141 : vector<16xi1>
      %jit3A_143 = arith.constant 1 : i32
      %jit3A_144 = arith.constant 0 : i32
      %broadcast_in_dim3A_145 = vector.broadcast %jit3A_143 : i32 to vector<16xi32>
      %broadcast_in_dim3A_146 = vector.broadcast %jit3A_144 : i32 to vector<16xi32>
      %select_n3A_147 = arith.select %and3A_142, %broadcast_in_dim3A_145, %broadcast_in_dim3A_146 : vector<16xi1>, vector<16xi32>
      %broadcast_in_dim3A_148 = arith.constant true
      %broadcast_in_dim3A_149 = vector.broadcast %broadcast_in_dim3A_148 : i1 to vector<16xi1>
      %masked_cumsum3A_150 = tpu.scan <sum>, %select_n3A_147 masked %broadcast_in_dim3A_149 : vector<16xi32>, vector<16xi1> -> vector<16xi32>
      %add3A_151 = vector.broadcast %add3A_129 : i32 to vector<16xi32>
      %add3A_152 = arith.addi %add3A_151, %masked_cumsum3A_150 : vector<16xi32>
      %sub3A_153 = arith.constant 1 : i32
      %sub3A_154 = vector.broadcast %sub3A_153 : i32 to vector<16xi32>
      %sub3A_155 = arith.subi %add3A_152, %sub3A_154 : vector<16xi32>
      %min3A_156 = arith.constant 12287 : i32
      %min3A_157 = vector.broadcast %min3A_156 : i32 to vector<16xi32>
      %min3A_158 = arith.minsi %sub3A_155, %min3A_157 : vector<16xi32>
      tpu.vector_store_idx %arg11[%min3A_158], %get3A_133 masked %and3A_142 : memref<12288xi32, #tpu.memory_space<vmem>>[vector<16xi32>], vector<16xi32>, vector<16xi1>
      tpu.vector_store_idx %arg12[%min3A_158], %sub3A_135 masked %and3A_142 : memref<12288xi32, #tpu.memory_space<vmem>>[vector<16xi32>], vector<16xi32>, vector<16xi1>
      %slice3A_159 = vector.extract_strided_slice %masked_cumsum3A_150 {offsets = [15], sizes = [1], strides = [1]} : vector<16xi32> to vector<1xi32>
      %squeeze3A_160 = vector.extract %slice3A_159[0] : i32 from vector<1xi32>
      %add3A_161 = arith.addi %add3A_129, %squeeze3A_160 : i32
      %get3A_162 = arith.constant 64 : index
      %get3A_163 = tpu.vector_load %arg10[%get3A_162] {strides = array<i32>} : memref<128xi32, #tpu.memory_space<vmem>>, vector<16xi32>,
      %get3A_164 = arith.constant 64 : index
      %get3A_165 = tpu.vector_load %arg9[%get3A_164] {strides = array<i32>} : memref<128xi32, #tpu.memory_space<vmem>>, vector<16xi32>,
      %sub3A_166 = vector.broadcast %mul3A_2 : i32 to vector<16xi32>
      %sub3A_167 = arith.subi %get3A_163, %sub3A_166 : vector<16xi32>
      %ge3A_168 = arith.constant 0 : i32
      %ge3A_169 = vector.broadcast %ge3A_168 : i32 to vector<16xi32>
      %ge3A_170 = arith.cmpi sge, %sub3A_167, %ge3A_169 : vector<16xi32>
      %lt3A_171 = arith.constant 320 : i32
      %lt3A_172 = vector.broadcast %lt3A_171 : i32 to vector<16xi32>
      %lt3A_173 = arith.cmpi slt, %sub3A_167, %lt3A_172 : vector<16xi32>
      %and3A_174 = arith.andi %ge3A_170, %lt3A_173 : vector<16xi1>
      %jit3A_175 = arith.constant 1 : i32
      %jit3A_176 = arith.constant 0 : i32
      %broadcast_in_dim3A_177 = vector.broadcast %jit3A_175 : i32 to vector<16xi32>
      %broadcast_in_dim3A_178 = vector.broadcast %jit3A_176 : i32 to vector<16xi32>
      %select_n3A_179 = arith.select %and3A_174, %broadcast_in_dim3A_177, %broadcast_in_dim3A_178 : vector<16xi1>, vector<16xi32>
      %broadcast_in_dim3A_180 = arith.constant true
      %broadcast_in_dim3A_181 = vector.broadcast %broadcast_in_dim3A_180 : i1 to vector<16xi1>
      %masked_cumsum3A_182 = tpu.scan <sum>, %select_n3A_179 masked %broadcast_in_dim3A_181 : vector<16xi32>, vector<16xi1> -> vector<16xi32>
      %add3A_183 = vector.broadcast %add3A_161 : i32 to vector<16xi32>
      %add3A_184 = arith.addi %add3A_183, %masked_cumsum3A_182 : vector<16xi32>
      %sub3A_185 = arith.constant 1 : i32
      %sub3A_186 = vector.broadcast %sub3A_185 : i32 to vector<16xi32>
      %sub3A_187 = arith.subi %add3A_184, %sub3A_186 : vector<16xi32>
      %min3A_188 = arith.constant 12287 : i32
      %min3A_189 = vector.broadcast %min3A_188 : i32 to vector<16xi32>
      %min3A_190 = arith.minsi %sub3A_187, %min3A_189 : vector<16xi32>
      tpu.vector_store_idx %arg11[%min3A_190], %get3A_165 masked %and3A_174 : memref<12288xi32, #tpu.memory_space<vmem>>[vector<16xi32>], vector<16xi32>, vector<16xi1>
      tpu.vector_store_idx %arg12[%min3A_190], %sub3A_167 masked %and3A_174 : memref<12288xi32, #tpu.memory_space<vmem>>[vector<16xi32>], vector<16xi32>, vector<16xi1>
      %slice3A_191 = vector.extract_strided_slice %masked_cumsum3A_182 {offsets = [15], sizes = [1], strides = [1]} : vector<16xi32> to vector<1xi32>
      %squeeze3A_192 = vector.extract %slice3A_191[0] : i32 from vector<1xi32>
      %add3A_193 = arith.addi %add3A_161, %squeeze3A_192 : i32
      %get3A_194 = arith.constant 80 : index
      %get3A_195 = tpu.vector_load %arg10[%get3A_194] {strides = array<i32>} : memref<128xi32, #tpu.memory_space<vmem>>, vector<16xi32>,
      %get3A_196 = arith.constant 80 : index
      %get3A_197 = tpu.vector_load %arg9[%get3A_196] {strides = array<i32>} : memref<128xi32, #tpu.memory_space<vmem>>, vector<16xi32>,
      %sub3A_198 = vector.broadcast %mul3A_2 : i32 to vector<16xi32>
      %sub3A_199 = arith.subi %get3A_195, %sub3A_198 : vector<16xi32>
      %ge3A_200 = arith.constant 0 : i32
      %ge3A_201 = vector.broadcast %ge3A_200 : i32 to vector<16xi32>
      %ge3A_202 = arith.cmpi sge, %sub3A_199, %ge3A_201 : vector<16xi32>
      %lt3A_203 = arith.constant 320 : i32
      %lt3A_204 = vector.broadcast %lt3A_203 : i32 to vector<16xi32>
      %lt3A_205 = arith.cmpi slt, %sub3A_199, %lt3A_204 : vector<16xi32>
      %and3A_206 = arith.andi %ge3A_202, %lt3A_205 : vector<16xi1>
      %jit3A_207 = arith.constant 1 : i32
      %jit3A_208 = arith.constant 0 : i32
      %broadcast_in_dim3A_209 = vector.broadcast %jit3A_207 : i32 to vector<16xi32>
      %broadcast_in_dim3A_210 = vector.broadcast %jit3A_208 : i32 to vector<16xi32>
      %select_n3A_211 = arith.select %and3A_206, %broadcast_in_dim3A_209, %broadcast_in_dim3A_210 : vector<16xi1>, vector<16xi32>
      %broadcast_in_dim3A_212 = arith.constant true
      %broadcast_in_dim3A_213 = vector.broadcast %broadcast_in_dim3A_212 : i1 to vector<16xi1>
      %masked_cumsum3A_214 = tpu.scan <sum>, %select_n3A_211 masked %broadcast_in_dim3A_213 : vector<16xi32>, vector<16xi1> -> vector<16xi32>
      %add3A_215 = vector.broadcast %add3A_193 : i32 to vector<16xi32>
      %add3A_216 = arith.addi %add3A_215, %masked_cumsum3A_214 : vector<16xi32>
      %sub3A_217 = arith.constant 1 : i32
      %sub3A_218 = vector.broadcast %sub3A_217 : i32 to vector<16xi32>
      %sub3A_219 = arith.subi %add3A_216, %sub3A_218 : vector<16xi32>
      %min3A_220 = arith.constant 12287 : i32
      %min3A_221 = vector.broadcast %min3A_220 : i32 to vector<16xi32>
      %min3A_222 = arith.minsi %sub3A_219, %min3A_221 : vector<16xi32>
      tpu.vector_store_idx %arg11[%min3A_222], %get3A_197 masked %and3A_206 : memref<12288xi32, #tpu.memory_space<vmem>>[vector<16xi32>], vector<16xi32>, vector<16xi1>
      tpu.vector_store_idx %arg12[%min3A_222], %sub3A_199 masked %and3A_206 : memref<12288xi32, #tpu.memory_space<vmem>>[vector<16xi32>], vector<16xi32>, vector<16xi1>
      %slice3A_223 = vector.extract_strided_slice %masked_cumsum3A_214 {offsets = [15], sizes = [1], strides = [1]} : vector<16xi32> to vector<1xi32>
      %squeeze3A_224 = vector.extract %slice3A_223[0] : i32 from vector<1xi32>
      %add3A_225 = arith.addi %add3A_193, %squeeze3A_224 : i32
      %get3A_226 = arith.constant 96 : index
      %get3A_227 = tpu.vector_load %arg10[%get3A_226] {strides = array<i32>} : memref<128xi32, #tpu.memory_space<vmem>>, vector<16xi32>,
      %get3A_228 = arith.constant 96 : index
      %get3A_229 = tpu.vector_load %arg9[%get3A_228] {strides = array<i32>} : memref<128xi32, #tpu.memory_space<vmem>>, vector<16xi32>,
      %sub3A_230 = vector.broadcast %mul3A_2 : i32 to vector<16xi32>
      %sub3A_231 = arith.subi %get3A_227, %sub3A_230 : vector<16xi32>
      %ge3A_232 = arith.constant 0 : i32
      %ge3A_233 = vector.broadcast %ge3A_232 : i32 to vector<16xi32>
      %ge3A_234 = arith.cmpi sge, %sub3A_231, %ge3A_233 : vector<16xi32>
      %lt3A_235 = arith.constant 320 : i32
      %lt3A_236 = vector.broadcast %lt3A_235 : i32 to vector<16xi32>
      %lt3A_237 = arith.cmpi slt, %sub3A_231, %lt3A_236 : vector<16xi32>
      %and3A_238 = arith.andi %ge3A_234, %lt3A_237 : vector<16xi1>
      %jit3A_239 = arith.constant 1 : i32
      %jit3A_240 = arith.constant 0 : i32
      %broadcast_in_dim3A_241 = vector.broadcast %jit3A_239 : i32 to vector<16xi32>
      %broadcast_in_dim3A_242 = vector.broadcast %jit3A_240 : i32 to vector<16xi32>
      %select_n3A_243 = arith.select %and3A_238, %broadcast_in_dim3A_241, %broadcast_in_dim3A_242 : vector<16xi1>, vector<16xi32>
      %broadcast_in_dim3A_244 = arith.constant true
      %broadcast_in_dim3A_245 = vector.broadcast %broadcast_in_dim3A_244 : i1 to vector<16xi1>
      %masked_cumsum3A_246 = tpu.scan <sum>, %select_n3A_243 masked %broadcast_in_dim3A_245 : vector<16xi32>, vector<16xi1> -> vector<16xi32>
      %add3A_247 = vector.broadcast %add3A_225 : i32 to vector<16xi32>
      %add3A_248 = arith.addi %add3A_247, %masked_cumsum3A_246 : vector<16xi32>
      %sub3A_249 = arith.constant 1 : i32
      %sub3A_250 = vector.broadcast %sub3A_249 : i32 to vector<16xi32>
      %sub3A_251 = arith.subi %add3A_248, %sub3A_250 : vector<16xi32>
      %min3A_252 = arith.constant 12287 : i32
      %min3A_253 = vector.broadcast %min3A_252 : i32 to vector<16xi32>
      %min3A_254 = arith.minsi %sub3A_251, %min3A_253 : vector<16xi32>
      tpu.vector_store_idx %arg11[%min3A_254], %get3A_229 masked %and3A_238 : memref<12288xi32, #tpu.memory_space<vmem>>[vector<16xi32>], vector<16xi32>, vector<16xi1>
      tpu.vector_store_idx %arg12[%min3A_254], %sub3A_231 masked %and3A_238 : memref<12288xi32, #tpu.memory_space<vmem>>[vector<16xi32>], vector<16xi32>, vector<16xi1>
      %slice3A_255 = vector.extract_strided_slice %masked_cumsum3A_246 {offsets = [15], sizes = [1], strides = [1]} : vector<16xi32> to vector<1xi32>
      %squeeze3A_256 = vector.extract %slice3A_255[0] : i32 from vector<1xi32>
      %add3A_257 = arith.addi %add3A_225, %squeeze3A_256 : i32
      %get3A_258 = arith.constant 112 : index
      %get3A_259 = tpu.vector_load %arg10[%get3A_258] {strides = array<i32>} : memref<128xi32, #tpu.memory_space<vmem>>, vector<16xi32>,
      %get3A_260 = arith.constant 112 : index
      %get3A_261 = tpu.vector_load %arg9[%get3A_260] {strides = array<i32>} : memref<128xi32, #tpu.memory_space<vmem>>, vector<16xi32>,
      %sub3A_262 = vector.broadcast %mul3A_2 : i32 to vector<16xi32>
      %sub3A_263 = arith.subi %get3A_259, %sub3A_262 : vector<16xi32>
      %ge3A_264 = arith.constant 0 : i32
      %ge3A_265 = vector.broadcast %ge3A_264 : i32 to vector<16xi32>
      %ge3A_266 = arith.cmpi sge, %sub3A_263, %ge3A_265 : vector<16xi32>
      %lt3A_267 = arith.constant 320 : i32
      %lt3A_268 = vector.broadcast %lt3A_267 : i32 to vector<16xi32>
      %lt3A_269 = arith.cmpi slt, %sub3A_263, %lt3A_268 : vector<16xi32>
      %and3A_270 = arith.andi %ge3A_266, %lt3A_269 : vector<16xi1>
      %jit3A_271 = arith.constant 1 : i32
      %jit3A_272 = arith.constant 0 : i32
      %broadcast_in_dim3A_273 = vector.broadcast %jit3A_271 : i32 to vector<16xi32>
      %broadcast_in_dim3A_274 = vector.broadcast %jit3A_272 : i32 to vector<16xi32>
      %select_n3A_275 = arith.select %and3A_270, %broadcast_in_dim3A_273, %broadcast_in_dim3A_274 : vector<16xi1>, vector<16xi32>
      %broadcast_in_dim3A_276 = arith.constant true
      %broadcast_in_dim3A_277 = vector.broadcast %broadcast_in_dim3A_276 : i1 to vector<16xi1>
      %masked_cumsum3A_278 = tpu.scan <sum>, %select_n3A_275 masked %broadcast_in_dim3A_277 : vector<16xi32>, vector<16xi1> -> vector<16xi32>
      %add3A_279 = vector.broadcast %add3A_257 : i32 to vector<16xi32>
      %add3A_280 = arith.addi %add3A_279, %masked_cumsum3A_278 : vector<16xi32>
      %sub3A_281 = arith.constant 1 : i32
      %sub3A_282 = vector.broadcast %sub3A_281 : i32 to vector<16xi32>
      %sub3A_283 = arith.subi %add3A_280, %sub3A_282 : vector<16xi32>
      %min3A_284 = arith.constant 12287 : i32
      %min3A_285 = vector.broadcast %min3A_284 : i32 to vector<16xi32>
      %min3A_286 = arith.minsi %sub3A_283, %min3A_285 : vector<16xi32>
      tpu.vector_store_idx %arg11[%min3A_286], %get3A_261 masked %and3A_270 : memref<12288xi32, #tpu.memory_space<vmem>>[vector<16xi32>], vector<16xi32>, vector<16xi1>
      tpu.vector_store_idx %arg12[%min3A_286], %sub3A_263 masked %and3A_270 : memref<12288xi32, #tpu.memory_space<vmem>>[vector<16xi32>], vector<16xi32>, vector<16xi1>
      %slice3A_287 = vector.extract_strided_slice %masked_cumsum3A_278 {offsets = [15], sizes = [1], strides = [1]} : vector<16xi32> to vector<1xi32>
      %squeeze3A_288 = vector.extract %slice3A_287[0] : i32 from vector<1xi32>
      %add3A_289 = arith.addi %add3A_257, %squeeze3A_288 : i32
      scf.yield %add3A_289 : i32
    }
    %scan3A_8 = arith.constant 2560 : i32
    %add3A_9 = arith.constant 127 : i32
    %add3A_10 = arith.addi %scan3A_7, %add3A_9 : i32
    %jit3A = arith.constant 128 : i32
    %div3A = arith.divsi %add3A_10, %jit3A : i32
    %sign3A = arith.constant 0 : i32
    %sign3A_11 = arith.cmpi sgt, %add3A_10, %sign3A : i32
    %sign3A_12 = arith.extui %sign3A_11 : i1 to i32
    %sign3A_13 = arith.constant 0 : i32
    %sign3A_14 = arith.cmpi slt, %add3A_10, %sign3A_13 : i32
    %sign3A_15 = arith.extui %sign3A_14 : i1 to i32
    %sign3A_16 = arith.subi %sign3A_12, %sign3A_15 : i32
    %sign3A_17 = arith.constant 0 : i32
    %sign3A_18 = arith.cmpi sgt, %jit3A, %sign3A_17 : i32
    %sign3A_19 = arith.extui %sign3A_18 : i1 to i32
    %sign3A_20 = arith.constant 0 : i32
    %sign3A_21 = arith.cmpi slt, %jit3A, %sign3A_20 : i32
    %sign3A_22 = arith.extui %sign3A_21 : i1 to i32
    %sign3A_23 = arith.subi %sign3A_19, %sign3A_22 : i32
    %ne3A = arith.cmpi ne, %sign3A_16, %sign3A_23 : i32
    %rem3A = arith.remsi %add3A_10, %jit3A : i32
    %ne3A_24 = arith.constant 0 : i32
    %ne3A_25 = arith.cmpi ne, %rem3A, %ne3A_24 : i32
    %and3A = arith.andi %ne3A, %ne3A_25 : i1
    %sub3A = arith.constant 1 : i32
    %sub3A_26 = arith.subi %div3A, %sub3A : i32
    %select_n3A = arith.select %and3A, %sub3A_26, %div3A : i32
    %while3A = arith.constant 0 : i32
    %while3A_27 = arith.constant 0 : i32
    %while3A_28 = arith.subi %select_n3A, %while3A_27 : i32
    %while3A_29 = arith.addi %while3A_27, %while3A_28 : i32
    %while3A_30 = arith.constant 1 : i32
    %while3A_31 = arith.divsi %while3A_28, %while3A_30 : i32
    %while3A_32 = arith.muli %while3A_31, %while3A_30 : i32
    %while3A_33 = arith.addi %while3A_27, %while3A_32 : i32
    %while3A_34 = arith.constant 1 : i32
    scf.for %while3A_36 = %while3A_27 to %while3A_33 step %while3A_34  : i32 {
      %mul3A_37 = arith.constant 128 : i32
      %mul3A_38 = arith.muli %while3A_36, %mul3A_37 : i32
      %dma_start3A = tpu.memref_slice %arg11[%mul3A_38] : memref<12288xi32, #tpu.memory_space<vmem>> -> memref<128xi32, #tpu.memory_space<vmem>>
      %dma_start3A_39 = arith.constant 0 : i32
      %dma_start3A_40 = arith.constant 0 : i32
      %dma_start3A_41 = tpu.memref_slice %arg4[%dma_start3A_39, %dma_start3A_40] : memref<10240x128xf32, #tpu.memory_space<hbm>> -> memref<10240x128xf32, #tpu.memory_space<hbm>>
      tpu.enqueue_indirect_dma source(%dma_start3A_41 : memref<10240x128xf32, #tpu.memory_space<hbm>>) target(%arg13 : memref<128x128xf32, #tpu.memory_space<vmem>>) offsets(%dma_start3A : memref<128xi32, #tpu.memory_space<vmem>>) semaphore(%arg15 : memref<!tpu.dma_semaphore, #tpu.memory_space<semaphore_mem>>)
      %dma_wait3A = tpu.memref_slice %arg11[%mul3A_38] : memref<12288xi32, #tpu.memory_space<vmem>> -> memref<128xi32, #tpu.memory_space<vmem>>
      %dma_wait3A_42 = arith.constant 0 : i32
      %dma_wait3A_43 = arith.constant 0 : i32
      %dma_wait3A_44 = tpu.memref_slice %arg4[%dma_wait3A_42, %dma_wait3A_43] : memref<10240x128xf32, #tpu.memory_space<hbm>> -> memref<10240x128xf32, #tpu.memory_space<hbm>>
      tpu.wait_indirect_dma semaphore(%arg15 : memref<!tpu.dma_semaphore, #tpu.memory_space<semaphore_mem>>) src(%dma_wait3A_44 : memref<10240x128xf32, #tpu.memory_space<hbm>>) dst(%arg13 : memref<128x128xf32, #tpu.memory_space<vmem>>)
      %scan3A_45 = arith.constant 0 : i32
      %scan3A_46 = arith.constant 0 : i32
      %scan3A_47 = arith.constant 128 : i32
      %scan3A_48 = arith.addi %scan3A_46, %scan3A_47 : i32
      %scan3A_49 = arith.constant 1 : i32
      scf.for %scan3A_51 = %scan3A_46 to %scan3A_48 step %scan3A_49  : i32 {
        %mul3A_52 = arith.constant 0 : i32
        %mul3A_53 = vector.broadcast %mul3A_52 : i32 to vector<16xi32>
        %mul3A_54 = arith.muli %iota3A, %mul3A_53 : vector<16xi32>
        %mul3A_55 = arith.constant 128 : i32
        %mul3A_56 = arith.muli %while3A_36, %mul3A_55 : i32
        %add3A_57 = arith.addi %mul3A_56, %scan3A_51 : i32
        %add3A_58 = vector.broadcast %add3A_57 : i32 to vector<16xi32>
        %add3A_59 = arith.addi %mul3A_54, %add3A_58 : vector<16xi32>
        %gather3A = tpu.vector_load_idx %arg12[%add3A_59] : memref<12288xi32, #tpu.memory_space<vmem>>[vector<16xi32>], vector<16xi32>,
        %mul3A_60 = arith.constant 0 : i32
        %mul3A_61 = vector.broadcast %mul3A_60 : i32 to vector<16xi32>
        %mul3A_62 = arith.muli %iota3A, %mul3A_61 : vector<16xi32>
        %add3A_63 = vector.broadcast %scan3A_51 : i32 to vector<16xi32>
        %add3A_64 = arith.addi %mul3A_62, %add3A_63 : vector<16xi32>
        %add3A_65 = arith.constant 0 : i32
        %add3A_66 = vector.broadcast %add3A_65 : i32 to vector<16xi32>
        %add3A_67 = arith.addi %add3A_66, %iota3A : vector<16xi32>
        %gather3A_68 = tpu.vector_load_idx %arg14[%gather3A, %add3A_67] : memref<328x128xf32, #tpu.memory_space<vmem>>[vector<16xi32>, vector<16xi32>], vector<16xf32>,
        %gather3A_69 = tpu.vector_load_idx %arg13[%add3A_64, %add3A_67] : memref<128x128xf32, #tpu.memory_space<vmem>>[vector<16xi32>, vector<16xi32>], vector<16xf32>,
        %min3A = arith.minimumf %gather3A_68, %gather3A_69 : vector<16xf32>
        tpu.vector_store_idx %arg14[%gather3A, %add3A_67], %min3A : memref<328x128xf32, #tpu.memory_space<vmem>>[vector<16xi32>, vector<16xi32>], vector<16xf32>,
        %add3A_70 = arith.constant 16 : i32
        %add3A_71 = vector.broadcast %add3A_70 : i32 to vector<16xi32>
        %add3A_72 = arith.addi %add3A_71, %iota3A : vector<16xi32>
        %gather3A_73 = tpu.vector_load_idx %arg14[%gather3A, %add3A_72] : memref<328x128xf32, #tpu.memory_space<vmem>>[vector<16xi32>, vector<16xi32>], vector<16xf32>,
        %gather3A_74 = tpu.vector_load_idx %arg13[%add3A_64, %add3A_72] : memref<128x128xf32, #tpu.memory_space<vmem>>[vector<16xi32>, vector<16xi32>], vector<16xf32>,
        %min3A_75 = arith.minimumf %gather3A_73, %gather3A_74 : vector<16xf32>
        tpu.vector_store_idx %arg14[%gather3A, %add3A_72], %min3A_75 : memref<328x128xf32, #tpu.memory_space<vmem>>[vector<16xi32>, vector<16xi32>], vector<16xf32>,
        %add3A_76 = arith.constant 32 : i32
        %add3A_77 = vector.broadcast %add3A_76 : i32 to vector<16xi32>
        %add3A_78 = arith.addi %add3A_77, %iota3A : vector<16xi32>
        %gather3A_79 = tpu.vector_load_idx %arg14[%gather3A, %add3A_78] : memref<328x128xf32, #tpu.memory_space<vmem>>[vector<16xi32>, vector<16xi32>], vector<16xf32>,
        %gather3A_80 = tpu.vector_load_idx %arg13[%add3A_64, %add3A_78] : memref<128x128xf32, #tpu.memory_space<vmem>>[vector<16xi32>, vector<16xi32>], vector<16xf32>,
        %min3A_81 = arith.minimumf %gather3A_79, %gather3A_80 : vector<16xf32>
        tpu.vector_store_idx %arg14[%gather3A, %add3A_78], %min3A_81 : memref<328x128xf32, #tpu.memory_space<vmem>>[vector<16xi32>, vector<16xi32>], vector<16xf32>,
        %add3A_82 = arith.constant 48 : i32
        %add3A_83 = vector.broadcast %add3A_82 : i32 to vector<16xi32>
        %add3A_84 = arith.addi %add3A_83, %iota3A : vector<16xi32>
        %gather3A_85 = tpu.vector_load_idx %arg14[%gather3A, %add3A_84] : memref<328x128xf32, #tpu.memory_space<vmem>>[vector<16xi32>, vector<16xi32>], vector<16xf32>,
        %gather3A_86 = tpu.vector_load_idx %arg13[%add3A_64, %add3A_84] : memref<128x128xf32, #tpu.memory_space<vmem>>[vector<16xi32>, vector<16xi32>], vector<16xf32>,
        %min3A_87 = arith.minimumf %gather3A_85, %gather3A_86 : vector<16xf32>
        tpu.vector_store_idx %arg14[%gather3A, %add3A_84], %min3A_87 : memref<328x128xf32, #tpu.memory_space<vmem>>[vector<16xi32>, vector<16xi32>], vector<16xf32>,
        %add3A_88 = arith.constant 64 : i32
        %add3A_89 = vector.broadcast %add3A_88 : i32 to vector<16xi32>
        %add3A_90 = arith.addi %add3A_89, %iota3A : vector<16xi32>
        %gather3A_91 = tpu.vector_load_idx %arg14[%gather3A, %add3A_90] : memref<328x128xf32, #tpu.memory_space<vmem>>[vector<16xi32>, vector<16xi32>], vector<16xf32>,
        %gather3A_92 = tpu.vector_load_idx %arg13[%add3A_64, %add3A_90] : memref<128x128xf32, #tpu.memory_space<vmem>>[vector<16xi32>, vector<16xi32>], vector<16xf32>,
        %min3A_93 = arith.minimumf %gather3A_91, %gather3A_92 : vector<16xf32>
        tpu.vector_store_idx %arg14[%gather3A, %add3A_90], %min3A_93 : memref<328x128xf32, #tpu.memory_space<vmem>>[vector<16xi32>, vector<16xi32>], vector<16xf32>,
        %add3A_94 = arith.constant 80 : i32
        %add3A_95 = vector.broadcast %add3A_94 : i32 to vector<16xi32>
        %add3A_96 = arith.addi %add3A_95, %iota3A : vector<16xi32>
        %gather3A_97 = tpu.vector_load_idx %arg14[%gather3A, %add3A_96] : memref<328x128xf32, #tpu.memory_space<vmem>>[vector<16xi32>, vector<16xi32>], vector<16xf32>,
        %gather3A_98 = tpu.vector_load_idx %arg13[%add3A_64, %add3A_96] : memref<128x128xf32, #tpu.memory_space<vmem>>[vector<16xi32>, vector<16xi32>], vector<16xf32>,
        %min3A_99 = arith.minimumf %gather3A_97, %gather3A_98 : vector<16xf32>
        tpu.vector_store_idx %arg14[%gather3A, %add3A_96], %min3A_99 : memref<328x128xf32, #tpu.memory_space<vmem>>[vector<16xi32>, vector<16xi32>], vector<16xf32>,
        %add3A_100 = arith.constant 96 : i32
        %add3A_101 = vector.broadcast %add3A_100 : i32 to vector<16xi32>
        %add3A_102 = arith.addi %add3A_101, %iota3A : vector<16xi32>
        %gather3A_103 = tpu.vector_load_idx %arg14[%gather3A, %add3A_102] : memref<328x128xf32, #tpu.memory_space<vmem>>[vector<16xi32>, vector<16xi32>], vector<16xf32>,
        %gather3A_104 = tpu.vector_load_idx %arg13[%add3A_64, %add3A_102] : memref<128x128xf32, #tpu.memory_space<vmem>>[vector<16xi32>, vector<16xi32>], vector<16xf32>,
        %min3A_105 = arith.minimumf %gather3A_103, %gather3A_104 : vector<16xf32>
        tpu.vector_store_idx %arg14[%gather3A, %add3A_102], %min3A_105 : memref<328x128xf32, #tpu.memory_space<vmem>>[vector<16xi32>, vector<16xi32>], vector<16xf32>,
        %add3A_106 = arith.constant 112 : i32
        %add3A_107 = vector.broadcast %add3A_106 : i32 to vector<16xi32>
        %add3A_108 = arith.addi %add3A_107, %iota3A : vector<16xi32>
        %gather3A_109 = tpu.vector_load_idx %arg14[%gather3A, %add3A_108] : memref<328x128xf32, #tpu.memory_space<vmem>>[vector<16xi32>, vector<16xi32>], vector<16xf32>,
        %gather3A_110 = tpu.vector_load_idx %arg13[%add3A_64, %add3A_108] : memref<128x128xf32, #tpu.memory_space<vmem>>[vector<16xi32>, vector<16xi32>], vector<16xf32>,
        %min3A_111 = arith.minimumf %gather3A_109, %gather3A_110 : vector<16xf32>
        tpu.vector_store_idx %arg14[%gather3A, %add3A_108], %min3A_111 : memref<328x128xf32, #tpu.memory_space<vmem>>[vector<16xi32>, vector<16xi32>], vector<16xf32>,
      }
      %scan3A_50 = arith.constant 128 : i32
    }
    %while3A_35 = arith.constant 1 : i32
    scf.for %while3A_36 = %while3A_33 to %while3A_29 step %while3A_35  : i32 {
      %mul3A_37 = arith.constant 128 : i32
      %mul3A_38 = arith.muli %while3A_36, %mul3A_37 : i32
      %dma_start3A = tpu.memref_slice %arg11[%mul3A_38] : memref<12288xi32, #tpu.memory_space<vmem>> -> memref<128xi32, #tpu.memory_space<vmem>>
      %dma_start3A_39 = arith.constant 0 : i32
      %dma_start3A_40 = arith.constant 0 : i32
      %dma_start3A_41 = tpu.memref_slice %arg4[%dma_start3A_39, %dma_start3A_40] : memref<10240x128xf32, #tpu.memory_space<hbm>> -> memref<10240x128xf32, #tpu.memory_space<hbm>>
      tpu.enqueue_indirect_dma source(%dma_start3A_41 : memref<10240x128xf32, #tpu.memory_space<hbm>>) target(%arg13 : memref<128x128xf32, #tpu.memory_space<vmem>>) offsets(%dma_start3A : memref<128xi32, #tpu.memory_space<vmem>>) semaphore(%arg15 : memref<!tpu.dma_semaphore, #tpu.memory_space<semaphore_mem>>)
      %dma_wait3A = tpu.memref_slice %arg11[%mul3A_38] : memref<12288xi32, #tpu.memory_space<vmem>> -> memref<128xi32, #tpu.memory_space<vmem>>
      %dma_wait3A_42 = arith.constant 0 : i32
      %dma_wait3A_43 = arith.constant 0 : i32
      %dma_wait3A_44 = tpu.memref_slice %arg4[%dma_wait3A_42, %dma_wait3A_43] : memref<10240x128xf32, #tpu.memory_space<hbm>> -> memref<10240x128xf32, #tpu.memory_space<hbm>>
      tpu.wait_indirect_dma semaphore(%arg15 : memref<!tpu.dma_semaphore, #tpu.memory_space<semaphore_mem>>) src(%dma_wait3A_44 : memref<10240x128xf32, #tpu.memory_space<hbm>>) dst(%arg13 : memref<128x128xf32, #tpu.memory_space<vmem>>)
      %scan3A_45 = arith.constant 0 : i32
      %scan3A_46 = arith.constant 0 : i32
      %scan3A_47 = arith.constant 128 : i32
      %scan3A_48 = arith.addi %scan3A_46, %scan3A_47 : i32
      %scan3A_49 = arith.constant 1 : i32
      scf.for %scan3A_51 = %scan3A_46 to %scan3A_48 step %scan3A_49  : i32 {
        %mul3A_52 = arith.constant 0 : i32
        %mul3A_53 = vector.broadcast %mul3A_52 : i32 to vector<16xi32>
        %mul3A_54 = arith.muli %iota3A, %mul3A_53 : vector<16xi32>
        %mul3A_55 = arith.constant 128 : i32
        %mul3A_56 = arith.muli %while3A_36, %mul3A_55 : i32
        %add3A_57 = arith.addi %mul3A_56, %scan3A_51 : i32
        %add3A_58 = vector.broadcast %add3A_57 : i32 to vector<16xi32>
        %add3A_59 = arith.addi %mul3A_54, %add3A_58 : vector<16xi32>
        %gather3A = tpu.vector_load_idx %arg12[%add3A_59] : memref<12288xi32, #tpu.memory_space<vmem>>[vector<16xi32>], vector<16xi32>,
        %mul3A_60 = arith.constant 0 : i32
        %mul3A_61 = vector.broadcast %mul3A_60 : i32 to vector<16xi32>
        %mul3A_62 = arith.muli %iota3A, %mul3A_61 : vector<16xi32>
        %add3A_63 = vector.broadcast %scan3A_51 : i32 to vector<16xi32>
        %add3A_64 = arith.addi %mul3A_62, %add3A_63 : vector<16xi32>
        %add3A_65 = arith.constant 0 : i32
        %add3A_66 = vector.broadcast %add3A_65 : i32 to vector<16xi32>
        %add3A_67 = arith.addi %add3A_66, %iota3A : vector<16xi32>
        %gather3A_68 = tpu.vector_load_idx %arg14[%gather3A, %add3A_67] : memref<328x128xf32, #tpu.memory_space<vmem>>[vector<16xi32>, vector<16xi32>], vector<16xf32>,
        %gather3A_69 = tpu.vector_load_idx %arg13[%add3A_64, %add3A_67] : memref<128x128xf32, #tpu.memory_space<vmem>>[vector<16xi32>, vector<16xi32>], vector<16xf32>,
        %min3A = arith.minimumf %gather3A_68, %gather3A_69 : vector<16xf32>
        tpu.vector_store_idx %arg14[%gather3A, %add3A_67], %min3A : memref<328x128xf32, #tpu.memory_space<vmem>>[vector<16xi32>, vector<16xi32>], vector<16xf32>,
        %add3A_70 = arith.constant 16 : i32
        %add3A_71 = vector.broadcast %add3A_70 : i32 to vector<16xi32>
        %add3A_72 = arith.addi %add3A_71, %iota3A : vector<16xi32>
        %gather3A_73 = tpu.vector_load_idx %arg14[%gather3A, %add3A_72] : memref<328x128xf32, #tpu.memory_space<vmem>>[vector<16xi32>, vector<16xi32>], vector<16xf32>,
        %gather3A_74 = tpu.vector_load_idx %arg13[%add3A_64, %add3A_72] : memref<128x128xf32, #tpu.memory_space<vmem>>[vector<16xi32>, vector<16xi32>], vector<16xf32>,
        %min3A_75 = arith.minimumf %gather3A_73, %gather3A_74 : vector<16xf32>
        tpu.vector_store_idx %arg14[%gather3A, %add3A_72], %min3A_75 : memref<328x128xf32, #tpu.memory_space<vmem>>[vector<16xi32>, vector<16xi32>], vector<16xf32>,
        %add3A_76 = arith.constant 32 : i32
        %add3A_77 = vector.broadcast %add3A_76 : i32 to vector<16xi32>
        %add3A_78 = arith.addi %add3A_77, %iota3A : vector<16xi32>
        %gather3A_79 = tpu.vector_load_idx %arg14[%gather3A, %add3A_78] : memref<328x128xf32, #tpu.memory_space<vmem>>[vector<16xi32>, vector<16xi32>], vector<16xf32>,
        %gather3A_80 = tpu.vector_load_idx %arg13[%add3A_64, %add3A_78] : memref<128x128xf32, #tpu.memory_space<vmem>>[vector<16xi32>, vector<16xi32>], vector<16xf32>,
        %min3A_81 = arith.minimumf %gather3A_79, %gather3A_80 : vector<16xf32>
        tpu.vector_store_idx %arg14[%gather3A, %add3A_78], %min3A_81 : memref<328x128xf32, #tpu.memory_space<vmem>>[vector<16xi32>, vector<16xi32>], vector<16xf32>,
        %add3A_82 = arith.constant 48 : i32
        %add3A_83 = vector.broadcast %add3A_82 : i32 to vector<16xi32>
        %add3A_84 = arith.addi %add3A_83, %iota3A : vector<16xi32>
        %gather3A_85 = tpu.vector_load_idx %arg14[%gather3A, %add3A_84] : memref<328x128xf32, #tpu.memory_space<vmem>>[vector<16xi32>, vector<16xi32>], vector<16xf32>,
        %gather3A_86 = tpu.vector_load_idx %arg13[%add3A_64, %add3A_84] : memref<128x128xf32, #tpu.memory_space<vmem>>[vector<16xi32>, vector<16xi32>], vector<16xf32>,
        %min3A_87 = arith.minimumf %gather3A_85, %gather3A_86 : vector<16xf32>
        tpu.vector_store_idx %arg14[%gather3A, %add3A_84], %min3A_87 : memref<328x128xf32, #tpu.memory_space<vmem>>[vector<16xi32>, vector<16xi32>], vector<16xf32>,
        %add3A_88 = arith.constant 64 : i32
        %add3A_89 = vector.broadcast %add3A_88 : i32 to vector<16xi32>
        %add3A_90 = arith.addi %add3A_89, %iota3A : vector<16xi32>
        %gather3A_91 = tpu.vector_load_idx %arg14[%gather3A, %add3A_90] : memref<328x128xf32, #tpu.memory_space<vmem>>[vector<16xi32>, vector<16xi32>], vector<16xf32>,
        %gather3A_92 = tpu.vector_load_idx %arg13[%add3A_64, %add3A_90] : memref<128x128xf32, #tpu.memory_space<vmem>>[vector<16xi32>, vector<16xi32>], vector<16xf32>,
        %min3A_93 = arith.minimumf %gather3A_91, %gather3A_92 : vector<16xf32>
        tpu.vector_store_idx %arg14[%gather3A, %add3A_90], %min3A_93 : memref<328x128xf32, #tpu.memory_space<vmem>>[vector<16xi32>, vector<16xi32>], vector<16xf32>,
        %add3A_94 = arith.constant 80 : i32
        %add3A_95 = vector.broadcast %add3A_94 : i32 to vector<16xi32>
        %add3A_96 = arith.addi %add3A_95, %iota3A : vector<16xi32>
        %gather3A_97 = tpu.vector_load_idx %arg14[%gather3A, %add3A_96] : memref<328x128xf32, #tpu.memory_space<vmem>>[vector<16xi32>, vector<16xi32>], vector<16xf32>,
        %gather3A_98 = tpu.vector_load_idx %arg13[%add3A_64, %add3A_96] : memref<128x128xf32, #tpu.memory_space<vmem>>[vector<16xi32>, vector<16xi32>], vector<16xf32>,
        %min3A_99 = arith.minimumf %gather3A_97, %gather3A_98 : vector<16xf32>
        tpu.vector_store_idx %arg14[%gather3A, %add3A_96], %min3A_99 : memref<328x128xf32, #tpu.memory_space<vmem>>[vector<16xi32>, vector<16xi32>], vector<16xf32>,
        %add3A_100 = arith.constant 96 : i32
        %add3A_101 = vector.broadcast %add3A_100 : i32 to vector<16xi32>
        %add3A_102 = arith.addi %add3A_101, %iota3A : vector<16xi32>
        %gather3A_103 = tpu.vector_load_idx %arg14[%gather3A, %add3A_102] : memref<328x128xf32, #tpu.memory_space<vmem>>[vector<16xi32>, vector<16xi32>], vector<16xf32>,
        %gather3A_104 = tpu.vector_load_idx %arg13[%add3A_64, %add3A_102] : memref<128x128xf32, #tpu.memory_space<vmem>>[vector<16xi32>, vector<16xi32>], vector<16xf32>,
        %min3A_105 = arith.minimumf %gather3A_103, %gather3A_104 : vector<16xf32>
        tpu.vector_store_idx %arg14[%gather3A, %add3A_102], %min3A_105 : memref<328x128xf32, #tpu.memory_space<vmem>>[vector<16xi32>, vector<16xi32>], vector<16xf32>,
        %add3A_106 = arith.constant 112 : i32
        %add3A_107 = vector.broadcast %add3A_106 : i32 to vector<16xi32>
        %add3A_108 = arith.addi %add3A_107, %iota3A : vector<16xi32>
        %gather3A_109 = tpu.vector_load_idx %arg14[%gather3A, %add3A_108] : memref<328x128xf32, #tpu.memory_space<vmem>>[vector<16xi32>, vector<16xi32>], vector<16xf32>,
        %gather3A_110 = tpu.vector_load_idx %arg13[%add3A_64, %add3A_108] : memref<128x128xf32, #tpu.memory_space<vmem>>[vector<16xi32>, vector<16xi32>], vector<16xf32>,
        %min3A_111 = arith.minimumf %gather3A_109, %gather3A_110 : vector<16xf32>
        tpu.vector_store_idx %arg14[%gather3A, %add3A_108], %min3A_111 : memref<328x128xf32, #tpu.memory_space<vmem>>[vector<16xi32>, vector<16xi32>], vector<16xf32>,
      }
      %scan3A_50 = arith.constant 128 : i32
    }
    "tpu.region"() ({
      %run_scoped3A = tpu.sem_alloc : memref<!tpu.dma_semaphore, #tpu.memory_space<semaphore_mem>>
      %dma_start3A = arith.constant 0 : i32
      %dma_start3A_36 = arith.constant 0 : i32
      %dma_start3A_37 = tpu.memref_slice %arg14[%dma_start3A, %dma_start3A_36] : memref<328x128xf32, #tpu.memory_space<vmem>> -> memref<320x128xf32, #tpu.memory_space<vmem>>
      %dma_start3A_38 = arith.constant 0 : i32
      %dma_start3A_39 = tpu.memref_slice %arg8[%mul3A_2, %dma_start3A_38] : memref<10240x128xf32, #tpu.memory_space<hbm>> -> memref<320x128xf32, #tpu.memory_space<hbm>>
      %dma_start3A_40 = arith.constant 0 : i32
      %dma_start3A_41 = tpu.memref_slice %arg8[%mul3A_2, %dma_start3A_40] : memref<10240x128xf32, #tpu.memory_space<hbm>> -> memref<320x128xf32, #tpu.memory_space<hbm>>
      %dma_start3A_42 = arith.constant 0 : i32
      %dma_start3A_43 = arith.constant 0 : i32
      %dma_start3A_44 = tpu.memref_slice %arg14[%dma_start3A_42, %dma_start3A_43] : memref<328x128xf32, #tpu.memory_space<vmem>> -> memref<320x128xf32, #tpu.memory_space<vmem>>
      tpu.enqueue_dma source(%dma_start3A_44 : memref<320x128xf32, #tpu.memory_space<vmem>>) target(%dma_start3A_41 : memref<320x128xf32, #tpu.memory_space<hbm>>) target_semaphore(%run_scoped3A : memref<!tpu.dma_semaphore, #tpu.memory_space<semaphore_mem>>)
      %dma_wait3A = arith.constant 0 : i32
      %dma_wait3A_45 = arith.constant 0 : i32
      %dma_wait3A_46 = tpu.memref_slice %arg14[%dma_wait3A, %dma_wait3A_45] : memref<328x128xf32, #tpu.memory_space<vmem>> -> memref<320x128xf32, #tpu.memory_space<vmem>>
      %dma_wait3A_47 = arith.constant 0 : i32
      %dma_wait3A_48 = tpu.memref_slice %arg8[%mul3A_2, %dma_wait3A_47] : memref<10240x128xf32, #tpu.memory_space<hbm>> -> memref<320x128xf32, #tpu.memory_space<hbm>>
      %dma_wait3A_49 = arith.constant 0 : i32
      %dma_wait3A_50 = tpu.memref_slice %arg8[%mul3A_2, %dma_wait3A_49] : memref<10240x128xf32, #tpu.memory_space<hbm>> -> memref<320x128xf32, #tpu.memory_space<hbm>>
      %dma_wait3A_51 = arith.constant 0 : i32
      %dma_wait3A_52 = arith.constant 0 : i32
      %dma_wait3A_53 = tpu.memref_slice %arg14[%dma_wait3A_51, %dma_wait3A_52] : memref<328x128xf32, #tpu.memory_space<vmem>> -> memref<320x128xf32, #tpu.memory_space<vmem>>
      tpu.wait_dma2 semaphore(%run_scoped3A : memref<!tpu.dma_semaphore, #tpu.memory_space<semaphore_mem>>) src(%dma_wait3A_53 : memref<320x128xf32, #tpu.memory_space<vmem>>) dst(%dma_wait3A_50 : memref<320x128xf32, #tpu.memory_space<hbm>>)
      tpu.yield
    }) : () -> ()
    return
  }
}

module attributes {stable_mosaic.version = 14 : i64} {
  func.func @_tc_a(%arg0: i32, %arg1: i32, %arg2: memref<1x1024x128xf32, #tpu.memory_space<vmem>>, %arg3: memref<1x1x128xf32, #tpu.memory_space<vmem>>, %arg4: memref<1x1x128xf32, #tpu.memory_space<vmem>>, %arg5: memref<1x128x128xf32, #tpu.memory_space<vmem>>, %arg6: memref<1x1x128xf32, #tpu.memory_space<vmem>>, %arg7: memref<1x1024x128xf32, #tpu.memory_space<vmem>>, %arg8: memref<1x2x128xf32, #tpu.memory_space<vmem>>, %arg9: memref<2x128xf32, #tpu.memory_space<vmem>>) attributes {dimension_semantics = [#tpu.dimension_semantics<arbitrary>, #tpu.dimension_semantics<arbitrary>], iteration_bounds = array<i64: 2, 10>, scalar_prefetch = 0 : i64, scratch_operands = 1 : i64, tpu.core_type = #tpu.core_type<tc>, window_params = [{transform_indices = @transform_0, window_bounds = array<i64: 1, 1024, 128>}, {transform_indices = @transform_1, window_bounds = array<i64: 1, 1, 128>}, {transform_indices = @transform_2, window_bounds = array<i64: 1, 1, 128>}, {transform_indices = @transform_3, window_bounds = array<i64: 1, 128, 128>}, {transform_indices = @transform_4, window_bounds = array<i64: 1, 1, 128>}, {transform_indices = @transform_5, window_bounds = array<i64: 1, 1024, 128>}, {transform_indices = @transform_6, window_bounds = array<i64: 1, 2, 128>}]} {
    %get3A = arith.constant 0 : index
    %get3A_0 = arith.constant 0 : index
    %get3A_1 = arith.constant 0 : index
    %get3A_2 = vector.load %arg2[%get3A, %get3A_0, %get3A_1] : memref<1x1024x128xf32, #tpu.memory_space<vmem>>, vector<1x1024x128xf32>
    %get3A_3 = vector.shape_cast %get3A_2 : vector<1x1024x128xf32> to vector<1024x128xf32>
    %mul3A = arith.mulf %get3A_3, %get3A_3 : vector<1024x128xf32>
    %reduce_sum3A = arith.constant dense<0.000000e+00> : vector<1024xf32>
    %reduce_sum3A_4 = vector.multi_reduction <add>, %mul3A, %reduce_sum3A [1] : vector<1024x128xf32> to vector<1024xf32>
    %broadcast_in_dim3A = vector.shape_cast %reduce_sum3A_4 : vector<1024xf32> to vector<1024x1xf32>
    %sqrt3A = math.sqrt %broadcast_in_dim3A : vector<1024x1xf32>
    %max3A = arith.constant 9.99999996E-13 : f32
    %max3A_5 = vector.broadcast %max3A : f32 to vector<1024x1xf32>
    %max3A_6 = arith.maximumf %sqrt3A, %max3A_5 : vector<1024x1xf32>
    %div3A = vector.broadcast %max3A_6 : vector<1024x1xf32> to vector<1024x128xf32>
    %div3A_7 = arith.divf %get3A_3, %div3A : vector<1024x128xf32>
    %eq3A = arith.constant 1 : i32
    %eq3A_8 = arith.cmpi eq, %arg0, %eq3A : i32
    %select_n3A = arith.select %eq3A_8, %div3A_7, %get3A_3 : vector<1024x128xf32>
    %reduce_sum3A_9 = arith.constant dense<0.000000e+00> : vector<1024xf32>
    %reduce_sum3A_10 = vector.multi_reduction <add>, %select_n3A, %reduce_sum3A_9 [1] : vector<1024x128xf32> to vector<1024xf32>
    %broadcast_in_dim3A_11 = vector.shape_cast %reduce_sum3A_10 : vector<1024xf32> to vector<1024x1xf32>
    %div3A_12 = arith.constant 1.280000e+02 : f32
    %div3A_13 = vector.broadcast %div3A_12 : f32 to vector<1024x1xf32>
    %div3A_14 = arith.divf %broadcast_in_dim3A_11, %div3A_13 : vector<1024x1xf32>
    %sub3A = vector.broadcast %div3A_14 : vector<1024x1xf32> to vector<1024x128xf32>
    %sub3A_15 = arith.subf %select_n3A, %sub3A : vector<1024x128xf32>
    %integer_pow3A = arith.mulf %sub3A_15, %sub3A_15 : vector<1024x128xf32>
    %reduce_sum3A_16 = arith.constant dense<0.000000e+00> : vector<1024xf32>
    %reduce_sum3A_17 = vector.multi_reduction <add>, %integer_pow3A, %reduce_sum3A_16 [1] : vector<1024x128xf32> to vector<1024xf32>
    %broadcast_in_dim3A_18 = vector.shape_cast %reduce_sum3A_17 : vector<1024xf32> to vector<1024x1xf32>
    %div3A_19 = arith.constant 1.280000e+02 : f32
    %div3A_20 = vector.broadcast %div3A_19 : f32 to vector<1024x1xf32>
    %div3A_21 = arith.divf %broadcast_in_dim3A_18, %div3A_20 : vector<1024x1xf32>
    %get3A_22 = arith.constant 0 : index
    %get3A_23 = arith.constant 0 : index
    %get3A_24 = arith.constant 0 : index
    %get3A_25 = vector.load %arg3[%get3A_22, %get3A_23, %get3A_24] : memref<1x1x128xf32, #tpu.memory_space<vmem>>, vector<1x1x128xf32>
    %get3A_26 = vector.shape_cast %get3A_25 : vector<1x1x128xf32> to vector<1x128xf32>
    %sub3A_27 = vector.broadcast %div3A_14 : vector<1024x1xf32> to vector<1024x128xf32>
    %sub3A_28 = arith.subf %select_n3A, %sub3A_27 : vector<1024x128xf32>
    %mul3A_29 = vector.broadcast %get3A_26 : vector<1x128xf32> to vector<1024x128xf32>
    %mul3A_30 = arith.mulf %mul3A_29, %sub3A_28 : vector<1024x128xf32>
    %add3A = arith.constant 9.99999974E-6 : f32
    %add3A_31 = vector.broadcast %add3A : f32 to vector<1024x1xf32>
    %add3A_32 = arith.addf %div3A_21, %add3A_31 : vector<1024x1xf32>
    %rsqrt3A = math.rsqrt %add3A_32 : vector<1024x1xf32>
    %mul3A_33 = vector.broadcast %rsqrt3A : vector<1024x1xf32> to vector<1024x128xf32>
    %mul3A_34 = arith.mulf %mul3A_30, %mul3A_33 : vector<1024x128xf32>
    %get3A_35 = arith.constant 0 : index
    %get3A_36 = arith.constant 0 : index
    %get3A_37 = arith.constant 0 : index
    %get3A_38 = vector.load %arg4[%get3A_35, %get3A_36, %get3A_37] : memref<1x1x128xf32, #tpu.memory_space<vmem>>, vector<1x1x128xf32>
    %get3A_39 = vector.shape_cast %get3A_38 : vector<1x1x128xf32> to vector<1x128xf32>
    %add3A_40 = vector.broadcast %get3A_39 : vector<1x128xf32> to vector<1024x128xf32>
    %add3A_41 = arith.addf %mul3A_34, %add3A_40 : vector<1024x128xf32>
    %get3A_42 = arith.constant 0 : index
    %get3A_43 = arith.constant 0 : index
    %get3A_44 = arith.constant 0 : index
    %get3A_45 = vector.load %arg5[%get3A_42, %get3A_43, %get3A_44] : memref<1x128x128xf32, #tpu.memory_space<vmem>>, vector<1x128x128xf32>
    %get3A_46 = vector.shape_cast %get3A_45 : vector<1x128x128xf32> to vector<128x128xf32>
    %dot_general3A = arith.constant dense<0.000000e+00> : vector<1024x128xf32>
    %dot_general3A_47 = tpu.matmul %add3A_41, %get3A_46, %dot_general3A {dimension_numbers = #tpu.dot_dimension_numbers<[1], [0], [0], [1], [0, 0, 1, 1], [], []>, transpose_lhs_hint = false} : vector<1024x128xf32>, vector<128x128xf32>, vector<1024x128xf32> -> vector<1024x128xf32>
    %get3A_48 = arith.constant 0 : index
    %get3A_49 = arith.constant 0 : index
    %get3A_50 = arith.constant 0 : index
    %get3A_51 = vector.load %arg6[%get3A_48, %get3A_49, %get3A_50] : memref<1x1x128xf32, #tpu.memory_space<vmem>>, vector<1x1x128xf32>
    %get3A_52 = vector.shape_cast %get3A_51 : vector<1x1x128xf32> to vector<1x128xf32>
    %add3A_53 = vector.broadcast %get3A_52 : vector<1x128xf32> to vector<1024x128xf32>
    %add3A_54 = arith.addf %dot_general3A_47, %add3A_53 : vector<1024x128xf32>
    %ge3A = arith.constant 0.000000e+00 : f32
    %ge3A_55 = vector.broadcast %ge3A : f32 to vector<1024x128xf32>
    %ge3A_56 = arith.cmpf oge, %add3A_54, %ge3A_55 : vector<1024x128xf32>
    %mul3A_57 = arith.constant 0.00999999977 : f32
    %mul3A_58 = vector.broadcast %mul3A_57 : f32 to vector<1024x128xf32>
    %mul3A_59 = arith.mulf %mul3A_58, %add3A_54 : vector<1024x128xf32>
    %select_n3A_60 = arith.select %ge3A_56, %add3A_54, %mul3A_59 : vector<1024x128xi1>, vector<1024x128xf32>
    %swap3A = arith.constant 0 : index
    %swap3A_61 = arith.constant 0 : index
    %swap3A_62 = arith.constant 0 : index
    %swap3A_63 = vector.load %arg7[%swap3A, %swap3A_61, %swap3A_62] : memref<1x1024x128xf32, #tpu.memory_space<vmem>>, vector<1x1024x128xf32>
    %swap3A_64 = vector.shape_cast %swap3A_63 : vector<1x1024x128xf32> to vector<1024x128xf32>
    %swap3A_65 = vector.shape_cast %select_n3A_60 : vector<1024x128xf32> to vector<1x1024x128xf32>
    tpu.vector_store %arg7[%swap3A, %swap3A_61, %swap3A_62], %swap3A_65 {strides = array<i32>} : memref<1x1024x128xf32, #tpu.memory_space<vmem>>, vector<1x1024x128xf32>,
    %mul3A_66 = arith.constant 1024 : i32
    %mul3A_67 = arith.muli %arg1, %mul3A_66 : i32
    %iota3A = tpu.iota {dimensions = array<i32: 0>} : vector<1024x1xi32>
    %add3A_68 = vector.broadcast %mul3A_67 : i32 to vector<1024x1xi32>
    %add3A_69 = arith.addi %add3A_68, %iota3A : vector<1024x1xi32>
    %lt3A = arith.constant 10000 : i32
    %lt3A_70 = vector.broadcast %lt3A : i32 to vector<1024x1xi32>
    %lt3A_71 = arith.cmpi slt, %add3A_69, %lt3A_70 : vector<1024x1xi32>
    %jit3A = arith.constant 0.000000e+00 : f32
    %broadcast_in_dim3A_72 = vector.shape_cast %lt3A_71 : vector<1024x1xi1> to vector<1024x1xi1>
    %broadcast_in_dim3A_73 = vector.broadcast %broadcast_in_dim3A_72 : vector<1024x1xi1> to vector<1024x128xi1>
    %broadcast_in_dim3A_74 = vector.broadcast %jit3A : f32 to vector<1024x128xf32>
    %select_n3A_75 = arith.select %broadcast_in_dim3A_73, %select_n3A_60, %broadcast_in_dim3A_74 : vector<1024x128xi1>, vector<1024x128xf32>
    %reduce_sum3A_76 = arith.constant dense<0.000000e+00> : vector<128xf32>
    %reduce_sum3A_77 = vector.multi_reduction <add>, %select_n3A_75, %reduce_sum3A_76 [0] : vector<1024x128xf32> to vector<128xf32>
    %broadcast_in_dim3A_78 = vector.shape_cast %reduce_sum3A_77 : vector<128xf32> to vector<1x128xf32>
    %mul3A_79 = arith.mulf %select_n3A_75, %select_n3A_75 : vector<1024x128xf32>
    %reduce_sum3A_80 = arith.constant dense<0.000000e+00> : vector<128xf32>
    %reduce_sum3A_81 = vector.multi_reduction <add>, %mul3A_79, %reduce_sum3A_80 [0] : vector<1024x128xf32> to vector<128xf32>
    %broadcast_in_dim3A_82 = vector.shape_cast %reduce_sum3A_81 : vector<128xf32> to vector<1x128xf32>
    %eq3A_83 = arith.constant 0 : i32
    %eq3A_84 = arith.cmpi eq, %arg1, %eq3A_83 : i32
    %convert_element_type3A = arith.extui %eq3A_84 : i1 to i32
    %cond3A = arith.constant 0 : i32
    %cond3A_85 = arith.cmpi ne, %convert_element_type3A, %cond3A : i32
    scf.if %cond3A_85 {
      %broadcast_in_dim3A_105 = arith.constant 0.000000e+00 : f32
      %broadcast_in_dim3A_106 = vector.broadcast %broadcast_in_dim3A_105 : f32 to vector<2x128xf32>
      %swap3A_107 = arith.constant 0 : index
      %swap3A_108 = arith.constant 0 : index
      %swap3A_109 = vector.load %arg9[%swap3A_107, %swap3A_108] : memref<2x128xf32, #tpu.memory_space<vmem>>, vector<2x128xf32>
      tpu.vector_store %arg9[%swap3A_107, %swap3A_108], %broadcast_in_dim3A_106 {strides = array<i32>} : memref<2x128xf32, #tpu.memory_space<vmem>>, vector<2x128xf32>,
    } else {
    }
    %get3A_86 = arith.constant 0 : index
    %get3A_87 = arith.constant 0 : index
    %get3A_88 = vector.load %arg9[%get3A_86, %get3A_87] : memref<2x128xf32, #tpu.memory_space<vmem>>, vector<1x128xf32>
    %add3A_89 = arith.addf %get3A_88, %broadcast_in_dim3A_78 : vector<1x128xf32>
    %swap3A_90 = arith.constant 0 : index
    %swap3A_91 = arith.constant 0 : index
    %swap3A_92 = vector.load %arg9[%swap3A_90, %swap3A_91] : memref<2x128xf32, #tpu.memory_space<vmem>>, vector<1x128xf32>
    tpu.vector_store %arg9[%swap3A_90, %swap3A_91], %add3A_89 {strides = array<i32>} : memref<2x128xf32, #tpu.memory_space<vmem>>, vector<1x128xf32>,
    %get3A_93 = arith.constant 1 : index
    %get3A_94 = arith.constant 0 : index
    %get3A_95 = vector.load %arg9[%get3A_93, %get3A_94] : memref<2x128xf32, #tpu.memory_space<vmem>>, vector<1x128xf32>
    %add3A_96 = arith.addf %get3A_95, %broadcast_in_dim3A_82 : vector<1x128xf32>
    %swap3A_97 = arith.constant 1 : index
    %swap3A_98 = arith.constant 0 : index
    %swap3A_99 = vector.load %arg9[%swap3A_97, %swap3A_98] : memref<2x128xf32, #tpu.memory_space<vmem>>, vector<1x128xf32>
    tpu.vector_store %arg9[%swap3A_97, %swap3A_98], %add3A_96 {strides = array<i32>} : memref<2x128xf32, #tpu.memory_space<vmem>>, vector<1x128xf32>,
    %eq3A_100 = arith.constant 9 : i32
    %eq3A_101 = arith.cmpi eq, %arg1, %eq3A_100 : i32
    %convert_element_type3A_102 = arith.extui %eq3A_101 : i1 to i32
    %cond3A_103 = arith.constant 0 : i32
    %cond3A_104 = arith.cmpi ne, %convert_element_type3A_102, %cond3A_103 : i32
    scf.if %cond3A_104 {
      %get3A_105 = arith.constant 0 : index
      %get3A_106 = arith.constant 0 : index
      %get3A_107 = vector.load %arg9[%get3A_105, %get3A_106] : memref<2x128xf32, #tpu.memory_space<vmem>>, vector<2x128xf32>
      %swap3A_108 = arith.constant 0 : index
      %swap3A_109 = arith.constant 0 : index
      %swap3A_110 = arith.constant 0 : index
      %swap3A_111 = vector.load %arg8[%swap3A_108, %swap3A_109, %swap3A_110] : memref<1x2x128xf32, #tpu.memory_space<vmem>>, vector<1x2x128xf32>
      %swap3A_112 = vector.shape_cast %swap3A_111 : vector<1x2x128xf32> to vector<2x128xf32>
      %swap3A_113 = vector.shape_cast %get3A_107 : vector<2x128xf32> to vector<1x2x128xf32>
      tpu.vector_store %arg8[%swap3A_108, %swap3A_109, %swap3A_110], %swap3A_113 {strides = array<i32>} : memref<1x2x128xf32, #tpu.memory_space<vmem>>, vector<1x2x128xf32>,
    } else {
    }
    return
  }
  func.func @transform_0(%arg0: i32, %arg1: i32) -> (i32, i32, i32) {
    %c0_i32 = arith.constant 0 : i32
    %c0_i32_0 = arith.constant 0 : i32
    return %arg0, %arg1, %c0_i32 : i32, i32, i32
  }
  func.func @transform_1(%arg0: i32, %arg1: i32) -> (i32, i32, i32) {
    %c0_i32 = arith.constant 0 : i32
    %c0_i32_0 = arith.constant 0 : i32
    %c0_i32_1 = arith.constant 0 : i32
    return %arg0, %c0_i32, %c0_i32_0 : i32, i32, i32
  }
  func.func @transform_2(%arg0: i32, %arg1: i32) -> (i32, i32, i32) {
    %c0_i32 = arith.constant 0 : i32
    %c0_i32_0 = arith.constant 0 : i32
    %c0_i32_1 = arith.constant 0 : i32
    return %arg0, %c0_i32, %c0_i32_0 : i32, i32, i32
  }
  func.func @transform_3(%arg0: i32, %arg1: i32) -> (i32, i32, i32) {
    %c0_i32 = arith.constant 0 : i32
    %c0_i32_0 = arith.constant 0 : i32
    %c0_i32_1 = arith.constant 0 : i32
    return %arg0, %c0_i32, %c0_i32_0 : i32, i32, i32
  }
  func.func @transform_4(%arg0: i32, %arg1: i32) -> (i32, i32, i32) {
    %c0_i32 = arith.constant 0 : i32
    %c0_i32_0 = arith.constant 0 : i32
    %c0_i32_1 = arith.constant 0 : i32
    return %arg0, %c0_i32, %c0_i32_0 : i32, i32, i32
  }
  func.func @transform_5(%arg0: i32, %arg1: i32) -> (i32, i32, i32) {
    %c0_i32 = arith.constant 0 : i32
    %c0_i32_0 = arith.constant 0 : i32
    return %arg0, %arg1, %c0_i32 : i32, i32, i32
  }
  func.func @transform_6(%arg0: i32, %arg1: i32) -> (i32, i32, i32) {
    %c0_i32 = arith.constant 0 : i32
    %c0_i32_0 = arith.constant 0 : i32
    %c0_i32_1 = arith.constant 0 : i32
    return %arg0, %c0_i32, %c0_i32_0 : i32, i32, i32
  }
}

module attributes {stable_mosaic.version = 14 : i64} {
  func.func @_tc_b(%arg0: i32, %arg1: i32, %arg2: memref<1x1024x128xf32, #tpu.memory_space<vmem>>, %arg3: memref<1x2x128xf32, #tpu.memory_space<vmem>>, %arg4: memref<1x1x128xf32, #tpu.memory_space<vmem>>, %arg5: memref<1x1x128xf32, #tpu.memory_space<vmem>>, %arg6: memref<1x1x128xf32, #tpu.memory_space<vmem>>, %arg7: memref<1x128x128xf32, #tpu.memory_space<vmem>>, %arg8: memref<1x128x128xf32, #tpu.memory_space<vmem>>, %arg9: memref<1x1x128xf32, #tpu.memory_space<vmem>>, %arg10: memref<1x1024x128xf32, #tpu.memory_space<vmem>>, %arg11: memref<1x1024x128xf32, #tpu.memory_space<vmem>>) attributes {dimension_semantics = [#tpu.dimension_semantics<arbitrary>, #tpu.dimension_semantics<arbitrary>], iteration_bounds = array<i64: 2, 10>, scalar_prefetch = 0 : i64, scratch_operands = 0 : i64, tpu.core_type = #tpu.core_type<tc>, window_params = [{transform_indices = @transform_0, window_bounds = array<i64: 1, 1024, 128>}, {transform_indices = @transform_1, window_bounds = array<i64: 1, 2, 128>}, {transform_indices = @transform_2, window_bounds = array<i64: 1, 1, 128>}, {transform_indices = @transform_3, window_bounds = array<i64: 1, 1, 128>}, {transform_indices = @transform_4, window_bounds = array<i64: 1, 1, 128>}, {transform_indices = @transform_5, window_bounds = array<i64: 1, 128, 128>}, {transform_indices = @transform_6, window_bounds = array<i64: 1, 128, 128>}, {transform_indices = @transform_7, window_bounds = array<i64: 1, 1, 128>}, {transform_indices = @transform_8, window_bounds = array<i64: 1, 1024, 128>}, {transform_indices = @transform_9, window_bounds = array<i64: 1, 1024, 128>}]} {
    %get3A = arith.constant 0 : index
    %get3A_0 = arith.constant 0 : index
    %get3A_1 = arith.constant 0 : index
    %get3A_2 = vector.load %arg2[%get3A, %get3A_0, %get3A_1] : memref<1x1024x128xf32, #tpu.memory_space<vmem>>, vector<1x1024x128xf32>
    %get3A_3 = vector.shape_cast %get3A_2 : vector<1x1024x128xf32> to vector<1024x128xf32>
    %get3A_4 = arith.constant 0 : index
    %get3A_5 = arith.constant 0 : index
    %get3A_6 = arith.constant 0 : index
    %get3A_7 = vector.load %arg3[%get3A_4, %get3A_5, %get3A_6] : memref<1x2x128xf32, #tpu.memory_space<vmem>>, vector<1x1x128xf32>
    %get3A_8 = vector.shape_cast %get3A_7 : vector<1x1x128xf32> to vector<1x128xf32>
    %div3A = arith.constant 1.000000e+04 : f32
    %div3A_9 = vector.broadcast %div3A : f32 to vector<1x128xf32>
    %div3A_10 = arith.divf %get3A_8, %div3A_9 : vector<1x128xf32>
    %get3A_11 = arith.constant 0 : index
    %get3A_12 = arith.constant 1 : index
    %get3A_13 = arith.constant 0 : index
    %get3A_14 = vector.load %arg3[%get3A_11, %get3A_12, %get3A_13] : memref<1x2x128xf32, #tpu.memory_space<vmem>>, vector<1x1x128xf32>
    %get3A_15 = vector.shape_cast %get3A_14 : vector<1x1x128xf32> to vector<1x128xf32>
    %div3A_16 = arith.constant 1.000000e+04 : f32
    %div3A_17 = vector.broadcast %div3A_16 : f32 to vector<1x128xf32>
    %div3A_18 = arith.divf %get3A_15, %div3A_17 : vector<1x128xf32>
    %get3A_19 = arith.constant 0 : index
    %get3A_20 = arith.constant 0 : index
    %get3A_21 = arith.constant 0 : index
    %get3A_22 = vector.load %arg6[%get3A_19, %get3A_20, %get3A_21] : memref<1x1x128xf32, #tpu.memory_space<vmem>>, vector<1x1x128xf32>
    %get3A_23 = vector.shape_cast %get3A_22 : vector<1x1x128xf32> to vector<1x128xf32>
    %mul3A = arith.mulf %div3A_10, %div3A_10 : vector<1x128xf32>
    %mul3A_24 = arith.mulf %mul3A, %get3A_23 : vector<1x128xf32>
    %sub3A = arith.constant 2.000000e+00 : f32
    %sub3A_25 = vector.broadcast %sub3A : f32 to vector<1x128xf32>
    %sub3A_26 = arith.subf %sub3A_25, %get3A_23 : vector<1x128xf32>
    %mul3A_27 = arith.mulf %mul3A_24, %sub3A_26 : vector<1x128xf32>
    %sub3A_28 = arith.subf %div3A_18, %mul3A_27 : vector<1x128xf32>
    %get3A_29 = arith.constant 0 : index
    %get3A_30 = arith.constant 0 : index
    %get3A_31 = arith.constant 0 : index
    %get3A_32 = vector.load %arg4[%get3A_29, %get3A_30, %get3A_31] : memref<1x1x128xf32, #tpu.memory_space<vmem>>, vector<1x1x128xf32>
    %get3A_33 = vector.shape_cast %get3A_32 : vector<1x1x128xf32> to vector<1x128xf32>
    %mul3A_34 = arith.mulf %get3A_23, %div3A_10 : vector<1x128xf32>
    %sub3A_35 = vector.broadcast %mul3A_34 : vector<1x128xf32> to vector<1024x128xf32>
    %sub3A_36 = arith.subf %get3A_3, %sub3A_35 : vector<1024x128xf32>
    %mul3A_37 = vector.broadcast %get3A_33 : vector<1x128xf32> to vector<1024x128xf32>
    %mul3A_38 = arith.mulf %mul3A_37, %sub3A_36 : vector<1024x128xf32>
    %add3A = arith.constant 9.99999974E-6 : f32
    %add3A_39 = vector.broadcast %add3A : f32 to vector<1x128xf32>
    %add3A_40 = arith.addf %sub3A_28, %add3A_39 : vector<1x128xf32>
    %rsqrt3A = math.rsqrt %add3A_40 : vector<1x128xf32>
    %mul3A_41 = vector.broadcast %rsqrt3A : vector<1x128xf32> to vector<1024x128xf32>
    %mul3A_42 = arith.mulf %mul3A_38, %mul3A_41 : vector<1024x128xf32>
    %get3A_43 = arith.constant 0 : index
    %get3A_44 = arith.constant 0 : index
    %get3A_45 = arith.constant 0 : index
    %get3A_46 = vector.load %arg5[%get3A_43, %get3A_44, %get3A_45] : memref<1x1x128xf32, #tpu.memory_space<vmem>>, vector<1x1x128xf32>
    %get3A_47 = vector.shape_cast %get3A_46 : vector<1x1x128xf32> to vector<1x128xf32>
    %add3A_48 = vector.broadcast %get3A_47 : vector<1x128xf32> to vector<1024x128xf32>
    %add3A_49 = arith.addf %mul3A_42, %add3A_48 : vector<1024x128xf32>
    %get3A_50 = arith.constant 0 : index
    %get3A_51 = arith.constant 0 : index
    %get3A_52 = arith.constant 0 : index
    %get3A_53 = vector.load %arg7[%get3A_50, %get3A_51, %get3A_52] : memref<1x128x128xf32, #tpu.memory_space<vmem>>, vector<1x128x128xf32>
    %get3A_54 = vector.shape_cast %get3A_53 : vector<1x128x128xf32> to vector<128x128xf32>
    %dot_general3A = arith.constant dense<0.000000e+00> : vector<1024x128xf32>
    %dot_general3A_55 = tpu.matmul %add3A_49, %get3A_54, %dot_general3A {dimension_numbers = #tpu.dot_dimension_numbers<[1], [0], [0], [1], [0, 0, 1, 1], [], []>, transpose_lhs_hint = false} : vector<1024x128xf32>, vector<128x128xf32>, vector<1024x128xf32> -> vector<1024x128xf32>
    %swap3A = arith.constant 0 : index
    %swap3A_56 = arith.constant 0 : index
    %swap3A_57 = arith.constant 0 : index
    %swap3A_58 = vector.load %arg10[%swap3A, %swap3A_56, %swap3A_57] : memref<1x1024x128xf32, #tpu.memory_space<vmem>>, vector<1x1024x128xf32>
    %swap3A_59 = vector.shape_cast %swap3A_58 : vector<1x1024x128xf32> to vector<1024x128xf32>
    %swap3A_60 = vector.shape_cast %dot_general3A_55 : vector<1024x128xf32> to vector<1x1024x128xf32>
    tpu.vector_store %arg10[%swap3A, %swap3A_56, %swap3A_57], %swap3A_60 {strides = array<i32>} : memref<1x1024x128xf32, #tpu.memory_space<vmem>>, vector<1x1024x128xf32>,
    %get3A_61 = arith.constant 0 : index
    %get3A_62 = arith.constant 0 : index
    %get3A_63 = arith.constant 0 : index
    %get3A_64 = vector.load %arg8[%get3A_61, %get3A_62, %get3A_63] : memref<1x128x128xf32, #tpu.memory_space<vmem>>, vector<1x128x128xf32>
    %get3A_65 = vector.shape_cast %get3A_64 : vector<1x128x128xf32> to vector<128x128xf32>
    %dot_general3A_66 = arith.constant dense<0.000000e+00> : vector<1024x128xf32>
    %dot_general3A_67 = tpu.matmul %add3A_49, %get3A_65, %dot_general3A_66 {dimension_numbers = #tpu.dot_dimension_numbers<[1], [0], [0], [1], [0, 0, 1, 1], [], []>, transpose_lhs_hint = false} : vector<1024x128xf32>, vector<128x128xf32>, vector<1024x128xf32> -> vector<1024x128xf32>
    %get3A_68 = arith.constant 0 : index
    %get3A_69 = arith.constant 0 : index
    %get3A_70 = arith.constant 0 : index
    %get3A_71 = vector.load %arg9[%get3A_68, %get3A_69, %get3A_70] : memref<1x1x128xf32, #tpu.memory_space<vmem>>, vector<1x1x128xf32>
    %get3A_72 = vector.shape_cast %get3A_71 : vector<1x1x128xf32> to vector<1x128xf32>
    %add3A_73 = vector.broadcast %get3A_72 : vector<1x128xf32> to vector<1024x128xf32>
    %add3A_74 = arith.addf %dot_general3A_67, %add3A_73 : vector<1024x128xf32>
    %swap3A_75 = arith.constant 0 : index
    %swap3A_76 = arith.constant 0 : index
    %swap3A_77 = arith.constant 0 : index
    %swap3A_78 = vector.load %arg11[%swap3A_75, %swap3A_76, %swap3A_77] : memref<1x1024x128xf32, #tpu.memory_space<vmem>>, vector<1x1024x128xf32>
    %swap3A_79 = vector.shape_cast %swap3A_78 : vector<1x1024x128xf32> to vector<1024x128xf32>
    %swap3A_80 = vector.shape_cast %add3A_74 : vector<1024x128xf32> to vector<1x1024x128xf32>
    tpu.vector_store %arg11[%swap3A_75, %swap3A_76, %swap3A_77], %swap3A_80 {strides = array<i32>} : memref<1x1024x128xf32, #tpu.memory_space<vmem>>, vector<1x1024x128xf32>,
    return
  }
  func.func @transform_0(%arg0: i32, %arg1: i32) -> (i32, i32, i32) {
    %c0_i32 = arith.constant 0 : i32
    %c0_i32_0 = arith.constant 0 : i32
    return %arg0, %arg1, %c0_i32 : i32, i32, i32
  }
  func.func @transform_1(%arg0: i32, %arg1: i32) -> (i32, i32, i32) {
    %c0_i32 = arith.constant 0 : i32
    %c0_i32_0 = arith.constant 0 : i32
    %c0_i32_1 = arith.constant 0 : i32
    return %arg0, %c0_i32, %c0_i32_0 : i32, i32, i32
  }
  func.func @transform_2(%arg0: i32, %arg1: i32) -> (i32, i32, i32) {
    %c0_i32 = arith.constant 0 : i32
    %c0_i32_0 = arith.constant 0 : i32
    %c0_i32_1 = arith.constant 0 : i32
    return %arg0, %c0_i32, %c0_i32_0 : i32, i32, i32
  }
  func.func @transform_3(%arg0: i32, %arg1: i32) -> (i32, i32, i32) {
    %c0_i32 = arith.constant 0 : i32
    %c0_i32_0 = arith.constant 0 : i32
    %c0_i32_1 = arith.constant 0 : i32
    return %arg0, %c0_i32, %c0_i32_0 : i32, i32, i32
  }
  func.func @transform_4(%arg0: i32, %arg1: i32) -> (i32, i32, i32) {
    %c0_i32 = arith.constant 0 : i32
    %c0_i32_0 = arith.constant 0 : i32
    %c0_i32_1 = arith.constant 0 : i32
    return %arg0, %c0_i32, %c0_i32_0 : i32, i32, i32
  }
  func.func @transform_5(%arg0: i32, %arg1: i32) -> (i32, i32, i32) {
    %c0_i32 = arith.constant 0 : i32
    %c0_i32_0 = arith.constant 0 : i32
    %c0_i32_1 = arith.constant 0 : i32
    return %arg0, %c0_i32, %c0_i32_0 : i32, i32, i32
  }
  func.func @transform_6(%arg0: i32, %arg1: i32) -> (i32, i32, i32) {
    %c0_i32 = arith.constant 0 : i32
    %c0_i32_0 = arith.constant 0 : i32
    %c0_i32_1 = arith.constant 0 : i32
    return %arg0, %c0_i32, %c0_i32_0 : i32, i32, i32
  }
  func.func @transform_7(%arg0: i32, %arg1: i32) -> (i32, i32, i32) {
    %c0_i32 = arith.constant 0 : i32
    %c0_i32_0 = arith.constant 0 : i32
    %c0_i32_1 = arith.constant 0 : i32
    return %arg0, %c0_i32, %c0_i32_0 : i32, i32, i32
  }
  func.func @transform_8(%arg0: i32, %arg1: i32) -> (i32, i32, i32) {
    %c0_i32 = arith.constant 0 : i32
    %c0_i32_0 = arith.constant 0 : i32
    return %arg0, %arg1, %c0_i32 : i32, i32, i32
  }
  func.func @transform_9(%arg0: i32, %arg1: i32) -> (i32, i32, i32) {
    %c0_i32 = arith.constant 0 : i32
    %c0_i32_0 = arith.constant 0 : i32
    return %arg0, %arg1, %c0_i32 : i32, i32, i32
  }
}

module attributes {stable_mosaic.version = 14 : i64} {
  func.func @_tc_b2(%arg0: i32, %arg1: memref<2x1024x128xf32, #tpu.memory_space<vmem>>, %arg2: memref<2x1024x128xf32, #tpu.memory_space<vmem>>, %arg3: memref<2x8x128xf32, #tpu.memory_space<vmem>>, %arg4: memref<2x8x128xf32, #tpu.memory_space<vmem>>, %arg5: memref<1024x128xf32, #tpu.memory_space<vmem>>, %arg6: memref<1024x128xf32, #tpu.memory_space<vmem>>, %arg7: memref<8x128xf32, #tpu.memory_space<vmem>>, %arg8: memref<8x128xf32, #tpu.memory_space<vmem>>) attributes {dimension_semantics = [#tpu.dimension_semantics<arbitrary>], iteration_bounds = array<i64: 10>, scalar_prefetch = 0 : i64, scratch_operands = 0 : i64, tpu.core_type = #tpu.core_type<tc>, window_params = [{transform_indices = @transform_0, window_bounds = array<i64: 2, 1024, 128>}, {transform_indices = @transform_1, window_bounds = array<i64: 2, 1024, 128>}, {transform_indices = @transform_2, window_bounds = array<i64: 2, 8, 128>}, {transform_indices = @transform_3, window_bounds = array<i64: 2, 8, 128>}, {transform_indices = @transform_4, window_bounds = array<i64: 1024, 128>}, {transform_indices = @transform_5, window_bounds = array<i64: 1024, 128>}, {transform_indices = @transform_6, window_bounds = array<i64: 8, 128>}, {transform_indices = @transform_7, window_bounds = array<i64: 8, 128>}]} {
    %get3A = arith.constant 0 : index
    %get3A_0 = arith.constant 0 : index
    %get3A_1 = arith.constant 0 : index
    %get3A_2 = vector.load %arg3[%get3A, %get3A_0, %get3A_1] : memref<2x8x128xf32, #tpu.memory_space<vmem>>, vector<2x8x128xf32>
    %reduce_sum3A = arith.constant dense<0.000000e+00> : vector<8x128xf32>
    %reduce_sum3A_3 = vector.multi_reduction <add>, %get3A_2, %reduce_sum3A [0] : vector<2x8x128xf32> to vector<8x128xf32>
    %get3A_4 = arith.constant 0 : index
    %get3A_5 = arith.constant 0 : index
    %get3A_6 = arith.constant 0 : index
    %get3A_7 = vector.load %arg4[%get3A_4, %get3A_5, %get3A_6] : memref<2x8x128xf32, #tpu.memory_space<vmem>>, vector<2x8x128xf32>
    %reduce_sum3A_8 = arith.constant dense<0.000000e+00> : vector<8x128xf32>
    %reduce_sum3A_9 = vector.multi_reduction <add>, %get3A_7, %reduce_sum3A_8 [0] : vector<2x8x128xf32> to vector<8x128xf32>
    %gt3A = arith.constant 0.000000e+00 : f32
    %gt3A_10 = vector.broadcast %gt3A : f32 to vector<8x128xf32>
    %gt3A_11 = arith.cmpf ogt, %reduce_sum3A_3, %gt3A_10 : vector<8x128xf32>
    %div3A = arith.constant 1.000000e+00 : f32
    %div3A_12 = vector.broadcast %div3A : f32 to vector<8x128xf32>
    %div3A_13 = arith.divf %div3A_12, %reduce_sum3A_3 : vector<8x128xf32>
    %jit3A = arith.constant 0.000000e+00 : f32
    %broadcast_in_dim3A = vector.broadcast %jit3A : f32 to vector<8x128xf32>
    %select_n3A = arith.select %gt3A_11, %div3A_13, %broadcast_in_dim3A : vector<8x128xi1>, vector<8x128xf32>
    %gt3A_14 = arith.constant 0.000000e+00 : f32
    %gt3A_15 = vector.broadcast %gt3A_14 : f32 to vector<8x128xf32>
    %gt3A_16 = arith.cmpf ogt, %reduce_sum3A_9, %gt3A_15 : vector<8x128xf32>
    %div3A_17 = arith.constant 1.000000e+00 : f32
    %div3A_18 = vector.broadcast %div3A_17 : f32 to vector<8x128xf32>
    %div3A_19 = arith.divf %div3A_18, %reduce_sum3A_9 : vector<8x128xf32>
    %jit3A_20 = arith.constant 0.000000e+00 : f32
    %broadcast_in_dim3A_21 = vector.broadcast %jit3A_20 : f32 to vector<8x128xf32>
    %select_n3A_22 = arith.select %gt3A_16, %div3A_19, %broadcast_in_dim3A_21 : vector<8x128xi1>, vector<8x128xf32>
    %swap3A = arith.constant 0 : index
    %swap3A_23 = arith.constant 0 : index
    %swap3A_24 = vector.load %arg7[%swap3A, %swap3A_23] : memref<8x128xf32, #tpu.memory_space<vmem>>, vector<8x128xf32>
    tpu.vector_store %arg7[%swap3A, %swap3A_23], %select_n3A {strides = array<i32>} : memref<8x128xf32, #tpu.memory_space<vmem>>, vector<8x128xf32>,
    %swap3A_25 = arith.constant 0 : index
    %swap3A_26 = arith.constant 0 : index
    %swap3A_27 = vector.load %arg8[%swap3A_25, %swap3A_26] : memref<8x128xf32, #tpu.memory_space<vmem>>, vector<8x128xf32>
    tpu.vector_store %arg8[%swap3A_25, %swap3A_26], %select_n3A_22 {strides = array<i32>} : memref<8x128xf32, #tpu.memory_space<vmem>>, vector<8x128xf32>,
    %get3A_28 = arith.constant 0 : index
    %get3A_29 = arith.constant 0 : index
    %get3A_30 = arith.constant 0 : index
    %get3A_31 = vector.load %arg1[%get3A_28, %get3A_29, %get3A_30] : memref<2x1024x128xf32, #tpu.memory_space<vmem>>, vector<1x1024x128xf32>
    %get3A_32 = vector.shape_cast %get3A_31 : vector<1x1024x128xf32> to vector<1024x128xf32>
    %get3A_33 = arith.constant 1 : index
    %get3A_34 = arith.constant 0 : index
    %get3A_35 = arith.constant 0 : index
    %get3A_36 = vector.load %arg1[%get3A_33, %get3A_34, %get3A_35] : memref<2x1024x128xf32, #tpu.memory_space<vmem>>, vector<1x1024x128xf32>
    %get3A_37 = vector.shape_cast %get3A_36 : vector<1x1024x128xf32> to vector<1024x128xf32>
    %add3A = arith.addf %get3A_32, %get3A_37 : vector<1024x128xf32>
    %get3A_38 = arith.constant 0 : index
    %get3A_39 = arith.constant 0 : index
    %get3A_40 = arith.constant 0 : index
    %get3A_41 = vector.load %arg2[%get3A_38, %get3A_39, %get3A_40] : memref<2x1024x128xf32, #tpu.memory_space<vmem>>, vector<1x1024x128xf32>
    %get3A_42 = vector.shape_cast %get3A_41 : vector<1x1024x128xf32> to vector<1024x128xf32>
    %get3A_43 = arith.constant 1 : index
    %get3A_44 = arith.constant 0 : index
    %get3A_45 = arith.constant 0 : index
    %get3A_46 = vector.load %arg2[%get3A_43, %get3A_44, %get3A_45] : memref<2x1024x128xf32, #tpu.memory_space<vmem>>, vector<1x1024x128xf32>
    %get3A_47 = vector.shape_cast %get3A_46 : vector<1x1024x128xf32> to vector<1024x128xf32>
    %add3A_48 = arith.addf %get3A_42, %get3A_47 : vector<1024x128xf32>
    %reshape3A = vector.shape_cast %add3A : vector<1024x128xf32> to vector<8x128x128xf32>
    %broadcast_in_dim3A_49 = vector.shape_cast %select_n3A_22 : vector<8x128xf32> to vector<8x128x1xf32>
    %mul3A = vector.broadcast %broadcast_in_dim3A_49 : vector<8x128x1xf32> to vector<8x128x128xf32>
    %mul3A_50 = arith.mulf %reshape3A, %mul3A : vector<8x128x128xf32>
    %reshape3A_51 = vector.shape_cast %mul3A_50 : vector<8x128x128xf32> to vector<1024x128xf32>
    %swap3A_52 = arith.constant 0 : index
    %swap3A_53 = arith.constant 0 : index
    %swap3A_54 = vector.load %arg5[%swap3A_52, %swap3A_53] : memref<1024x128xf32, #tpu.memory_space<vmem>>, vector<1024x128xf32>
    tpu.vector_store %arg5[%swap3A_52, %swap3A_53], %reshape3A_51 {strides = array<i32>} : memref<1024x128xf32, #tpu.memory_space<vmem>>, vector<1024x128xf32>,
    %reshape3A_55 = vector.shape_cast %add3A_48 : vector<1024x128xf32> to vector<8x128x128xf32>
    %broadcast_in_dim3A_56 = vector.shape_cast %select_n3A : vector<8x128xf32> to vector<8x128x1xf32>
    %mul3A_57 = vector.broadcast %broadcast_in_dim3A_56 : vector<8x128x1xf32> to vector<8x128x128xf32>
    %mul3A_58 = arith.mulf %reshape3A_55, %mul3A_57 : vector<8x128x128xf32>
    %reshape3A_59 = vector.shape_cast %mul3A_58 : vector<8x128x128xf32> to vector<1024x128xf32>
    %swap3A_60 = arith.constant 0 : index
    %swap3A_61 = arith.constant 0 : index
    %swap3A_62 = vector.load %arg6[%swap3A_60, %swap3A_61] : memref<1024x128xf32, #tpu.memory_space<vmem>>, vector<1024x128xf32>
    tpu.vector_store %arg6[%swap3A_60, %swap3A_61], %reshape3A_59 {strides = array<i32>} : memref<1024x128xf32, #tpu.memory_space<vmem>>, vector<1024x128xf32>,
    return
  }
  func.func @transform_0(%arg0: i32) -> (i32, i32, i32) {
    %c0_i32 = arith.constant 0 : i32
    %c0_i32_0 = arith.constant 0 : i32
    %c0_i32_1 = arith.constant 0 : i32
    return %c0_i32, %arg0, %c0_i32_0 : i32, i32, i32
  }
  func.func @transform_1(%arg0: i32) -> (i32, i32, i32) {
    %c0_i32 = arith.constant 0 : i32
    %c0_i32_0 = arith.constant 0 : i32
    %c0_i32_1 = arith.constant 0 : i32
    return %c0_i32, %arg0, %c0_i32_0 : i32, i32, i32
  }
  func.func @transform_2(%arg0: i32) -> (i32, i32, i32) {
    %c0_i32 = arith.constant 0 : i32
    %c0_i32_0 = arith.constant 0 : i32
    %c0_i32_1 = arith.constant 0 : i32
    return %c0_i32, %arg0, %c0_i32_0 : i32, i32, i32
  }
  func.func @transform_3(%arg0: i32) -> (i32, i32, i32) {
    %c0_i32 = arith.constant 0 : i32
    %c0_i32_0 = arith.constant 0 : i32
    %c0_i32_1 = arith.constant 0 : i32
    return %c0_i32, %arg0, %c0_i32_0 : i32, i32, i32
  }
  func.func @transform_4(%arg0: i32) -> (i32, i32) {
    %c0_i32 = arith.constant 0 : i32
    %c0_i32_0 = arith.constant 0 : i32
    return %arg0, %c0_i32 : i32, i32
  }
  func.func @transform_5(%arg0: i32) -> (i32, i32) {
    %c0_i32 = arith.constant 0 : i32
    %c0_i32_0 = arith.constant 0 : i32
    return %arg0, %c0_i32 : i32, i32
  }
  func.func @transform_6(%arg0: i32) -> (i32, i32) {
    %c0_i32 = arith.constant 0 : i32
    %c0_i32_0 = arith.constant 0 : i32
    return %arg0, %c0_i32 : i32, i32
  }
  func.func @transform_7(%arg0: i32) -> (i32, i32) {
    %c0_i32 = arith.constant 0 : i32
    %c0_i32_0 = arith.constant 0 : i32
    return %arg0, %c0_i32 : i32, i32
  }
}

module attributes {stable_mosaic.version = 14 : i64} {
  func.func @_tc_c(%arg0: i32, %arg1: memref<2x1024x128xf32, #tpu.memory_space<vmem>>, %arg2: memref<2x1024x128xf32, #tpu.memory_space<vmem>>, %arg3: memref<8x128xf32, #tpu.memory_space<vmem>>, %arg4: memref<8x128xf32, #tpu.memory_space<vmem>>, %arg5: memref<2x1024x128xf32, #tpu.memory_space<vmem>>, %arg6: memref<1x128xf32, #tpu.memory_space<vmem>>, %arg7: memref<1x128xf32, #tpu.memory_space<vmem>>, %arg8: memref<1024x128xf32, #tpu.memory_space<vmem>>, %arg9: memref<1024x128xf32, #tpu.memory_space<vmem>>) attributes {dimension_semantics = [#tpu.dimension_semantics<arbitrary>], iteration_bounds = array<i64: 10>, scalar_prefetch = 0 : i64, scratch_operands = 0 : i64, tpu.core_type = #tpu.core_type<tc>, window_params = [{transform_indices = @transform_0, window_bounds = array<i64: 2, 1024, 128>}, {transform_indices = @transform_1, window_bounds = array<i64: 2, 1024, 128>}, {transform_indices = @transform_2, window_bounds = array<i64: 8, 128>}, {transform_indices = @transform_3, window_bounds = array<i64: 8, 128>}, {transform_indices = @transform_4, window_bounds = array<i64: 2, 1024, 128>}, {pipeline_mode = #tpu.pipeline_mode<synchronous>, transform_indices = @transform_5, window_bounds = array<i64: 1, 128>}, {pipeline_mode = #tpu.pipeline_mode<synchronous>, transform_indices = @transform_6, window_bounds = array<i64: 1, 128>}, {transform_indices = @transform_7, window_bounds = array<i64: 1024, 128>}, {transform_indices = @transform_8, window_bounds = array<i64: 1024, 128>}]} {
    %get3A = arith.constant 0 : index
    %get3A_0 = arith.constant 0 : index
    %get3A_1 = vector.load %arg3[%get3A, %get3A_0] : memref<8x128xf32, #tpu.memory_space<vmem>>, vector<8x128xf32>
    %get3A_2 = arith.constant 0 : index
    %get3A_3 = arith.constant 0 : index
    %get3A_4 = vector.load %arg4[%get3A_2, %get3A_3] : memref<8x128xf32, #tpu.memory_space<vmem>>, vector<8x128xf32>
    %get3A_5 = arith.constant 0 : index
    %get3A_6 = arith.constant 0 : index
    %get3A_7 = arith.constant 0 : index
    %get3A_8 = vector.load %arg1[%get3A_5, %get3A_6, %get3A_7] : memref<2x1024x128xf32, #tpu.memory_space<vmem>>, vector<1x1024x128xf32>
    %get3A_9 = vector.shape_cast %get3A_8 : vector<1x1024x128xf32> to vector<1024x128xf32>
    %get3A_10 = arith.constant 1 : index
    %get3A_11 = arith.constant 0 : index
    %get3A_12 = arith.constant 0 : index
    %get3A_13 = vector.load %arg1[%get3A_10, %get3A_11, %get3A_12] : memref<2x1024x128xf32, #tpu.memory_space<vmem>>, vector<1x1024x128xf32>
    %get3A_14 = vector.shape_cast %get3A_13 : vector<1x1024x128xf32> to vector<1024x128xf32>
    %add3A = arith.addf %get3A_9, %get3A_14 : vector<1024x128xf32>
    %get3A_15 = arith.constant 0 : index
    %get3A_16 = arith.constant 0 : index
    %get3A_17 = arith.constant 0 : index
    %get3A_18 = vector.load %arg2[%get3A_15, %get3A_16, %get3A_17] : memref<2x1024x128xf32, #tpu.memory_space<vmem>>, vector<1x1024x128xf32>
    %get3A_19 = vector.shape_cast %get3A_18 : vector<1x1024x128xf32> to vector<1024x128xf32>
    %get3A_20 = arith.constant 1 : index
    %get3A_21 = arith.constant 0 : index
    %get3A_22 = arith.constant 0 : index
    %get3A_23 = vector.load %arg2[%get3A_20, %get3A_21, %get3A_22] : memref<2x1024x128xf32, #tpu.memory_space<vmem>>, vector<1x1024x128xf32>
    %get3A_24 = vector.shape_cast %get3A_23 : vector<1x1024x128xf32> to vector<1024x128xf32>
    %add3A_25 = arith.addf %get3A_19, %get3A_24 : vector<1024x128xf32>
    %reshape3A = vector.shape_cast %add3A : vector<1024x128xf32> to vector<8x128x128xf32>
    %broadcast_in_dim3A = vector.shape_cast %get3A_1 : vector<8x128xf32> to vector<8x128x1xf32>
    %mul3A = vector.broadcast %broadcast_in_dim3A : vector<8x128x1xf32> to vector<8x128x128xf32>
    %mul3A_26 = arith.mulf %reshape3A, %mul3A : vector<8x128x128xf32>
    %reshape3A_27 = vector.shape_cast %mul3A_26 : vector<8x128x128xf32> to vector<1024x128xf32>
    %get3A_28 = arith.constant 0 : index
    %get3A_29 = arith.constant 0 : index
    %get3A_30 = vector.load %arg6[%get3A_28, %get3A_29] : memref<1x128xf32, #tpu.memory_space<vmem>>, vector<1x128xf32>
    %add3A_31 = vector.broadcast %get3A_30 : vector<1x128xf32> to vector<1024x128xf32>
    %add3A_32 = arith.addf %reshape3A_27, %add3A_31 : vector<1024x128xf32>
    %reshape3A_33 = vector.shape_cast %add3A_25 : vector<1024x128xf32> to vector<8x128x128xf32>
    %broadcast_in_dim3A_34 = vector.shape_cast %get3A_4 : vector<8x128xf32> to vector<8x128x1xf32>
    %mul3A_35 = vector.broadcast %broadcast_in_dim3A_34 : vector<8x128x1xf32> to vector<8x128x128xf32>
    %mul3A_36 = arith.mulf %reshape3A_33, %mul3A_35 : vector<8x128x128xf32>
    %reshape3A_37 = vector.shape_cast %mul3A_36 : vector<8x128x128xf32> to vector<1024x128xf32>
    %get3A_38 = arith.constant 0 : index
    %get3A_39 = arith.constant 0 : index
    %get3A_40 = vector.load %arg7[%get3A_38, %get3A_39] : memref<1x128xf32, #tpu.memory_space<vmem>>, vector<1x128xf32>
    %add3A_41 = vector.broadcast %get3A_40 : vector<1x128xf32> to vector<1024x128xf32>
    %add3A_42 = arith.addf %reshape3A_37, %add3A_41 : vector<1024x128xf32>
    %ge3A = arith.constant 0.000000e+00 : f32
    %ge3A_43 = vector.broadcast %ge3A : f32 to vector<1024x128xf32>
    %ge3A_44 = arith.cmpf oge, %add3A_32, %ge3A_43 : vector<1024x128xf32>
    %mul3A_45 = arith.constant 0.00999999977 : f32
    %mul3A_46 = vector.broadcast %mul3A_45 : f32 to vector<1024x128xf32>
    %mul3A_47 = arith.mulf %mul3A_46, %add3A_32 : vector<1024x128xf32>
    %select_n3A = arith.select %ge3A_44, %add3A_32, %mul3A_47 : vector<1024x128xi1>, vector<1024x128xf32>
    %get3A_48 = arith.constant 0 : index
    %get3A_49 = arith.constant 0 : index
    %get3A_50 = arith.constant 0 : index
    %get3A_51 = vector.load %arg5[%get3A_48, %get3A_49, %get3A_50] : memref<2x1024x128xf32, #tpu.memory_space<vmem>>, vector<1x1024x128xf32>
    %get3A_52 = vector.shape_cast %get3A_51 : vector<1x1024x128xf32> to vector<1024x128xf32>
    %add3A_53 = arith.addf %select_n3A, %get3A_52 : vector<1024x128xf32>
    %swap3A = arith.constant 0 : index
    %swap3A_54 = arith.constant 0 : index
    %swap3A_55 = vector.load %arg8[%swap3A, %swap3A_54] : memref<1024x128xf32, #tpu.memory_space<vmem>>, vector<1024x128xf32>
    tpu.vector_store %arg8[%swap3A, %swap3A_54], %add3A_53 {strides = array<i32>} : memref<1024x128xf32, #tpu.memory_space<vmem>>, vector<1024x128xf32>,
    %ge3A_56 = arith.constant 0.000000e+00 : f32
    %ge3A_57 = vector.broadcast %ge3A_56 : f32 to vector<1024x128xf32>
    %ge3A_58 = arith.cmpf oge, %add3A_42, %ge3A_57 : vector<1024x128xf32>
    %mul3A_59 = arith.constant 0.00999999977 : f32
    %mul3A_60 = vector.broadcast %mul3A_59 : f32 to vector<1024x128xf32>
    %mul3A_61 = arith.mulf %mul3A_60, %add3A_42 : vector<1024x128xf32>
    %select_n3A_62 = arith.select %ge3A_58, %add3A_42, %mul3A_61 : vector<1024x128xi1>, vector<1024x128xf32>
    %get3A_63 = arith.constant 1 : index
    %get3A_64 = arith.constant 0 : index
    %get3A_65 = arith.constant 0 : index
    %get3A_66 = vector.load %arg5[%get3A_63, %get3A_64, %get3A_65] : memref<2x1024x128xf32, #tpu.memory_space<vmem>>, vector<1x1024x128xf32>
    %get3A_67 = vector.shape_cast %get3A_66 : vector<1x1024x128xf32> to vector<1024x128xf32>
    %add3A_68 = arith.addf %select_n3A_62, %get3A_67 : vector<1024x128xf32>
    %swap3A_69 = arith.constant 0 : index
    %swap3A_70 = arith.constant 0 : index
    %swap3A_71 = vector.load %arg9[%swap3A_69, %swap3A_70] : memref<1024x128xf32, #tpu.memory_space<vmem>>, vector<1024x128xf32>
    tpu.vector_store %arg9[%swap3A_69, %swap3A_70], %add3A_68 {strides = array<i32>} : memref<1024x128xf32, #tpu.memory_space<vmem>>, vector<1024x128xf32>,
    return
  }
  func.func @transform_0(%arg0: i32) -> (i32, i32, i32) {
    %c0_i32 = arith.constant 0 : i32
    %c0_i32_0 = arith.constant 0 : i32
    %c0_i32_1 = arith.constant 0 : i32
    return %c0_i32, %arg0, %c0_i32_0 : i32, i32, i32
  }
  func.func @transform_1(%arg0: i32) -> (i32, i32, i32) {
    %c0_i32 = arith.constant 0 : i32
    %c0_i32_0 = arith.constant 0 : i32
    %c0_i32_1 = arith.constant 0 : i32
    return %c0_i32, %arg0, %c0_i32_0 : i32, i32, i32
  }
  func.func @transform_2(%arg0: i32) -> (i32, i32) {
    %c0_i32 = arith.constant 0 : i32
    %c0_i32_0 = arith.constant 0 : i32
    return %arg0, %c0_i32 : i32, i32
  }
  func.func @transform_3(%arg0: i32) -> (i32, i32) {
    %c0_i32 = arith.constant 0 : i32
    %c0_i32_0 = arith.constant 0 : i32
    return %arg0, %c0_i32 : i32, i32
  }
  func.func @transform_4(%arg0: i32) -> (i32, i32, i32) {
    %c0_i32 = arith.constant 0 : i32
    %c0_i32_0 = arith.constant 0 : i32
    %c0_i32_1 = arith.constant 0 : i32
    return %c0_i32, %arg0, %c0_i32_0 : i32, i32, i32
  }
  func.func @transform_5(%arg0: i32) -> (i32, i32) {
    %c0_i32 = arith.constant 0 : i32
    %c0_i32_0 = arith.constant 0 : i32
    %c0_i32_1 = arith.constant 0 : i32
    return %c0_i32, %c0_i32_0 : i32, i32
  }
  func.func @transform_6(%arg0: i32) -> (i32, i32) {
    %c0_i32 = arith.constant 0 : i32
    %c0_i32_0 = arith.constant 0 : i32
    %c0_i32_1 = arith.constant 0 : i32
    return %c0_i32, %c0_i32_0 : i32, i32
  }
  func.func @transform_7(%arg0: i32) -> (i32, i32) {
    %c0_i32 = arith.constant 0 : i32
    %c0_i32_0 = arith.constant 0 : i32
    return %arg0, %c0_i32 : i32, i32
  }
  func.func @transform_8(%arg0: i32) -> (i32, i32) {
    %c0_i32 = arith.constant 0 : i32
    %c0_i32_0 = arith.constant 0 : i32
    return %arg0, %c0_i32 : i32, i32
  }
}

module attributes {stable_mosaic.version = 14 : i64} {
  func.func @_tc_d(%arg0: i32, %arg1: memref<1024x128xf32, #tpu.memory_space<vmem>>, %arg2: memref<1024x128xf32, #tpu.memory_space<vmem>>, %arg3: memref<128x128xf32, #tpu.memory_space<vmem>>, %arg4: memref<128x128xf32, #tpu.memory_space<vmem>>, %arg5: memref<1x128xf32, #tpu.memory_space<vmem>>, %arg6: memref<128x128xf32, #tpu.memory_space<vmem>>, %arg7: memref<1x128xf32, #tpu.memory_space<vmem>>, %arg8: memref<1024x128xf32, #tpu.memory_space<vmem>>) attributes {dimension_semantics = [#tpu.dimension_semantics<arbitrary>], iteration_bounds = array<i64: 10>, scalar_prefetch = 0 : i64, scratch_operands = 0 : i64, tpu.core_type = #tpu.core_type<tc>, window_params = [{transform_indices = @transform_0, window_bounds = array<i64: 1024, 128>}, {transform_indices = @transform_1, window_bounds = array<i64: 1024, 128>}, {pipeline_mode = #tpu.pipeline_mode<synchronous>, transform_indices = @transform_2, window_bounds = array<i64: 128, 128>}, {pipeline_mode = #tpu.pipeline_mode<synchronous>, transform_indices = @transform_3, window_bounds = array<i64: 128, 128>}, {pipeline_mode = #tpu.pipeline_mode<synchronous>, transform_indices = @transform_4, window_bounds = array<i64: 1, 128>}, {pipeline_mode = #tpu.pipeline_mode<synchronous>, transform_indices = @transform_5, window_bounds = array<i64: 128, 128>}, {pipeline_mode = #tpu.pipeline_mode<synchronous>, transform_indices = @transform_6, window_bounds = array<i64: 1, 128>}, {transform_indices = @transform_7, window_bounds = array<i64: 1024, 128>}]} {
    %get3A = arith.constant 0 : index
    %get3A_0 = arith.constant 0 : index
    %get3A_1 = vector.load %arg1[%get3A, %get3A_0] : memref<1024x128xf32, #tpu.memory_space<vmem>>, vector<1024x128xf32>
    %is_finite3A = tpu.weird %get3A_1 : vector<1024x128xf32> -> vector<1024x128xi1>
    %is_finite3A_2 = arith.constant dense<true> : vector<1024x128xi1>
    %is_finite3A_3 = arith.xori %is_finite3A, %is_finite3A_2 : vector<1024x128xi1>
    %jit3A = arith.constant 0.000000e+00 : f32
    %broadcast_in_dim3A = vector.broadcast %jit3A : f32 to vector<1024x128xf32>
    %select_n3A = arith.select %is_finite3A_3, %get3A_1, %broadcast_in_dim3A : vector<1024x128xi1>, vector<1024x128xf32>
    %get3A_4 = arith.constant 0 : index
    %get3A_5 = arith.constant 0 : index
    %get3A_6 = vector.load %arg3[%get3A_4, %get3A_5] : memref<128x128xf32, #tpu.memory_space<vmem>>, vector<128x128xf32>
    %dot_general3A = arith.constant dense<0.000000e+00> : vector<1024x128xf32>
    %dot_general3A_7 = tpu.matmul %select_n3A, %get3A_6, %dot_general3A {dimension_numbers = #tpu.dot_dimension_numbers<[1], [0], [0], [1], [0, 0, 1, 1], [], []>, transpose_lhs_hint = false} : vector<1024x128xf32>, vector<128x128xf32>, vector<1024x128xf32> -> vector<1024x128xf32>
    %get3A_8 = arith.constant 0 : index
    %get3A_9 = arith.constant 0 : index
    %get3A_10 = vector.load %arg2[%get3A_8, %get3A_9] : memref<1024x128xf32, #tpu.memory_space<vmem>>, vector<1024x128xf32>
    %get3A_11 = arith.constant 0 : index
    %get3A_12 = arith.constant 0 : index
    %get3A_13 = vector.load %arg4[%get3A_11, %get3A_12] : memref<128x128xf32, #tpu.memory_space<vmem>>, vector<128x128xf32>
    %dot_general3A_14 = arith.constant dense<0.000000e+00> : vector<1024x128xf32>
    %dot_general3A_15 = tpu.matmul %get3A_10, %get3A_13, %dot_general3A_14 {dimension_numbers = #tpu.dot_dimension_numbers<[1], [0], [0], [1], [0, 0, 1, 1], [], []>, transpose_lhs_hint = false} : vector<1024x128xf32>, vector<128x128xf32>, vector<1024x128xf32> -> vector<1024x128xf32>
    %add3A = arith.addf %dot_general3A_7, %dot_general3A_15 : vector<1024x128xf32>
    %get3A_16 = arith.constant 0 : index
    %get3A_17 = arith.constant 0 : index
    %get3A_18 = vector.load %arg5[%get3A_16, %get3A_17] : memref<1x128xf32, #tpu.memory_space<vmem>>, vector<1x128xf32>
    %add3A_19 = vector.broadcast %get3A_18 : vector<1x128xf32> to vector<1024x128xf32>
    %add3A_20 = arith.addf %add3A, %add3A_19 : vector<1024x128xf32>
    %get3A_21 = arith.constant 0 : index
    %get3A_22 = arith.constant 0 : index
    %get3A_23 = vector.load %arg6[%get3A_21, %get3A_22] : memref<128x128xf32, #tpu.memory_space<vmem>>, vector<128x128xf32>
    %dot_general3A_24 = arith.constant dense<0.000000e+00> : vector<1024x128xf32>
    %dot_general3A_25 = tpu.matmul %add3A_20, %get3A_23, %dot_general3A_24 {dimension_numbers = #tpu.dot_dimension_numbers<[1], [0], [0], [1], [0, 0, 1, 1], [], []>, transpose_lhs_hint = false} : vector<1024x128xf32>, vector<128x128xf32>, vector<1024x128xf32> -> vector<1024x128xf32>
    %get3A_26 = arith.constant 0 : index
    %get3A_27 = arith.constant 0 : index
    %get3A_28 = vector.load %arg7[%get3A_26, %get3A_27] : memref<1x128xf32, #tpu.memory_space<vmem>>, vector<1x128xf32>
    %add3A_29 = vector.broadcast %get3A_28 : vector<1x128xf32> to vector<1024x128xf32>
    %add3A_30 = arith.addf %dot_general3A_25, %add3A_29 : vector<1024x128xf32>
    %swap3A = arith.constant 0 : index
    %swap3A_31 = arith.constant 0 : index
    %swap3A_32 = vector.load %arg8[%swap3A, %swap3A_31] : memref<1024x128xf32, #tpu.memory_space<vmem>>, vector<1024x128xf32>
    tpu.vector_store %arg8[%swap3A, %swap3A_31], %add3A_30 {strides = array<i32>} : memref<1024x128xf32, #tpu.memory_space<vmem>>, vector<1024x128xf32>,
    return
  }
  func.func @transform_0(%arg0: i32) -> (i32, i32) {
    %c0_i32 = arith.constant 0 : i32
    %c0_i32_0 = arith.constant 0 : i32
    return %arg0, %c0_i32 : i32, i32
  }
  func.func @transform_1(%arg0: i32) -> (i32, i32) {
    %c0_i32 = arith.constant 0 : i32
    %c0_i32_0 = arith.constant 0 : i32
    return %arg0, %c0_i32 : i32, i32
  }
  func.func @transform_2(%arg0: i32) -> (i32, i32) {
    %c0_i32 = arith.constant 0 : i32
    %c0_i32_0 = arith.constant 0 : i32
    %c0_i32_1 = arith.constant 0 : i32
    return %c0_i32, %c0_i32_0 : i32, i32
  }
  func.func @transform_3(%arg0: i32) -> (i32, i32) {
    %c0_i32 = arith.constant 0 : i32
    %c0_i32_0 = arith.constant 0 : i32
    %c0_i32_1 = arith.constant 0 : i32
    return %c0_i32, %c0_i32_0 : i32, i32
  }
  func.func @transform_4(%arg0: i32) -> (i32, i32) {
    %c0_i32 = arith.constant 0 : i32
    %c0_i32_0 = arith.constant 0 : i32
    %c0_i32_1 = arith.constant 0 : i32
    return %c0_i32, %c0_i32_0 : i32, i32
  }
  func.func @transform_5(%arg0: i32) -> (i32, i32) {
    %c0_i32 = arith.constant 0 : i32
    %c0_i32_0 = arith.constant 0 : i32
    %c0_i32_1 = arith.constant 0 : i32
    return %c0_i32, %c0_i32_0 : i32, i32
  }
  func.func @transform_6(%arg0: i32) -> (i32, i32) {
    %c0_i32 = arith.constant 0 : i32
    %c0_i32_0 = arith.constant 0 : i32
    %c0_i32_1 = arith.constant 0 : i32
    return %c0_i32, %c0_i32_0 : i32, i32
  }
  func.func @transform_7(%arg0: i32) -> (i32, i32) {
    %c0_i32 = arith.constant 0 : i32
    %c0_i32_0 = arith.constant 0 : i32
    return %arg0, %c0_i32 : i32, i32
  }
}

</mosaic_0001>

<sc_bundles>
// kernel: kernel.13.cloned.1.call-start
scs
__scs_entry_jumppad:
0x0: {  	(pc) =	sbr.rel $0x88, $3  }
0x1: {  	(tag) =	ssettag $0x0;
	lr =	simm.s32 $0x1  }
0x2: {  	[smem:$0x3F84] =	sst lr;
	_ =	strace $0xD0000000  }
0x3: {  	_ = 	snop  }
0x4: {  	_ = 	snop  }
0x5: {  	_ = 	snop  }
0x6: {  	_ = 	snop  }
0x7: {  	_ = 	snop  }
__scs_overlays_trampoline_lowered:
0x8: {  	[smem:$0x3F93] =	sst s0  }
0x9: {  	[smem:$0x3F94] =	sst s1  }
0xa: {  	[smem:$0x3F95] =	sst s2  }
0xb: {  	[smem:$0x3F96] =	sst s3  }
0xc: {  	[smem:$0x3F97] =	sst s4  }
0xd: {  	[smem:$0x3F98] =	sst s5  }
0xe: {  	[smem:$0x3F99] =	sst s6  }
0xf: {  	[smem:$0x3F9A] =	sst s7  }
0x10: {  	[smem:$0x3F9B] =	sst s8  }
0x11: {  	[smem:$0x3F9C] =	sst s9;
	s0 =	simm.s32 @!p0 $0x0  }
0x12: {  	s1 =	sld [smem:$0x3F82];
	s0 =	simm.s32 @p0 $0x1  }
0x13: {  	[smem:$0x3F9D] =	sst s0;
	s0 =	simm.s32 @!p1 $0x0  }
0x14: {  	s2 =	sld [smem:$0x3F81];
	s0 =	simm.s32 @p1 $0x1  }
0x15: {  	[smem:$0x3F9E] =	sst s0;
	s0 =	simm.s32 @!p2 $0x0  }
0x16: {  	s3 =	sld [smem:$0x3FDB];
	s0 =	simm.s32 @p2 $0x1  }
0x17: {  	s4 =	simm.s32 $0x1BF5;
	[smem:$0x3FA0] =	sst s0  }
0x18: {  	s0 =	sld [smem:$0x3F83];
	_ =	swait.ge [sflag:s4], $0x0  }
0x19: {  	s7 =	sld [smem:$0x3F84]  }
0x1a: {  	s8 =	sadd.s32 $0xFFFFE003, lr  }
0x1b: {  	s9 =	sadd.s32 $0xFFFFFEF7, lr;
	s5 =	simm.s32 $0xFFFFFFFF;
	p2 =	slt.u32 s8, $0xFFFFF086  }
0x1c: {  	p1 =	slt.u32 s9, $0xF7A;
	s5 =	simm.s32 @!p2 $0x0  }
0x1d: {  	s5 =	simm.s32 @p1 $0x1;
	p0 =	seq.s32 s7, s2  }
0x1e: {  	s7 =	smul.u32 @!p0 $0xF7A, s2;
	p2 =	seq.s32 @!p0 s5, $0x0  }
0x1f: {  	s9 =	smul.u32 $0xF7A, s1;
	s8 =	simm.s32 @!p0 $0x1BF5;
	p2 =	por !p2, p0  }
0x20: {  	[sflag:s8] =	ssyncset.s32 @!p0 $0xFFFFF086;
	s6 =	sadd.s32 @!p0 s3, s7;
	s7 =	simm.s32 @!p0 $0x108  }
0x21: {  	s3 =	sadd.s32 s3, s9;
	s6 =	sadd.s32 @!p0 $0x88, s6;
	s7 =	simm.s32 @p2 $0x1082  }
0x22: {  	[simem:s7], [sflag:s8] =	dma.local @!p0 [hbm:s6], $0xF7A  }
0x23: {  	s9 =	sor.u32 $0xD0000000, s2;
	s6 =	simm.s32 $0x108;
	_ =	swait.ge @!p0 [sflag:s8], $0x0  }
0x24: {  	s3 =	sadd.s32 $0x88, s3;
	s6 =	simm.s32 @!p1 $0x1082;
	[sflag:s4] =	ssyncset.s32 $0xFFFFF086  }
0x25: {  	[simem:s6], [sflag:s4] =	dma.local [hbm:s3], $0xF7A  }
0x26: {  	[smem:$0x3F84] =	sst s1;
	(tag) =	ssettag s2;
	_ =	strace s9  }
0x27: {  	s1 =	sld [smem:$0x3F94]  }
0x28: {  	s2 =	sld [smem:$0x3F95]  }
0x29: {  	s4 =	sld [smem:$0x3F97]  }
0x2a: {  	p0 =	seq.s32 s5, $0x0;
	s5 =	sld [smem:$0x3F98]  }
0x2b: {  	s6 =	sld [smem:$0x3F99]  }
0x2c: {  	s7 =	sld [smem:$0x3F9A]  }
0x2d: {  	s3 =	simm.s32 $0x108;
	s8 =	sld [smem:$0x3F9B]  }
0x2e: {  	s3 =	simm.s32 @!p0 $0x1082;
	s9 =	sld [smem:$0x3F9C]  }
0x2f: {  	lr =	sadd.s32 s0, s3;
	s0 =	sld [smem:$0x3F93]  }
0x30: {  	s3 =	sld [smem:$0x3F96]  }
0x31: {  	[smem:$0x3F9F] =	sst s10  }
0x32: {  	s10 =	sld [smem:$0x3F9D];
	_ =	sdelay $0x3  }
0x33: {  	p0 =	seq.s32 s10, $0x1;
	s10 =	sld [smem:$0x3F9F];
	_ =	sdelay $0x3  }
0x34: {  	[smem:$0x3F9F] =	sst s10  }
0x35: {  	s10 =	sld [smem:$0x3F9E];
	_ =	sdelay $0x3  }
0x36: {  	p1 =	seq.s32 s10, $0x1;
	s10 =	sld [smem:$0x3F9F];
	_ =	sdelay $0x3  }
0x37: {  	[smem:$0x3F9F] =	sst s10  }
0x38: {  	s10 =	sld [smem:$0x3FA0]  }
0x39: {  	_ = 	snop;
	(pc) =	sbr.ind lr, $3  }
0x3a: {  	_ = 	snop  }
0x3b: {  	_ = 	snop  }
0x3c: {  	p2 =	seq.s32 s10, $0x1;
	s10 =	sld [smem:$0x3F9F]  }
0x3d: {  	_ =	shalt  }
0x3e: {  	_ =	shalt  }
0x3f: {  	_ =	shalt  }
0x40: {  	_ =	shalt  }
0x41: {  	_ =	shalt  }
0x42: {  	_ =	shalt  }
0x43: {  	_ =	shalt  }
0x44: {  	_ =	shalt  }
0x45: {  	_ =	shalt  }
0x46: {  	_ =	shalt  }
0x47: {  	_ =	shalt  }
0x48: {  	_ =	shalt  }
0x49: {  	_ =	shalt  }
0x4a: {  	_ =	shalt  }
0x4b: {  	_ =	shalt  }
0x4c: {  	_ =	shalt  }
0x4d: {  	_ =	shalt  }
0x4e: {  	_ =	shalt  }
0x4f: {  	_ =	shalt  }
0x50: {  	_ =	shalt  }
0x51: {  	_ =	shalt  }
0x52: {  	_ =	shalt  }
0x53: {  	_ =	shalt  }
0x54: {  	_ =	shalt  }
0x55: {  	_ =	shalt  }
0x56: {  	_ =	shalt  }
0x57: {  	_ =	shalt  }
0x58: {  	_ =	shalt  }
0x59: {  	_ =	shalt  }
0x5a: {  	_ =	shalt  }
0x5b: {  	_ =	shalt  }
0x5c: {  	_ =	shalt  }
0x5d: {  	_ =	shalt  }
0x5e: {  	_ =	shalt  }
0x5f: {  	_ =	shalt  }
0x60: {  	_ =	shalt  }
0x61: {  	_ =	shalt  }
0x62: {  	_ =	shalt  }
0x63: {  	_ =	shalt  }
0x64: {  	_ =	shalt  }
0x65: {  	_ =	shalt  }
0x66: {  	_ =	shalt  }
0x67: {  	_ =	shalt  }
0x68: {  	_ =	shalt  }
0x69: {  	_ =	shalt  }
0x6a: {  	_ =	shalt  }
0x6b: {  	_ =	shalt  }
0x6c: {  	_ =	shalt  }
0x6d: {  	_ =	shalt  }
0x6e: {  	_ =	shalt  }
0x6f: {  	_ =	shalt  }
0x70: {  	_ =	shalt  }
0x71: {  	_ =	shalt  }
0x72: {  	_ =	shalt  }
0x73: {  	_ =	shalt  }
0x74: {  	_ =	shalt  }
0x75: {  	_ =	shalt  }
0x76: {  	_ =	shalt  }
0x77: {  	_ =	shalt  }
0x78: {  	_ =	shalt  }
0x79: {  	_ =	shalt  }
0x7a: {  	_ =	shalt  }
0x7b: {  	_ =	shalt  }
0x7c: {  	_ =	shalt  }
0x7d: {  	_ =	shalt  }
0x7e: {  	_ =	shalt  }
0x7f: {  	_ =	shalt  }
0x80: {  	_ =	shalt  }
0x81: {  	_ =	shalt  }
0x82: {  	_ =	shalt  }
0x83: {  	_ =	shalt  }
0x84: {  	_ =	shalt  }
0x85: {  	_ =	shalt  }
0x86: {  	_ =	shalt  }
0x87: {  	_ =	shalt  }
.Lfunc_end0:
.L_simem_size_0:
called_computation_lowered:
.L_overlay_start_0:
0x88: {  	s2 =	sld [smem:$0x3FD9]  }
0x89: {  	s3 =	sld [smem:$0x3FFE];
	_ =	sdelay $0x1  }
0x8a: {  	s1 =	srdreg.scid  }
0x8b: {  	s0 =	sand.u32 $0x1, s1  }
0x8c: {  	s17 =	sshll.u32 s0, $0xA;
	s2 =	sadd.s32 s3, s2  }
0x8d: {  	s2 =	sadd.s32 s2, s17  }
0x8e: {  	[smem:$0x3FAB] =	sst s2  }
0x8f: {  	_ = 	snop  }
0x90: {  	s2 =	sld [smem:$0x3FD0];
	(tm) =	ssettm $0x1  }
0x91: {  	s18 =	sld [smem:$0x3FFB];
	_ =	sdelay $0x3  }
0x92: {  	_ =	strace s18  }
0x93: {  	s3 =	sld [smem:$0x3FFC];
	_ =	sdelay $0x3  }
0x94: {  	_ =	strace s3  }
0x95: {  	s3 =	sld [smem:$0x3FFD];
	_ =	sdelay $0x3  }
0x96: {  	_ =	strace s3  }
0x97: {  	_ =	strace $0x8FFFFFFF  }
0x98: {  	s19 =	sld [smem:$0x3FDB];
	_ =	sdelay $0x1  }
0x99: {  	s4 =	simm.s32 $_scs_section_size  }
0x9a: {  	s5 =	simm.s32 $_size__tile_overlayer_lowered;
	s6 =	simm.s32 $_tile_overlayer_lowered  }
0x9b: {  	s22 =	simm.s32 $0x1BFF;
	s21 =	sshll.u32 s6, $0x1;
	s3 =	sadd.s32 s4, s19  }
0x9c: {  	s7 =	simm.s32 $0x0;
	s20 =	sshll.u32 s5, $0x1;
	s5 =	sadd.s32 s21, s3  }
0x9d: {  	[timem:s7], [sflag:s22] =	dma.local [hbm:s5], s20  }
0x9e: {  	_ =	swait.ge [sflag:s22], s20  }
0x9f: {  	s4 =	ssub.s32 $0x0, s20;
	[sflag:s22] =	ssyncset.done $0x0  }
0xa0: {  	[sflag:s22] =	ssyncadd.s32 s4;
	_ =	sdelay $0x1  }
0xa1: {  	s23 =	simm.s32 $0x1B8B  }
0xa2: {  	_ =	swait.ge [sflag:s23], $0x1  }
0xa3: {  	[sflag:s23] =	ssyncset.done $0x0  }
0xa4: {  	s25 =	simm.s32 $0x1B8E;
	s24 =	sld [smem:$0x3FFE];
	[sflag:s23] =	ssyncadd.s32 $0xFFFFFFFF  }
0xa5: {  	s26 =	simm.s32 $execute0_lowered;
	[smem:$0x3FD2] =	sst s25  }
0xa6: {  	s5 =	sshll.u32 s26, $0x1;
	_ =	strace $0x80000046;
	[dreg:$0x1] =	wrdreg $0xFFFFFFFF  }
0xa7: {  	s28 =	simm.s32 $_size_execute0_lowered;
	s3 =	sadd.s32 s3, s5;
	[dreg:$0x0] =	wrdreg $0x0  }
0xa8: {  	s5 =	sshll.u32 s28, $0x1;
	[dreg:$0x2] =	wrdreg s3  }
0xa9: {  	[dreg:$0x3] =	wrdreg s5  }
0xaa: {  	[dreg:$0x4] =	wrdreg $0xC0  }
0xab: {  	_ =	task [dreg:s7], $0x5FFFF  }
0xac: {  	[dreg:$0x1] =	wrdreg $0xFFFFFFFF  }
0xad: {  	[dreg:$0x0] =	wrdreg $0x60  }
0xae: {  	[dreg:$0x2] =	wrdreg s24  }
0xaf: {  	[dreg:$0x3] =	wrdreg s2  }
0xb0: {  	[dreg:$0x4] =	wrdreg $0x3800  }
0xb1: {  	[dreg:$0x5] =	wrdreg $0x6000  }
0xb2: {  	[dreg:$0x6] =	wrdreg $0x9  }
0xb3: {  	_ =	task.clear_ibuf [dreg:s7], $0x7FFFF;
	_ =	strace $0x90000046  }
0xb4: {  	s29 =	simm.s32 $0x9;
	_ =	strace $0x80000048  }
0xb5: {  	_ =	swait.ge [sflag:s29], $0x1  }
0xb6: {  	[sflag:s29] =	ssyncadd.s32 $0xFFFFFFFF  }
0xb7: {  	_ =	strace $0x90000048  }
0xb8: {  	_ =	sfence  }
0xb9: {  	s30 =	sld [smem:$0x0];
	_ =	sdelay $0x2  }
0xba: {  	s31 =	sshll.u32 s1, $0xD;
	s1 =	sshrl.u32 s1, $0x2  }
0xbb: {  	s3 =	sand.u32 $0x4000, s31;
	s1 =	sadd.s32 s1, s30  }
0xbc: {  	s0 =	sor.u32 s3, s0;
	s1 =	sshll.u32 s1, $0x11  }
0xbd: {  	s0 =	sor.u32 s1, s0  }
0xbe: {  	s0 =	sadd.s32 $0x8F2B, s0  }
0xbf: {  	[sflag:s0] =	ssyncadd.remote.s32 $0x1  }
0xc0: {  	_ =	sfence.sel $0xFFFF  }
0xc1: {  	[dreg:$0x0] =	wrdreg $0xFFFFFFFF;
	(pc) =	sbr.abs _section_cstart, $3  }
0xc2: {  	[dreg:$0x1] =	wrdreg $0xFFFFFFFF  }
0xc3: {  	_ =	task.clear_ibuf [dreg:s7], $0x2FFFF;
	_ =	strace $0x9FFFFFFF  }
0xc4: {  	(tm) =	ssettm $0x7FFFFFFF  }
0xc5: {  	_ =	shalt  }
tec
execute0_lowered:
.L_overlay_start_1:
0x0: {  	(tag) =	ssettag $0x1  }
0x1: {  	s6 =	rddreg [dreg:$0x0]  }
0x2: {  	s8 =	rddreg [dreg:$0x1]  }
0x3: {  	s1 =	rddreg [dreg:$0x2]  }
0x4: {  	s0 =	srdreg.scid;
	s4 =	stileid.u32  }
0x5: {  	s2 =	rddreg [dreg:$0x3];
	s3 =	simm.s32 $0x0;
	s12 =	smul.u32 $0x280, s4  }
0x6: {  	s5 =	sand.u32 $0x1, s0;
	s0 =	rddreg [dreg:$0x4];
	s14 =	smul.u32 $0x500, s4  }
0x7: {  	[smem:$0x7FF] =	sst s3;
	s16 =	smul.u32 $0xA0, s4  }
0x8: {  	s9 =	smul.u32 $0x5000, s5;
	_ =	strace $0x80000047;
	s7 =	sshll.u32 s5, $0x4  }
0x9: {  	s11 =	ssub.s32 $0x2, s5;
	s5 =	sadd.s32 $0x11C00, s6;
	s13 =	sadd.s32 s7, s6  }
0xa: {  	s31 =	sshrl.u32 s11, $0x1;
	s7 =	sadd.s32 s12, s2;
	s10 =	sadd.s32 s9, s6  }
0xb: {  	s11 =	ssub.s32 s11, s31;
	s6 =	sadd.s32 s12, s1;
	s15 =	sadd.s32 $0x12200, s13  }
0xc: {  	s17 =	sadd.s32 $0x12C00, s13;
	s9 =	sadd.s32 s9, s8;
	s12 =	simm.s32 $0x1  }
0xd: {  	s13 =	simm.s32 $0x80;
	s10 =	sadd.s32 s14, s10;
	s8 =	smax.u32 s11, $0x1  }
0xe: {  	s9 =	sadd.s32 s14, s9;
	s11 =	simm.s32 $0x100;
	s14 =	sadd.s32 s16, s15  }
0xf: {  	v0 =	vimm.f32 $1.000000000e+00;
	s15 =	sadd.s32 s16, s17;
	s16 =	simm.s32 $0x0;
	s10 =	sadd.s32 $0x7C00, s10  }
.LBB2_1:
0x10: {  	[tilespmem:s11], [sflag:$0x1] =	stream.linear.gather [hbm4b:s5+s3], $0x280, $0x38;
	[tilespmem:$0x880] =	vst v63  }
0x11: {  	_ =	swait.ge [sflag:s12], $0x280  }
0x12: {  	[sflag:s12] =	ssyncset.done $0x0  }
0x13: {  	[sflag:s12] =	ssyncadd.s32 $0xFFFFFD80  }
0x14: {  	[spmem:s6] =	stream.linear.scatter [tilespmem:s11], [sflag:$0x1], $0x280, $0x38;
	[tilespmem:$0x880] =	vst v63  }
0x15: {  	_ =	swait.ge [sflag:s12], $0x280  }
0x16: {  	[sflag:s12] =	ssyncset.done $0x0  }
0x17: {  	[sflag:s12] =	ssyncadd.s32 $0xFFFFFD80  }
0x18: {  	[spmem:s7] =	stream.linear.scatter [tilespmem:s11], [sflag:$0x1], $0x280, $0x38;
	[tilespmem:$0x880] =	vst v63  }
0x19: {  	_ =	swait.ge [sflag:s12], $0x280  }
0x1a: {  	[sflag:s12] =	ssyncset.done $0x0  }
0x1b: {  	[sflag:s12] =	ssyncadd.s32 $0xFFFFFD80  }
0x1c: {  	[tilespmem:$0x80] =	vst v0  }
0x1d: {  	[tilespmem:$0x90] =	vst v0  }
0x1e: {  	[tilespmem:$0xA0] =	vst v0  }
0x1f: {  	[tilespmem:$0xB0] =	vst v0  }
0x20: {  	[tilespmem:$0xC0] =	vst v0  }
0x21: {  	[tilespmem:$0xD0] =	vst v0  }
0x22: {  	[tilespmem:$0xE0] =	vst v0  }
0x23: {  	[tilespmem:$0xF0] =	vst v0  }
0x24: {  	s17 =	sadd.s32 $0x0, s10;
	[bflag:$0x0] =	sbarrier.arrive $0xFFFF  }
0x25: {  	[tilespmem:s3], [sflag:$0x1] =	stream.linear.gather [hbm4b:s17+s3], $0x80, $0x38;
	[tilespmem:$0x880] =	vst v63  }
0x26: {  	_ =	swait.ge [sflag:s12], $0x80  }
0x27: {  	[sflag:s12] =	ssyncset.done $0x0  }
0x28: {  	[sflag:s12] =	ssyncadd.s32 $0xFFFFFF80  }
0x29: {  	[spmem:s1] =	stream.indirect.scatter.add.f32 [tilespmem:s13], [sflag:$0x1], $0x1, s3, s13, $0xb8;
	[tilespmem:$0x880] =	vst v63  }
0x2a: {  	_ =	swait.ge [sflag:s12], $0x80  }
0x2b: {  	[sflag:s12] =	ssyncset.done $0x0  }
0x2c: {  	s31 =	sadd.s32 $0x0, s9;
	[sflag:s12] =	ssyncadd.s32 $0xFFFFFF80  }
0x2d: {  	[tilespmem:s3], [sflag:$0x1] =	stream.linear.gather [hbm4b:s31+s3], $0x80, $0x38;
	[tilespmem:$0x880] =	vst v63  }
0x2e: {  	_ =	swait.ge [sflag:s12], $0x80  }
0x2f: {  	[sflag:s12] =	ssyncset.done $0x0  }
0x30: {  	[sflag:s12] =	ssyncadd.s32 $0xFFFFFF80  }
0x31: {  	[spmem:s2] =	stream.indirect.scatter.add.f32 [tilespmem:s13], [sflag:$0x1], $0x1, s3, s13, $0xb8;
	[tilespmem:$0x880] =	vst v63  }
0x32: {  	_ =	swait.ge [sflag:s12], $0x80  }
0x33: {  	s18 =	simm.s32 $0x20;
	s17 =	simm.s32 $0x10;
	[sflag:s12] =	ssyncset.done $0x0  }
.LBB2_2:
0x34: {  	s19 =	sadd.s32 s17, s10  }
0x35: {  	[sflag:s12] =	ssyncadd.s32 $0xFFFFFF80;
	s20 =	smov.u32 s18;
	s21 =	sadd.s32 $0x10, s18  }
0x36: {  	[tilespmem:s3], [sflag:$0x1] =	stream.linear.gather [hbm4b:s19+s3], $0x80, $0x38;
	[tilespmem:$0x880] =	vst v63  }
0x37: {  	p0 =	sne.s32 s18, $0x4F0;
	_ =	swait.ge [sflag:s12], $0x80  }
0x38: {  	[sflag:s12] =	ssyncset.done $0x0  }
0x39: {  	[sflag:s12] =	ssyncadd.s32 $0xFFFFFF80  }
0x3a: {  	[spmem:s1] =	stream.indirect.scatter.add.f32 [tilespmem:s13], [sflag:$0x1], $0x1, s3, s13, $0xb8;
	[tilespmem:$0x880] =	vst v63  }
0x3b: {  	_ =	swait.ge [sflag:s12], $0x80  }
0x3c: {  	[sflag:s12] =	ssyncset.done $0x0  }
0x3d: {  	s18 =	sadd.s32 s17, s9;
	s17 =	smov.u32 s20;
	[sflag:s12] =	ssyncadd.s32 $0xFFFFFF80  }
0x3e: {  	[tilespmem:s3], [sflag:$0x1] =	stream.linear.gather [hbm4b:s18+s3], $0x80, $0x38;
	[tilespmem:$0x880] =	vst v63  }
0x3f: {  	_ =	swait.ge [sflag:s12], $0x80  }
.Ltmp0:
0x40: {  	[sflag:s12] =	ssyncset.done $0x0;
	(pc) =	sbr.rel @p0 .LBB2_2-.Ltmp0, $4  }
0x41: {  	[sflag:s12] =	ssyncadd.s32 $0xFFFFFF80  }
0x42: {  	[spmem:s2] =	stream.indirect.scatter.add.f32 [tilespmem:s13], [sflag:$0x1], $0x1, s3, s13, $0xb8;
	[tilespmem:$0x880] =	vst v63  }
0x43: {  	_ =	swait.ge [sflag:s12], $0x80  }
0x44: {  	s18 =	smov.u32 s21;
	[sflag:s12] =	ssyncset.done $0x0  }
0x45: {  	s18 =	sadd.s32 s17, s10;
	[sflag:s12] =	ssyncadd.s32 $0xFFFFFF80  }
0x46: {  	[tilespmem:s3], [sflag:$0x1] =	stream.linear.gather [hbm4b:s18+s3], $0x80, $0x38;
	[tilespmem:$0x880] =	vst v63  }
0x47: {  	_ =	swait.ge [sflag:s12], $0x80  }
0x48: {  	[sflag:s12] =	ssyncset.done $0x0  }
0x49: {  	[sflag:s12] =	ssyncadd.s32 $0xFFFFFF80  }
0x4a: {  	[spmem:s1] =	stream.indirect.scatter.add.f32 [tilespmem:s13], [sflag:$0x1], $0x1, s3, s13, $0xb8;
	[tilespmem:$0x880] =	vst v63  }
0x4b: {  	_ =	swait.ge [sflag:s12], $0x80  }
0x4c: {  	[sflag:s12] =	ssyncset.done $0x0  }
0x4d: {  	s31 =	sadd.s32 s17, s9;
	[sflag:s12] =	ssyncadd.s32 $0xFFFFFF80  }
0x4e: {  	[tilespmem:s3], [sflag:$0x1] =	stream.linear.gather [hbm4b:s31+s3], $0x80, $0x38;
	[tilespmem:$0x880] =	vst v63  }
0x4f: {  	_ =	swait.ge [sflag:s12], $0x80  }
0x50: {  	[sflag:s12] =	ssyncset.done $0x0  }
0x51: {  	[sflag:s12] =	ssyncadd.s32 $0xFFFFFF80  }
0x52: {  	[spmem:s2] =	stream.indirect.scatter.add.f32 [tilespmem:s13], [sflag:$0x1], $0x1, s3, s13, $0xb8;
	[tilespmem:$0x880] =	vst v63  }
0x53: {  	_ =	swait.ge [sflag:s12], $0x80  }
0x54: {  	[sflag:s12] =	ssyncset.done $0x0  }
0x55: {  	[sflag:s12] =	ssyncadd.s32 $0xFFFFFF80  }
0x56: {  	[bflag:$0x0] =	sbarrier.arrive $0xFFFF  }
0x57: {  	[tilespmem:s11], [sflag:$0x1] =	stream.linear.gather [spmem:s6], $0x280, $0x38;
	[tilespmem:$0x880] =	vst v63  }
0x58: {  	_ =	swait.ge [sflag:s12], $0x280  }
0x59: {  	[sflag:s12] =	ssyncset.done $0x0  }
0x5a: {  	[sflag:s12] =	ssyncadd.s32 $0xFFFFFD80  }
0x5b: {  	[hbm4b:s14+s13] =	stream.strided.scatter [tilespmem:s11], [sflag:$0x1], $0x280, s11, s13, $0x38;
	[tilespmem:$0x880] =	vst v63  }
0x5c: {  	_ =	swait.ge [sflag:s12], $0x280  }
0x5d: {  	[sflag:s12] =	ssyncset.done $0x0  }
0x5e: {  	[sflag:s12] =	ssyncadd.s32 $0xFFFFFD80  }
0x5f: {  	[tilespmem:s11], [sflag:$0x1] =	stream.linear.gather [spmem:s7], $0x280, $0x38;
	[tilespmem:$0x880] =	vst v63  }
0x60: {  	s16 =	sadd.s32 $0x1, s16;
	_ =	swait.ge [sflag:s12], $0x280  }
0x61: {  	p0 =	sne.s32 s16, s8;
	[sflag:s12] =	ssyncset.done $0x0  }
.Ltmp1:
0x62: {  	[sflag:s12] =	ssyncadd.s32 $0xFFFFFD80;
	(pc) =	sbr.rel @p0 .LBB2_1-.Ltmp1, $4  }
0x63: {  	[hbm4b:s15+s13] =	stream.strided.scatter [tilespmem:s11], [sflag:$0x1], $0x280, s11, s13, $0x38;
	[tilespmem:$0x880] =	vst v63  }
0x64: {  	_ =	swait.ge [sflag:s12], $0x280  }
0x65: {  	[sflag:s12] =	ssyncset.done $0x0  }
0x66: {  	[sflag:s12] =	ssyncadd.s32 $0xFFFFFD80  }
0x67: {  	_ =	sfence.sel $0x180000  }
0x68: {  	[bflag:$0x0] =	sbarrier.arrive $0xFFFF  }
0x69: {  	p0 =	sne.s32 s4, $0x0;
	_ =	strace $0x90000047  }
0x6a: {  	s0 =	sadd.s32 @!p0 $0x100000, s0;
	[bflag:$0x2] =	sbarrier.arrive $0xFFFF  }
0x6b: {  	[sflag:s0] =	ssyncadd.tile.s32 @!p0 $0x1;
	_ =	shalt  }
.Lfunc_end2:
_tile_overlayer_lowered:
.L_overlay_start_2:
0x6c: {  	(tag) =	ssettag $0x2  }
0x6d: {  	s0 =	rddreg [dreg:$0x0];
	s2 =	stileid.u32  }
0x6e: {  	s1 =	rddreg [dreg:$0x1];
	p0 =	sne.s32 s2, $0x0  }
0x6f: {  	s3 =	rddreg [dreg:$0x2];
	[bflag:$0x3] =	sbarrier.arrive $0xFFFF;
	s2 =	simm.s32 @!p0 $0x1C01  }
0x70: {  	[timem:s3], [sflag:s2] =	dma.local @!p0 [hbm:s0], s1  }
0x71: {  	s0 =	simm.s32 @!p0 $0x1  }
0x72: {  	_ =	swait.ge @!p0 [sflag:s0], s1  }
0x73: {  	s1 =	ssub.s32 @!p0 $0x0, s1;
	[sflag:s0] =	ssyncset.done @!p0 $0x0  }
0x74: {  	[sflag:s0] =	ssyncadd.s32 @!p0 s1  }
0x75: {  	[bflag:$0x3] =	sbarrier.arrive $0xFFFF  }
0x76: {  	_ =	shalt  }

// kernel: kernel.16.cloned.1.call-start
scs
__scs_entry_jumppad:
0x0: {  	(pc) =	sbr.rel $0x88, $3  }
0x1: {  	(tag) =	ssettag $0x0;
	lr =	simm.s32 $0x1  }
0x2: {  	[smem:$0x3F84] =	sst lr;
	_ =	strace $0xD0000000  }
0x3: {  	_ = 	snop  }
0x4: {  	_ = 	snop  }
0x5: {  	_ = 	snop  }
0x6: {  	_ = 	snop  }
0x7: {  	_ = 	snop  }
__scs_overlays_trampoline_lowered:
0x8: {  	[smem:$0x3F93] =	sst s0  }
0x9: {  	[smem:$0x3F94] =	sst s1  }
0xa: {  	[smem:$0x3F95] =	sst s2  }
0xb: {  	[smem:$0x3F96] =	sst s3  }
0xc: {  	[smem:$0x3F97] =	sst s4  }
0xd: {  	[smem:$0x3F98] =	sst s5  }
0xe: {  	[smem:$0x3F99] =	sst s6  }
0xf: {  	[smem:$0x3F9A] =	sst s7  }
0x10: {  	[smem:$0x3F9B] =	sst s8  }
0x11: {  	[smem:$0x3F9C] =	sst s9;
	s0 =	simm.s32 @!p0 $0x0  }
0x12: {  	s1 =	sld [smem:$0x3F82];
	s0 =	simm.s32 @p0 $0x1  }
0x13: {  	[smem:$0x3F9D] =	sst s0;
	s0 =	simm.s32 @!p1 $0x0  }
0x14: {  	s2 =	sld [smem:$0x3F81];
	s0 =	simm.s32 @p1 $0x1  }
0x15: {  	[smem:$0x3F9E] =	sst s0;
	s0 =	simm.s32 @!p2 $0x0  }
0x16: {  	s3 =	sld [smem:$0x3FDB];
	s0 =	simm.s32 @p2 $0x1  }
0x17: {  	s4 =	simm.s32 $0x1BF5;
	[smem:$0x3FA0] =	sst s0  }
0x18: {  	s0 =	sld [smem:$0x3F83];
	_ =	swait.ge [sflag:s4], $0x0  }
0x19: {  	s7 =	sld [smem:$0x3F84]  }
0x1a: {  	s8 =	sadd.s32 $0xFFFFE003, lr  }
0x1b: {  	s9 =	sadd.s32 $0xFFFFFEF7, lr;
	s5 =	simm.s32 $0xFFFFFFFF;
	p2 =	slt.u32 s8, $0xFFFFF086  }
0x1c: {  	p1 =	slt.u32 s9, $0xF7A;
	s5 =	simm.s32 @!p2 $0x0  }
0x1d: {  	s5 =	simm.s32 @p1 $0x1;
	p0 =	seq.s32 s7, s2  }
0x1e: {  	s7 =	smul.u32 @!p0 $0xF7A, s2;
	p2 =	seq.s32 @!p0 s5, $0x0  }
0x1f: {  	s9 =	smul.u32 $0xF7A, s1;
	s8 =	simm.s32 @!p0 $0x1BF5;
	p2 =	por !p2, p0  }
0x20: {  	[sflag:s8] =	ssyncset.s32 @!p0 $0xFFFFF086;
	s6 =	sadd.s32 @!p0 s3, s7;
	s7 =	simm.s32 @!p0 $0x108  }
0x21: {  	s3 =	sadd.s32 s3, s9;
	s6 =	sadd.s32 @!p0 $0x88, s6;
	s7 =	simm.s32 @p2 $0x1082  }
0x22: {  	[simem:s7], [sflag:s8] =	dma.local @!p0 [hbm:s6], $0xF7A  }
0x23: {  	s9 =	sor.u32 $0xD0000000, s2;
	s6 =	simm.s32 $0x108;
	_ =	swait.ge @!p0 [sflag:s8], $0x0  }
0x24: {  	s3 =	sadd.s32 $0x88, s3;
	s6 =	simm.s32 @!p1 $0x1082;
	[sflag:s4] =	ssyncset.s32 $0xFFFFF086  }
0x25: {  	[simem:s6], [sflag:s4] =	dma.local [hbm:s3], $0xF7A  }
0x26: {  	[smem:$0x3F84] =	sst s1;
	(tag) =	ssettag s2;
	_ =	strace s9  }
0x27: {  	s1 =	sld [smem:$0x3F94]  }
0x28: {  	s2 =	sld [smem:$0x3F95]  }
0x29: {  	s4 =	sld [smem:$0x3F97]  }
0x2a: {  	p0 =	seq.s32 s5, $0x0;
	s5 =	sld [smem:$0x3F98]  }
0x2b: {  	s6 =	sld [smem:$0x3F99]  }
0x2c: {  	s7 =	sld [smem:$0x3F9A]  }
0x2d: {  	s3 =	simm.s32 $0x108;
	s8 =	sld [smem:$0x3F9B]  }
0x2e: {  	s3 =	simm.s32 @!p0 $0x1082;
	s9 =	sld [smem:$0x3F9C]  }
0x2f: {  	lr =	sadd.s32 s0, s3;
	s0 =	sld [smem:$0x3F93]  }
0x30: {  	s3 =	sld [smem:$0x3F96]  }
0x31: {  	[smem:$0x3F9F] =	sst s10  }
0x32: {  	s10 =	sld [smem:$0x3F9D];
	_ =	sdelay $0x3  }
0x33: {  	p0 =	seq.s32 s10, $0x1;
	s10 =	sld [smem:$0x3F9F];
	_ =	sdelay $0x3  }
0x34: {  	[smem:$0x3F9F] =	sst s10  }
0x35: {  	s10 =	sld [smem:$0x3F9E];
	_ =	sdelay $0x3  }
0x36: {  	p1 =	seq.s32 s10, $0x1;
	s10 =	sld [smem:$0x3F9F];
	_ =	sdelay $0x3  }
0x37: {  	[smem:$0x3F9F] =	sst s10  }
0x38: {  	s10 =	sld [smem:$0x3FA0]  }
0x39: {  	_ = 	snop;
	(pc) =	sbr.ind lr, $3  }
0x3a: {  	_ = 	snop  }
0x3b: {  	_ = 	snop  }
0x3c: {  	p2 =	seq.s32 s10, $0x1;
	s10 =	sld [smem:$0x3F9F]  }
0x3d: {  	_ =	shalt  }
0x3e: {  	_ =	shalt  }
0x3f: {  	_ =	shalt  }
0x40: {  	_ =	shalt  }
0x41: {  	_ =	shalt  }
0x42: {  	_ =	shalt  }
0x43: {  	_ =	shalt  }
0x44: {  	_ =	shalt  }
0x45: {  	_ =	shalt  }
0x46: {  	_ =	shalt  }
0x47: {  	_ =	shalt  }
0x48: {  	_ =	shalt  }
0x49: {  	_ =	shalt  }
0x4a: {  	_ =	shalt  }
0x4b: {  	_ =	shalt  }
0x4c: {  	_ =	shalt  }
0x4d: {  	_ =	shalt  }
0x4e: {  	_ =	shalt  }
0x4f: {  	_ =	shalt  }
0x50: {  	_ =	shalt  }
0x51: {  	_ =	shalt  }
0x52: {  	_ =	shalt  }
0x53: {  	_ =	shalt  }
0x54: {  	_ =	shalt  }
0x55: {  	_ =	shalt  }
0x56: {  	_ =	shalt  }
0x57: {  	_ =	shalt  }
0x58: {  	_ =	shalt  }
0x59: {  	_ =	shalt  }
0x5a: {  	_ =	shalt  }
0x5b: {  	_ =	shalt  }
0x5c: {  	_ =	shalt  }
0x5d: {  	_ =	shalt  }
0x5e: {  	_ =	shalt  }
0x5f: {  	_ =	shalt  }
0x60: {  	_ =	shalt  }
0x61: {  	_ =	shalt  }
0x62: {  	_ =	shalt  }
0x63: {  	_ =	shalt  }
0x64: {  	_ =	shalt  }
0x65: {  	_ =	shalt  }
0x66: {  	_ =	shalt  }
0x67: {  	_ =	shalt  }
0x68: {  	_ =	shalt  }
0x69: {  	_ =	shalt  }
0x6a: {  	_ =	shalt  }
0x6b: {  	_ =	shalt  }
0x6c: {  	_ =	shalt  }
0x6d: {  	_ =	shalt  }
0x6e: {  	_ =	shalt  }
0x6f: {  	_ =	shalt  }
0x70: {  	_ =	shalt  }
0x71: {  	_ =	shalt  }
0x72: {  	_ =	shalt  }
0x73: {  	_ =	shalt  }
0x74: {  	_ =	shalt  }
0x75: {  	_ =	shalt  }
0x76: {  	_ =	shalt  }
0x77: {  	_ =	shalt  }
0x78: {  	_ =	shalt  }
0x79: {  	_ =	shalt  }
0x7a: {  	_ =	shalt  }
0x7b: {  	_ =	shalt  }
0x7c: {  	_ =	shalt  }
0x7d: {  	_ =	shalt  }
0x7e: {  	_ =	shalt  }
0x7f: {  	_ =	shalt  }
0x80: {  	_ =	shalt  }
0x81: {  	_ =	shalt  }
0x82: {  	_ =	shalt  }
0x83: {  	_ =	shalt  }
0x84: {  	_ =	shalt  }
0x85: {  	_ =	shalt  }
0x86: {  	_ =	shalt  }
0x87: {  	_ =	shalt  }
.Lfunc_end0:
.L_simem_size_0:
called_computation.1_lowered:
.L_overlay_start_0:
0x88: {  	s2 =	sld [smem:$0x3FD9]  }
0x89: {  	s3 =	sld [smem:$0x3FFE];
	_ =	sdelay $0x1  }
0x8a: {  	s1 =	srdreg.scid  }
0x8b: {  	s0 =	sand.u32 $0x1, s1  }
0x8c: {  	s17 =	sshll.u32 s0, $0xA;
	s2 =	sadd.s32 s3, s2  }
0x8d: {  	s2 =	sadd.s32 s2, s17  }
0x8e: {  	[smem:$0x3FAB] =	sst s2  }
0x8f: {  	_ = 	snop  }
0x90: {  	s18 =	sld [smem:$0x3FD0];
	(tm) =	ssettm $0x1  }
0x91: {  	s19 =	sld [smem:$0x3FFB];
	_ =	sdelay $0x3  }
0x92: {  	_ =	strace s19  }
0x93: {  	s2 =	sld [smem:$0x3FFC];
	_ =	sdelay $0x3  }
0x94: {  	_ =	strace s2  }
0x95: {  	s2 =	sld [smem:$0x3FFD];
	_ =	sdelay $0x3  }
0x96: {  	_ =	strace s2  }
0x97: {  	_ =	strace $0x8FFFFFFF  }
0x98: {  	s20 =	sld [smem:$0x3FDB];
	_ =	sdelay $0x1  }
0x99: {  	s4 =	simm.s32 $_scs_section_size  }
0x9a: {  	s5 =	simm.s32 $_size__tile_overlayer_lowered;
	s6 =	simm.s32 $_tile_overlayer_lowered  }
0x9b: {  	s7 =	simm.s32 $0x1BFF;
	s21 =	sshll.u32 s6, $0x1;
	s4 =	sadd.s32 s4, s20  }
0x9c: {  	s22 =	simm.s32 $0x0;
	s5 =	sshll.u32 s5, $0x1;
	s6 =	sadd.s32 s21, s4  }
0x9d: {  	[timem:s22], [sflag:s7] =	dma.local [hbm:s6], s5  }
0x9e: {  	_ =	swait.ge [sflag:s7], s5  }
0x9f: {  	s5 =	ssub.s32 $0x0, s5;
	[sflag:s7] =	ssyncset.done $0x0  }
0xa0: {  	[sflag:s7] =	ssyncadd.s32 s5;
	_ =	sdelay $0x1  }
0xa1: {  	s23 =	simm.s32 $0x1B8B  }
0xa2: {  	_ =	swait.ge [sflag:s23], $0x1  }
0xa3: {  	[sflag:s23] =	ssyncset.done $0x0  }
0xa4: {  	[sflag:s23] =	ssyncadd.s32 $0xFFFFFFFF  }
0xa5: {  	s5 =	sld [smem:$0x0]  }
0xa6: {  	s6 =	sand.u32 $0xFFFFFFFE, s1  }
0xa7: {  	p0 =	sne.s32 s1, s6  }
0xa8: {  	s6 =	sshll.u32 @p0 s6, $0xE  }
0xa9: {  	s6 =	sadd.s32 @p0 $0x11B8D, s6;
	s7 =	sshll.u32 @p0 s5, $0x11  }
0xaa: {  	s6 =	sor.u32 @p0 s7, s6  }
0xab: {  	[sflag:s6] =	ssyncadd.remote.s32 @p0 $0x1;
	_ =	sdelay $0x1  }
0xac: {  	s6 =	simm.s32 @p0 $0x1B8D  }
0xad: {  	_ =	swait.eq @p0 [sflag:s6], $0x1  }
0xae: {  	[sflag:s6] =	ssyncadd.s32 @p0 $0xFFFFFFFF  }
0xaf: {  	s7 =	sshll.u32 @!p0 s1, $0xE  }
0xb0: {  	s7 =	sor.u32 @!p0 $0x4000, s7;
	s6 =	simm.s32 @!p0 $0x1B8D  }
0xb1: {  	s5 =	sshll.u32 @!p0 s5, $0x11;
	s7 =	sadd.s32 @!p0 $0x11B8D, s7;
	_ =	swait.eq @!p0 [sflag:s6], $0x1  }
0xb2: {  	s5 =	sor.u32 @!p0 s5, s7;
	[sflag:s6] =	ssyncadd.s32 @!p0 $0xFFFFFFFF  }
0xb3: {  	s25 =	simm.s32 $0x1B8E;
	s24 =	sld [smem:$0x3FFE];
	[sflag:s5] =	ssyncadd.remote.s32 @!p0 $0x1  }
0xb4: {  	s26 =	simm.s32 $execute0_lowered;
	[smem:$0x3FD2] =	sst s25  }
0xb5: {  	s6 =	sshll.u32 s26, $0x1;
	_ =	strace $0x8000004C;
	[dreg:$0x1] =	wrdreg $0xFFFFFFFF  }
0xb6: {  	s28 =	simm.s32 $_size_execute0_lowered;
	s4 =	sadd.s32 s4, s6;
	[dreg:$0x0] =	wrdreg $0x0  }
0xb7: {  	s6 =	sshll.u32 s28, $0x1;
	[dreg:$0x2] =	wrdreg s4  }
0xb8: {  	[dreg:$0x3] =	wrdreg s6  }
0xb9: {  	[dreg:$0x4] =	wrdreg $0xC0  }
0xba: {  	_ =	task [dreg:s22], $0x5FFFF  }
0xbb: {  	[dreg:$0x1] =	wrdreg $0xFFFFFFFF  }
0xbc: {  	[dreg:$0x0] =	wrdreg $0x60  }
0xbd: {  	[dreg:$0x2] =	wrdreg s24  }
0xbe: {  	[dreg:$0x3] =	wrdreg s18  }
0xbf: {  	[dreg:$0x4] =	wrdreg $0x41000  }
0xc0: {  	[dreg:$0x5] =	wrdreg $0xA  }
0xc1: {  	_ =	task.clear_ibuf [dreg:s22], $0x6FFFF;
	_ =	strace $0x9000004C  }
0xc2: {  	s29 =	simm.s32 $0xA;
	_ =	strace $0x8000004E  }
0xc3: {  	_ =	swait.ge [sflag:s29], $0x1  }
0xc4: {  	[sflag:s29] =	ssyncadd.s32 $0xFFFFFFFF  }
0xc5: {  	_ =	strace $0x9000004E  }
0xc6: {  	_ =	sfence  }
0xc7: {  	s30 =	sld [smem:$0x0];
	_ =	sdelay $0x2  }
0xc8: {  	s31 =	sshll.u32 s1, $0xD;
	s1 =	sshrl.u32 s1, $0x2  }
0xc9: {  	s4 =	sand.u32 $0x4000, s31;
	s1 =	sadd.s32 s1, s30  }
0xca: {  	s0 =	sor.u32 s4, s0;
	s1 =	sshll.u32 s1, $0x11  }
0xcb: {  	s0 =	sor.u32 s1, s0  }
0xcc: {  	s0 =	sadd.s32 $0x8F2B, s0  }
0xcd: {  	[sflag:s0] =	ssyncadd.remote.s32 $0x1  }
0xce: {  	_ =	sfence.sel $0xFFFF  }
0xcf: {  	[dreg:$0x0] =	wrdreg $0xFFFFFFFF;
	(pc) =	sbr.abs _section_cstart, $3  }
0xd0: {  	[dreg:$0x1] =	wrdreg $0xFFFFFFFF  }
0xd1: {  	_ =	task.clear_ibuf [dreg:s22], $0x2FFFF;
	_ =	strace $0x9FFFFFFF  }
0xd2: {  	(tm) =	ssettm $0x7FFFFFFF  }
0xd3: {  	_ =	shalt  }
tec
execute0_lowered:
.L_overlay_start_1:
0x0: {  	(tag) =	ssettag $0x1  }
0x1: {  	s6 =	rddreg [dreg:$0x0]  }
0x2: {  	s12 =	rddreg [dreg:$0x1];
	s3 =	srdreg.scid  }
0x3: {  	s1 =	rddreg [dreg:$0x2];
	s4 =	sand.u32 $0x1, s3  }
0x4: {  	s0 =	rddreg [dreg:$0x3];
	s13 =	smul.u32 $0x5000, s4  }
0x5: {  	s2 =	simm.s32 $0x0;
	s3 =	stileid.u32;
	s7 =	smul.u32 $0x28000, s4  }
0x6: {  	[smem:$0x7FF] =	sst s2;
	s10 =	smul.u32 $0x5, s3  }
0x7: {  	s5 =	sadd.s32 $0xB3600, s6;
	_ =	strace $0x8000004D;
	s11 =	smul.u32 $0x50000, s3  }
0x8: {  	s8 =	ssub.s32 $0x2, s4;
	s4 =	sadd.s32 $0x8B600, s6;
	s19 =	smul.u32 $0x2800, s3  }
0x9: {  	s20 =	smul.u32 $0x500, s3;
	s9 =	sshrl.u32 s8, $0x1;
	s14 =	sadd.s32 s13, s6  }
0xa: {  	s6 =	sadd.s32 s7, s6;
	s24 =	ssub.s32 s8, s9;
	s25 =	sshrl.u32 s11, $0x2  }
0xb: {  	s15 =	sadd.s32 $0x1, s10;
	s16 =	sadd.s32 $0x2, s10;
	s17 =	sadd.s32 $0x3, s10  }
0xc: {  	s18 =	sadd.s32 $0x4, s10;
	s12 =	sadd.s32 s13, s12;
	s22 =	sadd.s32 $0x103E00, s6  }
0xd: {  	s6 =	sadd.s32 s25, s1;
	s26 =	sshll.u32 s15, $0xE;
	s7 =	smax.u32 s24, $0x1  }
0xe: {  	s28 =	sshll.u32 s16, $0xE;
	s29 =	sshll.u32 s17, $0xE;
	s30 =	sshll.u32 s18, $0xE  }
0xf: {  	s21 =	sshll.u32 s15, $0xB;
	s23 =	sshll.u32 s16, $0xB;
	s24 =	sshll.u32 s17, $0xB  }
0x10: {  	s25 =	sshll.u32 s18, $0xB;
	s31 =	sadd.s32 s20, s14;
	s12 =	sadd.s32 s20, s12  }
0x11: {  	s14 =	simm.s32 $0x100;
	s15 =	simm.s32 $0x2;
	s16 =	simm.s32 $0x80  }
0x12: {  	s17 =	simm.s32 $0x1;
	s8 =	sadd.s32 s26, s1;
	s9 =	sadd.s32 s28, s1  }
0x13: {  	s10 =	sadd.s32 s29, s1;
	s11 =	sadd.s32 s30, s1;
	s13 =	sadd.s32 $0x7C00, s31  }
0x14: {  	s18 =	sadd.s32 s19, s22;
	s19 =	sadd.s32 s21, s22;
	s20 =	sadd.s32 s23, s22  }
0x15: {  	s21 =	sadd.s32 s24, s22;
	s22 =	sadd.s32 s25, s22;
	s23 =	simm.s32 $0x0  }
.LBB2_1:
0x16: {  	[tilespmem:s14], [sflag:$0x2] =	stream.linear.gather [hbm4b:s5+s2], $0x4000, $0x38;
	[tilespmem:$0x18100] =	vst v63  }
0x17: {  	_ =	swait.ge [sflag:s15], $0x4000  }
0x18: {  	[sflag:s15] =	ssyncset.done $0x0  }
0x19: {  	[sflag:s15] =	ssyncadd.s32 $0xFFFFC000  }
0x1a: {  	[spmem:s6] =	stream.linear.scatter [tilespmem:s14], [sflag:$0x2], $0x4000, $0x38;
	[tilespmem:$0x18100] =	vst v63  }
0x1b: {  	_ =	swait.ge [sflag:s15], $0x4000  }
0x1c: {  	[sflag:s15] =	ssyncset.done $0x0  }
0x1d: {  	[sflag:s15] =	ssyncadd.s32 $0xFFFFC000  }
0x1e: {  	[spmem:s8] =	stream.linear.scatter [tilespmem:s14], [sflag:$0x2], $0x4000, $0x38;
	[tilespmem:$0x18100] =	vst v63  }
0x1f: {  	_ =	swait.ge [sflag:s15], $0x4000  }
0x20: {  	[sflag:s15] =	ssyncset.done $0x0  }
0x21: {  	[sflag:s15] =	ssyncadd.s32 $0xFFFFC000  }
0x22: {  	[spmem:s9] =	stream.linear.scatter [tilespmem:s14], [sflag:$0x2], $0x4000, $0x38;
	[tilespmem:$0x18100] =	vst v63  }
0x23: {  	_ =	swait.ge [sflag:s15], $0x4000  }
0x24: {  	[sflag:s15] =	ssyncset.done $0x0  }
0x25: {  	[sflag:s15] =	ssyncadd.s32 $0xFFFFC000  }
0x26: {  	[spmem:s10] =	stream.linear.scatter [tilespmem:s14], [sflag:$0x2], $0x4000, $0x38;
	[tilespmem:$0x18100] =	vst v63  }
0x27: {  	_ =	swait.ge [sflag:s15], $0x4000  }
0x28: {  	[sflag:s15] =	ssyncset.done $0x0  }
0x29: {  	[sflag:s15] =	ssyncadd.s32 $0xFFFFC000  }
0x2a: {  	[spmem:s11] =	stream.linear.scatter [tilespmem:s14], [sflag:$0x2], $0x4000, $0x38;
	[tilespmem:$0x18100] =	vst v63  }
0x2b: {  	_ =	swait.ge [sflag:s15], $0x4000  }
0x2c: {  	[sflag:s15] =	ssyncset.done $0x0  }
0x2d: {  	[sflag:s15] =	ssyncadd.s32 $0xFFFFC000  }
0x2e: {  	s24 =	sadd.s32 $0x0, s13;
	[bflag:$0x0] =	sbarrier.arrive $0xFFFF  }
0x2f: {  	[tilespmem:s2], [sflag:$0x2] =	stream.linear.gather [hbm4b:s24+s2], $0x80, $0x38;
	[tilespmem:$0x18100] =	vst v63  }
0x30: {  	_ =	swait.ge [sflag:s15], $0x80  }
0x31: {  	[sflag:s15] =	ssyncset.done $0x0  }
0x32: {  	s31 =	sadd.s32 $0x0, s12;
	[sflag:s15] =	ssyncadd.s32 $0xFFFFFF80  }
0x33: {  	[tilespmem:s16], [sflag:$0x2] =	stream.linear.gather [hbm4b:s31+s2], $0x80, $0x38;
	[tilespmem:$0x18100] =	vst v63  }
0x34: {  	_ =	swait.ge [sflag:s15], $0x80  }
0x35: {  	[sflag:s15] =	ssyncset.done $0x0  }
0x36: {  	[sflag:s15] =	ssyncadd.s32 $0xFFFFFF80  }
0x37: {  	[tilespmem:s14], [sflag:$0x1] =	stream.indirect.gather [hbm4b:s4+s16], $0x80, s2, s16, $0xb8;
	[tilespmem:$0x18100] =	vst v63  }
0x38: {  	_ =	swait.ge [sflag:s17], $0x4000  }
0x39: {  	[sflag:s17] =	ssyncset.done $0x0  }
0x3a: {  	[sflag:s17] =	ssyncadd.s32 $0xFFFFC000  }
0x3b: {  	[spmem:s1] =	stream.indirect.scatter.add.f32 [tilespmem:s14], [sflag:$0x2], $0x80, s16, s16, $0xb8;
	[tilespmem:$0x18100] =	vst v63  }
0x3c: {  	_ =	swait.ge [sflag:s15], $0x4000  }
0x3d: {  	s25 =	simm.s32 $0x20;
	s24 =	simm.s32 $0x10;
	[sflag:s15] =	ssyncset.done $0x0  }
.LBB2_2:
0x3e: {  	s26 =	sadd.s32 s24, s13  }
0x3f: {  	[sflag:s15] =	ssyncadd.s32 $0xFFFFC000;
	s28 =	smov.u32 s25;
	s29 =	sadd.s32 $0x10, s25  }
0x40: {  	[tilespmem:s2], [sflag:$0x2] =	stream.linear.gather [hbm4b:s26+s2], $0x80, $0x38;
	[tilespmem:$0x18100] =	vst v63  }
0x41: {  	p0 =	sne.s32 s25, $0x4F0;
	_ =	swait.ge [sflag:s15], $0x80  }
0x42: {  	[sflag:s15] =	ssyncset.done $0x0  }
0x43: {  	s25 =	sadd.s32 s24, s12;
	s24 =	smov.u32 s28;
	[sflag:s15] =	ssyncadd.s32 $0xFFFFFF80  }
0x44: {  	[tilespmem:s16], [sflag:$0x2] =	stream.linear.gather [hbm4b:s25+s2], $0x80, $0x38;
	[tilespmem:$0x18100] =	vst v63  }
0x45: {  	_ =	swait.ge [sflag:s15], $0x80  }
0x46: {  	[sflag:s15] =	ssyncset.done $0x0  }
0x47: {  	[sflag:s15] =	ssyncadd.s32 $0xFFFFFF80  }
0x48: {  	[tilespmem:s14], [sflag:$0x1] =	stream.indirect.gather [hbm4b:s4+s16], $0x80, s2, s16, $0xb8;
	[tilespmem:$0x18100] =	vst v63  }
0x49: {  	_ =	swait.ge [sflag:s17], $0x4000  }
.Ltmp0:
0x4a: {  	[sflag:s17] =	ssyncset.done $0x0;
	(pc) =	sbr.rel @p0 .LBB2_2-.Ltmp0, $4  }
0x4b: {  	[sflag:s17] =	ssyncadd.s32 $0xFFFFC000  }
0x4c: {  	[spmem:s1] =	stream.indirect.scatter.add.f32 [tilespmem:s14], [sflag:$0x2], $0x80, s16, s16, $0xb8;
	[tilespmem:$0x18100] =	vst v63  }
0x4d: {  	_ =	swait.ge [sflag:s15], $0x4000  }
0x4e: {  	s25 =	smov.u32 s29;
	[sflag:s15] =	ssyncset.done $0x0  }
0x4f: {  	s25 =	sadd.s32 s24, s13;
	[sflag:s15] =	ssyncadd.s32 $0xFFFFC000  }
0x50: {  	[tilespmem:s2], [sflag:$0x2] =	stream.linear.gather [hbm4b:s25+s2], $0x80, $0x38;
	[tilespmem:$0x18100] =	vst v63  }
0x51: {  	_ =	swait.ge [sflag:s15], $0x80  }
0x52: {  	[sflag:s15] =	ssyncset.done $0x0  }
0x53: {  	s31 =	sadd.s32 s24, s12;
	[sflag:s15] =	ssyncadd.s32 $0xFFFFFF80  }
0x54: {  	[tilespmem:s16], [sflag:$0x2] =	stream.linear.gather [hbm4b:s31+s2], $0x80, $0x38;
	[tilespmem:$0x18100] =	vst v63  }
0x55: {  	_ =	swait.ge [sflag:s15], $0x80  }
0x56: {  	[sflag:s15] =	ssyncset.done $0x0  }
0x57: {  	[sflag:s15] =	ssyncadd.s32 $0xFFFFFF80  }
0x58: {  	[tilespmem:s14], [sflag:$0x1] =	stream.indirect.gather [hbm4b:s4+s16], $0x80, s2, s16, $0xb8;
	[tilespmem:$0x18100] =	vst v63  }
0x59: {  	_ =	swait.ge [sflag:s17], $0x4000  }
0x5a: {  	[sflag:s17] =	ssyncset.done $0x0  }
0x5b: {  	[sflag:s17] =	ssyncadd.s32 $0xFFFFC000  }
0x5c: {  	[spmem:s1] =	stream.indirect.scatter.add.f32 [tilespmem:s14], [sflag:$0x2], $0x80, s16, s16, $0xb8;
	[tilespmem:$0x18100] =	vst v63  }
0x5d: {  	_ =	swait.ge [sflag:s15], $0x4000  }
0x5e: {  	[sflag:s15] =	ssyncset.done $0x0  }
0x5f: {  	[sflag:s15] =	ssyncadd.s32 $0xFFFFC000  }
0x60: {  	[bflag:$0x0] =	sbarrier.arrive $0xFFFF  }
0x61: {  	[tilespmem:s14], [sflag:$0x2] =	stream.linear.gather [spmem:s6], $0x4000, $0x38;
	[tilespmem:$0x18100] =	vst v63  }
0x62: {  	_ =	swait.ge [sflag:s15], $0x4000  }
0x63: {  	[sflag:s15] =	ssyncset.done $0x0  }
0x64: {  	[sflag:s15] =	ssyncadd.s32 $0xFFFFC000  }
0x65: {  	[hbm4b:s18+s2] =	stream.linear.scatter [tilespmem:s14], [sflag:$0x2], $0x4000, $0x38;
	[tilespmem:$0x18100] =	vst v63  }
0x66: {  	_ =	swait.ge [sflag:s15], $0x4000  }
0x67: {  	[sflag:s15] =	ssyncset.done $0x0  }
0x68: {  	[sflag:s15] =	ssyncadd.s32 $0xFFFFC000  }
0x69: {  	[tilespmem:s14], [sflag:$0x2] =	stream.linear.gather [spmem:s8], $0x4000, $0x38;
	[tilespmem:$0x18100] =	vst v63  }
0x6a: {  	_ =	swait.ge [sflag:s15], $0x4000  }
0x6b: {  	[sflag:s15] =	ssyncset.done $0x0  }
0x6c: {  	[sflag:s15] =	ssyncadd.s32 $0xFFFFC000  }
0x6d: {  	[hbm4b:s19+s2] =	stream.linear.scatter [tilespmem:s14], [sflag:$0x2], $0x4000, $0x38;
	[tilespmem:$0x18100] =	vst v63  }
0x6e: {  	_ =	swait.ge [sflag:s15], $0x4000  }
0x6f: {  	[sflag:s15] =	ssyncset.done $0x0  }
0x70: {  	[sflag:s15] =	ssyncadd.s32 $0xFFFFC000  }
0x71: {  	[tilespmem:s14], [sflag:$0x2] =	stream.linear.gather [spmem:s9], $0x4000, $0x38;
	[tilespmem:$0x18100] =	vst v63  }
0x72: {  	_ =	swait.ge [sflag:s15], $0x4000  }
0x73: {  	[sflag:s15] =	ssyncset.done $0x0  }
0x74: {  	[sflag:s15] =	ssyncadd.s32 $0xFFFFC000  }
0x75: {  	[hbm4b:s20+s2] =	stream.linear.scatter [tilespmem:s14], [sflag:$0x2], $0x4000, $0x38;
	[tilespmem:$0x18100] =	vst v63  }
0x76: {  	_ =	swait.ge [sflag:s15], $0x4000  }
0x77: {  	[sflag:s15] =	ssyncset.done $0x0  }
0x78: {  	[sflag:s15] =	ssyncadd.s32 $0xFFFFC000  }
0x79: {  	[tilespmem:s14], [sflag:$0x2] =	stream.linear.gather [spmem:s10], $0x4000, $0x38;
	[tilespmem:$0x18100] =	vst v63  }
0x7a: {  	_ =	swait.ge [sflag:s15], $0x4000  }
0x7b: {  	[sflag:s15] =	ssyncset.done $0x0  }
0x7c: {  	[sflag:s15] =	ssyncadd.s32 $0xFFFFC000  }
0x7d: {  	[hbm4b:s21+s2] =	stream.linear.scatter [tilespmem:s14], [sflag:$0x2], $0x4000, $0x38;
	[tilespmem:$0x18100] =	vst v63  }
0x7e: {  	_ =	swait.ge [sflag:s15], $0x4000  }
0x7f: {  	[sflag:s15] =	ssyncset.done $0x0  }
0x80: {  	[sflag:s15] =	ssyncadd.s32 $0xFFFFC000  }
0x81: {  	[tilespmem:s14], [sflag:$0x2] =	stream.linear.gather [spmem:s11], $0x4000, $0x38;
	[tilespmem:$0x18100] =	vst v63  }
0x82: {  	s23 =	sadd.s32 $0x1, s23;
	_ =	swait.ge [sflag:s15], $0x4000  }
0x83: {  	p0 =	sne.s32 s23, s7;
	[sflag:s15] =	ssyncset.done $0x0  }
.Ltmp1:
0x84: {  	[sflag:s15] =	ssyncadd.s32 $0xFFFFC000;
	(pc) =	sbr.rel @p0 .LBB2_1-.Ltmp1, $4  }
0x85: {  	[hbm4b:s22+s2] =	stream.linear.scatter [tilespmem:s14], [sflag:$0x2], $0x4000, $0x38;
	[tilespmem:$0x18100] =	vst v63  }
0x86: {  	_ =	swait.ge [sflag:s15], $0x4000  }
0x87: {  	[sflag:s15] =	ssyncset.done $0x0  }
0x88: {  	[sflag:s15] =	ssyncadd.s32 $0xFFFFC000  }
0x89: {  	_ =	sfence.sel $0x180000  }
0x8a: {  	[bflag:$0x0] =	sbarrier.arrive $0xFFFF  }
0x8b: {  	p0 =	sne.s32 s3, $0x0;
	_ =	strace $0x9000004D  }
0x8c: {  	s0 =	sadd.s32 @!p0 $0x100000, s0;
	[bflag:$0x2] =	sbarrier.arrive $0xFFFF  }
0x8d: {  	[sflag:s0] =	ssyncadd.tile.s32 @!p0 $0x1;
	_ =	shalt  }
.Lfunc_end2:
_tile_overlayer_lowered:
.L_overlay_start_2:
0x8e: {  	(tag) =	ssettag $0x2  }
0x8f: {  	s0 =	rddreg [dreg:$0x0];
	s2 =	stileid.u32  }
0x90: {  	s1 =	rddreg [dreg:$0x1];
	p0 =	sne.s32 s2, $0x0  }
0x91: {  	s3 =	rddreg [dreg:$0x2];
	[bflag:$0x3] =	sbarrier.arrive $0xFFFF;
	s2 =	simm.s32 @!p0 $0x1C02  }
0x92: {  	[timem:s3], [sflag:s2] =	dma.local @!p0 [hbm:s0], s1  }
0x93: {  	s0 =	simm.s32 @!p0 $0x2  }
0x94: {  	_ =	swait.ge @!p0 [sflag:s0], s1  }
0x95: {  	s1 =	ssub.s32 @!p0 $0x0, s1;
	[sflag:s0] =	ssyncset.done @!p0 $0x0  }
0x96: {  	[sflag:s0] =	ssyncadd.s32 @!p0 s1  }
0x97: {  	[bflag:$0x3] =	sbarrier.arrive $0xFFFF  }
0x98: {  	_ =	shalt  }

// kernel: kernel.19.cloned.1.call-start
scs
__scs_entry_jumppad:
0x0: {  	(pc) =	sbr.rel $0x88, $3  }
0x1: {  	(tag) =	ssettag $0x0;
	lr =	simm.s32 $0x1  }
0x2: {  	[smem:$0x3F84] =	sst lr;
	_ =	strace $0xD0000000  }
0x3: {  	_ = 	snop  }
0x4: {  	_ = 	snop  }
0x5: {  	_ = 	snop  }
0x6: {  	_ = 	snop  }
0x7: {  	_ = 	snop  }
__scs_overlays_trampoline_lowered:
0x8: {  	[smem:$0x3F93] =	sst s0  }
0x9: {  	[smem:$0x3F94] =	sst s1  }
0xa: {  	[smem:$0x3F95] =	sst s2  }
0xb: {  	[smem:$0x3F96] =	sst s3  }
0xc: {  	[smem:$0x3F97] =	sst s4  }
0xd: {  	[smem:$0x3F98] =	sst s5  }
0xe: {  	[smem:$0x3F99] =	sst s6  }
0xf: {  	[smem:$0x3F9A] =	sst s7  }
0x10: {  	[smem:$0x3F9B] =	sst s8  }
0x11: {  	[smem:$0x3F9C] =	sst s9;
	s0 =	simm.s32 @!p0 $0x0  }
0x12: {  	s1 =	sld [smem:$0x3F82];
	s0 =	simm.s32 @p0 $0x1  }
0x13: {  	[smem:$0x3F9D] =	sst s0;
	s0 =	simm.s32 @!p1 $0x0  }
0x14: {  	s2 =	sld [smem:$0x3F81];
	s0 =	simm.s32 @p1 $0x1  }
0x15: {  	[smem:$0x3F9E] =	sst s0;
	s0 =	simm.s32 @!p2 $0x0  }
0x16: {  	s3 =	sld [smem:$0x3FDB];
	s0 =	simm.s32 @p2 $0x1  }
0x17: {  	s4 =	simm.s32 $0x1BF5;
	[smem:$0x3FA0] =	sst s0  }
0x18: {  	s0 =	sld [smem:$0x3F83];
	_ =	swait.ge [sflag:s4], $0x0  }
0x19: {  	s7 =	sld [smem:$0x3F84]  }
0x1a: {  	s8 =	sadd.s32 $0xFFFFE003, lr  }
0x1b: {  	s9 =	sadd.s32 $0xFFFFFEF7, lr;
	s5 =	simm.s32 $0xFFFFFFFF;
	p2 =	slt.u32 s8, $0xFFFFF086  }
0x1c: {  	p1 =	slt.u32 s9, $0xF7A;
	s5 =	simm.s32 @!p2 $0x0  }
0x1d: {  	s5 =	simm.s32 @p1 $0x1;
	p0 =	seq.s32 s7, s2  }
0x1e: {  	s7 =	smul.u32 @!p0 $0xF7A, s2;
	p2 =	seq.s32 @!p0 s5, $0x0  }
0x1f: {  	s9 =	smul.u32 $0xF7A, s1;
	s8 =	simm.s32 @!p0 $0x1BF5;
	p2 =	por !p2, p0  }
0x20: {  	[sflag:s8] =	ssyncset.s32 @!p0 $0xFFFFF086;
	s6 =	sadd.s32 @!p0 s3, s7;
	s7 =	simm.s32 @!p0 $0x108  }
0x21: {  	s3 =	sadd.s32 s3, s9;
	s6 =	sadd.s32 @!p0 $0x88, s6;
	s7 =	simm.s32 @p2 $0x1082  }
0x22: {  	[simem:s7], [sflag:s8] =	dma.local @!p0 [hbm:s6], $0xF7A  }
0x23: {  	s9 =	sor.u32 $0xD0000000, s2;
	s6 =	simm.s32 $0x108;
	_ =	swait.ge @!p0 [sflag:s8], $0x0  }
0x24: {  	s3 =	sadd.s32 $0x88, s3;
	s6 =	simm.s32 @!p1 $0x1082;
	[sflag:s4] =	ssyncset.s32 $0xFFFFF086  }
0x25: {  	[simem:s6], [sflag:s4] =	dma.local [hbm:s3], $0xF7A  }
0x26: {  	[smem:$0x3F84] =	sst s1;
	(tag) =	ssettag s2;
	_ =	strace s9  }
0x27: {  	s1 =	sld [smem:$0x3F94]  }
0x28: {  	s2 =	sld [smem:$0x3F95]  }
0x29: {  	s4 =	sld [smem:$0x3F97]  }
0x2a: {  	p0 =	seq.s32 s5, $0x0;
	s5 =	sld [smem:$0x3F98]  }
0x2b: {  	s6 =	sld [smem:$0x3F99]  }
0x2c: {  	s7 =	sld [smem:$0x3F9A]  }
0x2d: {  	s3 =	simm.s32 $0x108;
	s8 =	sld [smem:$0x3F9B]  }
0x2e: {  	s3 =	simm.s32 @!p0 $0x1082;
	s9 =	sld [smem:$0x3F9C]  }
0x2f: {  	lr =	sadd.s32 s0, s3;
	s0 =	sld [smem:$0x3F93]  }
0x30: {  	s3 =	sld [smem:$0x3F96]  }
0x31: {  	[smem:$0x3F9F] =	sst s10  }
0x32: {  	s10 =	sld [smem:$0x3F9D];
	_ =	sdelay $0x3  }
0x33: {  	p0 =	seq.s32 s10, $0x1;
	s10 =	sld [smem:$0x3F9F];
	_ =	sdelay $0x3  }
0x34: {  	[smem:$0x3F9F] =	sst s10  }
0x35: {  	s10 =	sld [smem:$0x3F9E];
	_ =	sdelay $0x3  }
0x36: {  	p1 =	seq.s32 s10, $0x1;
	s10 =	sld [smem:$0x3F9F];
	_ =	sdelay $0x3  }
0x37: {  	[smem:$0x3F9F] =	sst s10  }
0x38: {  	s10 =	sld [smem:$0x3FA0]  }
0x39: {  	_ = 	snop;
	(pc) =	sbr.ind lr, $3  }
0x3a: {  	_ = 	snop  }
0x3b: {  	_ = 	snop  }
0x3c: {  	p2 =	seq.s32 s10, $0x1;
	s10 =	sld [smem:$0x3F9F]  }
0x3d: {  	_ =	shalt  }
0x3e: {  	_ =	shalt  }
0x3f: {  	_ =	shalt  }
0x40: {  	_ =	shalt  }
0x41: {  	_ =	shalt  }
0x42: {  	_ =	shalt  }
0x43: {  	_ =	shalt  }
0x44: {  	_ =	shalt  }
0x45: {  	_ =	shalt  }
0x46: {  	_ =	shalt  }
0x47: {  	_ =	shalt  }
0x48: {  	_ =	shalt  }
0x49: {  	_ =	shalt  }
0x4a: {  	_ =	shalt  }
0x4b: {  	_ =	shalt  }
0x4c: {  	_ =	shalt  }
0x4d: {  	_ =	shalt  }
0x4e: {  	_ =	shalt  }
0x4f: {  	_ =	shalt  }
0x50: {  	_ =	shalt  }
0x51: {  	_ =	shalt  }
0x52: {  	_ =	shalt  }
0x53: {  	_ =	shalt  }
0x54: {  	_ =	shalt  }
0x55: {  	_ =	shalt  }
0x56: {  	_ =	shalt  }
0x57: {  	_ =	shalt  }
0x58: {  	_ =	shalt  }
0x59: {  	_ =	shalt  }
0x5a: {  	_ =	shalt  }
0x5b: {  	_ =	shalt  }
0x5c: {  	_ =	shalt  }
0x5d: {  	_ =	shalt  }
0x5e: {  	_ =	shalt  }
0x5f: {  	_ =	shalt  }
0x60: {  	_ =	shalt  }
0x61: {  	_ =	shalt  }
0x62: {  	_ =	shalt  }
0x63: {  	_ =	shalt  }
0x64: {  	_ =	shalt  }
0x65: {  	_ =	shalt  }
0x66: {  	_ =	shalt  }
0x67: {  	_ =	shalt  }
0x68: {  	_ =	shalt  }
0x69: {  	_ =	shalt  }
0x6a: {  	_ =	shalt  }
0x6b: {  	_ =	shalt  }
0x6c: {  	_ =	shalt  }
0x6d: {  	_ =	shalt  }
0x6e: {  	_ =	shalt  }
0x6f: {  	_ =	shalt  }
0x70: {  	_ =	shalt  }
0x71: {  	_ =	shalt  }
0x72: {  	_ =	shalt  }
0x73: {  	_ =	shalt  }
0x74: {  	_ =	shalt  }
0x75: {  	_ =	shalt  }
0x76: {  	_ =	shalt  }
0x77: {  	_ =	shalt  }
0x78: {  	_ =	shalt  }
0x79: {  	_ =	shalt  }
0x7a: {  	_ =	shalt  }
0x7b: {  	_ =	shalt  }
0x7c: {  	_ =	shalt  }
0x7d: {  	_ =	shalt  }
0x7e: {  	_ =	shalt  }
0x7f: {  	_ =	shalt  }
0x80: {  	_ =	shalt  }
0x81: {  	_ =	shalt  }
0x82: {  	_ =	shalt  }
0x83: {  	_ =	shalt  }
0x84: {  	_ =	shalt  }
0x85: {  	_ =	shalt  }
0x86: {  	_ =	shalt  }
0x87: {  	_ =	shalt  }
.Lfunc_end0:
.L_simem_size_0:
called_computation.2_lowered:
.L_overlay_start_0:
0x88: {  	s2 =	sld [smem:$0x3FD9]  }
0x89: {  	s3 =	sld [smem:$0x3FFE];
	_ =	sdelay $0x1  }
0x8a: {  	s1 =	srdreg.scid  }
0x8b: {  	s0 =	sand.u32 $0x1, s1  }
0x8c: {  	s17 =	sshll.u32 s0, $0xA;
	s2 =	sadd.s32 s3, s2  }
0x8d: {  	s2 =	sadd.s32 s2, s17  }
0x8e: {  	[smem:$0x3FAB] =	sst s2  }
0x8f: {  	_ = 	snop  }
0x90: {  	s18 =	sld [smem:$0x3FD0];
	(tm) =	ssettm $0x1  }
0x91: {  	s19 =	sld [smem:$0x3FFB];
	_ =	sdelay $0x3  }
0x92: {  	_ =	strace s19  }
0x93: {  	s2 =	sld [smem:$0x3FFC];
	_ =	sdelay $0x3  }
0x94: {  	_ =	strace s2  }
0x95: {  	s2 =	sld [smem:$0x3FFD];
	_ =	sdelay $0x3  }
0x96: {  	_ =	strace s2  }
0x97: {  	_ =	strace $0x8FFFFFFF  }
0x98: {  	s20 =	sld [smem:$0x3FDB];
	_ =	sdelay $0x1  }
0x99: {  	s4 =	simm.s32 $_scs_section_size  }
0x9a: {  	s5 =	simm.s32 $_size__tile_overlayer_lowered;
	s6 =	simm.s32 $_tile_overlayer_lowered  }
0x9b: {  	s7 =	simm.s32 $0x1BFF;
	s21 =	sshll.u32 s6, $0x1;
	s4 =	sadd.s32 s4, s20  }
0x9c: {  	s22 =	simm.s32 $0x0;
	s5 =	sshll.u32 s5, $0x1;
	s6 =	sadd.s32 s21, s4  }
0x9d: {  	[timem:s22], [sflag:s7] =	dma.local [hbm:s6], s5  }
0x9e: {  	_ =	swait.ge [sflag:s7], s5  }
0x9f: {  	s5 =	ssub.s32 $0x0, s5;
	[sflag:s7] =	ssyncset.done $0x0  }
0xa0: {  	[sflag:s7] =	ssyncadd.s32 s5;
	_ =	sdelay $0x1  }
0xa1: {  	s23 =	simm.s32 $0x1B8B  }
0xa2: {  	_ =	swait.ge [sflag:s23], $0x1  }
0xa3: {  	[sflag:s23] =	ssyncset.done $0x0  }
0xa4: {  	[sflag:s23] =	ssyncadd.s32 $0xFFFFFFFF  }
0xa5: {  	s5 =	sld [smem:$0x0]  }
0xa6: {  	s6 =	sand.u32 $0xFFFFFFFE, s1  }
0xa7: {  	p0 =	sne.s32 s1, s6  }
0xa8: {  	s6 =	sshll.u32 @p0 s6, $0xE  }
0xa9: {  	s6 =	sadd.s32 @p0 $0x11B8D, s6;
	s7 =	sshll.u32 @p0 s5, $0x11  }
0xaa: {  	s6 =	sor.u32 @p0 s7, s6  }
0xab: {  	[sflag:s6] =	ssyncadd.remote.s32 @p0 $0x1;
	_ =	sdelay $0x1  }
0xac: {  	s6 =	simm.s32 @p0 $0x1B8D  }
0xad: {  	_ =	swait.eq @p0 [sflag:s6], $0x1  }
0xae: {  	[sflag:s6] =	ssyncadd.s32 @p0 $0xFFFFFFFF  }
0xaf: {  	s7 =	sshll.u32 @!p0 s1, $0xE  }
0xb0: {  	s7 =	sor.u32 @!p0 $0x4000, s7;
	s6 =	simm.s32 @!p0 $0x1B8D  }
0xb1: {  	s5 =	sshll.u32 @!p0 s5, $0x11;
	s7 =	sadd.s32 @!p0 $0x11B8D, s7;
	_ =	swait.eq @!p0 [sflag:s6], $0x1  }
0xb2: {  	s5 =	sor.u32 @!p0 s5, s7;
	[sflag:s6] =	ssyncadd.s32 @!p0 $0xFFFFFFFF  }
0xb3: {  	s25 =	simm.s32 $0x1B8E;
	s24 =	sld [smem:$0x3FFE];
	[sflag:s5] =	ssyncadd.remote.s32 @!p0 $0x1  }
0xb4: {  	s26 =	simm.s32 $execute0_lowered;
	[smem:$0x3FD2] =	sst s25  }
0xb5: {  	s6 =	sshll.u32 s26, $0x1;
	_ =	strace $0x80000049;
	[dreg:$0x1] =	wrdreg $0xFFFFFFFF  }
0xb6: {  	s28 =	simm.s32 $_size_execute0_lowered;
	s4 =	sadd.s32 s4, s6;
	[dreg:$0x0] =	wrdreg $0x0  }
0xb7: {  	s6 =	sshll.u32 s28, $0x1;
	[dreg:$0x2] =	wrdreg s4  }
0xb8: {  	[dreg:$0x3] =	wrdreg s6  }
0xb9: {  	[dreg:$0x4] =	wrdreg $0xC0  }
0xba: {  	_ =	task [dreg:s22], $0x5FFFF  }
0xbb: {  	[dreg:$0x1] =	wrdreg $0xFFFFFFFF  }
0xbc: {  	[dreg:$0x0] =	wrdreg $0x60  }
0xbd: {  	[dreg:$0x2] =	wrdreg s18  }
0xbe: {  	[dreg:$0x3] =	wrdreg s24  }
0xbf: {  	[dreg:$0x4] =	wrdreg $0x41000  }
0xc0: {  	[dreg:$0x5] =	wrdreg $0xB  }
0xc1: {  	_ =	task.clear_ibuf [dreg:s22], $0x6FFFF;
	_ =	strace $0x90000049  }
0xc2: {  	s29 =	simm.s32 $0xB;
	_ =	strace $0x8000004B  }
0xc3: {  	_ =	swait.ge [sflag:s29], $0x1  }
0xc4: {  	[sflag:s29] =	ssyncadd.s32 $0xFFFFFFFF  }
0xc5: {  	_ =	strace $0x9000004B  }
0xc6: {  	_ =	sfence  }
0xc7: {  	s30 =	sld [smem:$0x0];
	_ =	sdelay $0x2  }
0xc8: {  	s31 =	sshll.u32 s1, $0xD;
	s1 =	sshrl.u32 s1, $0x2  }
0xc9: {  	s4 =	sand.u32 $0x4000, s31;
	s1 =	sadd.s32 s1, s30  }
0xca: {  	s0 =	sor.u32 s4, s0;
	s1 =	sshll.u32 s1, $0x11  }
0xcb: {  	s0 =	sor.u32 s1, s0  }
0xcc: {  	s0 =	sadd.s32 $0x8F2B, s0  }
0xcd: {  	[sflag:s0] =	ssyncadd.remote.s32 $0x1  }
0xce: {  	_ =	sfence.sel $0xFFFF  }
0xcf: {  	[dreg:$0x0] =	wrdreg $0xFFFFFFFF;
	(pc) =	sbr.abs _section_cstart, $3  }
0xd0: {  	[dreg:$0x1] =	wrdreg $0xFFFFFFFF  }
0xd1: {  	_ =	task.clear_ibuf [dreg:s22], $0x2FFFF;
	_ =	strace $0x9FFFFFFF  }
0xd2: {  	(tm) =	ssettm $0x7FFFFFFF  }
0xd3: {  	_ =	shalt  }
tec
execute0_lowered:
.L_overlay_start_1:
0x0: {  	(tag) =	ssettag $0x1  }
0x1: {  	s12 =	rddreg [dreg:$0x0]  }
0x2: {  	s6 =	rddreg [dreg:$0x1];
	s3 =	srdreg.scid  }
0x3: {  	s1 =	rddreg [dreg:$0x2];
	s4 =	sand.u32 $0x1, s3  }
0x4: {  	s0 =	rddreg [dreg:$0x3];
	s13 =	smul.u32 $0x5000, s4  }
0x5: {  	s2 =	simm.s32 $0x0;
	s3 =	stileid.u32;
	s7 =	smul.u32 $0x28000, s4  }
0x6: {  	[smem:$0x7FF] =	sst s2;
	s10 =	smul.u32 $0x5, s3  }
0x7: {  	s5 =	sadd.s32 $0xB3600, s6;
	_ =	strace $0x8000004A;
	s11 =	smul.u32 $0x50000, s3  }
0x8: {  	s8 =	ssub.s32 $0x2, s4;
	s4 =	sadd.s32 $0x63600, s6;
	s19 =	smul.u32 $0x2800, s3  }
0x9: {  	s20 =	smul.u32 $0x500, s3;
	s9 =	sshrl.u32 s8, $0x1;
	s14 =	sadd.s32 s13, s6  }
0xa: {  	s6 =	sadd.s32 s7, s6;
	s25 =	ssub.s32 s8, s9;
	s26 =	sshrl.u32 s11, $0x2  }
0xb: {  	s15 =	sadd.s32 $0x1, s10;
	s16 =	sadd.s32 $0x2, s10;
	s17 =	sadd.s32 $0x3, s10  }
0xc: {  	s18 =	sadd.s32 $0x4, s10;
	s13 =	sadd.s32 s13, s12;
	s22 =	sadd.s32 $0xB3E00, s6  }
0xd: {  	s6 =	sadd.s32 s26, s1;
	s28 =	sshll.u32 s15, $0xE;
	s7 =	smax.u32 s25, $0x1  }
0xe: {  	s29 =	sshll.u32 s16, $0xE;
	s30 =	sshll.u32 s17, $0xE;
	s31 =	sshll.u32 s18, $0xE  }
0xf: {  	s21 =	sshll.u32 s15, $0xB;
	s23 =	sshll.u32 s16, $0xB;
	s24 =	sshll.u32 s17, $0xB  }
0x10: {  	s25 =	sshll.u32 s18, $0xB;
	s14 =	sadd.s32 s20, s14;
	s13 =	sadd.s32 s20, s13  }
0x11: {  	s15 =	simm.s32 $0x2;
	s16 =	simm.s32 $0x80;
	s17 =	simm.s32 $0x1  }
0x12: {  	s8 =	sadd.s32 s28, s1;
	s9 =	sadd.s32 s29, s1;
	s10 =	sadd.s32 s30, s1  }
0x13: {  	s11 =	sadd.s32 s31, s1;
	s12 =	sadd.s32 $0x7C00, s14;
	s14 =	simm.s32 $0x100  }
0x14: {  	s18 =	sadd.s32 s19, s22;
	s19 =	sadd.s32 s21, s22;
	s20 =	sadd.s32 s23, s22  }
0x15: {  	s21 =	sadd.s32 s24, s22;
	s22 =	sadd.s32 s25, s22;
	s23 =	simm.s32 $0x0  }
.LBB2_1:
0x16: {  	[tilespmem:s14], [sflag:$0x2] =	stream.linear.gather [hbm4b:s5+s2], $0x4000, $0x38;
	[tilespmem:$0x18100] =	vst v63  }
0x17: {  	_ =	swait.ge [sflag:s15], $0x4000  }
0x18: {  	[sflag:s15] =	ssyncset.done $0x0  }
0x19: {  	[sflag:s15] =	ssyncadd.s32 $0xFFFFC000  }
0x1a: {  	[spmem:s6] =	stream.linear.scatter [tilespmem:s14], [sflag:$0x2], $0x4000, $0x38;
	[tilespmem:$0x18100] =	vst v63  }
0x1b: {  	_ =	swait.ge [sflag:s15], $0x4000  }
0x1c: {  	[sflag:s15] =	ssyncset.done $0x0  }
0x1d: {  	[sflag:s15] =	ssyncadd.s32 $0xFFFFC000  }
0x1e: {  	[spmem:s8] =	stream.linear.scatter [tilespmem:s14], [sflag:$0x2], $0x4000, $0x38;
	[tilespmem:$0x18100] =	vst v63  }
0x1f: {  	_ =	swait.ge [sflag:s15], $0x4000  }
0x20: {  	[sflag:s15] =	ssyncset.done $0x0  }
0x21: {  	[sflag:s15] =	ssyncadd.s32 $0xFFFFC000  }
0x22: {  	[spmem:s9] =	stream.linear.scatter [tilespmem:s14], [sflag:$0x2], $0x4000, $0x38;
	[tilespmem:$0x18100] =	vst v63  }
0x23: {  	_ =	swait.ge [sflag:s15], $0x4000  }
0x24: {  	[sflag:s15] =	ssyncset.done $0x0  }
0x25: {  	[sflag:s15] =	ssyncadd.s32 $0xFFFFC000  }
0x26: {  	[spmem:s10] =	stream.linear.scatter [tilespmem:s14], [sflag:$0x2], $0x4000, $0x38;
	[tilespmem:$0x18100] =	vst v63  }
0x27: {  	_ =	swait.ge [sflag:s15], $0x4000  }
0x28: {  	[sflag:s15] =	ssyncset.done $0x0  }
0x29: {  	[sflag:s15] =	ssyncadd.s32 $0xFFFFC000  }
0x2a: {  	[spmem:s11] =	stream.linear.scatter [tilespmem:s14], [sflag:$0x2], $0x4000, $0x38;
	[tilespmem:$0x18100] =	vst v63  }
0x2b: {  	_ =	swait.ge [sflag:s15], $0x4000  }
0x2c: {  	[sflag:s15] =	ssyncset.done $0x0  }
0x2d: {  	[sflag:s15] =	ssyncadd.s32 $0xFFFFC000  }
0x2e: {  	s24 =	sadd.s32 $0x0, s13;
	[bflag:$0x0] =	sbarrier.arrive $0xFFFF  }
0x2f: {  	[tilespmem:s2], [sflag:$0x2] =	stream.linear.gather [hbm4b:s24+s2], $0x80, $0x38;
	[tilespmem:$0x18100] =	vst v63  }
0x30: {  	_ =	swait.ge [sflag:s15], $0x80  }
0x31: {  	[sflag:s15] =	ssyncset.done $0x0  }
0x32: {  	s31 =	sadd.s32 $0x0, s12;
	[sflag:s15] =	ssyncadd.s32 $0xFFFFFF80  }
0x33: {  	[tilespmem:s16], [sflag:$0x2] =	stream.linear.gather [hbm4b:s31+s2], $0x80, $0x38;
	[tilespmem:$0x18100] =	vst v63  }
0x34: {  	_ =	swait.ge [sflag:s15], $0x80  }
0x35: {  	[sflag:s15] =	ssyncset.done $0x0  }
0x36: {  	[sflag:s15] =	ssyncadd.s32 $0xFFFFFF80  }
0x37: {  	[tilespmem:s14], [sflag:$0x1] =	stream.indirect.gather [hbm4b:s4+s16], $0x80, s2, s16, $0xb8;
	[tilespmem:$0x18100] =	vst v63  }
0x38: {  	_ =	swait.ge [sflag:s17], $0x4000  }
0x39: {  	[sflag:s17] =	ssyncset.done $0x0  }
0x3a: {  	[sflag:s17] =	ssyncadd.s32 $0xFFFFC000  }
0x3b: {  	[spmem:s1] =	stream.indirect.scatter.add.f32 [tilespmem:s14], [sflag:$0x2], $0x80, s16, s16, $0xb8;
	[tilespmem:$0x18100] =	vst v63  }
0x3c: {  	_ =	swait.ge [sflag:s15], $0x4000  }
0x3d: {  	s25 =	simm.s32 $0x20;
	s24 =	simm.s32 $0x10;
	[sflag:s15] =	ssyncset.done $0x0  }
.LBB2_2:
0x3e: {  	s26 =	sadd.s32 s24, s13  }
0x3f: {  	[sflag:s15] =	ssyncadd.s32 $0xFFFFC000;
	s28 =	smov.u32 s25;
	s29 =	sadd.s32 $0x10, s25  }
0x40: {  	[tilespmem:s2], [sflag:$0x2] =	stream.linear.gather [hbm4b:s26+s2], $0x80, $0x38;
	[tilespmem:$0x18100] =	vst v63  }
0x41: {  	p0 =	sne.s32 s25, $0x4F0;
	_ =	swait.ge [sflag:s15], $0x80  }
0x42: {  	[sflag:s15] =	ssyncset.done $0x0  }
0x43: {  	s25 =	sadd.s32 s24, s12;
	s24 =	smov.u32 s28;
	[sflag:s15] =	ssyncadd.s32 $0xFFFFFF80  }
0x44: {  	[tilespmem:s16], [sflag:$0x2] =	stream.linear.gather [hbm4b:s25+s2], $0x80, $0x38;
	[tilespmem:$0x18100] =	vst v63  }
0x45: {  	_ =	swait.ge [sflag:s15], $0x80  }
0x46: {  	[sflag:s15] =	ssyncset.done $0x0  }
0x47: {  	[sflag:s15] =	ssyncadd.s32 $0xFFFFFF80  }
0x48: {  	[tilespmem:s14], [sflag:$0x1] =	stream.indirect.gather [hbm4b:s4+s16], $0x80, s2, s16, $0xb8;
	[tilespmem:$0x18100] =	vst v63  }
0x49: {  	_ =	swait.ge [sflag:s17], $0x4000  }
.Ltmp0:
0x4a: {  	[sflag:s17] =	ssyncset.done $0x0;
	(pc) =	sbr.rel @p0 .LBB2_2-.Ltmp0, $4  }
0x4b: {  	[sflag:s17] =	ssyncadd.s32 $0xFFFFC000  }
0x4c: {  	[spmem:s1] =	stream.indirect.scatter.add.f32 [tilespmem:s14], [sflag:$0x2], $0x80, s16, s16, $0xb8;
	[tilespmem:$0x18100] =	vst v63  }
0x4d: {  	_ =	swait.ge [sflag:s15], $0x4000  }
0x4e: {  	s25 =	smov.u32 s29;
	[sflag:s15] =	ssyncset.done $0x0  }
0x4f: {  	s25 =	sadd.s32 s24, s13;
	[sflag:s15] =	ssyncadd.s32 $0xFFFFC000  }
0x50: {  	[tilespmem:s2], [sflag:$0x2] =	stream.linear.gather [hbm4b:s25+s2], $0x80, $0x38;
	[tilespmem:$0x18100] =	vst v63  }
0x51: {  	_ =	swait.ge [sflag:s15], $0x80  }
0x52: {  	[sflag:s15] =	ssyncset.done $0x0  }
0x53: {  	s31 =	sadd.s32 s24, s12;
	[sflag:s15] =	ssyncadd.s32 $0xFFFFFF80  }
0x54: {  	[tilespmem:s16], [sflag:$0x2] =	stream.linear.gather [hbm4b:s31+s2], $0x80, $0x38;
	[tilespmem:$0x18100] =	vst v63  }
0x55: {  	_ =	swait.ge [sflag:s15], $0x80  }
0x56: {  	[sflag:s15] =	ssyncset.done $0x0  }
0x57: {  	[sflag:s15] =	ssyncadd.s32 $0xFFFFFF80  }
0x58: {  	[tilespmem:s14], [sflag:$0x1] =	stream.indirect.gather [hbm4b:s4+s16], $0x80, s2, s16, $0xb8;
	[tilespmem:$0x18100] =	vst v63  }
0x59: {  	_ =	swait.ge [sflag:s17], $0x4000  }
0x5a: {  	[sflag:s17] =	ssyncset.done $0x0  }
0x5b: {  	[sflag:s17] =	ssyncadd.s32 $0xFFFFC000  }
0x5c: {  	[spmem:s1] =	stream.indirect.scatter.add.f32 [tilespmem:s14], [sflag:$0x2], $0x80, s16, s16, $0xb8;
	[tilespmem:$0x18100] =	vst v63  }
0x5d: {  	_ =	swait.ge [sflag:s15], $0x4000  }
0x5e: {  	[sflag:s15] =	ssyncset.done $0x0  }
0x5f: {  	[sflag:s15] =	ssyncadd.s32 $0xFFFFC000  }
0x60: {  	[bflag:$0x0] =	sbarrier.arrive $0xFFFF  }
0x61: {  	[tilespmem:s14], [sflag:$0x2] =	stream.linear.gather [spmem:s6], $0x4000, $0x38;
	[tilespmem:$0x18100] =	vst v63  }
0x62: {  	_ =	swait.ge [sflag:s15], $0x4000  }
0x63: {  	[sflag:s15] =	ssyncset.done $0x0  }
0x64: {  	[sflag:s15] =	ssyncadd.s32 $0xFFFFC000  }
0x65: {  	[hbm4b:s18+s2] =	stream.linear.scatter [tilespmem:s14], [sflag:$0x2], $0x4000, $0x38;
	[tilespmem:$0x18100] =	vst v63  }
0x66: {  	_ =	swait.ge [sflag:s15], $0x4000  }
0x67: {  	[sflag:s15] =	ssyncset.done $0x0  }
0x68: {  	[sflag:s15] =	ssyncadd.s32 $0xFFFFC000  }
0x69: {  	[tilespmem:s14], [sflag:$0x2] =	stream.linear.gather [spmem:s8], $0x4000, $0x38;
	[tilespmem:$0x18100] =	vst v63  }
0x6a: {  	_ =	swait.ge [sflag:s15], $0x4000  }
0x6b: {  	[sflag:s15] =	ssyncset.done $0x0  }
0x6c: {  	[sflag:s15] =	ssyncadd.s32 $0xFFFFC000  }
0x6d: {  	[hbm4b:s19+s2] =	stream.linear.scatter [tilespmem:s14], [sflag:$0x2], $0x4000, $0x38;
	[tilespmem:$0x18100] =	vst v63  }
0x6e: {  	_ =	swait.ge [sflag:s15], $0x4000  }
0x6f: {  	[sflag:s15] =	ssyncset.done $0x0  }
0x70: {  	[sflag:s15] =	ssyncadd.s32 $0xFFFFC000  }
0x71: {  	[tilespmem:s14], [sflag:$0x2] =	stream.linear.gather [spmem:s9], $0x4000, $0x38;
	[tilespmem:$0x18100] =	vst v63  }
0x72: {  	_ =	swait.ge [sflag:s15], $0x4000  }
0x73: {  	[sflag:s15] =	ssyncset.done $0x0  }
0x74: {  	[sflag:s15] =	ssyncadd.s32 $0xFFFFC000  }
0x75: {  	[hbm4b:s20+s2] =	stream.linear.scatter [tilespmem:s14], [sflag:$0x2], $0x4000, $0x38;
	[tilespmem:$0x18100] =	vst v63  }
0x76: {  	_ =	swait.ge [sflag:s15], $0x4000  }
0x77: {  	[sflag:s15] =	ssyncset.done $0x0  }
0x78: {  	[sflag:s15] =	ssyncadd.s32 $0xFFFFC000  }
0x79: {  	[tilespmem:s14], [sflag:$0x2] =	stream.linear.gather [spmem:s10], $0x4000, $0x38;
	[tilespmem:$0x18100] =	vst v63  }
0x7a: {  	_ =	swait.ge [sflag:s15], $0x4000  }
0x7b: {  	[sflag:s15] =	ssyncset.done $0x0  }
0x7c: {  	[sflag:s15] =	ssyncadd.s32 $0xFFFFC000  }
0x7d: {  	[hbm4b:s21+s2] =	stream.linear.scatter [tilespmem:s14], [sflag:$0x2], $0x4000, $0x38;
	[tilespmem:$0x18100] =	vst v63  }
0x7e: {  	_ =	swait.ge [sflag:s15], $0x4000  }
0x7f: {  	[sflag:s15] =	ssyncset.done $0x0  }
0x80: {  	[sflag:s15] =	ssyncadd.s32 $0xFFFFC000  }
0x81: {  	[tilespmem:s14], [sflag:$0x2] =	stream.linear.gather [spmem:s11], $0x4000, $0x38;
	[tilespmem:$0x18100] =	vst v63  }
0x82: {  	s23 =	sadd.s32 $0x1, s23;
	_ =	swait.ge [sflag:s15], $0x4000  }
0x83: {  	p0 =	sne.s32 s23, s7;
	[sflag:s15] =	ssyncset.done $0x0  }
.Ltmp1:
0x84: {  	[sflag:s15] =	ssyncadd.s32 $0xFFFFC000;
	(pc) =	sbr.rel @p0 .LBB2_1-.Ltmp1, $4  }
0x85: {  	[hbm4b:s22+s2] =	stream.linear.scatter [tilespmem:s14], [sflag:$0x2], $0x4000, $0x38;
	[tilespmem:$0x18100] =	vst v63  }
0x86: {  	_ =	swait.ge [sflag:s15], $0x4000  }
0x87: {  	[sflag:s15] =	ssyncset.done $0x0  }
0x88: {  	[sflag:s15] =	ssyncadd.s32 $0xFFFFC000  }
0x89: {  	_ =	sfence.sel $0x180000  }
0x8a: {  	[bflag:$0x0] =	sbarrier.arrive $0xFFFF  }
0x8b: {  	p0 =	sne.s32 s3, $0x0;
	_ =	strace $0x9000004A  }
0x8c: {  	s0 =	sadd.s32 @!p0 $0x100000, s0;
	[bflag:$0x2] =	sbarrier.arrive $0xFFFF  }
0x8d: {  	[sflag:s0] =	ssyncadd.tile.s32 @!p0 $0x1;
	_ =	shalt  }
.Lfunc_end2:
_tile_overlayer_lowered:
.L_overlay_start_2:
0x8e: {  	(tag) =	ssettag $0x2  }
0x8f: {  	s0 =	rddreg [dreg:$0x0];
	s2 =	stileid.u32  }
0x90: {  	s1 =	rddreg [dreg:$0x1];
	p0 =	sne.s32 s2, $0x0  }
0x91: {  	s3 =	rddreg [dreg:$0x2];
	[bflag:$0x3] =	sbarrier.arrive $0xFFFF;
	s2 =	simm.s32 @!p0 $0x1C02  }
0x92: {  	[timem:s3], [sflag:s2] =	dma.local @!p0 [hbm:s0], s1  }
0x93: {  	s0 =	simm.s32 @!p0 $0x2  }
0x94: {  	_ =	swait.ge @!p0 [sflag:s0], s1  }
0x95: {  	s1 =	ssub.s32 @!p0 $0x0, s1;
	[sflag:s0] =	ssyncset.done @!p0 $0x0  }
0x96: {  	[sflag:s0] =	ssyncadd.s32 @!p0 s1  }
0x97: {  	[bflag:$0x3] =	sbarrier.arrive $0xFFFF  }
0x98: {  	_ =	shalt  }

// kernel: kernel.22.cloned.1.call-start
scs
__scs_entry_jumppad:
0x0: {  	(pc) =	sbr.rel $0x88, $3  }
0x1: {  	(tag) =	ssettag $0x0;
	lr =	simm.s32 $0x1  }
0x2: {  	[smem:$0x3F84] =	sst lr;
	_ =	strace $0xD0000000  }
0x3: {  	_ = 	snop  }
0x4: {  	_ = 	snop  }
0x5: {  	_ = 	snop  }
0x6: {  	_ = 	snop  }
0x7: {  	_ = 	snop  }
__scs_overlays_trampoline_lowered:
0x8: {  	[smem:$0x3F93] =	sst s0  }
0x9: {  	[smem:$0x3F94] =	sst s1  }
0xa: {  	[smem:$0x3F95] =	sst s2  }
0xb: {  	[smem:$0x3F96] =	sst s3  }
0xc: {  	[smem:$0x3F97] =	sst s4  }
0xd: {  	[smem:$0x3F98] =	sst s5  }
0xe: {  	[smem:$0x3F99] =	sst s6  }
0xf: {  	[smem:$0x3F9A] =	sst s7  }
0x10: {  	[smem:$0x3F9B] =	sst s8  }
0x11: {  	[smem:$0x3F9C] =	sst s9;
	s0 =	simm.s32 @!p0 $0x0  }
0x12: {  	s1 =	sld [smem:$0x3F82];
	s0 =	simm.s32 @p0 $0x1  }
0x13: {  	[smem:$0x3F9D] =	sst s0;
	s0 =	simm.s32 @!p1 $0x0  }
0x14: {  	s2 =	sld [smem:$0x3F81];
	s0 =	simm.s32 @p1 $0x1  }
0x15: {  	[smem:$0x3F9E] =	sst s0;
	s0 =	simm.s32 @!p2 $0x0  }
0x16: {  	s3 =	sld [smem:$0x3FDB];
	s0 =	simm.s32 @p2 $0x1  }
0x17: {  	s4 =	simm.s32 $0x1BF5;
	[smem:$0x3FA0] =	sst s0  }
0x18: {  	s0 =	sld [smem:$0x3F83];
	_ =	swait.ge [sflag:s4], $0x0  }
0x19: {  	s7 =	sld [smem:$0x3F84]  }
0x1a: {  	s8 =	sadd.s32 $0xFFFFE003, lr  }
0x1b: {  	s9 =	sadd.s32 $0xFFFFFEF7, lr;
	s5 =	simm.s32 $0xFFFFFFFF;
	p2 =	slt.u32 s8, $0xFFFFF086  }
0x1c: {  	p1 =	slt.u32 s9, $0xF7A;
	s5 =	simm.s32 @!p2 $0x0  }
0x1d: {  	s5 =	simm.s32 @p1 $0x1;
	p0 =	seq.s32 s7, s2  }
0x1e: {  	s7 =	smul.u32 @!p0 $0xF7A, s2;
	p2 =	seq.s32 @!p0 s5, $0x0  }
0x1f: {  	s9 =	smul.u32 $0xF7A, s1;
	s8 =	simm.s32 @!p0 $0x1BF5;
	p2 =	por !p2, p0  }
0x20: {  	[sflag:s8] =	ssyncset.s32 @!p0 $0xFFFFF086;
	s6 =	sadd.s32 @!p0 s3, s7;
	s7 =	simm.s32 @!p0 $0x108  }
0x21: {  	s3 =	sadd.s32 s3, s9;
	s6 =	sadd.s32 @!p0 $0x88, s6;
	s7 =	simm.s32 @p2 $0x1082  }
0x22: {  	[simem:s7], [sflag:s8] =	dma.local @!p0 [hbm:s6], $0xF7A  }
0x23: {  	s9 =	sor.u32 $0xD0000000, s2;
	s6 =	simm.s32 $0x108;
	_ =	swait.ge @!p0 [sflag:s8], $0x0  }
0x24: {  	s3 =	sadd.s32 $0x88, s3;
	s6 =	simm.s32 @!p1 $0x1082;
	[sflag:s4] =	ssyncset.s32 $0xFFFFF086  }
0x25: {  	[simem:s6], [sflag:s4] =	dma.local [hbm:s3], $0xF7A  }
0x26: {  	[smem:$0x3F84] =	sst s1;
	(tag) =	ssettag s2;
	_ =	strace s9  }
0x27: {  	s1 =	sld [smem:$0x3F94]  }
0x28: {  	s2 =	sld [smem:$0x3F95]  }
0x29: {  	s4 =	sld [smem:$0x3F97]  }
0x2a: {  	p0 =	seq.s32 s5, $0x0;
	s5 =	sld [smem:$0x3F98]  }
0x2b: {  	s6 =	sld [smem:$0x3F99]  }
0x2c: {  	s7 =	sld [smem:$0x3F9A]  }
0x2d: {  	s3 =	simm.s32 $0x108;
	s8 =	sld [smem:$0x3F9B]  }
0x2e: {  	s3 =	simm.s32 @!p0 $0x1082;
	s9 =	sld [smem:$0x3F9C]  }
0x2f: {  	lr =	sadd.s32 s0, s3;
	s0 =	sld [smem:$0x3F93]  }
0x30: {  	s3 =	sld [smem:$0x3F96]  }
0x31: {  	[smem:$0x3F9F] =	sst s10  }
0x32: {  	s10 =	sld [smem:$0x3F9D];
	_ =	sdelay $0x3  }
0x33: {  	p0 =	seq.s32 s10, $0x1;
	s10 =	sld [smem:$0x3F9F];
	_ =	sdelay $0x3  }
0x34: {  	[smem:$0x3F9F] =	sst s10  }
0x35: {  	s10 =	sld [smem:$0x3F9E];
	_ =	sdelay $0x3  }
0x36: {  	p1 =	seq.s32 s10, $0x1;
	s10 =	sld [smem:$0x3F9F];
	_ =	sdelay $0x3  }
0x37: {  	[smem:$0x3F9F] =	sst s10  }
0x38: {  	s10 =	sld [smem:$0x3FA0]  }
0x39: {  	_ = 	snop;
	(pc) =	sbr.ind lr, $3  }
0x3a: {  	_ = 	snop  }
0x3b: {  	_ = 	snop  }
0x3c: {  	p2 =	seq.s32 s10, $0x1;
	s10 =	sld [smem:$0x3F9F]  }
0x3d: {  	_ =	shalt  }
0x3e: {  	_ =	shalt  }
0x3f: {  	_ =	shalt  }
0x40: {  	_ =	shalt  }
0x41: {  	_ =	shalt  }
0x42: {  	_ =	shalt  }
0x43: {  	_ =	shalt  }
0x44: {  	_ =	shalt  }
0x45: {  	_ =	shalt  }
0x46: {  	_ =	shalt  }
0x47: {  	_ =	shalt  }
0x48: {  	_ =	shalt  }
0x49: {  	_ =	shalt  }
0x4a: {  	_ =	shalt  }
0x4b: {  	_ =	shalt  }
0x4c: {  	_ =	shalt  }
0x4d: {  	_ =	shalt  }
0x4e: {  	_ =	shalt  }
0x4f: {  	_ =	shalt  }
0x50: {  	_ =	shalt  }
0x51: {  	_ =	shalt  }
0x52: {  	_ =	shalt  }
0x53: {  	_ =	shalt  }
0x54: {  	_ =	shalt  }
0x55: {  	_ =	shalt  }
0x56: {  	_ =	shalt  }
0x57: {  	_ =	shalt  }
0x58: {  	_ =	shalt  }
0x59: {  	_ =	shalt  }
0x5a: {  	_ =	shalt  }
0x5b: {  	_ =	shalt  }
0x5c: {  	_ =	shalt  }
0x5d: {  	_ =	shalt  }
0x5e: {  	_ =	shalt  }
0x5f: {  	_ =	shalt  }
0x60: {  	_ =	shalt  }
0x61: {  	_ =	shalt  }
0x62: {  	_ =	shalt  }
0x63: {  	_ =	shalt  }
0x64: {  	_ =	shalt  }
0x65: {  	_ =	shalt  }
0x66: {  	_ =	shalt  }
0x67: {  	_ =	shalt  }
0x68: {  	_ =	shalt  }
0x69: {  	_ =	shalt  }
0x6a: {  	_ =	shalt  }
0x6b: {  	_ =	shalt  }
0x6c: {  	_ =	shalt  }
0x6d: {  	_ =	shalt  }
0x6e: {  	_ =	shalt  }
0x6f: {  	_ =	shalt  }
0x70: {  	_ =	shalt  }
0x71: {  	_ =	shalt  }
0x72: {  	_ =	shalt  }
0x73: {  	_ =	shalt  }
0x74: {  	_ =	shalt  }
0x75: {  	_ =	shalt  }
0x76: {  	_ =	shalt  }
0x77: {  	_ =	shalt  }
0x78: {  	_ =	shalt  }
0x79: {  	_ =	shalt  }
0x7a: {  	_ =	shalt  }
0x7b: {  	_ =	shalt  }
0x7c: {  	_ =	shalt  }
0x7d: {  	_ =	shalt  }
0x7e: {  	_ =	shalt  }
0x7f: {  	_ =	shalt  }
0x80: {  	_ =	shalt  }
0x81: {  	_ =	shalt  }
0x82: {  	_ =	shalt  }
0x83: {  	_ =	shalt  }
0x84: {  	_ =	shalt  }
0x85: {  	_ =	shalt  }
0x86: {  	_ =	shalt  }
0x87: {  	_ =	shalt  }
.Lfunc_end0:
.L_simem_size_0:
called_computation.3_lowered:
.L_overlay_start_0:
0x88: {  	s2 =	sld [smem:$0x3FD9]  }
0x89: {  	s3 =	sld [smem:$0x3FFE];
	_ =	sdelay $0x1  }
0x8a: {  	s1 =	srdreg.scid  }
0x8b: {  	s0 =	sand.u32 $0x1, s1  }
0x8c: {  	s17 =	sshll.u32 s0, $0xA;
	s2 =	sadd.s32 s3, s2  }
0x8d: {  	s2 =	sadd.s32 s2, s17  }
0x8e: {  	[smem:$0x3FAB] =	sst s2  }
0x8f: {  	_ = 	snop  }
0x90: {  	s18 =	sld [smem:$0x3FD0];
	(tm) =	ssettm $0x1  }
0x91: {  	s19 =	sld [smem:$0x3FFB];
	_ =	sdelay $0x3  }
0x92: {  	_ =	strace s19  }
0x93: {  	s2 =	sld [smem:$0x3FFC];
	_ =	sdelay $0x3  }
0x94: {  	_ =	strace s2  }
0x95: {  	s2 =	sld [smem:$0x3FFD];
	_ =	sdelay $0x3  }
0x96: {  	_ =	strace s2  }
0x97: {  	_ =	strace $0x8FFFFFFF  }
0x98: {  	s20 =	sld [smem:$0x3FDB];
	_ =	sdelay $0x1  }
0x99: {  	s4 =	simm.s32 $_scs_section_size  }
0x9a: {  	s5 =	simm.s32 $_size__tile_overlayer_lowered;
	s6 =	simm.s32 $_tile_overlayer_lowered  }
0x9b: {  	s7 =	simm.s32 $0x1BFF;
	s21 =	sshll.u32 s6, $0x1;
	s4 =	sadd.s32 s4, s20  }
0x9c: {  	s22 =	simm.s32 $0x0;
	s5 =	sshll.u32 s5, $0x1;
	s6 =	sadd.s32 s21, s4  }
0x9d: {  	[timem:s22], [sflag:s7] =	dma.local [hbm:s6], s5  }
0x9e: {  	_ =	swait.ge [sflag:s7], s5  }
0x9f: {  	s5 =	ssub.s32 $0x0, s5;
	[sflag:s7] =	ssyncset.done $0x0  }
0xa0: {  	[sflag:s7] =	ssyncadd.s32 s5;
	_ =	sdelay $0x1  }
0xa1: {  	s23 =	simm.s32 $0x1B8B  }
0xa2: {  	_ =	swait.ge [sflag:s23], $0x1  }
0xa3: {  	[sflag:s23] =	ssyncset.done $0x0  }
0xa4: {  	[sflag:s23] =	ssyncadd.s32 $0xFFFFFFFF  }
0xa5: {  	s5 =	sld [smem:$0x0]  }
0xa6: {  	s6 =	sand.u32 $0xFFFFFFFE, s1  }
0xa7: {  	p0 =	sne.s32 s1, s6  }
0xa8: {  	s6 =	sshll.u32 @p0 s6, $0xE  }
0xa9: {  	s6 =	sadd.s32 @p0 $0x11B8D, s6;
	s7 =	sshll.u32 @p0 s5, $0x11  }
0xaa: {  	s6 =	sor.u32 @p0 s7, s6  }
0xab: {  	[sflag:s6] =	ssyncadd.remote.s32 @p0 $0x1;
	_ =	sdelay $0x1  }
0xac: {  	s6 =	simm.s32 @p0 $0x1B8D  }
0xad: {  	_ =	swait.eq @p0 [sflag:s6], $0x1  }
0xae: {  	[sflag:s6] =	ssyncadd.s32 @p0 $0xFFFFFFFF  }
0xaf: {  	s7 =	sshll.u32 @!p0 s1, $0xE  }
0xb0: {  	s7 =	sor.u32 @!p0 $0x4000, s7;
	s6 =	simm.s32 @!p0 $0x1B8D  }
0xb1: {  	s5 =	sshll.u32 @!p0 s5, $0x11;
	s7 =	sadd.s32 @!p0 $0x11B8D, s7;
	_ =	swait.eq @!p0 [sflag:s6], $0x1  }
0xb2: {  	s5 =	sor.u32 @!p0 s5, s7;
	[sflag:s6] =	ssyncadd.s32 @!p0 $0xFFFFFFFF  }
0xb3: {  	s25 =	simm.s32 $0x1B8E;
	s24 =	sld [smem:$0x3FFE];
	[sflag:s5] =	ssyncadd.remote.s32 @!p0 $0x1  }
0xb4: {  	s26 =	simm.s32 $execute0_lowered;
	[smem:$0x3FD2] =	sst s25  }
0xb5: {  	s6 =	sshll.u32 s26, $0x1;
	_ =	strace $0x80000052;
	[dreg:$0x1] =	wrdreg $0xFFFFFFFF  }
0xb6: {  	s28 =	simm.s32 $_size_execute0_lowered;
	s4 =	sadd.s32 s4, s6;
	[dreg:$0x0] =	wrdreg $0x0  }
0xb7: {  	s6 =	sshll.u32 s28, $0x1;
	[dreg:$0x2] =	wrdreg s4  }
0xb8: {  	[dreg:$0x3] =	wrdreg s6  }
0xb9: {  	[dreg:$0x4] =	wrdreg $0xC0  }
0xba: {  	_ =	task [dreg:s22], $0x5FFFF  }
0xbb: {  	[dreg:$0x1] =	wrdreg $0xFFFFFFFF  }
0xbc: {  	[dreg:$0x0] =	wrdreg $0x60  }
0xbd: {  	[dreg:$0x2] =	wrdreg s18  }
0xbe: {  	[dreg:$0x3] =	wrdreg s24  }
0xbf: {  	[dreg:$0x4] =	wrdreg $0x41000  }
0xc0: {  	[dreg:$0x5] =	wrdreg $0x9  }
0xc1: {  	_ =	task.clear_ibuf [dreg:s22], $0x6FFFF;
	_ =	strace $0x90000052  }
0xc2: {  	s29 =	simm.s32 $0x9;
	_ =	strace $0x80000054  }
0xc3: {  	_ =	swait.ge [sflag:s29], $0x1  }
0xc4: {  	[sflag:s29] =	ssyncadd.s32 $0xFFFFFFFF  }
0xc5: {  	_ =	strace $0x90000054  }
0xc6: {  	_ =	sfence  }
0xc7: {  	s30 =	sld [smem:$0x0];
	_ =	sdelay $0x2  }
0xc8: {  	s31 =	sshll.u32 s1, $0xD;
	s1 =	sshrl.u32 s1, $0x2  }
0xc9: {  	s4 =	sand.u32 $0x4000, s31;
	s1 =	sadd.s32 s1, s30  }
0xca: {  	s0 =	sor.u32 s4, s0;
	s1 =	sshll.u32 s1, $0x11  }
0xcb: {  	s0 =	sor.u32 s1, s0  }
0xcc: {  	s0 =	sadd.s32 $0x8F2B, s0  }
0xcd: {  	[sflag:s0] =	ssyncadd.remote.s32 $0x1  }
0xce: {  	_ =	sfence.sel $0xFFFF  }
0xcf: {  	[dreg:$0x0] =	wrdreg $0xFFFFFFFF;
	(pc) =	sbr.abs _section_cstart, $3  }
0xd0: {  	[dreg:$0x1] =	wrdreg $0xFFFFFFFF  }
0xd1: {  	_ =	task.clear_ibuf [dreg:s22], $0x2FFFF;
	_ =	strace $0x9FFFFFFF  }
0xd2: {  	(tm) =	ssettm $0x7FFFFFFF  }
0xd3: {  	_ =	shalt  }
tec
execute0_lowered:
.L_overlay_start_1:
0x0: {  	(tag) =	ssettag $0x1  }
0x1: {  	s12 =	rddreg [dreg:$0x0]  }
0x2: {  	s6 =	rddreg [dreg:$0x1];
	s3 =	srdreg.scid  }
0x3: {  	s1 =	rddreg [dreg:$0x2];
	s4 =	sand.u32 $0x1, s3  }
0x4: {  	s0 =	rddreg [dreg:$0x3];
	s13 =	smul.u32 $0x5000, s4  }
0x5: {  	s2 =	simm.s32 $0x0;
	s3 =	stileid.u32;
	s7 =	smul.u32 $0x28000, s4  }
0x6: {  	[smem:$0x7FF] =	sst s2;
	s10 =	smul.u32 $0x5, s3  }
0x7: {  	s5 =	sadd.s32 $0xB3600, s6;
	_ =	strace $0x80000053;
	s11 =	smul.u32 $0x50000, s3  }
0x8: {  	s8 =	ssub.s32 $0x2, s4;
	s4 =	sadd.s32 $0x8B600, s6;
	s19 =	smul.u32 $0x2800, s3  }
0x9: {  	s20 =	smul.u32 $0x500, s3;
	s9 =	sshrl.u32 s8, $0x1;
	s14 =	sadd.s32 s13, s6  }
0xa: {  	s6 =	sadd.s32 s7, s6;
	s25 =	ssub.s32 s8, s9;
	s26 =	sshrl.u32 s11, $0x2  }
0xb: {  	s15 =	sadd.s32 $0x1, s10;
	s16 =	sadd.s32 $0x2, s10;
	s17 =	sadd.s32 $0x3, s10  }
0xc: {  	s18 =	sadd.s32 $0x4, s10;
	s13 =	sadd.s32 s13, s12;
	s22 =	sadd.s32 $0x103E00, s6  }
0xd: {  	s6 =	sadd.s32 s26, s1;
	s28 =	sshll.u32 s15, $0xE;
	s7 =	smax.u32 s25, $0x1  }
0xe: {  	s29 =	sshll.u32 s16, $0xE;
	s30 =	sshll.u32 s17, $0xE;
	s31 =	sshll.u32 s18, $0xE  }
0xf: {  	s21 =	sshll.u32 s15, $0xB;
	s23 =	sshll.u32 s16, $0xB;
	s24 =	sshll.u32 s17, $0xB  }
0x10: {  	s25 =	sshll.u32 s18, $0xB;
	s14 =	sadd.s32 s20, s14;
	s13 =	sadd.s32 s20, s13  }
0x11: {  	s15 =	simm.s32 $0x2;
	s16 =	simm.s32 $0x80;
	s17 =	simm.s32 $0x1  }
0x12: {  	s8 =	sadd.s32 s28, s1;
	s9 =	sadd.s32 s29, s1;
	s10 =	sadd.s32 s30, s1  }
0x13: {  	s11 =	sadd.s32 s31, s1;
	s12 =	sadd.s32 $0x7C00, s14;
	s14 =	simm.s32 $0x100  }
0x14: {  	s18 =	sadd.s32 s19, s22;
	s19 =	sadd.s32 s21, s22;
	s20 =	sadd.s32 s23, s22  }
0x15: {  	s21 =	sadd.s32 s24, s22;
	s22 =	sadd.s32 s25, s22;
	s23 =	simm.s32 $0x0  }
.LBB2_1:
0x16: {  	[tilespmem:s14], [sflag:$0x2] =	stream.linear.gather [hbm4b:s5+s2], $0x4000, $0x38;
	[tilespmem:$0x18100] =	vst v63  }
0x17: {  	_ =	swait.ge [sflag:s15], $0x4000  }
0x18: {  	[sflag:s15] =	ssyncset.done $0x0  }
0x19: {  	[sflag:s15] =	ssyncadd.s32 $0xFFFFC000  }
0x1a: {  	[spmem:s6] =	stream.linear.scatter [tilespmem:s14], [sflag:$0x2], $0x4000, $0x38;
	[tilespmem:$0x18100] =	vst v63  }
0x1b: {  	_ =	swait.ge [sflag:s15], $0x4000  }
0x1c: {  	[sflag:s15] =	ssyncset.done $0x0  }
0x1d: {  	[sflag:s15] =	ssyncadd.s32 $0xFFFFC000  }
0x1e: {  	[spmem:s8] =	stream.linear.scatter [tilespmem:s14], [sflag:$0x2], $0x4000, $0x38;
	[tilespmem:$0x18100] =	vst v63  }
0x1f: {  	_ =	swait.ge [sflag:s15], $0x4000  }
0x20: {  	[sflag:s15] =	ssyncset.done $0x0  }
0x21: {  	[sflag:s15] =	ssyncadd.s32 $0xFFFFC000  }
0x22: {  	[spmem:s9] =	stream.linear.scatter [tilespmem:s14], [sflag:$0x2], $0x4000, $0x38;
	[tilespmem:$0x18100] =	vst v63  }
0x23: {  	_ =	swait.ge [sflag:s15], $0x4000  }
0x24: {  	[sflag:s15] =	ssyncset.done $0x0  }
0x25: {  	[sflag:s15] =	ssyncadd.s32 $0xFFFFC000  }
0x26: {  	[spmem:s10] =	stream.linear.scatter [tilespmem:s14], [sflag:$0x2], $0x4000, $0x38;
	[tilespmem:$0x18100] =	vst v63  }
0x27: {  	_ =	swait.ge [sflag:s15], $0x4000  }
0x28: {  	[sflag:s15] =	ssyncset.done $0x0  }
0x29: {  	[sflag:s15] =	ssyncadd.s32 $0xFFFFC000  }
0x2a: {  	[spmem:s11] =	stream.linear.scatter [tilespmem:s14], [sflag:$0x2], $0x4000, $0x38;
	[tilespmem:$0x18100] =	vst v63  }
0x2b: {  	_ =	swait.ge [sflag:s15], $0x4000  }
0x2c: {  	[sflag:s15] =	ssyncset.done $0x0  }
0x2d: {  	[sflag:s15] =	ssyncadd.s32 $0xFFFFC000  }
0x2e: {  	s24 =	sadd.s32 $0x0, s13;
	[bflag:$0x0] =	sbarrier.arrive $0xFFFF  }
0x2f: {  	[tilespmem:s2], [sflag:$0x2] =	stream.linear.gather [hbm4b:s24+s2], $0x80, $0x38;
	[tilespmem:$0x18100] =	vst v63  }
0x30: {  	_ =	swait.ge [sflag:s15], $0x80  }
0x31: {  	[sflag:s15] =	ssyncset.done $0x0  }
0x32: {  	s31 =	sadd.s32 $0x0, s12;
	[sflag:s15] =	ssyncadd.s32 $0xFFFFFF80  }
0x33: {  	[tilespmem:s16], [sflag:$0x2] =	stream.linear.gather [hbm4b:s31+s2], $0x80, $0x38;
	[tilespmem:$0x18100] =	vst v63  }
0x34: {  	_ =	swait.ge [sflag:s15], $0x80  }
0x35: {  	[sflag:s15] =	ssyncset.done $0x0  }
0x36: {  	[sflag:s15] =	ssyncadd.s32 $0xFFFFFF80  }
0x37: {  	[tilespmem:s14], [sflag:$0x1] =	stream.indirect.gather [hbm4b:s4+s16], $0x80, s2, s16, $0xb8;
	[tilespmem:$0x18100] =	vst v63  }
0x38: {  	_ =	swait.ge [sflag:s17], $0x4000  }
0x39: {  	[sflag:s17] =	ssyncset.done $0x0  }
0x3a: {  	[sflag:s17] =	ssyncadd.s32 $0xFFFFC000  }
0x3b: {  	[spmem:s1] =	stream.indirect.scatter.add.f32 [tilespmem:s14], [sflag:$0x2], $0x80, s16, s16, $0xb8;
	[tilespmem:$0x18100] =	vst v63  }
0x3c: {  	_ =	swait.ge [sflag:s15], $0x4000  }
0x3d: {  	s25 =	simm.s32 $0x20;
	s24 =	simm.s32 $0x10;
	[sflag:s15] =	ssyncset.done $0x0  }
.LBB2_2:
0x3e: {  	s26 =	sadd.s32 s24, s13  }
0x3f: {  	[sflag:s15] =	ssyncadd.s32 $0xFFFFC000;
	s28 =	smov.u32 s25;
	s29 =	sadd.s32 $0x10, s25  }
0x40: {  	[tilespmem:s2], [sflag:$0x2] =	stream.linear.gather [hbm4b:s26+s2], $0x80, $0x38;
	[tilespmem:$0x18100] =	vst v63  }
0x41: {  	p0 =	sne.s32 s25, $0x4F0;
	_ =	swait.ge [sflag:s15], $0x80  }
0x42: {  	[sflag:s15] =	ssyncset.done $0x0  }
0x43: {  	s25 =	sadd.s32 s24, s12;
	s24 =	smov.u32 s28;
	[sflag:s15] =	ssyncadd.s32 $0xFFFFFF80  }
0x44: {  	[tilespmem:s16], [sflag:$0x2] =	stream.linear.gather [hbm4b:s25+s2], $0x80, $0x38;
	[tilespmem:$0x18100] =	vst v63  }
0x45: {  	_ =	swait.ge [sflag:s15], $0x80  }
0x46: {  	[sflag:s15] =	ssyncset.done $0x0  }
0x47: {  	[sflag:s15] =	ssyncadd.s32 $0xFFFFFF80  }
0x48: {  	[tilespmem:s14], [sflag:$0x1] =	stream.indirect.gather [hbm4b:s4+s16], $0x80, s2, s16, $0xb8;
	[tilespmem:$0x18100] =	vst v63  }
0x49: {  	_ =	swait.ge [sflag:s17], $0x4000  }
.Ltmp0:
0x4a: {  	[sflag:s17] =	ssyncset.done $0x0;
	(pc) =	sbr.rel @p0 .LBB2_2-.Ltmp0, $4  }
0x4b: {  	[sflag:s17] =	ssyncadd.s32 $0xFFFFC000  }
0x4c: {  	[spmem:s1] =	stream.indirect.scatter.add.f32 [tilespmem:s14], [sflag:$0x2], $0x80, s16, s16, $0xb8;
	[tilespmem:$0x18100] =	vst v63  }
0x4d: {  	_ =	swait.ge [sflag:s15], $0x4000  }
0x4e: {  	s25 =	smov.u32 s29;
	[sflag:s15] =	ssyncset.done $0x0  }
0x4f: {  	s25 =	sadd.s32 s24, s13;
	[sflag:s15] =	ssyncadd.s32 $0xFFFFC000  }
0x50: {  	[tilespmem:s2], [sflag:$0x2] =	stream.linear.gather [hbm4b:s25+s2], $0x80, $0x38;
	[tilespmem:$0x18100] =	vst v63  }
0x51: {  	_ =	swait.ge [sflag:s15], $0x80  }
0x52: {  	[sflag:s15] =	ssyncset.done $0x0  }
0x53: {  	s31 =	sadd.s32 s24, s12;
	[sflag:s15] =	ssyncadd.s32 $0xFFFFFF80  }
0x54: {  	[tilespmem:s16], [sflag:$0x2] =	stream.linear.gather [hbm4b:s31+s2], $0x80, $0x38;
	[tilespmem:$0x18100] =	vst v63  }
0x55: {  	_ =	swait.ge [sflag:s15], $0x80  }
0x56: {  	[sflag:s15] =	ssyncset.done $0x0  }
0x57: {  	[sflag:s15] =	ssyncadd.s32 $0xFFFFFF80  }
0x58: {  	[tilespmem:s14], [sflag:$0x1] =	stream.indirect.gather [hbm4b:s4+s16], $0x80, s2, s16, $0xb8;
	[tilespmem:$0x18100] =	vst v63  }
0x59: {  	_ =	swait.ge [sflag:s17], $0x4000  }
0x5a: {  	[sflag:s17] =	ssyncset.done $0x0  }
0x5b: {  	[sflag:s17] =	ssyncadd.s32 $0xFFFFC000  }
0x5c: {  	[spmem:s1] =	stream.indirect.scatter.add.f32 [tilespmem:s14], [sflag:$0x2], $0x80, s16, s16, $0xb8;
	[tilespmem:$0x18100] =	vst v63  }
0x5d: {  	_ =	swait.ge [sflag:s15], $0x4000  }
0x5e: {  	[sflag:s15] =	ssyncset.done $0x0  }
0x5f: {  	[sflag:s15] =	ssyncadd.s32 $0xFFFFC000  }
0x60: {  	[bflag:$0x0] =	sbarrier.arrive $0xFFFF  }
0x61: {  	[tilespmem:s14], [sflag:$0x2] =	stream.linear.gather [spmem:s6], $0x4000, $0x38;
	[tilespmem:$0x18100] =	vst v63  }
0x62: {  	_ =	swait.ge [sflag:s15], $0x4000  }
0x63: {  	[sflag:s15] =	ssyncset.done $0x0  }
0x64: {  	[sflag:s15] =	ssyncadd.s32 $0xFFFFC000  }
0x65: {  	[hbm4b:s18+s2] =	stream.linear.scatter [tilespmem:s14], [sflag:$0x2], $0x4000, $0x38;
	[tilespmem:$0x18100] =	vst v63  }
0x66: {  	_ =	swait.ge [sflag:s15], $0x4000  }
0x67: {  	[sflag:s15] =	ssyncset.done $0x0  }
0x68: {  	[sflag:s15] =	ssyncadd.s32 $0xFFFFC000  }
0x69: {  	[tilespmem:s14], [sflag:$0x2] =	stream.linear.gather [spmem:s8], $0x4000, $0x38;
	[tilespmem:$0x18100] =	vst v63  }
0x6a: {  	_ =	swait.ge [sflag:s15], $0x4000  }
0x6b: {  	[sflag:s15] =	ssyncset.done $0x0  }
0x6c: {  	[sflag:s15] =	ssyncadd.s32 $0xFFFFC000  }
0x6d: {  	[hbm4b:s19+s2] =	stream.linear.scatter [tilespmem:s14], [sflag:$0x2], $0x4000, $0x38;
	[tilespmem:$0x18100] =	vst v63  }
0x6e: {  	_ =	swait.ge [sflag:s15], $0x4000  }
0x6f: {  	[sflag:s15] =	ssyncset.done $0x0  }
0x70: {  	[sflag:s15] =	ssyncadd.s32 $0xFFFFC000  }
0x71: {  	[tilespmem:s14], [sflag:$0x2] =	stream.linear.gather [spmem:s9], $0x4000, $0x38;
	[tilespmem:$0x18100] =	vst v63  }
0x72: {  	_ =	swait.ge [sflag:s15], $0x4000  }
0x73: {  	[sflag:s15] =	ssyncset.done $0x0  }
0x74: {  	[sflag:s15] =	ssyncadd.s32 $0xFFFFC000  }
0x75: {  	[hbm4b:s20+s2] =	stream.linear.scatter [tilespmem:s14], [sflag:$0x2], $0x4000, $0x38;
	[tilespmem:$0x18100] =	vst v63  }
0x76: {  	_ =	swait.ge [sflag:s15], $0x4000  }
0x77: {  	[sflag:s15] =	ssyncset.done $0x0  }
0x78: {  	[sflag:s15] =	ssyncadd.s32 $0xFFFFC000  }
0x79: {  	[tilespmem:s14], [sflag:$0x2] =	stream.linear.gather [spmem:s10], $0x4000, $0x38;
	[tilespmem:$0x18100] =	vst v63  }
0x7a: {  	_ =	swait.ge [sflag:s15], $0x4000  }
0x7b: {  	[sflag:s15] =	ssyncset.done $0x0  }
0x7c: {  	[sflag:s15] =	ssyncadd.s32 $0xFFFFC000  }
0x7d: {  	[hbm4b:s21+s2] =	stream.linear.scatter [tilespmem:s14], [sflag:$0x2], $0x4000, $0x38;
	[tilespmem:$0x18100] =	vst v63  }
0x7e: {  	_ =	swait.ge [sflag:s15], $0x4000  }
0x7f: {  	[sflag:s15] =	ssyncset.done $0x0  }
0x80: {  	[sflag:s15] =	ssyncadd.s32 $0xFFFFC000  }
0x81: {  	[tilespmem:s14], [sflag:$0x2] =	stream.linear.gather [spmem:s11], $0x4000, $0x38;
	[tilespmem:$0x18100] =	vst v63  }
0x82: {  	s23 =	sadd.s32 $0x1, s23;
	_ =	swait.ge [sflag:s15], $0x4000  }
0x83: {  	p0 =	sne.s32 s23, s7;
	[sflag:s15] =	ssyncset.done $0x0  }
.Ltmp1:
0x84: {  	[sflag:s15] =	ssyncadd.s32 $0xFFFFC000;
	(pc) =	sbr.rel @p0 .LBB2_1-.Ltmp1, $4  }
0x85: {  	[hbm4b:s22+s2] =	stream.linear.scatter [tilespmem:s14], [sflag:$0x2], $0x4000, $0x38;
	[tilespmem:$0x18100] =	vst v63  }
0x86: {  	_ =	swait.ge [sflag:s15], $0x4000  }
0x87: {  	[sflag:s15] =	ssyncset.done $0x0  }
0x88: {  	[sflag:s15] =	ssyncadd.s32 $0xFFFFC000  }
0x89: {  	_ =	sfence.sel $0x180000  }
0x8a: {  	[bflag:$0x0] =	sbarrier.arrive $0xFFFF  }
0x8b: {  	p0 =	sne.s32 s3, $0x0;
	_ =	strace $0x90000053  }
0x8c: {  	s0 =	sadd.s32 @!p0 $0x100000, s0;
	[bflag:$0x2] =	sbarrier.arrive $0xFFFF  }
0x8d: {  	[sflag:s0] =	ssyncadd.tile.s32 @!p0 $0x1;
	_ =	shalt  }
.Lfunc_end2:
_tile_overlayer_lowered:
.L_overlay_start_2:
0x8e: {  	(tag) =	ssettag $0x2  }
0x8f: {  	s0 =	rddreg [dreg:$0x0];
	s2 =	stileid.u32  }
0x90: {  	s1 =	rddreg [dreg:$0x1];
	p0 =	sne.s32 s2, $0x0  }
0x91: {  	s3 =	rddreg [dreg:$0x2];
	[bflag:$0x3] =	sbarrier.arrive $0xFFFF;
	s2 =	simm.s32 @!p0 $0x1C02  }
0x92: {  	[timem:s3], [sflag:s2] =	dma.local @!p0 [hbm:s0], s1  }
0x93: {  	s0 =	simm.s32 @!p0 $0x2  }
0x94: {  	_ =	swait.ge @!p0 [sflag:s0], s1  }
0x95: {  	s1 =	ssub.s32 @!p0 $0x0, s1;
	[sflag:s0] =	ssyncset.done @!p0 $0x0  }
0x96: {  	[sflag:s0] =	ssyncadd.s32 @!p0 s1  }
0x97: {  	[bflag:$0x3] =	sbarrier.arrive $0xFFFF  }
0x98: {  	_ =	shalt  }

// kernel: kernel.25.cloned.1.call-start
scs
__scs_entry_jumppad:
0x0: {  	(pc) =	sbr.rel $0x88, $3  }
0x1: {  	(tag) =	ssettag $0x0;
	lr =	simm.s32 $0x1  }
0x2: {  	[smem:$0x3F84] =	sst lr;
	_ =	strace $0xD0000000  }
0x3: {  	_ = 	snop  }
0x4: {  	_ = 	snop  }
0x5: {  	_ = 	snop  }
0x6: {  	_ = 	snop  }
0x7: {  	_ = 	snop  }
__scs_overlays_trampoline_lowered:
0x8: {  	[smem:$0x3F93] =	sst s0  }
0x9: {  	[smem:$0x3F94] =	sst s1  }
0xa: {  	[smem:$0x3F95] =	sst s2  }
0xb: {  	[smem:$0x3F96] =	sst s3  }
0xc: {  	[smem:$0x3F97] =	sst s4  }
0xd: {  	[smem:$0x3F98] =	sst s5  }
0xe: {  	[smem:$0x3F99] =	sst s6  }
0xf: {  	[smem:$0x3F9A] =	sst s7  }
0x10: {  	[smem:$0x3F9B] =	sst s8  }
0x11: {  	[smem:$0x3F9C] =	sst s9;
	s0 =	simm.s32 @!p0 $0x0  }
0x12: {  	s1 =	sld [smem:$0x3F82];
	s0 =	simm.s32 @p0 $0x1  }
0x13: {  	[smem:$0x3F9D] =	sst s0;
	s0 =	simm.s32 @!p1 $0x0  }
0x14: {  	s2 =	sld [smem:$0x3F81];
	s0 =	simm.s32 @p1 $0x1  }
0x15: {  	[smem:$0x3F9E] =	sst s0;
	s0 =	simm.s32 @!p2 $0x0  }
0x16: {  	s3 =	sld [smem:$0x3FDB];
	s0 =	simm.s32 @p2 $0x1  }
0x17: {  	s4 =	simm.s32 $0x1BF5;
	[smem:$0x3FA0] =	sst s0  }
0x18: {  	s0 =	sld [smem:$0x3F83];
	_ =	swait.ge [sflag:s4], $0x0  }
0x19: {  	s7 =	sld [smem:$0x3F84]  }
0x1a: {  	s8 =	sadd.s32 $0xFFFFE003, lr  }
0x1b: {  	s9 =	sadd.s32 $0xFFFFFEF7, lr;
	s5 =	simm.s32 $0xFFFFFFFF;
	p2 =	slt.u32 s8, $0xFFFFF086  }
0x1c: {  	p1 =	slt.u32 s9, $0xF7A;
	s5 =	simm.s32 @!p2 $0x0  }
0x1d: {  	s5 =	simm.s32 @p1 $0x1;
	p0 =	seq.s32 s7, s2  }
0x1e: {  	s7 =	smul.u32 @!p0 $0xF7A, s2;
	p2 =	seq.s32 @!p0 s5, $0x0  }
0x1f: {  	s9 =	smul.u32 $0xF7A, s1;
	s8 =	simm.s32 @!p0 $0x1BF5;
	p2 =	por !p2, p0  }
0x20: {  	[sflag:s8] =	ssyncset.s32 @!p0 $0xFFFFF086;
	s6 =	sadd.s32 @!p0 s3, s7;
	s7 =	simm.s32 @!p0 $0x108  }
0x21: {  	s3 =	sadd.s32 s3, s9;
	s6 =	sadd.s32 @!p0 $0x88, s6;
	s7 =	simm.s32 @p2 $0x1082  }
0x22: {  	[simem:s7], [sflag:s8] =	dma.local @!p0 [hbm:s6], $0xF7A  }
0x23: {  	s9 =	sor.u32 $0xD0000000, s2;
	s6 =	simm.s32 $0x108;
	_ =	swait.ge @!p0 [sflag:s8], $0x0  }
0x24: {  	s3 =	sadd.s32 $0x88, s3;
	s6 =	simm.s32 @!p1 $0x1082;
	[sflag:s4] =	ssyncset.s32 $0xFFFFF086  }
0x25: {  	[simem:s6], [sflag:s4] =	dma.local [hbm:s3], $0xF7A  }
0x26: {  	[smem:$0x3F84] =	sst s1;
	(tag) =	ssettag s2;
	_ =	strace s9  }
0x27: {  	s1 =	sld [smem:$0x3F94]  }
0x28: {  	s2 =	sld [smem:$0x3F95]  }
0x29: {  	s4 =	sld [smem:$0x3F97]  }
0x2a: {  	p0 =	seq.s32 s5, $0x0;
	s5 =	sld [smem:$0x3F98]  }
0x2b: {  	s6 =	sld [smem:$0x3F99]  }
0x2c: {  	s7 =	sld [smem:$0x3F9A]  }
0x2d: {  	s3 =	simm.s32 $0x108;
	s8 =	sld [smem:$0x3F9B]  }
0x2e: {  	s3 =	simm.s32 @!p0 $0x1082;
	s9 =	sld [smem:$0x3F9C]  }
0x2f: {  	lr =	sadd.s32 s0, s3;
	s0 =	sld [smem:$0x3F93]  }
0x30: {  	s3 =	sld [smem:$0x3F96]  }
0x31: {  	[smem:$0x3F9F] =	sst s10  }
0x32: {  	s10 =	sld [smem:$0x3F9D];
	_ =	sdelay $0x3  }
0x33: {  	p0 =	seq.s32 s10, $0x1;
	s10 =	sld [smem:$0x3F9F];
	_ =	sdelay $0x3  }
0x34: {  	[smem:$0x3F9F] =	sst s10  }
0x35: {  	s10 =	sld [smem:$0x3F9E];
	_ =	sdelay $0x3  }
0x36: {  	p1 =	seq.s32 s10, $0x1;
	s10 =	sld [smem:$0x3F9F];
	_ =	sdelay $0x3  }
0x37: {  	[smem:$0x3F9F] =	sst s10  }
0x38: {  	s10 =	sld [smem:$0x3FA0]  }
0x39: {  	_ = 	snop;
	(pc) =	sbr.ind lr, $3  }
0x3a: {  	_ = 	snop  }
0x3b: {  	_ = 	snop  }
0x3c: {  	p2 =	seq.s32 s10, $0x1;
	s10 =	sld [smem:$0x3F9F]  }
0x3d: {  	_ =	shalt  }
0x3e: {  	_ =	shalt  }
0x3f: {  	_ =	shalt  }
0x40: {  	_ =	shalt  }
0x41: {  	_ =	shalt  }
0x42: {  	_ =	shalt  }
0x43: {  	_ =	shalt  }
0x44: {  	_ =	shalt  }
0x45: {  	_ =	shalt  }
0x46: {  	_ =	shalt  }
0x47: {  	_ =	shalt  }
0x48: {  	_ =	shalt  }
0x49: {  	_ =	shalt  }
0x4a: {  	_ =	shalt  }
0x4b: {  	_ =	shalt  }
0x4c: {  	_ =	shalt  }
0x4d: {  	_ =	shalt  }
0x4e: {  	_ =	shalt  }
0x4f: {  	_ =	shalt  }
0x50: {  	_ =	shalt  }
0x51: {  	_ =	shalt  }
0x52: {  	_ =	shalt  }
0x53: {  	_ =	shalt  }
0x54: {  	_ =	shalt  }
0x55: {  	_ =	shalt  }
0x56: {  	_ =	shalt  }
0x57: {  	_ =	shalt  }
0x58: {  	_ =	shalt  }
0x59: {  	_ =	shalt  }
0x5a: {  	_ =	shalt  }
0x5b: {  	_ =	shalt  }
0x5c: {  	_ =	shalt  }
0x5d: {  	_ =	shalt  }
0x5e: {  	_ =	shalt  }
0x5f: {  	_ =	shalt  }
0x60: {  	_ =	shalt  }
0x61: {  	_ =	shalt  }
0x62: {  	_ =	shalt  }
0x63: {  	_ =	shalt  }
0x64: {  	_ =	shalt  }
0x65: {  	_ =	shalt  }
0x66: {  	_ =	shalt  }
0x67: {  	_ =	shalt  }
0x68: {  	_ =	shalt  }
0x69: {  	_ =	shalt  }
0x6a: {  	_ =	shalt  }
0x6b: {  	_ =	shalt  }
0x6c: {  	_ =	shalt  }
0x6d: {  	_ =	shalt  }
0x6e: {  	_ =	shalt  }
0x6f: {  	_ =	shalt  }
0x70: {  	_ =	shalt  }
0x71: {  	_ =	shalt  }
0x72: {  	_ =	shalt  }
0x73: {  	_ =	shalt  }
0x74: {  	_ =	shalt  }
0x75: {  	_ =	shalt  }
0x76: {  	_ =	shalt  }
0x77: {  	_ =	shalt  }
0x78: {  	_ =	shalt  }
0x79: {  	_ =	shalt  }
0x7a: {  	_ =	shalt  }
0x7b: {  	_ =	shalt  }
0x7c: {  	_ =	shalt  }
0x7d: {  	_ =	shalt  }
0x7e: {  	_ =	shalt  }
0x7f: {  	_ =	shalt  }
0x80: {  	_ =	shalt  }
0x81: {  	_ =	shalt  }
0x82: {  	_ =	shalt  }
0x83: {  	_ =	shalt  }
0x84: {  	_ =	shalt  }
0x85: {  	_ =	shalt  }
0x86: {  	_ =	shalt  }
0x87: {  	_ =	shalt  }
.Lfunc_end0:
.L_simem_size_0:
called_computation.4_lowered:
.L_overlay_start_0:
0x88: {  	s2 =	sld [smem:$0x3FD9]  }
0x89: {  	s3 =	sld [smem:$0x3FFE];
	_ =	sdelay $0x1  }
0x8a: {  	s1 =	srdreg.scid  }
0x8b: {  	s0 =	sand.u32 $0x1, s1  }
0x8c: {  	s17 =	sshll.u32 s0, $0xA;
	s2 =	sadd.s32 s3, s2  }
0x8d: {  	s2 =	sadd.s32 s2, s17  }
0x8e: {  	[smem:$0x3FAB] =	sst s2  }
0x8f: {  	_ = 	snop  }
0x90: {  	s2 =	sld [smem:$0x3FD0];
	(tm) =	ssettm $0x1  }
0x91: {  	s18 =	sld [smem:$0x3FFB];
	_ =	sdelay $0x3  }
0x92: {  	_ =	strace s18  }
0x93: {  	s3 =	sld [smem:$0x3FFC];
	_ =	sdelay $0x3  }
0x94: {  	_ =	strace s3  }
0x95: {  	s3 =	sld [smem:$0x3FFD];
	_ =	sdelay $0x3  }
0x96: {  	_ =	strace s3  }
0x97: {  	_ =	strace $0x8FFFFFFF  }
0x98: {  	s19 =	sld [smem:$0x3FDB];
	_ =	sdelay $0x1  }
0x99: {  	s4 =	simm.s32 $_scs_section_size  }
0x9a: {  	s5 =	simm.s32 $_size__tile_overlayer_lowered;
	s6 =	simm.s32 $_tile_overlayer_lowered  }
0x9b: {  	s22 =	simm.s32 $0x1BFF;
	s21 =	sshll.u32 s6, $0x1;
	s3 =	sadd.s32 s4, s19  }
0x9c: {  	s7 =	simm.s32 $0x0;
	s20 =	sshll.u32 s5, $0x1;
	s5 =	sadd.s32 s21, s3  }
0x9d: {  	[timem:s7], [sflag:s22] =	dma.local [hbm:s5], s20  }
0x9e: {  	_ =	swait.ge [sflag:s22], s20  }
0x9f: {  	s4 =	ssub.s32 $0x0, s20;
	[sflag:s22] =	ssyncset.done $0x0  }
0xa0: {  	[sflag:s22] =	ssyncadd.s32 s4;
	_ =	sdelay $0x1  }
0xa1: {  	s23 =	simm.s32 $0x1B8B  }
0xa2: {  	_ =	swait.ge [sflag:s23], $0x1  }
0xa3: {  	[sflag:s23] =	ssyncset.done $0x0  }
0xa4: {  	s25 =	simm.s32 $0x1B8E;
	s24 =	sld [smem:$0x3FFE];
	[sflag:s23] =	ssyncadd.s32 $0xFFFFFFFF  }
0xa5: {  	s26 =	simm.s32 $execute0_lowered;
	[smem:$0x3FD2] =	sst s25  }
0xa6: {  	s5 =	sshll.u32 s26, $0x1;
	_ =	strace $0x8000004F;
	[dreg:$0x1] =	wrdreg $0xFFFFFFFF  }
0xa7: {  	s28 =	simm.s32 $_size_execute0_lowered;
	s3 =	sadd.s32 s3, s5;
	[dreg:$0x0] =	wrdreg $0x0  }
0xa8: {  	s5 =	sshll.u32 s28, $0x1;
	[dreg:$0x2] =	wrdreg s3  }
0xa9: {  	[dreg:$0x3] =	wrdreg s5  }
0xaa: {  	[dreg:$0x4] =	wrdreg $0xC0  }
0xab: {  	_ =	task [dreg:s7], $0x5FFFF  }
0xac: {  	[dreg:$0x1] =	wrdreg $0xFFFFFFFF  }
0xad: {  	[dreg:$0x0] =	wrdreg $0x60  }
0xae: {  	[dreg:$0x2] =	wrdreg s24  }
0xaf: {  	[dreg:$0x3] =	wrdreg s2  }
0xb0: {  	[dreg:$0x4] =	wrdreg $0x41000  }
0xb1: {  	[dreg:$0x5] =	wrdreg $0xA  }
0xb2: {  	_ =	task.clear_ibuf [dreg:s7], $0x6FFFF;
	_ =	strace $0x9000004F  }
0xb3: {  	s29 =	simm.s32 $0xA;
	_ =	strace $0x80000051  }
0xb4: {  	_ =	swait.ge [sflag:s29], $0x1  }
0xb5: {  	[sflag:s29] =	ssyncadd.s32 $0xFFFFFFFF  }
0xb6: {  	_ =	strace $0x90000051  }
0xb7: {  	_ =	sfence  }
0xb8: {  	s30 =	sld [smem:$0x0];
	_ =	sdelay $0x2  }
0xb9: {  	s31 =	sshll.u32 s1, $0xD;
	s1 =	sshrl.u32 s1, $0x2  }
0xba: {  	s3 =	sand.u32 $0x4000, s31;
	s1 =	sadd.s32 s1, s30  }
0xbb: {  	s0 =	sor.u32 s3, s0;
	s1 =	sshll.u32 s1, $0x11  }
0xbc: {  	s0 =	sor.u32 s1, s0  }
0xbd: {  	s0 =	sadd.s32 $0x8F2B, s0  }
0xbe: {  	[sflag:s0] =	ssyncadd.remote.s32 $0x1  }
0xbf: {  	_ =	sfence.sel $0xFFFF  }
0xc0: {  	[dreg:$0x0] =	wrdreg $0xFFFFFFFF;
	(pc) =	sbr.abs _section_cstart, $3  }
0xc1: {  	[dreg:$0x1] =	wrdreg $0xFFFFFFFF  }
0xc2: {  	_ =	task.clear_ibuf [dreg:s7], $0x2FFFF;
	_ =	strace $0x9FFFFFFF  }
0xc3: {  	(tm) =	ssettm $0x7FFFFFFF  }
tec
execute0_lowered:
.L_overlay_start_1:
0x0: {  	(tag) =	ssettag $0x1  }
0x1: {  	s6 =	rddreg [dreg:$0x0]  }
0x2: {  	s12 =	rddreg [dreg:$0x1];
	s3 =	srdreg.scid  }
0x3: {  	s1 =	rddreg [dreg:$0x2];
	s4 =	sand.u32 $0x1, s3  }
0x4: {  	s0 =	rddreg [dreg:$0x3];
	s13 =	smul.u32 $0x5000, s4  }
0x5: {  	s2 =	simm.s32 $0x0;
	s3 =	stileid.u32;
	s7 =	smul.u32 $0x28000, s4  }
0x6: {  	[smem:$0x7FF] =	sst s2;
	s10 =	smul.u32 $0x5, s3  }
0x7: {  	s5 =	sadd.s32 $0xB3600, s6;
	_ =	strace $0x80000050;
	s11 =	smul.u32 $0x50000, s3  }
0x8: {  	s8 =	ssub.s32 $0x2, s4;
	s4 =	sadd.s32 $0x63600, s6;
	s19 =	smul.u32 $0x2800, s3  }
0x9: {  	s20 =	smul.u32 $0x500, s3;
	s9 =	sshrl.u32 s8, $0x1;
	s14 =	sadd.s32 s13, s6  }
0xa: {  	s6 =	sadd.s32 s7, s6;
	s24 =	ssub.s32 s8, s9;
	s25 =	sshrl.u32 s11, $0x2  }
0xb: {  	s15 =	sadd.s32 $0x1, s10;
	s16 =	sadd.s32 $0x2, s10;
	s17 =	sadd.s32 $0x3, s10  }
0xc: {  	s18 =	sadd.s32 $0x4, s10;
	s12 =	sadd.s32 s13, s12;
	s22 =	sadd.s32 $0xB3E00, s6  }
0xd: {  	s6 =	sadd.s32 s25, s1;
	s26 =	sshll.u32 s15, $0xE;
	s7 =	smax.u32 s24, $0x1  }
0xe: {  	s28 =	sshll.u32 s16, $0xE;
	s29 =	sshll.u32 s17, $0xE;
	s30 =	sshll.u32 s18, $0xE  }
0xf: {  	s21 =	sshll.u32 s15, $0xB;
	s23 =	sshll.u32 s16, $0xB;
	s24 =	sshll.u32 s17, $0xB  }
0x10: {  	s25 =	sshll.u32 s18, $0xB;
	s31 =	sadd.s32 s20, s14;
	s12 =	sadd.s32 s20, s12  }
0x11: {  	s14 =	simm.s32 $0x100;
	s15 =	simm.s32 $0x2;
	s16 =	simm.s32 $0x80  }
0x12: {  	s17 =	simm.s32 $0x1;
	s8 =	sadd.s32 s26, s1;
	s9 =	sadd.s32 s28, s1  }
0x13: {  	s10 =	sadd.s32 s29, s1;
	s11 =	sadd.s32 s30, s1;
	s13 =	sadd.s32 $0x7C00, s31  }
0x14: {  	s18 =	sadd.s32 s19, s22;
	s19 =	sadd.s32 s21, s22;
	s20 =	sadd.s32 s23, s22  }
0x15: {  	s21 =	sadd.s32 s24, s22;
	s22 =	sadd.s32 s25, s22;
	s23 =	simm.s32 $0x0  }
.LBB2_1:
0x16: {  	[tilespmem:s14], [sflag:$0x2] =	stream.linear.gather [hbm4b:s5+s2], $0x4000, $0x38;
	[tilespmem:$0x18100] =	vst v63  }
0x17: {  	_ =	swait.ge [sflag:s15], $0x4000  }
0x18: {  	[sflag:s15] =	ssyncset.done $0x0  }
0x19: {  	[sflag:s15] =	ssyncadd.s32 $0xFFFFC000  }
0x1a: {  	[spmem:s6] =	stream.linear.scatter [tilespmem:s14], [sflag:$0x2], $0x4000, $0x38;
	[tilespmem:$0x18100] =	vst v63  }
0x1b: {  	_ =	swait.ge [sflag:s15], $0x4000  }
0x1c: {  	[sflag:s15] =	ssyncset.done $0x0  }
0x1d: {  	[sflag:s15] =	ssyncadd.s32 $0xFFFFC000  }
0x1e: {  	[spmem:s8] =	stream.linear.scatter [tilespmem:s14], [sflag:$0x2], $0x4000, $0x38;
	[tilespmem:$0x18100] =	vst v63  }
0x1f: {  	_ =	swait.ge [sflag:s15], $0x4000  }
0x20: {  	[sflag:s15] =	ssyncset.done $0x0  }
0x21: {  	[sflag:s15] =	ssyncadd.s32 $0xFFFFC000  }
0x22: {  	[spmem:s9] =	stream.linear.scatter [tilespmem:s14], [sflag:$0x2], $0x4000, $0x38;
	[tilespmem:$0x18100] =	vst v63  }
0x23: {  	_ =	swait.ge [sflag:s15], $0x4000  }
0x24: {  	[sflag:s15] =	ssyncset.done $0x0  }
0x25: {  	[sflag:s15] =	ssyncadd.s32 $0xFFFFC000  }
0x26: {  	[spmem:s10] =	stream.linear.scatter [tilespmem:s14], [sflag:$0x2], $0x4000, $0x38;
	[tilespmem:$0x18100] =	vst v63  }
0x27: {  	_ =	swait.ge [sflag:s15], $0x4000  }
0x28: {  	[sflag:s15] =	ssyncset.done $0x0  }
0x29: {  	[sflag:s15] =	ssyncadd.s32 $0xFFFFC000  }
0x2a: {  	[spmem:s11] =	stream.linear.scatter [tilespmem:s14], [sflag:$0x2], $0x4000, $0x38;
	[tilespmem:$0x18100] =	vst v63  }
0x2b: {  	_ =	swait.ge [sflag:s15], $0x4000  }
0x2c: {  	[sflag:s15] =	ssyncset.done $0x0  }
0x2d: {  	[sflag:s15] =	ssyncadd.s32 $0xFFFFC000  }
0x2e: {  	s24 =	sadd.s32 $0x0, s13;
	[bflag:$0x0] =	sbarrier.arrive $0xFFFF  }
0x2f: {  	[tilespmem:s2], [sflag:$0x2] =	stream.linear.gather [hbm4b:s24+s2], $0x80, $0x38;
	[tilespmem:$0x18100] =	vst v63  }
0x30: {  	_ =	swait.ge [sflag:s15], $0x80  }
0x31: {  	[sflag:s15] =	ssyncset.done $0x0  }
0x32: {  	s31 =	sadd.s32 $0x0, s12;
	[sflag:s15] =	ssyncadd.s32 $0xFFFFFF80  }
0x33: {  	[tilespmem:s16], [sflag:$0x2] =	stream.linear.gather [hbm4b:s31+s2], $0x80, $0x38;
	[tilespmem:$0x18100] =	vst v63  }
0x34: {  	_ =	swait.ge [sflag:s15], $0x80  }
0x35: {  	[sflag:s15] =	ssyncset.done $0x0  }
0x36: {  	[sflag:s15] =	ssyncadd.s32 $0xFFFFFF80  }
0x37: {  	[tilespmem:s14], [sflag:$0x1] =	stream.indirect.gather [hbm4b:s4+s16], $0x80, s2, s16, $0xb8;
	[tilespmem:$0x18100] =	vst v63  }
0x38: {  	_ =	swait.ge [sflag:s17], $0x4000  }
0x39: {  	[sflag:s17] =	ssyncset.done $0x0  }
0x3a: {  	[sflag:s17] =	ssyncadd.s32 $0xFFFFC000  }
0x3b: {  	[spmem:s1] =	stream.indirect.scatter.add.f32 [tilespmem:s14], [sflag:$0x2], $0x80, s16, s16, $0xb8;
	[tilespmem:$0x18100] =	vst v63  }
0x3c: {  	_ =	swait.ge [sflag:s15], $0x4000  }
0x3d: {  	s25 =	simm.s32 $0x20;
	s24 =	simm.s32 $0x10;
	[sflag:s15] =	ssyncset.done $0x0  }
.LBB2_2:
0x3e: {  	s26 =	sadd.s32 s24, s13  }
0x3f: {  	[sflag:s15] =	ssyncadd.s32 $0xFFFFC000;
	s28 =	smov.u32 s25;
	s29 =	sadd.s32 $0x10, s25  }
0x40: {  	[tilespmem:s2], [sflag:$0x2] =	stream.linear.gather [hbm4b:s26+s2], $0x80, $0x38;
	[tilespmem:$0x18100] =	vst v63  }
0x41: {  	p0 =	sne.s32 s25, $0x4F0;
	_ =	swait.ge [sflag:s15], $0x80  }
0x42: {  	[sflag:s15] =	ssyncset.done $0x0  }
0x43: {  	s25 =	sadd.s32 s24, s12;
	s24 =	smov.u32 s28;
	[sflag:s15] =	ssyncadd.s32 $0xFFFFFF80  }
0x44: {  	[tilespmem:s16], [sflag:$0x2] =	stream.linear.gather [hbm4b:s25+s2], $0x80, $0x38;
	[tilespmem:$0x18100] =	vst v63  }
0x45: {  	_ =	swait.ge [sflag:s15], $0x80  }
0x46: {  	[sflag:s15] =	ssyncset.done $0x0  }
0x47: {  	[sflag:s15] =	ssyncadd.s32 $0xFFFFFF80  }
0x48: {  	[tilespmem:s14], [sflag:$0x1] =	stream.indirect.gather [hbm4b:s4+s16], $0x80, s2, s16, $0xb8;
	[tilespmem:$0x18100] =	vst v63  }
0x49: {  	_ =	swait.ge [sflag:s17], $0x4000  }
.Ltmp0:
0x4a: {  	[sflag:s17] =	ssyncset.done $0x0;
	(pc) =	sbr.rel @p0 .LBB2_2-.Ltmp0, $4  }
0x4b: {  	[sflag:s17] =	ssyncadd.s32 $0xFFFFC000  }
0x4c: {  	[spmem:s1] =	stream.indirect.scatter.add.f32 [tilespmem:s14], [sflag:$0x2], $0x80, s16, s16, $0xb8;
	[tilespmem:$0x18100] =	vst v63  }
0x4d: {  	_ =	swait.ge [sflag:s15], $0x4000  }
0x4e: {  	s25 =	smov.u32 s29;
	[sflag:s15] =	ssyncset.done $0x0  }
0x4f: {  	s25 =	sadd.s32 s24, s13;
	[sflag:s15] =	ssyncadd.s32 $0xFFFFC000  }
0x50: {  	[tilespmem:s2], [sflag:$0x2] =	stream.linear.gather [hbm4b:s25+s2], $0x80, $0x38;
	[tilespmem:$0x18100] =	vst v63  }
0x51: {  	_ =	swait.ge [sflag:s15], $0x80  }
0x52: {  	[sflag:s15] =	ssyncset.done $0x0  }
0x53: {  	s31 =	sadd.s32 s24, s12;
	[sflag:s15] =	ssyncadd.s32 $0xFFFFFF80  }
0x54: {  	[tilespmem:s16], [sflag:$0x2] =	stream.linear.gather [hbm4b:s31+s2], $0x80, $0x38;
	[tilespmem:$0x18100] =	vst v63  }
0x55: {  	_ =	swait.ge [sflag:s15], $0x80  }
0x56: {  	[sflag:s15] =	ssyncset.done $0x0  }
0x57: {  	[sflag:s15] =	ssyncadd.s32 $0xFFFFFF80  }
0x58: {  	[tilespmem:s14], [sflag:$0x1] =	stream.indirect.gather [hbm4b:s4+s16], $0x80, s2, s16, $0xb8;
	[tilespmem:$0x18100] =	vst v63  }
0x59: {  	_ =	swait.ge [sflag:s17], $0x4000  }
0x5a: {  	[sflag:s17] =	ssyncset.done $0x0  }
0x5b: {  	[sflag:s17] =	ssyncadd.s32 $0xFFFFC000  }
0x5c: {  	[spmem:s1] =	stream.indirect.scatter.add.f32 [tilespmem:s14], [sflag:$0x2], $0x80, s16, s16, $0xb8;
	[tilespmem:$0x18100] =	vst v63  }
0x5d: {  	_ =	swait.ge [sflag:s15], $0x4000  }
0x5e: {  	[sflag:s15] =	ssyncset.done $0x0  }
0x5f: {  	[sflag:s15] =	ssyncadd.s32 $0xFFFFC000  }
0x60: {  	[bflag:$0x0] =	sbarrier.arrive $0xFFFF  }
0x61: {  	[tilespmem:s14], [sflag:$0x2] =	stream.linear.gather [spmem:s6], $0x4000, $0x38;
	[tilespmem:$0x18100] =	vst v63  }
0x62: {  	_ =	swait.ge [sflag:s15], $0x4000  }
0x63: {  	[sflag:s15] =	ssyncset.done $0x0  }
0x64: {  	[sflag:s15] =	ssyncadd.s32 $0xFFFFC000  }
0x65: {  	[hbm4b:s18+s2] =	stream.linear.scatter [tilespmem:s14], [sflag:$0x2], $0x4000, $0x38;
	[tilespmem:$0x18100] =	vst v63  }
0x66: {  	_ =	swait.ge [sflag:s15], $0x4000  }
0x67: {  	[sflag:s15] =	ssyncset.done $0x0  }
0x68: {  	[sflag:s15] =	ssyncadd.s32 $0xFFFFC000  }
0x69: {  	[tilespmem:s14], [sflag:$0x2] =	stream.linear.gather [spmem:s8], $0x4000, $0x38;
	[tilespmem:$0x18100] =	vst v63  }
0x6a: {  	_ =	swait.ge [sflag:s15], $0x4000  }
0x6b: {  	[sflag:s15] =	ssyncset.done $0x0  }
0x6c: {  	[sflag:s15] =	ssyncadd.s32 $0xFFFFC000  }
0x6d: {  	[hbm4b:s19+s2] =	stream.linear.scatter [tilespmem:s14], [sflag:$0x2], $0x4000, $0x38;
	[tilespmem:$0x18100] =	vst v63  }
0x6e: {  	_ =	swait.ge [sflag:s15], $0x4000  }
0x6f: {  	[sflag:s15] =	ssyncset.done $0x0  }
0x70: {  	[sflag:s15] =	ssyncadd.s32 $0xFFFFC000  }
0x71: {  	[tilespmem:s14], [sflag:$0x2] =	stream.linear.gather [spmem:s9], $0x4000, $0x38;
	[tilespmem:$0x18100] =	vst v63  }
0x72: {  	_ =	swait.ge [sflag:s15], $0x4000  }
0x73: {  	[sflag:s15] =	ssyncset.done $0x0  }
0x74: {  	[sflag:s15] =	ssyncadd.s32 $0xFFFFC000  }
0x75: {  	[hbm4b:s20+s2] =	stream.linear.scatter [tilespmem:s14], [sflag:$0x2], $0x4000, $0x38;
	[tilespmem:$0x18100] =	vst v63  }
0x76: {  	_ =	swait.ge [sflag:s15], $0x4000  }
0x77: {  	[sflag:s15] =	ssyncset.done $0x0  }
0x78: {  	[sflag:s15] =	ssyncadd.s32 $0xFFFFC000  }
0x79: {  	[tilespmem:s14], [sflag:$0x2] =	stream.linear.gather [spmem:s10], $0x4000, $0x38;
	[tilespmem:$0x18100] =	vst v63  }
0x7a: {  	_ =	swait.ge [sflag:s15], $0x4000  }
0x7b: {  	[sflag:s15] =	ssyncset.done $0x0  }
0x7c: {  	[sflag:s15] =	ssyncadd.s32 $0xFFFFC000  }
0x7d: {  	[hbm4b:s21+s2] =	stream.linear.scatter [tilespmem:s14], [sflag:$0x2], $0x4000, $0x38;
	[tilespmem:$0x18100] =	vst v63  }
0x7e: {  	_ =	swait.ge [sflag:s15], $0x4000  }
0x7f: {  	[sflag:s15] =	ssyncset.done $0x0  }
0x80: {  	[sflag:s15] =	ssyncadd.s32 $0xFFFFC000  }
0x81: {  	[tilespmem:s14], [sflag:$0x2] =	stream.linear.gather [spmem:s11], $0x4000, $0x38;
	[tilespmem:$0x18100] =	vst v63  }
0x82: {  	s23 =	sadd.s32 $0x1, s23;
	_ =	swait.ge [sflag:s15], $0x4000  }
0x83: {  	p0 =	sne.s32 s23, s7;
	[sflag:s15] =	ssyncset.done $0x0  }
.Ltmp1:
0x84: {  	[sflag:s15] =	ssyncadd.s32 $0xFFFFC000;
	(pc) =	sbr.rel @p0 .LBB2_1-.Ltmp1, $4  }
0x85: {  	[hbm4b:s22+s2] =	stream.linear.scatter [tilespmem:s14], [sflag:$0x2], $0x4000, $0x38;
	[tilespmem:$0x18100] =	vst v63  }
0x86: {  	_ =	swait.ge [sflag:s15], $0x4000  }
0x87: {  	[sflag:s15] =	ssyncset.done $0x0  }
0x88: {  	[sflag:s15] =	ssyncadd.s32 $0xFFFFC000  }
0x89: {  	_ =	sfence.sel $0x180000  }
0x8a: {  	[bflag:$0x0] =	sbarrier.arrive $0xFFFF  }
0x8b: {  	p0 =	sne.s32 s3, $0x0;
	_ =	strace $0x90000050  }
0x8c: {  	s0 =	sadd.s32 @!p0 $0x100000, s0;
	[bflag:$0x2] =	sbarrier.arrive $0xFFFF  }
0x8d: {  	[sflag:s0] =	ssyncadd.tile.s32 @!p0 $0x1;
	_ =	shalt  }
.Lfunc_end2:
_tile_overlayer_lowered:
.L_overlay_start_2:
0x8e: {  	(tag) =	ssettag $0x2  }
0x8f: {  	s0 =	rddreg [dreg:$0x0];
	s2 =	stileid.u32  }
0x90: {  	s1 =	rddreg [dreg:$0x1];
	p0 =	sne.s32 s2, $0x0  }
0x91: {  	s3 =	rddreg [dreg:$0x2];
	[bflag:$0x3] =	sbarrier.arrive $0xFFFF;
	s2 =	simm.s32 @!p0 $0x1C02  }
0x92: {  	[timem:s3], [sflag:s2] =	dma.local @!p0 [hbm:s0], s1  }
0x93: {  	s0 =	simm.s32 @!p0 $0x2  }
0x94: {  	_ =	swait.ge @!p0 [sflag:s0], s1  }
0x95: {  	s1 =	ssub.s32 @!p0 $0x0, s1;
	[sflag:s0] =	ssyncset.done @!p0 $0x0  }
0x96: {  	[sflag:s0] =	ssyncadd.s32 @!p0 s1  }
0x97: {  	[bflag:$0x3] =	sbarrier.arrive $0xFFFF  }
0x98: {  	_ =	shalt  }

// kernel: kernel.28.cloned.1.call-start
scs
__scs_entry_jumppad:
0x0: {  	(pc) =	sbr.rel $0x88, $3  }
0x1: {  	(tag) =	ssettag $0x0;
	lr =	simm.s32 $0x1  }
0x2: {  	[smem:$0x3F84] =	sst lr;
	_ =	strace $0xD0000000  }
0x3: {  	_ = 	snop  }
0x4: {  	_ = 	snop  }
0x5: {  	_ = 	snop  }
0x6: {  	_ = 	snop  }
0x7: {  	_ = 	snop  }
__scs_overlays_trampoline_lowered:
0x8: {  	[smem:$0x3F93] =	sst s0  }
0x9: {  	[smem:$0x3F94] =	sst s1  }
0xa: {  	[smem:$0x3F95] =	sst s2  }
0xb: {  	[smem:$0x3F96] =	sst s3  }
0xc: {  	[smem:$0x3F97] =	sst s4  }
0xd: {  	[smem:$0x3F98] =	sst s5  }
0xe: {  	[smem:$0x3F99] =	sst s6  }
0xf: {  	[smem:$0x3F9A] =	sst s7  }
0x10: {  	[smem:$0x3F9B] =	sst s8  }
0x11: {  	[smem:$0x3F9C] =	sst s9;
	s0 =	simm.s32 @!p0 $0x0  }
0x12: {  	s1 =	sld [smem:$0x3F82];
	s0 =	simm.s32 @p0 $0x1  }
0x13: {  	[smem:$0x3F9D] =	sst s0;
	s0 =	simm.s32 @!p1 $0x0  }
0x14: {  	s2 =	sld [smem:$0x3F81];
	s0 =	simm.s32 @p1 $0x1  }
0x15: {  	[smem:$0x3F9E] =	sst s0;
	s0 =	simm.s32 @!p2 $0x0  }
0x16: {  	s3 =	sld [smem:$0x3FDB];
	s0 =	simm.s32 @p2 $0x1  }
0x17: {  	s4 =	simm.s32 $0x1BF5;
	[smem:$0x3FA0] =	sst s0  }
0x18: {  	s0 =	sld [smem:$0x3F83];
	_ =	swait.ge [sflag:s4], $0x0  }
0x19: {  	s7 =	sld [smem:$0x3F84]  }
0x1a: {  	s8 =	sadd.s32 $0xFFFFE003, lr  }
0x1b: {  	s9 =	sadd.s32 $0xFFFFFEF7, lr;
	s5 =	simm.s32 $0xFFFFFFFF;
	p2 =	slt.u32 s8, $0xFFFFF086  }
0x1c: {  	p1 =	slt.u32 s9, $0xF7A;
	s5 =	simm.s32 @!p2 $0x0  }
0x1d: {  	s5 =	simm.s32 @p1 $0x1;
	p0 =	seq.s32 s7, s2  }
0x1e: {  	s7 =	smul.u32 @!p0 $0xF7A, s2;
	p2 =	seq.s32 @!p0 s5, $0x0  }
0x1f: {  	s9 =	smul.u32 $0xF7A, s1;
	s8 =	simm.s32 @!p0 $0x1BF5;
	p2 =	por !p2, p0  }
0x20: {  	[sflag:s8] =	ssyncset.s32 @!p0 $0xFFFFF086;
	s6 =	sadd.s32 @!p0 s3, s7;
	s7 =	simm.s32 @!p0 $0x108  }
0x21: {  	s3 =	sadd.s32 s3, s9;
	s6 =	sadd.s32 @!p0 $0x88, s6;
	s7 =	simm.s32 @p2 $0x1082  }
0x22: {  	[simem:s7], [sflag:s8] =	dma.local @!p0 [hbm:s6], $0xF7A  }
0x23: {  	s9 =	sor.u32 $0xD0000000, s2;
	s6 =	simm.s32 $0x108;
	_ =	swait.ge @!p0 [sflag:s8], $0x0  }
0x24: {  	s3 =	sadd.s32 $0x88, s3;
	s6 =	simm.s32 @!p1 $0x1082;
	[sflag:s4] =	ssyncset.s32 $0xFFFFF086  }
0x25: {  	[simem:s6], [sflag:s4] =	dma.local [hbm:s3], $0xF7A  }
0x26: {  	[smem:$0x3F84] =	sst s1;
	(tag) =	ssettag s2;
	_ =	strace s9  }
0x27: {  	s1 =	sld [smem:$0x3F94]  }
0x28: {  	s2 =	sld [smem:$0x3F95]  }
0x29: {  	s4 =	sld [smem:$0x3F97]  }
0x2a: {  	p0 =	seq.s32 s5, $0x0;
	s5 =	sld [smem:$0x3F98]  }
0x2b: {  	s6 =	sld [smem:$0x3F99]  }
0x2c: {  	s7 =	sld [smem:$0x3F9A]  }
0x2d: {  	s3 =	simm.s32 $0x108;
	s8 =	sld [smem:$0x3F9B]  }
0x2e: {  	s3 =	simm.s32 @!p0 $0x1082;
	s9 =	sld [smem:$0x3F9C]  }
0x2f: {  	lr =	sadd.s32 s0, s3;
	s0 =	sld [smem:$0x3F93]  }
0x30: {  	s3 =	sld [smem:$0x3F96]  }
0x31: {  	[smem:$0x3F9F] =	sst s10  }
0x32: {  	s10 =	sld [smem:$0x3F9D];
	_ =	sdelay $0x3  }
0x33: {  	p0 =	seq.s32 s10, $0x1;
	s10 =	sld [smem:$0x3F9F];
	_ =	sdelay $0x3  }
0x34: {  	[smem:$0x3F9F] =	sst s10  }
0x35: {  	s10 =	sld [smem:$0x3F9E];
	_ =	sdelay $0x3  }
0x36: {  	p1 =	seq.s32 s10, $0x1;
	s10 =	sld [smem:$0x3F9F];
	_ =	sdelay $0x3  }
0x37: {  	[smem:$0x3F9F] =	sst s10  }
0x38: {  	s10 =	sld [smem:$0x3FA0]  }
0x39: {  	_ = 	snop;
	(pc) =	sbr.ind lr, $3  }
0x3a: {  	_ = 	snop  }
0x3b: {  	_ = 	snop  }
0x3c: {  	p2 =	seq.s32 s10, $0x1;
	s10 =	sld [smem:$0x3F9F]  }
0x3d: {  	_ =	shalt  }
0x3e: {  	_ =	shalt  }
0x3f: {  	_ =	shalt  }
0x40: {  	_ =	shalt  }
0x41: {  	_ =	shalt  }
0x42: {  	_ =	shalt  }
0x43: {  	_ =	shalt  }
0x44: {  	_ =	shalt  }
0x45: {  	_ =	shalt  }
0x46: {  	_ =	shalt  }
0x47: {  	_ =	shalt  }
0x48: {  	_ =	shalt  }
0x49: {  	_ =	shalt  }
0x4a: {  	_ =	shalt  }
0x4b: {  	_ =	shalt  }
0x4c: {  	_ =	shalt  }
0x4d: {  	_ =	shalt  }
0x4e: {  	_ =	shalt  }
0x4f: {  	_ =	shalt  }
0x50: {  	_ =	shalt  }
0x51: {  	_ =	shalt  }
0x52: {  	_ =	shalt  }
0x53: {  	_ =	shalt  }
0x54: {  	_ =	shalt  }
0x55: {  	_ =	shalt  }
0x56: {  	_ =	shalt  }
0x57: {  	_ =	shalt  }
0x58: {  	_ =	shalt  }
0x59: {  	_ =	shalt  }
0x5a: {  	_ =	shalt  }
0x5b: {  	_ =	shalt  }
0x5c: {  	_ =	shalt  }
0x5d: {  	_ =	shalt  }
0x5e: {  	_ =	shalt  }
0x5f: {  	_ =	shalt  }
0x60: {  	_ =	shalt  }
0x61: {  	_ =	shalt  }
0x62: {  	_ =	shalt  }
0x63: {  	_ =	shalt  }
0x64: {  	_ =	shalt  }
0x65: {  	_ =	shalt  }
0x66: {  	_ =	shalt  }
0x67: {  	_ =	shalt  }
0x68: {  	_ =	shalt  }
0x69: {  	_ =	shalt  }
0x6a: {  	_ =	shalt  }
0x6b: {  	_ =	shalt  }
0x6c: {  	_ =	shalt  }
0x6d: {  	_ =	shalt  }
0x6e: {  	_ =	shalt  }
0x6f: {  	_ =	shalt  }
0x70: {  	_ =	shalt  }
0x71: {  	_ =	shalt  }
0x72: {  	_ =	shalt  }
0x73: {  	_ =	shalt  }
0x74: {  	_ =	shalt  }
0x75: {  	_ =	shalt  }
0x76: {  	_ =	shalt  }
0x77: {  	_ =	shalt  }
0x78: {  	_ =	shalt  }
0x79: {  	_ =	shalt  }
0x7a: {  	_ =	shalt  }
0x7b: {  	_ =	shalt  }
0x7c: {  	_ =	shalt  }
0x7d: {  	_ =	shalt  }
0x7e: {  	_ =	shalt  }
0x7f: {  	_ =	shalt  }
0x80: {  	_ =	shalt  }
0x81: {  	_ =	shalt  }
0x82: {  	_ =	shalt  }
0x83: {  	_ =	shalt  }
0x84: {  	_ =	shalt  }
0x85: {  	_ =	shalt  }
0x86: {  	_ =	shalt  }
0x87: {  	_ =	shalt  }
.Lfunc_end0:
.L_simem_size_0:
called_computation.5_lowered:
.L_overlay_start_0:
0x88: {  	s2 =	sld [smem:$0x3FD9]  }
0x89: {  	s3 =	sld [smem:$0x3FFE];
	_ =	sdelay $0x1  }
0x8a: {  	s1 =	srdreg.scid  }
0x8b: {  	s0 =	sand.u32 $0x1, s1  }
0x8c: {  	s17 =	sshll.u32 s0, $0xA;
	s2 =	sadd.s32 s3, s2  }
0x8d: {  	s2 =	sadd.s32 s2, s17  }
0x8e: {  	[smem:$0x3FAB] =	sst s2  }
0x8f: {  	_ = 	snop  }
0x90: {  	s2 =	sld [smem:$0x3FD0];
	(tm) =	ssettm $0x1  }
0x91: {  	s18 =	sld [smem:$0x3FFB];
	_ =	sdelay $0x3  }
0x92: {  	_ =	strace s18  }
0x93: {  	s3 =	sld [smem:$0x3FFC];
	_ =	sdelay $0x3  }
0x94: {  	_ =	strace s3  }
0x95: {  	s3 =	sld [smem:$0x3FFD];
	_ =	sdelay $0x3  }
0x96: {  	_ =	strace s3  }
0x97: {  	_ =	strace $0x8FFFFFFF  }
0x98: {  	s19 =	sld [smem:$0x3FDB];
	_ =	sdelay $0x1  }
0x99: {  	s4 =	simm.s32 $_scs_section_size  }
0x9a: {  	s5 =	simm.s32 $_size__tile_overlayer_lowered;
	s6 =	simm.s32 $_tile_overlayer_lowered  }
0x9b: {  	s22 =	simm.s32 $0x1BFF;
	s21 =	sshll.u32 s6, $0x1;
	s3 =	sadd.s32 s4, s19  }
0x9c: {  	s7 =	simm.s32 $0x0;
	s20 =	sshll.u32 s5, $0x1;
	s5 =	sadd.s32 s21, s3  }
0x9d: {  	[timem:s7], [sflag:s22] =	dma.local [hbm:s5], s20  }
0x9e: {  	_ =	swait.ge [sflag:s22], s20  }
0x9f: {  	s4 =	ssub.s32 $0x0, s20;
	[sflag:s22] =	ssyncset.done $0x0  }
0xa0: {  	[sflag:s22] =	ssyncadd.s32 s4;
	_ =	sdelay $0x1  }
0xa1: {  	s23 =	simm.s32 $0x1B8B  }
0xa2: {  	_ =	swait.ge [sflag:s23], $0x1  }
0xa3: {  	[sflag:s23] =	ssyncset.done $0x0  }
0xa4: {  	s25 =	simm.s32 $0x1B8E;
	s24 =	sld [smem:$0x3FFE];
	[sflag:s23] =	ssyncadd.s32 $0xFFFFFFFF  }
0xa5: {  	s26 =	simm.s32 $execute0_lowered;
	[smem:$0x3FD2] =	sst s25  }
0xa6: {  	s5 =	sshll.u32 s26, $0x1;
	_ =	strace $0x80000055;
	[dreg:$0x1] =	wrdreg $0xFFFFFFFF  }
0xa7: {  	s28 =	simm.s32 $_size_execute0_lowered;
	s3 =	sadd.s32 s3, s5;
	[dreg:$0x0] =	wrdreg $0x0  }
0xa8: {  	s5 =	sshll.u32 s28, $0x1;
	[dreg:$0x2] =	wrdreg s3  }
0xa9: {  	[dreg:$0x3] =	wrdreg s5  }
0xaa: {  	[dreg:$0x4] =	wrdreg $0xC0  }
0xab: {  	_ =	task [dreg:s7], $0x5FFFF  }
0xac: {  	[dreg:$0x1] =	wrdreg $0xFFFFFFFF  }
0xad: {  	[dreg:$0x0] =	wrdreg $0x60  }
0xae: {  	[dreg:$0x2] =	wrdreg s24  }
0xaf: {  	[dreg:$0x3] =	wrdreg s2  }
0xb0: {  	[dreg:$0x4] =	wrdreg $0x9  }
0xb1: {  	_ =	task.clear_ibuf [dreg:s7], $0x5FFFF;
	_ =	strace $0x90000055  }
0xb2: {  	s29 =	simm.s32 $0x9;
	_ =	strace $0x80000057  }
0xb3: {  	_ =	swait.ge [sflag:s29], $0x1  }
0xb4: {  	[sflag:s29] =	ssyncadd.s32 $0xFFFFFFFF  }
0xb5: {  	_ =	strace $0x90000057  }
0xb6: {  	_ =	sfence  }
0xb7: {  	s30 =	sld [smem:$0x0];
	_ =	sdelay $0x2  }
0xb8: {  	s31 =	sshll.u32 s1, $0xD;
	s1 =	sshrl.u32 s1, $0x2  }
0xb9: {  	s3 =	sand.u32 $0x4000, s31;
	s1 =	sadd.s32 s1, s30  }
0xba: {  	s0 =	sor.u32 s3, s0;
	s1 =	sshll.u32 s1, $0x11  }
0xbb: {  	s0 =	sor.u32 s1, s0  }
0xbc: {  	s0 =	sadd.s32 $0x8F2B, s0  }
0xbd: {  	[sflag:s0] =	ssyncadd.remote.s32 $0x1  }
0xbe: {  	_ =	sfence.sel $0xFFFF  }
0xbf: {  	[dreg:$0x0] =	wrdreg $0xFFFFFFFF;
	(pc) =	sbr.abs _section_cstart, $3  }
0xc0: {  	[dreg:$0x1] =	wrdreg $0xFFFFFFFF  }
0xc1: {  	_ =	task.clear_ibuf [dreg:s7], $0x2FFFF;
	_ =	strace $0x9FFFFFFF  }
0xc2: {  	(tm) =	ssettm $0x7FFFFFFF  }
0xc3: {  	_ =	shalt  }
tec
execute0_lowered:
.L_overlay_start_1:
0x0: {  	(tag) =	ssettag $0x1  }
0x1: {  	s9 =	rddreg [dreg:$0x0]  }
0x2: {  	s1 =	rddreg [dreg:$0x1]  }
0x3: {  	s0 =	rddreg [dreg:$0x2];
	s2 =	simm.s32 $0x0;
	s3 =	srdreg.scid  }
0x4: {  	s14 =	simm.s32 $0x12100;
	s15 =	simm.s32 $0x100;
	s16 =	simm.s32 $0x3100  }
0x5: {  	s17 =	simm.s32 $0x80;
	s18 =	simm.s32 $0x1;
	s19 =	simm.s32 $0x6100  }
0x6: {  	s20 =	simm.s32 $0x0;
	[smem:$0x7FF] =	sst s2;
	s7 =	sand.u32 $0x1, s3  }
0x7: {  	s3 =	stileid.u32;
	s4 =	sadd.s32 $0x7C00, s9;
	s5 =	sadd.s32 $0x11C00, s9  }
0x8: {  	s8 =	sadd.s32 $0x3A400, s9;
	_ =	strace $0x80000056;
	s6 =	sshll.u32 s7, $0x4  }
.Ltmp0:
0x9: {  	s12 =	ssub.s32 $0x2, s7;
	s10 =	sor.u32 s3, s6;
	(pc) =	sbr.rel .LBB2_1-.Ltmp0, $4  }
0xa: {  	v0 =	vlaneseq.u32;
	s7 =	sadd.s32 $0x3AA00, s9;
	s13 =	sshrl.u32 s12, $0x1;
	s11 =	smul.u32 $0x1400, s10  }
0xb: {  	v2 =	vimm.s32 $0x0;
	v3 =	vor.u32 $0x10, v0;
	v4 =	vor.u32 $0x20, v0;
	s6 =	sadd.s32 $0x39C00, s9;
	s30 =	ssub.s32 s12, s13;
	s31 =	smul.u32 $0x140, s10  }
0xc: {  	v5 =	vor.u32 $0x30, v0;
	v6 =	vor.u32 $0x40, v0;
	v7 =	vor.u32 $0x50, v0;
	s12 =	simm.s32 $0x2;
	s13 =	simm.s32 $0xE100;
	s9 =	sadd.s32 s11, s9  }
0xd: {  	v8 =	vor.u32 $0x60, v0;
	v9 =	vor.u32 $0x70, v0;
	s10 =	smax.u32 s30, $0x1;
	s11 =	simm.s32 $0xA100;
	v1 =	vmov s31;
	s9 =	sadd.s32 $0x3B000, s9  }
.LBB2_7:
0xe: {  	s20 =	sadd.s32 $0x1, s20  }
0xf: {  	p0 =	sne.s32 s20, s10  }
.Ltmp1:
0x10: {  	_ = 	snop;
	(pc) =	sbr.rel @!p0 .LBB2_8-.Ltmp1, $4  }
0x11: {  	[hbm4b:s9+s2] =	stream.linear.scatter [tilespmem:s11], [sflag:$0x2], $0xA000, $0x38;
	[tilespmem:$0x14500] =	vst v63  }
0x12: {  	_ =	swait.ge [sflag:s12], $0xA000  }
0x13: {  	[sflag:s12] =	ssyncset.done $0x0  }
0x14: {  	[sflag:s12] =	ssyncadd.s32 $0xFFFF6000  }
.LBB2_1:
0x15: {  	[tilespmem:s11], [sflag:$0x2] =	stream.linear.gather [hbm4b:s6+s2], $0x4000, $0x38;
	[tilespmem:$0x14500] =	vst v63  }
0x16: {  	_ =	swait.ge [sflag:s12], $0x4000  }
0x17: {  	[sflag:s12] =	ssyncset.done $0x0  }
0x18: {  	[sflag:s12] =	ssyncadd.s32 $0xFFFFC000  }
0x19: {  	[tilespmem:s13], [sflag:$0x2] =	stream.linear.gather [hbm4b:s6+s2], $0x4000, $0x38;
	[tilespmem:$0x14500] =	vst v63  }
0x1a: {  	_ =	swait.ge [sflag:s12], $0x4000  }
0x1b: {  	[sflag:s12] =	ssyncset.done $0x0  }
0x1c: {  	[sflag:s12] =	ssyncadd.s32 $0xFFFFC000  }
0x1d: {  	[tilespmem:s14], [sflag:$0x2] =	stream.linear.gather [hbm4b:s6+s2], $0x2400, $0x38;
	[tilespmem:$0x14500] =	vst v63  }
0x1e: {  	_ =	swait.ge [sflag:s12], $0x2400  }
0x1f: {  	[sflag:s12] =	ssyncset.done $0x0  }
0x20: {  	[sflag:s12] =	ssyncadd.s32 $0xFFFFDC00  }
0x21: {  	[tilespmem:s15], [sflag:$0x2] =	stream.linear.gather [hbm4b:s7+s2], $0x3000, $0x38;
	[tilespmem:$0x14500] =	vst v63  }
0x22: {  	_ =	swait.ge [sflag:s12], $0x3000  }
0x23: {  	[sflag:s12] =	ssyncset.done $0x0  }
0x24: {  	[sflag:s12] =	ssyncadd.s32 $0xFFFFD000  }
0x25: {  	[tilespmem:s16], [sflag:$0x2] =	stream.linear.gather [hbm4b:s8+s2], $0x3000, $0x38;
	[tilespmem:$0x14500] =	vst v63  }
0x26: {  	_ =	swait.ge [sflag:s12], $0x3000  }
0x27: {  	[sflag:s12] =	ssyncset.done $0x0  }
0x28: {  	s21 =	simm.s32 $0x0;
	s22 =	simm.s32 $0x0;
	[sflag:s12] =	ssyncadd.s32 $0xFFFFD000  }
.LBB2_2:
0x29: {  	s23 =	sadd.s32 s21, s1  }
0x2a: {  	[tilespmem:s17], [sflag:$0x2] =	stream.linear.gather [hbm4b:s23+s2], $0x80, $0x38;
	[tilespmem:$0x14500] =	vst v63  }
0x2b: {  	_ =	swait.ge [sflag:s12], $0x80  }
0x2c: {  	[sflag:s12] =	ssyncset.done $0x0  }
0x2d: {  	s30 =	sadd.s32 s21, s4;
	[sflag:s12] =	ssyncadd.s32 $0xFFFFFF80  }
0x2e: {  	[tilespmem:s2], [sflag:$0x2] =	stream.linear.gather [hbm4b:s30+s2], $0x80, $0x38;
	[tilespmem:$0x14500] =	vst v63  }
0x2f: {  	_ =	swait.ge [sflag:s12], $0x80  }
0x30: {  	[sflag:s12] =	ssyncset.done $0x0  }
0x31: {  	[sflag:s12] =	ssyncadd.s32 $0xFFFFFF80  }
0x32: {  	v10 =	vld [tilespmem:$0x80];
	_ =	sdelay $0x4  }
0x33: {  	v10 =	vsub.s32 v10, v1  }
0x34: {  	vm0 =	vlt.u32 v10, $0x140  }
0x35: {  	v11 =	vsel vm0, $0x1, v2  }
0x36: {  	(xrf0) =	vadd.scan.msk.s32 $0xffff, v11;
	_ =	sdelay $0x2  }
0x37: {  	v11 =	vmov s22  }
0x38: {  	v11 =	vadd.s32 $0xFFFFFFFF, v11  }
0x39: {  	v11 =	vbroadcast v11, $0x0  }
0x3a: {  	v12, _, _ =	vpop (xrf0)  }
0x3b: {  	v11 =	vadd.s32 v12, v11  }
0x3c: {  	vm1 =	vlt.s32 v11, $0x2FFF  }
0x3d: {  	v13 =	vld [tilespmem:$0x0];
	v11 =	vnsel vm1, $0x2FFF, v11  }
0x3e: {  	(v2sf) =	vpush v12, $0xF;
	_ =	sdelay $0x3  }
0x3f: {  	[tilespmem:v11+s15+$0x0] =	vst.idx.msk vm0, v13  }
0x40: {  	[tilespmem:v11+s16+$0x0] =	vst.idx.msk vm0, v10  }
0x41: {  	v10 =	vld [tilespmem:$0x90];
	_ =	sdelay $0x4  }
0x42: {  	v10 =	vsub.s32 v10, v1  }
0x43: {  	vm14 =	vlt.u32 v10, $0x140  }
0x44: {  	v11 =	vsel vm14, $0x1, v2  }
0x45: {  	(xrf0) =	vadd.scan.msk.s32 $0xffff, v11  }
0x46: {  	s31 =	spop (v2sf)  }
0x47: {  	s23 =	sadd.s32 s22, s31  }
0x48: {  	v11 =	vmov s23  }
0x49: {  	v11 =	vadd.s32 $0xFFFFFFFF, v11  }
0x4a: {  	v11 =	vbroadcast v11, $0x0  }
0x4b: {  	v56, _, _ =	vpop (xrf0)  }
0x4c: {  	v11 =	vadd.s32 v56, v11  }
0x4d: {  	vm15 =	vlt.s32 v11, $0x2FFF  }
0x4e: {  	v13 =	vld [tilespmem:$0x10];
	v11 =	vnsel vm15, $0x2FFF, v11  }
0x4f: {  	(v2sf) =	vpush v56, $0xF;
	_ =	sdelay $0x3  }
0x50: {  	[tilespmem:v11+s15+$0x0] =	vst.idx.msk vm14, v13  }
0x51: {  	[tilespmem:v11+s16+$0x0] =	vst.idx.msk vm14, v10  }
0x52: {  	v10 =	vld [tilespmem:$0xA0];
	_ =	sdelay $0x4  }
0x53: {  	v10 =	vsub.s32 v10, v1  }
0x54: {  	vm4 =	vlt.u32 v10, $0x140  }
0x55: {  	v11 =	vsel vm4, $0x1, v2  }
0x56: {  	(xrf0) =	vadd.scan.msk.s32 $0xffff, v11  }
0x57: {  	s24 =	spop (v2sf)  }
0x58: {  	s22 =	sadd.s32 s23, s24  }
0x59: {  	v11 =	vmov s22  }
0x5a: {  	v11 =	vadd.s32 $0xFFFFFFFF, v11  }
0x5b: {  	v11 =	vbroadcast v11, $0x0  }
0x5c: {  	v57, _, _ =	vpop (xrf0)  }
0x5d: {  	v11 =	vadd.s32 v57, v11  }
0x5e: {  	vm5 =	vlt.s32 v11, $0x2FFF  }
0x5f: {  	v13 =	vld [tilespmem:$0x20];
	v11 =	vnsel vm5, $0x2FFF, v11  }
0x60: {  	(v2sf) =	vpush v57, $0xF;
	_ =	sdelay $0x3  }
0x61: {  	[tilespmem:v11+s15+$0x0] =	vst.idx.msk vm4, v13  }
0x62: {  	[tilespmem:v11+s16+$0x0] =	vst.idx.msk vm4, v10  }
0x63: {  	v10 =	vld [tilespmem:$0xB0];
	_ =	sdelay $0x4  }
0x64: {  	v10 =	vsub.s32 v10, v1  }
0x65: {  	vm6 =	vlt.u32 v10, $0x140  }
0x66: {  	v11 =	vsel vm6, $0x1, v2  }
0x67: {  	(xrf0) =	vadd.scan.msk.s32 $0xffff, v11  }
0x68: {  	s25 =	spop (v2sf)  }
0x69: {  	s22 =	sadd.s32 s22, s25  }
0x6a: {  	v11 =	vmov s22  }
0x6b: {  	v11 =	vadd.s32 $0xFFFFFFFF, v11  }
0x6c: {  	v11 =	vbroadcast v11, $0x0  }
0x6d: {  	v58, _, _ =	vpop (xrf0)  }
0x6e: {  	v11 =	vadd.s32 v58, v11  }
0x6f: {  	vm7 =	vlt.s32 v11, $0x2FFF  }
0x70: {  	v13 =	vld [tilespmem:$0x30];
	v11 =	vnsel vm7, $0x2FFF, v11  }
0x71: {  	(v2sf) =	vpush v58, $0xF;
	_ =	sdelay $0x3  }
0x72: {  	[tilespmem:v11+s15+$0x0] =	vst.idx.msk vm6, v13  }
0x73: {  	[tilespmem:v11+s16+$0x0] =	vst.idx.msk vm6, v10  }
0x74: {  	v10 =	vld [tilespmem:$0xC0];
	_ =	sdelay $0x4  }
0x75: {  	v10 =	vsub.s32 v10, v1  }
0x76: {  	vm8 =	vlt.u32 v10, $0x140  }
0x77: {  	v11 =	vsel vm8, $0x1, v2  }
0x78: {  	(xrf0) =	vadd.scan.msk.s32 $0xffff, v11  }
0x79: {  	s26 =	spop (v2sf)  }
0x7a: {  	s22 =	sadd.s32 s22, s26  }
0x7b: {  	v11 =	vmov s22  }
0x7c: {  	v11 =	vadd.s32 $0xFFFFFFFF, v11  }
0x7d: {  	v11 =	vbroadcast v11, $0x0  }
0x7e: {  	v59, _, _ =	vpop (xrf0)  }
0x7f: {  	v11 =	vadd.s32 v59, v11  }
0x80: {  	vm9 =	vlt.s32 v11, $0x2FFF  }
0x81: {  	v13 =	vld [tilespmem:$0x40];
	v11 =	vnsel vm9, $0x2FFF, v11  }
0x82: {  	(v2sf) =	vpush v59, $0xF;
	_ =	sdelay $0x3  }
0x83: {  	[tilespmem:v11+s15+$0x0] =	vst.idx.msk vm8, v13  }
0x84: {  	[tilespmem:v11+s16+$0x0] =	vst.idx.msk vm8, v10  }
0x85: {  	v10 =	vld [tilespmem:$0xD0];
	_ =	sdelay $0x4  }
0x86: {  	v10 =	vsub.s32 v10, v1  }
0x87: {  	vm10 =	vlt.u32 v10, $0x140  }
0x88: {  	v11 =	vsel vm10, $0x1, v2  }
0x89: {  	(xrf0) =	vadd.scan.msk.s32 $0xffff, v11  }
0x8a: {  	s28 =	spop (v2sf)  }
0x8b: {  	s22 =	sadd.s32 s22, s28  }
0x8c: {  	v11 =	vmov s22  }
0x8d: {  	v11 =	vadd.s32 $0xFFFFFFFF, v11  }
0x8e: {  	v11 =	vbroadcast v11, $0x0  }
0x8f: {  	v60, _, _ =	vpop (xrf0)  }
0x90: {  	v11 =	vadd.s32 v60, v11  }
0x91: {  	vm11 =	vlt.s32 v11, $0x2FFF  }
0x92: {  	v13 =	vld [tilespmem:$0x50];
	v11 =	vnsel vm11, $0x2FFF, v11  }
0x93: {  	(v2sf) =	vpush v60, $0xF;
	_ =	sdelay $0x3  }
0x94: {  	[tilespmem:v11+s15+$0x0] =	vst.idx.msk vm10, v13  }
0x95: {  	[tilespmem:v11+s16+$0x0] =	vst.idx.msk vm10, v10  }
0x96: {  	v10 =	vld [tilespmem:$0xE0];
	_ =	sdelay $0x4  }
0x97: {  	v10 =	vsub.s32 v10, v1  }
0x98: {  	vm12 =	vlt.u32 v10, $0x140  }
0x99: {  	v11 =	vsel vm12, $0x1, v2  }
0x9a: {  	(xrf0) =	vadd.scan.msk.s32 $0xffff, v11  }
0x9b: {  	s29 =	spop (v2sf)  }
0x9c: {  	s22 =	sadd.s32 s22, s29  }
0x9d: {  	v11 =	vmov s22  }
0x9e: {  	v11 =	vadd.s32 $0xFFFFFFFF, v11  }
0x9f: {  	v11 =	vbroadcast v11, $0x0  }
0xa0: {  	v61, _, _ =	vpop (xrf0)  }
0xa1: {  	v11 =	vadd.s32 v61, v11  }
0xa2: {  	vm13 =	vlt.s32 v11, $0x2FFF  }
0xa3: {  	v13 =	vld [tilespmem:$0x60];
	v11 =	vnsel vm13, $0x2FFF, v11;
	_ =	sdelay $0x4  }
0xa4: {  	[tilespmem:v11+s15+$0x0] =	vst.idx.msk vm12, v13  }
0xa5: {  	[tilespmem:v11+s16+$0x0] =	vst.idx.msk vm12, v10  }
0xa6: {  	v10 =	vld [tilespmem:$0xF0];
	_ =	sdelay $0x1  }
0xa7: {  	(v2sf) =	vpush v61, $0xF;
	_ =	sdelay $0x2  }
0xa8: {  	v10 =	vsub.s32 v10, v1  }
0xa9: {  	vm14 =	vlt.u32 v10, $0x140  }
0xaa: {  	v11 =	vsel vm14, $0x1, v2  }
0xab: {  	(xrf0) =	vadd.scan.msk.s32 $0xffff, v11;
	_ =	sdelay $0x5  }
0xac: {  	v11, _, _ =	vpop (xrf0)  }
0xad: {  	(v2sf) =	vpush v11, $0xF;
	_ =	sdelay $0x1  }
0xae: {  	s30 =	spop (v2sf)  }
0xaf: {  	s22 =	sadd.s32 s22, s30  }
0xb0: {  	v62 =	vmov s22  }
0xb1: {  	v12 =	vadd.s32 $0xFFFFFFFF, v62  }
0xb2: {  	v12 =	vbroadcast v12, $0x0;
	_ =	sdelay $0x1  }
0xb3: {  	v11 =	vadd.s32 v11, v12  }
0xb4: {  	vm15 =	vlt.s32 v11, $0x2FFF  }
0xb5: {  	v63 =	vld [tilespmem:$0x70];
	v11 =	vnsel vm15, $0x2FFF, v11  }
0xb6: {  	p0 =	sne.s32 s21, $0x9FF0  }
.Ltmp2:
0xb7: {  	_ = 	snop;
	(pc) =	sbr.rel @p0 .LBB2_2-.Ltmp2, $3  }
0xb8: {  	_ =	sdelay $0x1  }
0xb9: {  	[tilespmem:v11+s15+$0x0] =	vst.idx.msk vm14, v63;
	s31 =	spop (v2sf)  }
0xba: {  	s21 =	sadd.s32 $0x10, s21;
	[tilespmem:v11+s16+$0x0] =	vst.idx.msk vm14, v10;
	s22 =	sadd.s32 s22, s31  }
0xbb: {  	s21 =	sadd.s32 $0x7F, s22  }
0xbc: {  	s22 =	sand.u32 $0x7F, s21  }
0xbd: {  	s23 =	sshra.s32 s21, $0x1F;
	p0 =	slt.s32 s21, $0x1;
	p1 =	sne.s32 s22, $0x0  }
0xbe: {  	s31 =	sshrl.u32 s23, $0x19;
	p0 =	por !p0, !p1  }
0xbf: {  	s22 =	simm.s32 $0x1;
	s21 =	sadd.s32 s31, s21;
	p0 =	por !p0, !p0  }
0xc0: {  	s21 =	sshra.s32 s21, $0x7;
	s22 =	simm.s32 @!p0 $0x0  }
0xc1: {  	s21 =	ssub.s32 s21, s22  }
0xc2: {  	p0 =	slt.s32 s21, $0x1  }
.Ltmp3:
0xc3: {  	_ = 	snop;
	(pc) =	sbr.rel @p0 .LBB2_7-.Ltmp3, $2  }
0xc4: {  	_ =	sdelay $0x2  }
0xc5: {  	s23 =	simm.s32 $0x0;
	s22 =	simm.s32 $0x0  }
.LBB2_4:
0xc6: {  	s24 =	sshll.u32 s23, $0x9  }
0xc7: {  	s25 =	sadd.s32 $0x0, s22;
	s24 =	sshra.s32 s24, $0x2  }
0xc8: {  	v10 =	vmov s25;
	s24 =	sadd.s32 $0x100, s24  }
0xc9: {  	[tilespmem:s19], [sflag:$0x1] =	stream.indirect.gather [hbm4b:s5+s17], $0x80, s24, s17, $0xb8;
	[tilespmem:$0x14500] =	vst v63  }
0xca: {  	_ =	swait.ge [sflag:s18], $0x4000  }
0xcb: {  	[sflag:s18] =	ssyncset.done $0x0  }
0xcc: {  	[sflag:s18] =	ssyncadd.s32 $0xFFFFC000  }
0xcd: {  	v10 =	vld.idx.msk [tilespmem:v10+s16+$0x0], $0xffff;
	_ =	sdelay $0x3  }
0xce: {  	s31 =	simm.s32 $0x0  }
0xcf: {  	v11 =	vor.u32 s31, v0;
	v10 =	vshll.u32 v10, $0x7  }
0xd0: {  	v12 =	vor.u32 v0, v10;
	_ =	sdelay $0x3  }
0xd1: {  	v11 =	vld.idx.msk [tilespmem:v11+s19+$0x0], $0xffff  }
0xd2: {  	v13 =	vld.idx.msk [tilespmem:v12+s11+$0x0], $0xffff;
	_ =	sdelay $0x1  }
0xd3: {  	v14 =	vor.u32 v3, v10  }
0xd4: {  	v15 =	vor.u32 s31, v3;
	_ =	sdelay $0x1  }
0xd5: {  	v11 =	vmin.f32 v13, v11  }
0xd6: {  	[tilespmem:v12+s11+$0x0] =	vst.idx.msk $0xffff, v11  }
0xd7: {  	v11 =	vld.idx.msk [tilespmem:v14+s11+$0x0], $0xffff  }
0xd8: {  	v12 =	vld.idx.msk [tilespmem:v15+s19+$0x0], $0xffff;
	_ =	sdelay $0x1  }
0xd9: {  	v13 =	vor.u32 v4, v10  }
0xda: {  	v15 =	vor.u32 s31, v4;
	_ =	sdelay $0x1  }
0xdb: {  	v11 =	vmin.f32 v11, v12  }
0xdc: {  	[tilespmem:v14+s11+$0x0] =	vst.idx.msk $0xffff, v11  }
0xdd: {  	v11 =	vld.idx.msk [tilespmem:v13+s11+$0x0], $0xffff  }
0xde: {  	v12 =	vld.idx.msk [tilespmem:v15+s19+$0x0], $0xffff;
	_ =	sdelay $0x1  }
0xdf: {  	v14 =	vor.u32 v5, v10  }
0xe0: {  	v15 =	vor.u32 s31, v5;
	_ =	sdelay $0x1  }
0xe1: {  	v11 =	vmin.f32 v11, v12  }
0xe2: {  	[tilespmem:v13+s11+$0x0] =	vst.idx.msk $0xffff, v11  }
0xe3: {  	v11 =	vld.idx.msk [tilespmem:v14+s11+$0x0], $0xffff  }
0xe4: {  	v12 =	vld.idx.msk [tilespmem:v15+s19+$0x0], $0xffff;
	_ =	sdelay $0x1  }
0xe5: {  	v13 =	vor.u32 v6, v10  }
0xe6: {  	v15 =	vor.u32 s31, v6;
	_ =	sdelay $0x1  }
0xe7: {  	v11 =	vmin.f32 v11, v12  }
0xe8: {  	[tilespmem:v14+s11+$0x0] =	vst.idx.msk $0xffff, v11  }
0xe9: {  	v11 =	vld.idx.msk [tilespmem:v13+s11+$0x0], $0xffff  }
0xea: {  	v12 =	vld.idx.msk [tilespmem:v15+s19+$0x0], $0xffff;
	_ =	sdelay $0x1  }
0xeb: {  	v14 =	vor.u32 v7, v10  }
0xec: {  	v15 =	vor.u32 s31, v7;
	_ =	sdelay $0x1  }
0xed: {  	v11 =	vmin.f32 v11, v12  }
0xee: {  	[tilespmem:v13+s11+$0x0] =	vst.idx.msk $0xffff, v11  }
0xef: {  	v11 =	vld.idx.msk [tilespmem:v14+s11+$0x0], $0xffff  }
0xf0: {  	v12 =	vld.idx.msk [tilespmem:v15+s19+$0x0], $0xffff;
	_ =	sdelay $0x1  }
0xf1: {  	v13 =	vor.u32 v8, v10  }
0xf2: {  	v15 =	vor.u32 s31, v8;
	_ =	sdelay $0x1  }
0xf3: {  	v11 =	vmin.f32 v11, v12  }
0xf4: {  	[tilespmem:v14+s11+$0x0] =	vst.idx.msk $0xffff, v11  }
0xf5: {  	v11 =	vld.idx.msk [tilespmem:v13+s11+$0x0], $0xffff  }
0xf6: {  	v12 =	vld.idx.msk [tilespmem:v15+s19+$0x0], $0xffff;
	_ =	sdelay $0x3  }
0xf7: {  	v10 =	vor.u32 v9, v10  }
0xf8: {  	v11 =	vmin.f32 v11, v12;
	v12 =	vor.u32 s31, v9;
	_ =	sdelay $0x2  }
0xf9: {  	[tilespmem:v13+s11+$0x0] =	vst.idx.msk $0xffff, v11  }
0xfa: {  	s24 =	simm.s32 $0x1;
	v11 =	vld.idx.msk [tilespmem:v10+s11+$0x0], $0xffff  }
.LBB2_5:
0xfb: {  	p0 =	sne.s32 s24, $0x7F;
	v12 =	vld.idx.msk [tilespmem:v12+s19+$0x0], $0xffff;
	s25 =	smov.u32 s24;
	s24 =	sadd.s32 $0x1, s24  }
0xfc: {  	_ = 	snop  }
0xfd: {  	s26 =	sadd.s32 s25, s22  }
0xfe: {  	v13 =	vmov s26;
	_ =	sdelay $0x2  }
0xff: {  	v11 =	vmin.f32 v11, v12  }
0x100: {  	[tilespmem:v10+s11+$0x0] =	vst.idx.msk $0xffff, v11  }
0x101: {  	v10 =	vld.idx.msk [tilespmem:v13+s16+$0x0], $0xffff;
	_ =	sdelay $0x4  }
0x102: {  	s25 =	sshll.u32 s25, $0x7  }
0x103: {  	v11 =	vor.u32 s25, v0;
	v10 =	vshll.u32 v10, $0x7  }
0x104: {  	v12 =	vor.u32 v0, v10;
	_ =	sdelay $0x3  }
0x105: {  	v11 =	vld.idx.msk [tilespmem:v11+s19+$0x0], $0xffff  }
0x106: {  	v13 =	vld.idx.msk [tilespmem:v12+s11+$0x0], $0xffff;
	_ =	sdelay $0x2  }
0x107: {  	v15 =	vor.u32 s25, v3;
	v14 =	vor.u32 v3, v10;
	_ =	sdelay $0x2  }
0x108: {  	v11 =	vmin.f32 v13, v11  }
0x109: {  	[tilespmem:v12+s11+$0x0] =	vst.idx.msk $0xffff, v11  }
0x10a: {  	v11 =	vld.idx.msk [tilespmem:v14+s11+$0x0], $0xffff  }
0x10b: {  	v12 =	vld.idx.msk [tilespmem:v15+s19+$0x0], $0xffff;
	_ =	sdelay $0x2  }
0x10c: {  	v13 =	vor.u32 v4, v10;
	v15 =	vor.u32 s25, v4;
	_ =	sdelay $0x2  }
0x10d: {  	v11 =	vmin.f32 v11, v12  }
0x10e: {  	[tilespmem:v14+s11+$0x0] =	vst.idx.msk $0xffff, v11  }
0x10f: {  	v11 =	vld.idx.msk [tilespmem:v13+s11+$0x0], $0xffff  }
0x110: {  	v12 =	vld.idx.msk [tilespmem:v15+s19+$0x0], $0xffff;
	_ =	sdelay $0x2  }
0x111: {  	v14 =	vor.u32 v5, v10;
	v15 =	vor.u32 s25, v5;
	_ =	sdelay $0x2  }
0x112: {  	v11 =	vmin.f32 v11, v12  }
0x113: {  	[tilespmem:v13+s11+$0x0] =	vst.idx.msk $0xffff, v11  }
0x114: {  	v11 =	vld.idx.msk [tilespmem:v14+s11+$0x0], $0xffff  }
0x115: {  	v12 =	vld.idx.msk [tilespmem:v15+s19+$0x0], $0xffff;
	_ =	sdelay $0x2  }
0x116: {  	v13 =	vor.u32 v6, v10;
	v15 =	vor.u32 s25, v6;
	_ =	sdelay $0x2  }
0x117: {  	v11 =	vmin.f32 v11, v12  }
0x118: {  	[tilespmem:v14+s11+$0x0] =	vst.idx.msk $0xffff, v11  }
0x119: {  	v11 =	vld.idx.msk [tilespmem:v13+s11+$0x0], $0xffff  }
0x11a: {  	v12 =	vld.idx.msk [tilespmem:v15+s19+$0x0], $0xffff;
	_ =	sdelay $0x2  }
0x11b: {  	v14 =	vor.u32 v7, v10;
	v15 =	vor.u32 s25, v7;
	_ =	sdelay $0x2  }
0x11c: {  	v11 =	vmin.f32 v11, v12  }
0x11d: {  	[tilespmem:v13+s11+$0x0] =	vst.idx.msk $0xffff, v11  }
0x11e: {  	v11 =	vld.idx.msk [tilespmem:v14+s11+$0x0], $0xffff  }
0x11f: {  	v12 =	vld.idx.msk [tilespmem:v15+s19+$0x0], $0xffff;
	_ =	sdelay $0x2  }
0x120: {  	v13 =	vor.u32 v8, v10;
	v15 =	vor.u32 s25, v8;
	_ =	sdelay $0x2  }
0x121: {  	v11 =	vmin.f32 v11, v12  }
0x122: {  	[tilespmem:v14+s11+$0x0] =	vst.idx.msk $0xffff, v11  }
0x123: {  	v11 =	vld.idx.msk [tilespmem:v13+s11+$0x0], $0xffff  }
0x124: {  	v14 =	vld.idx.msk [tilespmem:v15+s19+$0x0], $0xffff;
	_ =	sdelay $0x2  }
0x125: {  	v10 =	vor.u32 v9, v10;
	v12 =	vor.u32 s25, v9  }
.Ltmp4:
0x126: {  	(pc) =	sbr.rel @p0 .LBB2_5-.Ltmp4, $4  }
0x127: {  	_ = 	snop  }
0x128: {  	v11 =	vmin.f32 v11, v14  }
0x129: {  	[tilespmem:v13+s11+$0x0] =	vst.idx.msk $0xffff, v11  }
0x12a: {  	v11 =	vld.idx.msk [tilespmem:v10+s11+$0x0], $0xffff  }
0x12b: {  	_ =	sdelay $0x3  }
0x12c: {  	v12 =	vld.idx.msk [tilespmem:v12+s19+$0x0], $0xffff;
	s23 =	sadd.s32 $0x1, s23  }
0x12d: {  	p0 =	sne.s32 s23, s21  }
.Ltmp5:
0x12e: {  	_ = 	snop;
	(pc) =	sbr.rel @p0 .LBB2_4-.Ltmp5, $4  }
.Ltmp6:
0x12f: {  	_ = 	snop;
	(pc) =	sbr.rel @!p0 .LBB2_7-.Ltmp6, $4  }
0x130: {  	_ = 	snop  }
0x131: {  	v11 =	vmin.f32 v11, v12  }
0x132: {  	s22 =	sadd.s32 $0x80, s22;
	[tilespmem:v10+s11+$0x0] =	vst.idx.msk $0xffff, v11  }
0x133: {  	_ = 	snop  }
.LBB2_8:
0x134: {  	_ =	sfence.sel $0x180000  }
0x135: {  	[bflag:$0x0] =	sbarrier.arrive $0xFFFF  }
0x136: {  	p0 =	sne.s32 s3, $0x0;
	_ =	strace $0x90000056  }
0x137: {  	s0 =	sadd.s32 @!p0 $0x100000, s0;
	[bflag:$0x2] =	sbarrier.arrive $0xFFFF  }
0x138: {  	[sflag:s0] =	ssyncadd.tile.s32 @!p0 $0x1;
	_ =	shalt  }
.Lfunc_end2:
_tile_overlayer_lowered:
.L_overlay_start_2:
0x139: {  	(tag) =	ssettag $0x2  }
0x13a: {  	s0 =	rddreg [dreg:$0x0];
	s2 =	stileid.u32  }
0x13b: {  	s1 =	rddreg [dreg:$0x1];
	p0 =	sne.s32 s2, $0x0  }
0x13c: {  	s3 =	rddreg [dreg:$0x2];
	[bflag:$0x3] =	sbarrier.arrive $0xFFFF;
	s2 =	simm.s32 @!p0 $0x1C02  }
0x13d: {  	[timem:s3], [sflag:s2] =	dma.local @!p0 [hbm:s0], s1  }
0x13e: {  	s0 =	simm.s32 @!p0 $0x2  }
0x13f: {  	_ =	swait.ge @!p0 [sflag:s0], s1  }
0x140: {  	s1 =	ssub.s32 @!p0 $0x0, s1;
	[sflag:s0] =	ssyncset.done @!p0 $0x0  }
0x141: {  	[sflag:s0] =	ssyncadd.s32 @!p0 s1  }
0x142: {  	[bflag:$0x3] =	sbarrier.arrive $0xFFFF  }
0x143: {  	_ =	shalt  }

</sc_bundles>
